<compile_context>
chip_gen: v7x
topology: tpu7x:2x2x1
jax: 0.10.2.dev20260603
libtpu: 0.0.44.dev20260713+nightly
codegen_flags: <defaults>
</compile_context>

<pallas_src>
import functools

import jax
import jax.numpy as jnp
from jax import lax
from jax.experimental import pallas as pl
from jax.experimental.pallas import tpu as pltpu
from jax.experimental.pallas import tpu_sc as plsc

BATCH = 16384
NF = 26
VOCAB = 100000
D = 32
ROWS = BATCH * NF
NC = 2
NS = 16
NW = NC * NS
RPW = ROWS // NW
CH = 1664
NCH = RPW // CH
LANES = 16
BW = 128
NBT = BATCH // BW
BT_PER_W = NBT // NW
BLK = NF * BW
INV13 = -991146299

_mesh = plsc.VectorSubcoreMesh(core_axis_name="c", subcore_axis_name="s")


@functools.partial(
    pl.kernel,
    mesh=_mesh,
    out_type=jax.ShapeDtypeStruct((ROWS,), jnp.int32),
    compiler_params=pltpu.CompilerParams(
        use_tc_tiling_on_sc=True, needs_layout_passes=False
    ),
    scratch_types=[
        pltpu.VMEM((32, BW), jnp.int32),
        pltpu.VMEM((BLK,), jnp.int32),
    ],
)
def _idx_prep(idxt_hbm, tail_hbm, gidx_hbm, slab_v, buf_v):
    wid = lax.axis_index("s") * NC + lax.axis_index("c")
    lane = lax.iota(jnp.int32, LANES)
    fpats = tuple(lax.rem(k * LANES + lane, NF) for k in range(13))

    for bt_i in range(BT_PER_W):
        bt = wid * BT_PER_W + bt_i
        pltpu.sync_copy(
            idxt_hbm.at[pl.ds(0, 24), pl.ds(bt * BW, BW)],
            slab_v.at[pl.ds(0, 24)],
        )
        pltpu.sync_copy(
            tail_hbm.at[:, pl.ds(bt * BW, BW)], slab_v.at[pl.ds(24, 8)]
        )

        def body(g, carry):
            for kk in range(13):
                k = g * 13 + kk
                f = carry[kk]
                p = k * LANES + lane
                j = lax.shift_right_logical(p - f, 1) * jnp.int32(INV13)
                v = plsc.load_gather(slab_v, [f, j])
                buf_v[pl.ds(k * LANES, LANES)] = v + f * VOCAB
            return carry

        lax.fori_loop(0, 16, body, fpats)
        pltpu.sync_copy(buf_v, gidx_hbm.at[pl.ds(bt * BLK, BLK)])


NVT = VOCAB // BW
KV = 8
NFB = 97
RESTC = VOCAB - NFB * KV * BW
NGRP = NF * (NFB + 1)
GPW_LO = NGRP // NW
GREM = NGRP - GPW_LO * NW


@functools.partial(
    pl.kernel,
    mesh=_mesh,
    out_type=jax.ShapeDtypeStruct((NF * VOCAB * D,), jnp.float32),
    compiler_params=pltpu.CompilerParams(
        use_tc_tiling_on_sc=True, needs_layout_passes=False
    ),
    scratch_types=[
        pltpu.VMEM((D, KV * BW), jnp.float32),
        pltpu.VMEM((KV * BW * D,), jnp.float32),
    ],
)
def _table_fmt(tabt_hbm, tabtail_hbm, flat_hbm, slab_v, obuf_v):
    wid = lax.axis_index("s") * NC + lax.axis_index("c")
    lane = lax.iota(jnp.int32, LANES)
    dlo = lane
    dhi = lane + LANES
    lo = wid * GPW_LO + lax.min(wid, GREM)
    hi = lo + GPW_LO + jnp.where(wid < GREM, 1, 0)

    def col8(v8, c):
        for u in range(8):
            v = v8 * 8 + u
            vv = jnp.full((LANES,), v, jnp.int32)
            obuf_v[pl.ds(v * D, LANES)] = plsc.load_gather(slab_v, [dlo, vv])
            obuf_v[pl.ds(v * D + LANES, LANES)] = plsc.load_gather(
                slab_v, [dhi, vv]
            )
        return c

    def group(gg, carry):
        f = gg // (NFB + 1)
        r = gg % (NFB + 1)
        is_rest = r == NFB

        @pl.when(jnp.logical_not(is_rest))
        def _():
            pltpu.sync_copy(
                tabt_hbm.at[f, :, pl.ds(r * KV * BW, KV * BW)], slab_v
            )
            lax.fori_loop(0, KV * BW // 8, col8, 0)
            pltpu.sync_copy(
                obuf_v,
                flat_hbm.at[pl.ds((f * VOCAB + r * KV * BW) * D, KV * BW * D)],
            )

        @pl.when(is_rest)
        def _():
            pltpu.sync_copy(
                tabt_hbm.at[f, :, pl.ds(NFB * KV * BW, (NVT - NFB * KV) * BW)],
                slab_v.at[:, pl.ds(0, (NVT - NFB * KV) * BW)],
            )
            pltpu.sync_copy(
                tabtail_hbm.at[f],
                slab_v.at[:, pl.ds((NVT - NFB * KV) * BW, BW)],
            )
            lax.fori_loop(0, RESTC // 8, col8, 0)
            pltpu.sync_copy(
                obuf_v.at[pl.ds(0, RESTC * D)],
                flat_hbm.at[pl.ds((f * VOCAB + NFB * KV * BW) * D, RESTC * D)],
            )

        return carry

    lax.fori_loop(lo, hi, group, 0)


@functools.partial(
    pl.kernel,
    mesh=_mesh,
    out_type=jax.ShapeDtypeStruct((ROWS, D), jnp.float32),
    compiler_params=pltpu.CompilerParams(use_tc_tiling_on_sc=False),
    scratch_types=[
        pltpu.VMEM((RPW,), jnp.int32),
        pltpu.VMEM((CH, D), jnp.float32),
        pltpu.SemaphoreType.DMA,
    ],
)
def _emb_gather(idx_hbm, table_hbm, out_hbm, idx_v, rows_v, sem):
    wid = lax.axis_index("s") * NC + lax.axis_index("c")
    base = wid * RPW
    pltpu.sync_copy(idx_hbm.at[pl.ds(base, RPW)], idx_v)

    for c in range(NCH):
        pltpu.async_copy(
            table_hbm.at[idx_v.at[pl.ds(c * CH, CH)]], rows_v, sem
        ).wait()
        pltpu.sync_copy(rows_v, out_hbm.at[pl.ds(base + c * CH, CH)])


def kernel(indices, tables):
    idxt = jnp.swapaxes(indices.astype(jnp.int32), 0, 1)
    tail = jnp.pad(idxt[24:26], ((0, 6), (0, 0)))
    gidx = _idx_prep(idxt, tail)
    tabt = jnp.transpose(tables, (0, 2, 1))
    tabtail = jnp.pad(
        tabt[:, :, NVT * BW:], ((0, 0), (0, 0), (0, BW - VOCAB % BW))
    )
    flat_tables = _table_fmt(tabt, tabtail).reshape(NF * VOCAB, D)
    out = _emb_gather(gidx, flat_tables)
    return out.reshape(BATCH, NF * D)

# --- scband reference (transcript-rebuilt; emitter-appended) ---
"""Pipeline reference for scband-embedding-layer-64433099374703 (READ-ONLY COPY).

The authoritative reference and input builder live on the scoring server;
editing this copy changes nothing except your own understanding.
"""

import jax, jax.numpy as jnp
import numpy as np

BATCH = 16384
N_FIELDS = 26
VOCAB = 100000
EMB_DIM = 32


def setup_inputs(seed: int = 0) -> dict:
    key = jax.random.key(seed)
    k1, k2 = jax.random.split(key)
    indices = jax.random.randint(k1, (BATCH, N_FIELDS), 0, VOCAB)
    # Learned parameters: one embedding table per sparse field, all same size,
    # stacked into a single [N_FIELDS, VOCAB, EMB_DIM] array.
    tables = jax.random.normal(k2, (N_FIELDS, VOCAB, EMB_DIM), dtype=jnp.float32) * 0.05
    return {"indices": indices, "tables": tables}


def reference(indices, tables):
    # Eval-mode EmbeddingLayer forward on sparse_data only:
    #   sparse_out = [e(data[:, i]) for i, e in enumerate(self.sparse_embeds)]
    #   torch.cat(sparse_out, 1)
    # EmbeddingDropout in eval mode (or embed_p == 0) is a plain embedding lookup.
    # Per-field gather: tables[i][indices[:, i]] -> [N_FIELDS, BATCH, EMB_DIM]
    gathered = jax.vmap(lambda t, idx: jnp.take(t, idx, axis=0), in_axes=(0, 1))(tables, indices)
    # Concatenate along feature dim: [BATCH, N_FIELDS * EMB_DIM]
    out = jnp.transpose(gathered, (1, 0, 2)).reshape(indices.shape[0], -1)
    return out

if __name__ == "__main__":
    import jax
    _d = setup_inputs()
    print(jax.jit(kernel)(*tuple(_d.values())))

</pallas_src>

<mosaic_0001>
#map = affine_map<(d0, d1) -> (0, 0, 0)>
#map1 = affine_map<(d0, d1) -> (0)>
module attributes {stable_mosaic.version = 14 : i64} {
  func.func @_table_fmt(%arg0: i32, %arg1: i32, %arg2: memref<26x32x100000xf32, #tpu.memory_space<hbm>>, %arg3: memref<26x32x128xf32, #tpu.memory_space<hbm>>, %arg4: memref<83200000xf32, #tpu.memory_space<hbm>>, %arg5: memref<32x1024xf32, #tpu.memory_space<vmem>>, %arg6: memref<32768xf32, #tpu.memory_space<vmem>>) attributes {dimension_semantics = [#tpu.dimension_semantics<core_parallel>, #tpu.dimension_semantics<subcore_parallel>], iteration_bounds = array<i64: 2, 16>, scalar_prefetch = 0 : i64, scratch_operands = 2 : i64, tpu.core_type = #tpu.core_type<sc_vector_subcore>, window_params = [{transform_indices = #map}, {transform_indices = #map}, {transform_indices = #map1}]} {
    %mul3A = arith.constant 2 : i32
    %mul3A_0 = arith.muli %arg1, %mul3A : i32
    %add3A = arith.addi %mul3A_0, %arg0 : i32
    %iota3A = tpu.iota {dimensions = array<i32: 0>} : vector<16xi32>
    %add3A_1 = arith.constant 16 : i32
    %add3A_2 = vector.broadcast %add3A_1 : i32 to vector<16xi32>
    %add3A_3 = arith.addi %iota3A, %add3A_2 : vector<16xi32>
    %mul3A_4 = arith.constant 79 : i32
    %mul3A_5 = arith.muli %add3A, %mul3A_4 : i32
    %min3A = arith.constant 20 : i32
    %min3A_6 = arith.minsi %add3A, %min3A : i32
    %add3A_7 = arith.addi %mul3A_5, %min3A_6 : i32
    %add3A_8 = arith.constant 79 : i32
    %add3A_9 = arith.addi %add3A_7, %add3A_8 : i32
    %lt3A = arith.constant 20 : i32
    %lt3A_10 = arith.cmpi slt, %add3A, %lt3A : i32
    %jit3A = arith.constant 1 : i32
    %jit3A_11 = arith.constant 0 : i32
    %select_n3A = arith.select %lt3A_10, %jit3A, %jit3A_11 : i32
    %add3A_12 = arith.addi %add3A_9, %select_n3A : i32
    %while3A = arith.constant 0 : i32
    %while3A_13 = arith.subi %add3A_12, %add3A_7 : i32
    %while3A_14 = arith.addi %add3A_7, %while3A_13 : i32
    %while3A_15 = arith.constant 1 : i32
    %while3A_16 = arith.divsi %while3A_13, %while3A_15 : i32
    %while3A_17 = arith.muli %while3A_16, %while3A_15 : i32
    %while3A_18 = arith.addi %add3A_7, %while3A_17 : i32
    %while3A_19 = arith.constant 1 : i32
    scf.for %while3A_21 = %add3A_7 to %while3A_18 step %while3A_19  : i32 {
      %jit3A_22 = arith.constant 98 : i32
      %div3A = arith.divsi %while3A_21, %jit3A_22 : i32
      %sign3A = arith.constant 0 : i32
      %sign3A_23 = arith.cmpi sgt, %while3A_21, %sign3A : i32
      %sign3A_24 = arith.extui %sign3A_23 : i1 to i32
      %sign3A_25 = arith.constant 0 : i32
      %sign3A_26 = arith.cmpi slt, %while3A_21, %sign3A_25 : i32
      %sign3A_27 = arith.extui %sign3A_26 : i1 to i32
      %sign3A_28 = arith.subi %sign3A_24, %sign3A_27 : i32
      %sign3A_29 = arith.constant 0 : i32
      %sign3A_30 = arith.cmpi sgt, %jit3A_22, %sign3A_29 : i32
      %sign3A_31 = arith.extui %sign3A_30 : i1 to i32
      %sign3A_32 = arith.constant 0 : i32
      %sign3A_33 = arith.cmpi slt, %jit3A_22, %sign3A_32 : i32
      %sign3A_34 = arith.extui %sign3A_33 : i1 to i32
      %sign3A_35 = arith.subi %sign3A_31, %sign3A_34 : i32
      %ne3A = arith.cmpi ne, %sign3A_28, %sign3A_35 : i32
      %rem3A = arith.remsi %while3A_21, %jit3A_22 : i32
      %ne3A_36 = arith.constant 0 : i32
      %ne3A_37 = arith.cmpi ne, %rem3A, %ne3A_36 : i32
      %and3A = arith.andi %ne3A, %ne3A_37 : i1
      %sub3A = arith.constant 1 : i32
      %sub3A_38 = arith.subi %div3A, %sub3A : i32
      %select_n3A_39 = arith.select %and3A, %sub3A_38, %div3A : i32
      %jit3A_40 = arith.constant 98 : i32
      %eq3A = arith.constant 0 : i32
      %eq3A_41 = arith.cmpi eq, %jit3A_40, %eq3A : i32
      %jit3A_42 = arith.constant 1 : i32
      %select_n3A_43 = arith.select %eq3A_41, %jit3A_42, %jit3A_40 : i32
      %rem3A_44 = arith.remsi %while3A_21, %select_n3A_43 : i32
      %ne3A_45 = arith.constant 0 : i32
      %ne3A_46 = arith.cmpi ne, %rem3A_44, %ne3A_45 : i32
      %lt3A_47 = arith.constant 0 : i32
      %lt3A_48 = arith.cmpi slt, %rem3A_44, %lt3A_47 : i32
      %lt3A_49 = arith.constant 0 : i32
      %lt3A_50 = arith.cmpi slt, %select_n3A_43, %lt3A_49 : i32
      %ne3A_51 = arith.xori %lt3A_48, %lt3A_50 : i1
      %and3A_52 = arith.andi %ne3A_51, %ne3A_46 : i1
      %add3A_53 = arith.addi %rem3A_44, %select_n3A_43 : i32
      %select_n3A_54 = arith.select %and3A_52, %add3A_53, %rem3A_44 : i32
      %eq3A_55 = arith.constant 97 : i32
      %eq3A_56 = arith.cmpi eq, %select_n3A_54, %eq3A_55 : i32
      %not3A = arith.constant true
      %not3A_57 = arith.xori %eq3A_56, %not3A : i1
      %convert_element_type3A = arith.extui %not3A_57 : i1 to i32
      %cond3A = arith.constant 0 : i32
      %cond3A_58 = arith.cmpi ne, %convert_element_type3A, %cond3A : i32
      scf.if %cond3A_58 {
        %mul3A_62 = arith.constant 8 : i32
        %mul3A_63 = arith.muli %select_n3A_54, %mul3A_62 : i32
        %mul3A_64 = arith.constant 128 : i32
        %mul3A_65 = arith.muli %mul3A_63, %mul3A_64 : i32
        "tpu.region"() ({
          %run_scoped3A = tpu.sem_alloc : memref<!tpu.dma_semaphore, #tpu.memory_space<semaphore_mem>>
          %dma_start3A = arith.constant 0 : i32
          %dma_start3A_80 = tpu.memref_slice %arg2[%select_n3A_39, %dma_start3A, %mul3A_65] : memref<26x32x100000xf32, #tpu.memory_space<hbm>> -> memref<1x32x1024xf32, #tpu.memory_space<hbm>>
          %dma_start3A_81 = tpu.memref_squeeze %dma_start3A_80 : memref<1x32x1024xf32, #tpu.memory_space<hbm>> -> memref<32x1024xf32, #tpu.memory_space<hbm>>
          %dma_start3A_82 = arith.constant 0 : i32
          %dma_start3A_83 = tpu.memref_slice %arg2[%select_n3A_39, %dma_start3A_82, %mul3A_65] : memref<26x32x100000xf32, #tpu.memory_space<hbm>> -> memref<1x32x1024xf32, #tpu.memory_space<hbm>>
          %dma_start3A_84 = tpu.memref_squeeze %dma_start3A_83 : memref<1x32x1024xf32, #tpu.memory_space<hbm>> -> memref<32x1024xf32, #tpu.memory_space<hbm>>
          tpu.enqueue_dma source(%dma_start3A_84 : memref<32x1024xf32, #tpu.memory_space<hbm>>) target(%arg5 : memref<32x1024xf32, #tpu.memory_space<vmem>>) target_semaphore(%run_scoped3A : memref<!tpu.dma_semaphore, #tpu.memory_space<semaphore_mem>>)
          %dma_wait3A = arith.constant 0 : i32
          %dma_wait3A_85 = tpu.memref_slice %arg2[%select_n3A_39, %dma_wait3A, %mul3A_65] : memref<26x32x100000xf32, #tpu.memory_space<hbm>> -> memref<1x32x1024xf32, #tpu.memory_space<hbm>>
          %dma_wait3A_86 = tpu.memref_squeeze %dma_wait3A_85 : memref<1x32x1024xf32, #tpu.memory_space<hbm>> -> memref<32x1024xf32, #tpu.memory_space<hbm>>
          %dma_wait3A_87 = arith.constant 0 : i32
          %dma_wait3A_88 = tpu.memref_slice %arg2[%select_n3A_39, %dma_wait3A_87, %mul3A_65] : memref<26x32x100000xf32, #tpu.memory_space<hbm>> -> memref<1x32x1024xf32, #tpu.memory_space<hbm>>
          %dma_wait3A_89 = tpu.memref_squeeze %dma_wait3A_88 : memref<1x32x1024xf32, #tpu.memory_space<hbm>> -> memref<32x1024xf32, #tpu.memory_space<hbm>>
          tpu.wait_dma2 semaphore(%run_scoped3A : memref<!tpu.dma_semaphore, #tpu.memory_space<semaphore_mem>>) src(%dma_wait3A_89 : memref<32x1024xf32, #tpu.memory_space<hbm>>) dst(%arg5 : memref<32x1024xf32, #tpu.memory_space<vmem>>)
          tpu.yield
        }) : () -> ()
        %scan3A = arith.constant 0 : i32
        %scan3A_66 = arith.constant 0 : i32
        %scan3A_67 = arith.constant 128 : i32
        %scan3A_68 = arith.addi %scan3A_66, %scan3A_67 : i32
        %scan3A_69 = arith.constant 1 : i32
        scf.for %scan3A_80 = %scan3A_66 to %scan3A_68 step %scan3A_69  : i32 {
          %mul3A_81 = arith.constant 8 : i32
          %mul3A_82 = arith.muli %scan3A_80, %mul3A_81 : i32
          %add3A_83 = arith.constant 0 : i32
          %add3A_84 = arith.addi %mul3A_82, %add3A_83 : i32
          %broadcast_in_dim3A = vector.broadcast %add3A_84 : i32 to vector<16xi32>
          %gather3A = tpu.vector_load_idx %arg5[%iota3A, %broadcast_in_dim3A] : memref<32x1024xf32, #tpu.memory_space<vmem>>[vector<16xi32>, vector<16xi32>], vector<16xf32>,
          %mul3A_85 = arith.constant 32 : i32
          %mul3A_86 = arith.muli %add3A_84, %mul3A_85 : i32
          %swap3A = arith.index_cast %mul3A_86 : i32 to index
          %swap3A_87 = tpu.vector_load %arg6[%swap3A] {strides = array<i32>} : memref<32768xf32, #tpu.memory_space<vmem>>, vector<16xf32>,
          tpu.vector_store %arg6[%swap3A], %gather3A {strides = array<i32>} : memref<32768xf32, #tpu.memory_space<vmem>>, vector<16xf32>,
          %gather3A_88 = tpu.vector_load_idx %arg5[%add3A_3, %broadcast_in_dim3A] : memref<32x1024xf32, #tpu.memory_space<vmem>>[vector<16xi32>, vector<16xi32>], vector<16xf32>,
          %mul3A_89 = arith.constant 32 : i32
          %mul3A_90 = arith.muli %add3A_84, %mul3A_89 : i32
          %add3A_91 = arith.constant 16 : i32
          %add3A_92 = arith.addi %mul3A_90, %add3A_91 : i32
          %swap3A_93 = arith.index_cast %add3A_92 : i32 to index
          %swap3A_94 = tpu.vector_load %arg6[%swap3A_93] {strides = array<i32>} : memref<32768xf32, #tpu.memory_space<vmem>>, vector<16xf32>,
          tpu.vector_store %arg6[%swap3A_93], %gather3A_88 {strides = array<i32>} : memref<32768xf32, #tpu.memory_space<vmem>>, vector<16xf32>,
          %mul3A_95 = arith.constant 8 : i32
          %mul3A_96 = arith.muli %scan3A_80, %mul3A_95 : i32
          %add3A_97 = arith.constant 1 : i32
          %add3A_98 = arith.addi %mul3A_96, %add3A_97 : i32
          %broadcast_in_dim3A_99 = vector.broadcast %add3A_98 : i32 to vector<16xi32>
          %gather3A_100 = tpu.vector_load_idx %arg5[%iota3A, %broadcast_in_dim3A_99] : memref<32x1024xf32, #tpu.memory_space<vmem>>[vector<16xi32>, vector<16xi32>], vector<16xf32>,
          %mul3A_101 = arith.constant 32 : i32
          %mul3A_102 = arith.muli %add3A_98, %mul3A_101 : i32
          %swap3A_103 = arith.index_cast %mul3A_102 : i32 to index
          %swap3A_104 = tpu.vector_load %arg6[%swap3A_103] {strides = array<i32>} : memref<32768xf32, #tpu.memory_space<vmem>>, vector<16xf32>,
          tpu.vector_store %arg6[%swap3A_103], %gather3A_100 {strides = array<i32>} : memref<32768xf32, #tpu.memory_space<vmem>>, vector<16xf32>,
          %gather3A_105 = tpu.vector_load_idx %arg5[%add3A_3, %broadcast_in_dim3A_99] : memref<32x1024xf32, #tpu.memory_space<vmem>>[vector<16xi32>, vector<16xi32>], vector<16xf32>,
          %mul3A_106 = arith.constant 32 : i32
          %mul3A_107 = arith.muli %add3A_98, %mul3A_106 : i32
          %add3A_108 = arith.constant 16 : i32
          %add3A_109 = arith.addi %mul3A_107, %add3A_108 : i32
          %swap3A_110 = arith.index_cast %add3A_109 : i32 to index
          %swap3A_111 = tpu.vector_load %arg6[%swap3A_110] {strides = array<i32>} : memref<32768xf32, #tpu.memory_space<vmem>>, vector<16xf32>,
          tpu.vector_store %arg6[%swap3A_110], %gather3A_105 {strides = array<i32>} : memref<32768xf32, #tpu.memory_space<vmem>>, vector<16xf32>,
          %mul3A_112 = arith.constant 8 : i32
          %mul3A_113 = arith.muli %scan3A_80, %mul3A_112 : i32
          %add3A_114 = arith.constant 2 : i32
          %add3A_115 = arith.addi %mul3A_113, %add3A_114 : i32
          %broadcast_in_dim3A_116 = vector.broadcast %add3A_115 : i32 to vector<16xi32>
          %gather3A_117 = tpu.vector_load_idx %arg5[%iota3A, %broadcast_in_dim3A_116] : memref<32x1024xf32, #tpu.memory_space<vmem>>[vector<16xi32>, vector<16xi32>], vector<16xf32>,
          %mul3A_118 = arith.constant 32 : i32
          %mul3A_119 = arith.muli %add3A_115, %mul3A_118 : i32
          %swap3A_120 = arith.index_cast %mul3A_119 : i32 to index
          %swap3A_121 = tpu.vector_load %arg6[%swap3A_120] {strides = array<i32>} : memref<32768xf32, #tpu.memory_space<vmem>>, vector<16xf32>,
          tpu.vector_store %arg6[%swap3A_120], %gather3A_117 {strides = array<i32>} : memref<32768xf32, #tpu.memory_space<vmem>>, vector<16xf32>,
          %gather3A_122 = tpu.vector_load_idx %arg5[%add3A_3, %broadcast_in_dim3A_116] : memref<32x1024xf32, #tpu.memory_space<vmem>>[vector<16xi32>, vector<16xi32>], vector<16xf32>,
          %mul3A_123 = arith.constant 32 : i32
          %mul3A_124 = arith.muli %add3A_115, %mul3A_123 : i32
          %add3A_125 = arith.constant 16 : i32
          %add3A_126 = arith.addi %mul3A_124, %add3A_125 : i32
          %swap3A_127 = arith.index_cast %add3A_126 : i32 to index
          %swap3A_128 = tpu.vector_load %arg6[%swap3A_127] {strides = array<i32>} : memref<32768xf32, #tpu.memory_space<vmem>>, vector<16xf32>,
          tpu.vector_store %arg6[%swap3A_127], %gather3A_122 {strides = array<i32>} : memref<32768xf32, #tpu.memory_space<vmem>>, vector<16xf32>,
          %mul3A_129 = arith.constant 8 : i32
          %mul3A_130 = arith.muli %scan3A_80, %mul3A_129 : i32
          %add3A_131 = arith.constant 3 : i32
          %add3A_132 = arith.addi %mul3A_130, %add3A_131 : i32
          %broadcast_in_dim3A_133 = vector.broadcast %add3A_132 : i32 to vector<16xi32>
          %gather3A_134 = tpu.vector_load_idx %arg5[%iota3A, %broadcast_in_dim3A_133] : memref<32x1024xf32, #tpu.memory_space<vmem>>[vector<16xi32>, vector<16xi32>], vector<16xf32>,
          %mul3A_135 = arith.constant 32 : i32
          %mul3A_136 = arith.muli %add3A_132, %mul3A_135 : i32
          %swap3A_137 = arith.index_cast %mul3A_136 : i32 to index
          %swap3A_138 = tpu.vector_load %arg6[%swap3A_137] {strides = array<i32>} : memref<32768xf32, #tpu.memory_space<vmem>>, vector<16xf32>,
          tpu.vector_store %arg6[%swap3A_137], %gather3A_134 {strides = array<i32>} : memref<32768xf32, #tpu.memory_space<vmem>>, vector<16xf32>,
          %gather3A_139 = tpu.vector_load_idx %arg5[%add3A_3, %broadcast_in_dim3A_133] : memref<32x1024xf32, #tpu.memory_space<vmem>>[vector<16xi32>, vector<16xi32>], vector<16xf32>,
          %mul3A_140 = arith.constant 32 : i32
          %mul3A_141 = arith.muli %add3A_132, %mul3A_140 : i32
          %add3A_142 = arith.constant 16 : i32
          %add3A_143 = arith.addi %mul3A_141, %add3A_142 : i32
          %swap3A_144 = arith.index_cast %add3A_143 : i32 to index
          %swap3A_145 = tpu.vector_load %arg6[%swap3A_144] {strides = array<i32>} : memref<32768xf32, #tpu.memory_space<vmem>>, vector<16xf32>,
          tpu.vector_store %arg6[%swap3A_144], %gather3A_139 {strides = array<i32>} : memref<32768xf32, #tpu.memory_space<vmem>>, vector<16xf32>,
          %mul3A_146 = arith.constant 8 : i32
          %mul3A_147 = arith.muli %scan3A_80, %mul3A_146 : i32
          %add3A_148 = arith.constant 4 : i32
          %add3A_149 = arith.addi %mul3A_147, %add3A_148 : i32
          %broadcast_in_dim3A_150 = vector.broadcast %add3A_149 : i32 to vector<16xi32>
          %gather3A_151 = tpu.vector_load_idx %arg5[%iota3A, %broadcast_in_dim3A_150] : memref<32x1024xf32, #tpu.memory_space<vmem>>[vector<16xi32>, vector<16xi32>], vector<16xf32>,
          %mul3A_152 = arith.constant 32 : i32
          %mul3A_153 = arith.muli %add3A_149, %mul3A_152 : i32
          %swap3A_154 = arith.index_cast %mul3A_153 : i32 to index
          %swap3A_155 = tpu.vector_load %arg6[%swap3A_154] {strides = array<i32>} : memref<32768xf32, #tpu.memory_space<vmem>>, vector<16xf32>,
          tpu.vector_store %arg6[%swap3A_154], %gather3A_151 {strides = array<i32>} : memref<32768xf32, #tpu.memory_space<vmem>>, vector<16xf32>,
          %gather3A_156 = tpu.vector_load_idx %arg5[%add3A_3, %broadcast_in_dim3A_150] : memref<32x1024xf32, #tpu.memory_space<vmem>>[vector<16xi32>, vector<16xi32>], vector<16xf32>,
          %mul3A_157 = arith.constant 32 : i32
          %mul3A_158 = arith.muli %add3A_149, %mul3A_157 : i32
          %add3A_159 = arith.constant 16 : i32
          %add3A_160 = arith.addi %mul3A_158, %add3A_159 : i32
          %swap3A_161 = arith.index_cast %add3A_160 : i32 to index
          %swap3A_162 = tpu.vector_load %arg6[%swap3A_161] {strides = array<i32>} : memref<32768xf32, #tpu.memory_space<vmem>>, vector<16xf32>,
          tpu.vector_store %arg6[%swap3A_161], %gather3A_156 {strides = array<i32>} : memref<32768xf32, #tpu.memory_space<vmem>>, vector<16xf32>,
          %mul3A_163 = arith.constant 8 : i32
          %mul3A_164 = arith.muli %scan3A_80, %mul3A_163 : i32
          %add3A_165 = arith.constant 5 : i32
          %add3A_166 = arith.addi %mul3A_164, %add3A_165 : i32
          %broadcast_in_dim3A_167 = vector.broadcast %add3A_166 : i32 to vector<16xi32>
          %gather3A_168 = tpu.vector_load_idx %arg5[%iota3A, %broadcast_in_dim3A_167] : memref<32x1024xf32, #tpu.memory_space<vmem>>[vector<16xi32>, vector<16xi32>], vector<16xf32>,
          %mul3A_169 = arith.constant 32 : i32
          %mul3A_170 = arith.muli %add3A_166, %mul3A_169 : i32
          %swap3A_171 = arith.index_cast %mul3A_170 : i32 to index
          %swap3A_172 = tpu.vector_load %arg6[%swap3A_171] {strides = array<i32>} : memref<32768xf32, #tpu.memory_space<vmem>>, vector<16xf32>,
          tpu.vector_store %arg6[%swap3A_171], %gather3A_168 {strides = array<i32>} : memref<32768xf32, #tpu.memory_space<vmem>>, vector<16xf32>,
          %gather3A_173 = tpu.vector_load_idx %arg5[%add3A_3, %broadcast_in_dim3A_167] : memref<32x1024xf32, #tpu.memory_space<vmem>>[vector<16xi32>, vector<16xi32>], vector<16xf32>,
          %mul3A_174 = arith.constant 32 : i32
          %mul3A_175 = arith.muli %add3A_166, %mul3A_174 : i32
          %add3A_176 = arith.constant 16 : i32
          %add3A_177 = arith.addi %mul3A_175, %add3A_176 : i32
          %swap3A_178 = arith.index_cast %add3A_177 : i32 to index
          %swap3A_179 = tpu.vector_load %arg6[%swap3A_178] {strides = array<i32>} : memref<32768xf32, #tpu.memory_space<vmem>>, vector<16xf32>,
          tpu.vector_store %arg6[%swap3A_178], %gather3A_173 {strides = array<i32>} : memref<32768xf32, #tpu.memory_space<vmem>>, vector<16xf32>,
          %mul3A_180 = arith.constant 8 : i32
          %mul3A_181 = arith.muli %scan3A_80, %mul3A_180 : i32
          %add3A_182 = arith.constant 6 : i32
          %add3A_183 = arith.addi %mul3A_181, %add3A_182 : i32
          %broadcast_in_dim3A_184 = vector.broadcast %add3A_183 : i32 to vector<16xi32>
          %gather3A_185 = tpu.vector_load_idx %arg5[%iota3A, %broadcast_in_dim3A_184] : memref<32x1024xf32, #tpu.memory_space<vmem>>[vector<16xi32>, vector<16xi32>], vector<16xf32>,
          %mul3A_186 = arith.constant 32 : i32
          %mul3A_187 = arith.muli %add3A_183, %mul3A_186 : i32
          %swap3A_188 = arith.index_cast %mul3A_187 : i32 to index
          %swap3A_189 = tpu.vector_load %arg6[%swap3A_188] {strides = array<i32>} : memref<32768xf32, #tpu.memory_space<vmem>>, vector<16xf32>,
          tpu.vector_store %arg6[%swap3A_188], %gather3A_185 {strides = array<i32>} : memref<32768xf32, #tpu.memory_space<vmem>>, vector<16xf32>,
          %gather3A_190 = tpu.vector_load_idx %arg5[%add3A_3, %broadcast_in_dim3A_184] : memref<32x1024xf32, #tpu.memory_space<vmem>>[vector<16xi32>, vector<16xi32>], vector<16xf32>,
          %mul3A_191 = arith.constant 32 : i32
          %mul3A_192 = arith.muli %add3A_183, %mul3A_191 : i32
          %add3A_193 = arith.constant 16 : i32
          %add3A_194 = arith.addi %mul3A_192, %add3A_193 : i32
          %swap3A_195 = arith.index_cast %add3A_194 : i32 to index
          %swap3A_196 = tpu.vector_load %arg6[%swap3A_195] {strides = array<i32>} : memref<32768xf32, #tpu.memory_space<vmem>>, vector<16xf32>,
          tpu.vector_store %arg6[%swap3A_195], %gather3A_190 {strides = array<i32>} : memref<32768xf32, #tpu.memory_space<vmem>>, vector<16xf32>,
          %mul3A_197 = arith.constant 8 : i32
          %mul3A_198 = arith.muli %scan3A_80, %mul3A_197 : i32
          %add3A_199 = arith.constant 7 : i32
          %add3A_200 = arith.addi %mul3A_198, %add3A_199 : i32
          %broadcast_in_dim3A_201 = vector.broadcast %add3A_200 : i32 to vector<16xi32>
          %gather3A_202 = tpu.vector_load_idx %arg5[%iota3A, %broadcast_in_dim3A_201] : memref<32x1024xf32, #tpu.memory_space<vmem>>[vector<16xi32>, vector<16xi32>], vector<16xf32>,
          %mul3A_203 = arith.constant 32 : i32
          %mul3A_204 = arith.muli %add3A_200, %mul3A_203 : i32
          %swap3A_205 = arith.index_cast %mul3A_204 : i32 to index
          %swap3A_206 = tpu.vector_load %arg6[%swap3A_205] {strides = array<i32>} : memref<32768xf32, #tpu.memory_space<vmem>>, vector<16xf32>,
          tpu.vector_store %arg6[%swap3A_205], %gather3A_202 {strides = array<i32>} : memref<32768xf32, #tpu.memory_space<vmem>>, vector<16xf32>,
          %gather3A_207 = tpu.vector_load_idx %arg5[%add3A_3, %broadcast_in_dim3A_201] : memref<32x1024xf32, #tpu.memory_space<vmem>>[vector<16xi32>, vector<16xi32>], vector<16xf32>,
          %mul3A_208 = arith.constant 32 : i32
          %mul3A_209 = arith.muli %add3A_200, %mul3A_208 : i32
          %add3A_210 = arith.constant 16 : i32
          %add3A_211 = arith.addi %mul3A_209, %add3A_210 : i32
          %swap3A_212 = arith.index_cast %add3A_211 : i32 to index
          %swap3A_213 = tpu.vector_load %arg6[%swap3A_212] {strides = array<i32>} : memref<32768xf32, #tpu.memory_space<vmem>>, vector<16xf32>,
          tpu.vector_store %arg6[%swap3A_212], %gather3A_207 {strides = array<i32>} : memref<32768xf32, #tpu.memory_space<vmem>>, vector<16xf32>,
        }
        %scan3A_70 = arith.constant 128 : i32
        %mul3A_71 = arith.constant 100000 : i32
        %mul3A_72 = arith.muli %select_n3A_39, %mul3A_71 : i32
        %mul3A_73 = arith.constant 8 : i32
        %mul3A_74 = arith.muli %select_n3A_54, %mul3A_73 : i32
        %mul3A_75 = arith.constant 128 : i32
        %mul3A_76 = arith.muli %mul3A_74, %mul3A_75 : i32
        %add3A_77 = arith.addi %mul3A_72, %mul3A_76 : i32
        %mul3A_78 = arith.constant 32 : i32
        %mul3A_79 = arith.muli %add3A_77, %mul3A_78 : i32
        "tpu.region"() ({
          %run_scoped3A = tpu.sem_alloc : memref<!tpu.dma_semaphore, #tpu.memory_space<semaphore_mem>>
          %dma_start3A = tpu.memref_slice %arg4[%mul3A_79] : memref<83200000xf32, #tpu.memory_space<hbm>> -> memref<32768xf32, #tpu.memory_space<hbm>>
          %dma_start3A_80 = tpu.memref_slice %arg4[%mul3A_79] : memref<83200000xf32, #tpu.memory_space<hbm>> -> memref<32768xf32, #tpu.memory_space<hbm>>
          tpu.enqueue_dma source(%arg6 : memref<32768xf32, #tpu.memory_space<vmem>>) target(%dma_start3A_80 : memref<32768xf32, #tpu.memory_space<hbm>>) target_semaphore(%run_scoped3A : memref<!tpu.dma_semaphore, #tpu.memory_space<semaphore_mem>>)
          %dma_wait3A = tpu.memref_slice %arg4[%mul3A_79] : memref<83200000xf32, #tpu.memory_space<hbm>> -> memref<32768xf32, #tpu.memory_space<hbm>>
          %dma_wait3A_81 = tpu.memref_slice %arg4[%mul3A_79] : memref<83200000xf32, #tpu.memory_space<hbm>> -> memref<32768xf32, #tpu.memory_space<hbm>>
          tpu.wait_dma2 semaphore(%run_scoped3A : memref<!tpu.dma_semaphore, #tpu.memory_space<semaphore_mem>>) src(%arg6 : memref<32768xf32, #tpu.memory_space<vmem>>) dst(%dma_wait3A_81 : memref<32768xf32, #tpu.memory_space<hbm>>)
          tpu.yield
        }) : () -> ()
      } else {
      }
      %convert_element_type3A_59 = arith.extui %eq3A_56 : i1 to i32
      %cond3A_60 = arith.constant 0 : i32
      %cond3A_61 = arith.cmpi ne, %convert_element_type3A_59, %cond3A_60 : i32
      scf.if %cond3A_61 {
        "tpu.region"() ({
          %run_scoped3A = tpu.sem_alloc : memref<!tpu.dma_semaphore, #tpu.memory_space<semaphore_mem>>
          %dma_start3A = arith.constant 0 : i32
          %dma_start3A_73 = arith.constant 0 : i32
          %dma_start3A_74 = tpu.memref_slice %arg5[%dma_start3A, %dma_start3A_73] : memref<32x1024xf32, #tpu.memory_space<vmem>> -> memref<32x640xf32, #tpu.memory_space<vmem>>
          %dma_start3A_75 = arith.constant 0 : i32
          %dma_start3A_76 = arith.constant 99328 : i32
          %dma_start3A_77 = tpu.memref_slice %arg2[%select_n3A_39, %dma_start3A_75, %dma_start3A_76] : memref<26x32x100000xf32, #tpu.memory_space<hbm>> -> memref<1x32x640xf32, #tpu.memory_space<hbm>>
          %dma_start3A_78 = tpu.memref_squeeze %dma_start3A_77 : memref<1x32x640xf32, #tpu.memory_space<hbm>> -> memref<32x640xf32, #tpu.memory_space<hbm>>
          %dma_start3A_79 = arith.constant 0 : i32
          %dma_start3A_80 = arith.constant 0 : i32
          %dma_start3A_81 = tpu.memref_slice %arg5[%dma_start3A_79, %dma_start3A_80] : memref<32x1024xf32, #tpu.memory_space<vmem>> -> memref<32x640xf32, #tpu.memory_space<vmem>>
          %dma_start3A_82 = arith.constant 0 : i32
          %dma_start3A_83 = arith.constant 99328 : i32
          %dma_start3A_84 = tpu.memref_slice %arg2[%select_n3A_39, %dma_start3A_82, %dma_start3A_83] : memref<26x32x100000xf32, #tpu.memory_space<hbm>> -> memref<1x32x640xf32, #tpu.memory_space<hbm>>
          %dma_start3A_85 = tpu.memref_squeeze %dma_start3A_84 : memref<1x32x640xf32, #tpu.memory_space<hbm>> -> memref<32x640xf32, #tpu.memory_space<hbm>>
          tpu.enqueue_dma source(%dma_start3A_85 : memref<32x640xf32, #tpu.memory_space<hbm>>) target(%dma_start3A_81 : memref<32x640xf32, #tpu.memory_space<vmem>>) target_semaphore(%run_scoped3A : memref<!tpu.dma_semaphore, #tpu.memory_space<semaphore_mem>>)
          %dma_wait3A = arith.constant 0 : i32
          %dma_wait3A_86 = arith.constant 0 : i32
          %dma_wait3A_87 = tpu.memref_slice %arg5[%dma_wait3A, %dma_wait3A_86] : memref<32x1024xf32, #tpu.memory_space<vmem>> -> memref<32x640xf32, #tpu.memory_space<vmem>>
          %dma_wait3A_88 = arith.constant 0 : i32
          %dma_wait3A_89 = arith.constant 99328 : i32
          %dma_wait3A_90 = tpu.memref_slice %arg2[%select_n3A_39, %dma_wait3A_88, %dma_wait3A_89] : memref<26x32x100000xf32, #tpu.memory_space<hbm>> -> memref<1x32x640xf32, #tpu.memory_space<hbm>>
          %dma_wait3A_91 = tpu.memref_squeeze %dma_wait3A_90 : memref<1x32x640xf32, #tpu.memory_space<hbm>> -> memref<32x640xf32, #tpu.memory_space<hbm>>
          %dma_wait3A_92 = arith.constant 0 : i32
          %dma_wait3A_93 = arith.constant 0 : i32
          %dma_wait3A_94 = tpu.memref_slice %arg5[%dma_wait3A_92, %dma_wait3A_93] : memref<32x1024xf32, #tpu.memory_space<vmem>> -> memref<32x640xf32, #tpu.memory_space<vmem>>
          %dma_wait3A_95 = arith.constant 0 : i32
          %dma_wait3A_96 = arith.constant 99328 : i32
          %dma_wait3A_97 = tpu.memref_slice %arg2[%select_n3A_39, %dma_wait3A_95, %dma_wait3A_96] : memref<26x32x100000xf32, #tpu.memory_space<hbm>> -> memref<1x32x640xf32, #tpu.memory_space<hbm>>
          %dma_wait3A_98 = tpu.memref_squeeze %dma_wait3A_97 : memref<1x32x640xf32, #tpu.memory_space<hbm>> -> memref<32x640xf32, #tpu.memory_space<hbm>>
          tpu.wait_dma2 semaphore(%run_scoped3A : memref<!tpu.dma_semaphore, #tpu.memory_space<semaphore_mem>>) src(%dma_wait3A_98 : memref<32x640xf32, #tpu.memory_space<hbm>>) dst(%dma_wait3A_94 : memref<32x640xf32, #tpu.memory_space<vmem>>)
          tpu.yield
        }) : () -> ()
        "tpu.region"() ({
          %run_scoped3A = tpu.sem_alloc : memref<!tpu.dma_semaphore, #tpu.memory_space<semaphore_mem>>
          %dma_start3A = arith.constant 0 : i32
          %dma_start3A_73 = arith.constant 640 : i32
          %dma_start3A_74 = tpu.memref_slice %arg5[%dma_start3A, %dma_start3A_73] : memref<32x1024xf32, #tpu.memory_space<vmem>> -> memref<32x128xf32, #tpu.memory_space<vmem>>
          %dma_start3A_75 = arith.constant 0 : i32
          %dma_start3A_76 = arith.constant 0 : i32
          %dma_start3A_77 = tpu.memref_slice %arg3[%select_n3A_39, %dma_start3A_75, %dma_start3A_76] : memref<26x32x128xf32, #tpu.memory_space<hbm>> -> memref<1x32x128xf32, #tpu.memory_space<hbm>>
          %dma_start3A_78 = tpu.memref_squeeze %dma_start3A_77 : memref<1x32x128xf32, #tpu.memory_space<hbm>> -> memref<32x128xf32, #tpu.memory_space<hbm>>
          %dma_start3A_79 = arith.constant 0 : i32
          %dma_start3A_80 = arith.constant 640 : i32
          %dma_start3A_81 = tpu.memref_slice %arg5[%dma_start3A_79, %dma_start3A_80] : memref<32x1024xf32, #tpu.memory_space<vmem>> -> memref<32x128xf32, #tpu.memory_space<vmem>>
          %dma_start3A_82 = arith.constant 0 : i32
          %dma_start3A_83 = arith.constant 0 : i32
          %dma_start3A_84 = tpu.memref_slice %arg3[%select_n3A_39, %dma_start3A_82, %dma_start3A_83] : memref<26x32x128xf32, #tpu.memory_space<hbm>> -> memref<1x32x128xf32, #tpu.memory_space<hbm>>
          %dma_start3A_85 = tpu.memref_squeeze %dma_start3A_84 : memref<1x32x128xf32, #tpu.memory_space<hbm>> -> memref<32x128xf32, #tpu.memory_space<hbm>>
          tpu.enqueue_dma source(%dma_start3A_85 : memref<32x128xf32, #tpu.memory_space<hbm>>) target(%dma_start3A_81 : memref<32x128xf32, #tpu.memory_space<vmem>>) target_semaphore(%run_scoped3A : memref<!tpu.dma_semaphore, #tpu.memory_space<semaphore_mem>>)
          %dma_wait3A = arith.constant 0 : i32
          %dma_wait3A_86 = arith.constant 640 : i32
          %dma_wait3A_87 = tpu.memref_slice %arg5[%dma_wait3A, %dma_wait3A_86] : memref<32x1024xf32, #tpu.memory_space<vmem>> -> memref<32x128xf32, #tpu.memory_space<vmem>>
          %dma_wait3A_88 = arith.constant 0 : i32
          %dma_wait3A_89 = arith.constant 0 : i32
          %dma_wait3A_90 = tpu.memref_slice %arg3[%select_n3A_39, %dma_wait3A_88, %dma_wait3A_89] : memref<26x32x128xf32, #tpu.memory_space<hbm>> -> memref<1x32x128xf32, #tpu.memory_space<hbm>>
          %dma_wait3A_91 = tpu.memref_squeeze %dma_wait3A_90 : memref<1x32x128xf32, #tpu.memory_space<hbm>> -> memref<32x128xf32, #tpu.memory_space<hbm>>
          %dma_wait3A_92 = arith.constant 0 : i32
          %dma_wait3A_93 = arith.constant 640 : i32
          %dma_wait3A_94 = tpu.memref_slice %arg5[%dma_wait3A_92, %dma_wait3A_93] : memref<32x1024xf32, #tpu.memory_space<vmem>> -> memref<32x128xf32, #tpu.memory_space<vmem>>
          %dma_wait3A_95 = arith.constant 0 : i32
          %dma_wait3A_96 = arith.constant 0 : i32
          %dma_wait3A_97 = tpu.memref_slice %arg3[%select_n3A_39, %dma_wait3A_95, %dma_wait3A_96] : memref<26x32x128xf32, #tpu.memory_space<hbm>> -> memref<1x32x128xf32, #tpu.memory_space<hbm>>
          %dma_wait3A_98 = tpu.memref_squeeze %dma_wait3A_97 : memref<1x32x128xf32, #tpu.memory_space<hbm>> -> memref<32x128xf32, #tpu.memory_space<hbm>>
          tpu.wait_dma2 semaphore(%run_scoped3A : memref<!tpu.dma_semaphore, #tpu.memory_space<semaphore_mem>>) src(%dma_wait3A_98 : memref<32x128xf32, #tpu.memory_space<hbm>>) dst(%dma_wait3A_94 : memref<32x128xf32, #tpu.memory_space<vmem>>)
          tpu.yield
        }) : () -> ()
        %scan3A = arith.constant 0 : i32
        %scan3A_62 = arith.constant 0 : i32
        %scan3A_63 = arith.constant 84 : i32
        %scan3A_64 = arith.addi %scan3A_62, %scan3A_63 : i32
        %scan3A_65 = arith.constant 1 : i32
        scf.for %scan3A_73 = %scan3A_62 to %scan3A_64 step %scan3A_65  : i32 {
          %mul3A_74 = arith.constant 8 : i32
          %mul3A_75 = arith.muli %scan3A_73, %mul3A_74 : i32
          %add3A_76 = arith.constant 0 : i32
          %add3A_77 = arith.addi %mul3A_75, %add3A_76 : i32
          %broadcast_in_dim3A = vector.broadcast %add3A_77 : i32 to vector<16xi32>
          %gather3A = tpu.vector_load_idx %arg5[%iota3A, %broadcast_in_dim3A] : memref<32x1024xf32, #tpu.memory_space<vmem>>[vector<16xi32>, vector<16xi32>], vector<16xf32>,
          %mul3A_78 = arith.constant 32 : i32
          %mul3A_79 = arith.muli %add3A_77, %mul3A_78 : i32
          %swap3A = arith.index_cast %mul3A_79 : i32 to index
          %swap3A_80 = tpu.vector_load %arg6[%swap3A] {strides = array<i32>} : memref<32768xf32, #tpu.memory_space<vmem>>, vector<16xf32>,
          tpu.vector_store %arg6[%swap3A], %gather3A {strides = array<i32>} : memref<32768xf32, #tpu.memory_space<vmem>>, vector<16xf32>,
          %gather3A_81 = tpu.vector_load_idx %arg5[%add3A_3, %broadcast_in_dim3A] : memref<32x1024xf32, #tpu.memory_space<vmem>>[vector<16xi32>, vector<16xi32>], vector<16xf32>,
          %mul3A_82 = arith.constant 32 : i32
          %mul3A_83 = arith.muli %add3A_77, %mul3A_82 : i32
          %add3A_84 = arith.constant 16 : i32
          %add3A_85 = arith.addi %mul3A_83, %add3A_84 : i32
          %swap3A_86 = arith.index_cast %add3A_85 : i32 to index
          %swap3A_87 = tpu.vector_load %arg6[%swap3A_86] {strides = array<i32>} : memref<32768xf32, #tpu.memory_space<vmem>>, vector<16xf32>,
          tpu.vector_store %arg6[%swap3A_86], %gather3A_81 {strides = array<i32>} : memref<32768xf32, #tpu.memory_space<vmem>>, vector<16xf32>,
          %mul3A_88 = arith.constant 8 : i32
          %mul3A_89 = arith.muli %scan3A_73, %mul3A_88 : i32
          %add3A_90 = arith.constant 1 : i32
          %add3A_91 = arith.addi %mul3A_89, %add3A_90 : i32
          %broadcast_in_dim3A_92 = vector.broadcast %add3A_91 : i32 to vector<16xi32>
          %gather3A_93 = tpu.vector_load_idx %arg5[%iota3A, %broadcast_in_dim3A_92] : memref<32x1024xf32, #tpu.memory_space<vmem>>[vector<16xi32>, vector<16xi32>], vector<16xf32>,
          %mul3A_94 = arith.constant 32 : i32
          %mul3A_95 = arith.muli %add3A_91, %mul3A_94 : i32
          %swap3A_96 = arith.index_cast %mul3A_95 : i32 to index
          %swap3A_97 = tpu.vector_load %arg6[%swap3A_96] {strides = array<i32>} : memref<32768xf32, #tpu.memory_space<vmem>>, vector<16xf32>,
          tpu.vector_store %arg6[%swap3A_96], %gather3A_93 {strides = array<i32>} : memref<32768xf32, #tpu.memory_space<vmem>>, vector<16xf32>,
          %gather3A_98 = tpu.vector_load_idx %arg5[%add3A_3, %broadcast_in_dim3A_92] : memref<32x1024xf32, #tpu.memory_space<vmem>>[vector<16xi32>, vector<16xi32>], vector<16xf32>,
          %mul3A_99 = arith.constant 32 : i32
          %mul3A_100 = arith.muli %add3A_91, %mul3A_99 : i32
          %add3A_101 = arith.constant 16 : i32
          %add3A_102 = arith.addi %mul3A_100, %add3A_101 : i32
          %swap3A_103 = arith.index_cast %add3A_102 : i32 to index
          %swap3A_104 = tpu.vector_load %arg6[%swap3A_103] {strides = array<i32>} : memref<32768xf32, #tpu.memory_space<vmem>>, vector<16xf32>,
          tpu.vector_store %arg6[%swap3A_103], %gather3A_98 {strides = array<i32>} : memref<32768xf32, #tpu.memory_space<vmem>>, vector<16xf32>,
          %mul3A_105 = arith.constant 8 : i32
          %mul3A_106 = arith.muli %scan3A_73, %mul3A_105 : i32
          %add3A_107 = arith.constant 2 : i32
          %add3A_108 = arith.addi %mul3A_106, %add3A_107 : i32
          %broadcast_in_dim3A_109 = vector.broadcast %add3A_108 : i32 to vector<16xi32>
          %gather3A_110 = tpu.vector_load_idx %arg5[%iota3A, %broadcast_in_dim3A_109] : memref<32x1024xf32, #tpu.memory_space<vmem>>[vector<16xi32>, vector<16xi32>], vector<16xf32>,
          %mul3A_111 = arith.constant 32 : i32
          %mul3A_112 = arith.muli %add3A_108, %mul3A_111 : i32
          %swap3A_113 = arith.index_cast %mul3A_112 : i32 to index
          %swap3A_114 = tpu.vector_load %arg6[%swap3A_113] {strides = array<i32>} : memref<32768xf32, #tpu.memory_space<vmem>>, vector<16xf32>,
          tpu.vector_store %arg6[%swap3A_113], %gather3A_110 {strides = array<i32>} : memref<32768xf32, #tpu.memory_space<vmem>>, vector<16xf32>,
          %gather3A_115 = tpu.vector_load_idx %arg5[%add3A_3, %broadcast_in_dim3A_109] : memref<32x1024xf32, #tpu.memory_space<vmem>>[vector<16xi32>, vector<16xi32>], vector<16xf32>,
          %mul3A_116 = arith.constant 32 : i32
          %mul3A_117 = arith.muli %add3A_108, %mul3A_116 : i32
          %add3A_118 = arith.constant 16 : i32
          %add3A_119 = arith.addi %mul3A_117, %add3A_118 : i32
          %swap3A_120 = arith.index_cast %add3A_119 : i32 to index
          %swap3A_121 = tpu.vector_load %arg6[%swap3A_120] {strides = array<i32>} : memref<32768xf32, #tpu.memory_space<vmem>>, vector<16xf32>,
          tpu.vector_store %arg6[%swap3A_120], %gather3A_115 {strides = array<i32>} : memref<32768xf32, #tpu.memory_space<vmem>>, vector<16xf32>,
          %mul3A_122 = arith.constant 8 : i32
          %mul3A_123 = arith.muli %scan3A_73, %mul3A_122 : i32
          %add3A_124 = arith.constant 3 : i32
          %add3A_125 = arith.addi %mul3A_123, %add3A_124 : i32
          %broadcast_in_dim3A_126 = vector.broadcast %add3A_125 : i32 to vector<16xi32>
          %gather3A_127 = tpu.vector_load_idx %arg5[%iota3A, %broadcast_in_dim3A_126] : memref<32x1024xf32, #tpu.memory_space<vmem>>[vector<16xi32>, vector<16xi32>], vector<16xf32>,
          %mul3A_128 = arith.constant 32 : i32
          %mul3A_129 = arith.muli %add3A_125, %mul3A_128 : i32
          %swap3A_130 = arith.index_cast %mul3A_129 : i32 to index
          %swap3A_131 = tpu.vector_load %arg6[%swap3A_130] {strides = array<i32>} : memref<32768xf32, #tpu.memory_space<vmem>>, vector<16xf32>,
          tpu.vector_store %arg6[%swap3A_130], %gather3A_127 {strides = array<i32>} : memref<32768xf32, #tpu.memory_space<vmem>>, vector<16xf32>,
          %gather3A_132 = tpu.vector_load_idx %arg5[%add3A_3, %broadcast_in_dim3A_126] : memref<32x1024xf32, #tpu.memory_space<vmem>>[vector<16xi32>, vector<16xi32>], vector<16xf32>,
          %mul3A_133 = arith.constant 32 : i32
          %mul3A_134 = arith.muli %add3A_125, %mul3A_133 : i32
          %add3A_135 = arith.constant 16 : i32
          %add3A_136 = arith.addi %mul3A_134, %add3A_135 : i32
          %swap3A_137 = arith.index_cast %add3A_136 : i32 to index
          %swap3A_138 = tpu.vector_load %arg6[%swap3A_137] {strides = array<i32>} : memref<32768xf32, #tpu.memory_space<vmem>>, vector<16xf32>,
          tpu.vector_store %arg6[%swap3A_137], %gather3A_132 {strides = array<i32>} : memref<32768xf32, #tpu.memory_space<vmem>>, vector<16xf32>,
          %mul3A_139 = arith.constant 8 : i32
          %mul3A_140 = arith.muli %scan3A_73, %mul3A_139 : i32
          %add3A_141 = arith.constant 4 : i32
          %add3A_142 = arith.addi %mul3A_140, %add3A_141 : i32
          %broadcast_in_dim3A_143 = vector.broadcast %add3A_142 : i32 to vector<16xi32>
          %gather3A_144 = tpu.vector_load_idx %arg5[%iota3A, %broadcast_in_dim3A_143] : memref<32x1024xf32, #tpu.memory_space<vmem>>[vector<16xi32>, vector<16xi32>], vector<16xf32>,
          %mul3A_145 = arith.constant 32 : i32
          %mul3A_146 = arith.muli %add3A_142, %mul3A_145 : i32
          %swap3A_147 = arith.index_cast %mul3A_146 : i32 to index
          %swap3A_148 = tpu.vector_load %arg6[%swap3A_147] {strides = array<i32>} : memref<32768xf32, #tpu.memory_space<vmem>>, vector<16xf32>,
          tpu.vector_store %arg6[%swap3A_147], %gather3A_144 {strides = array<i32>} : memref<32768xf32, #tpu.memory_space<vmem>>, vector<16xf32>,
          %gather3A_149 = tpu.vector_load_idx %arg5[%add3A_3, %broadcast_in_dim3A_143] : memref<32x1024xf32, #tpu.memory_space<vmem>>[vector<16xi32>, vector<16xi32>], vector<16xf32>,
          %mul3A_150 = arith.constant 32 : i32
          %mul3A_151 = arith.muli %add3A_142, %mul3A_150 : i32
          %add3A_152 = arith.constant 16 : i32
          %add3A_153 = arith.addi %mul3A_151, %add3A_152 : i32
          %swap3A_154 = arith.index_cast %add3A_153 : i32 to index
          %swap3A_155 = tpu.vector_load %arg6[%swap3A_154] {strides = array<i32>} : memref<32768xf32, #tpu.memory_space<vmem>>, vector<16xf32>,
          tpu.vector_store %arg6[%swap3A_154], %gather3A_149 {strides = array<i32>} : memref<32768xf32, #tpu.memory_space<vmem>>, vector<16xf32>,
          %mul3A_156 = arith.constant 8 : i32
          %mul3A_157 = arith.muli %scan3A_73, %mul3A_156 : i32
          %add3A_158 = arith.constant 5 : i32
          %add3A_159 = arith.addi %mul3A_157, %add3A_158 : i32
          %broadcast_in_dim3A_160 = vector.broadcast %add3A_159 : i32 to vector<16xi32>
          %gather3A_161 = tpu.vector_load_idx %arg5[%iota3A, %broadcast_in_dim3A_160] : memref<32x1024xf32, #tpu.memory_space<vmem>>[vector<16xi32>, vector<16xi32>], vector<16xf32>,
          %mul3A_162 = arith.constant 32 : i32
          %mul3A_163 = arith.muli %add3A_159, %mul3A_162 : i32
          %swap3A_164 = arith.index_cast %mul3A_163 : i32 to index
          %swap3A_165 = tpu.vector_load %arg6[%swap3A_164] {strides = array<i32>} : memref<32768xf32, #tpu.memory_space<vmem>>, vector<16xf32>,
          tpu.vector_store %arg6[%swap3A_164], %gather3A_161 {strides = array<i32>} : memref<32768xf32, #tpu.memory_space<vmem>>, vector<16xf32>,
          %gather3A_166 = tpu.vector_load_idx %arg5[%add3A_3, %broadcast_in_dim3A_160] : memref<32x1024xf32, #tpu.memory_space<vmem>>[vector<16xi32>, vector<16xi32>], vector<16xf32>,
          %mul3A_167 = arith.constant 32 : i32
          %mul3A_168 = arith.muli %add3A_159, %mul3A_167 : i32
          %add3A_169 = arith.constant 16 : i32
          %add3A_170 = arith.addi %mul3A_168, %add3A_169 : i32
          %swap3A_171 = arith.index_cast %add3A_170 : i32 to index
          %swap3A_172 = tpu.vector_load %arg6[%swap3A_171] {strides = array<i32>} : memref<32768xf32, #tpu.memory_space<vmem>>, vector<16xf32>,
          tpu.vector_store %arg6[%swap3A_171], %gather3A_166 {strides = array<i32>} : memref<32768xf32, #tpu.memory_space<vmem>>, vector<16xf32>,
          %mul3A_173 = arith.constant 8 : i32
          %mul3A_174 = arith.muli %scan3A_73, %mul3A_173 : i32
          %add3A_175 = arith.constant 6 : i32
          %add3A_176 = arith.addi %mul3A_174, %add3A_175 : i32
          %broadcast_in_dim3A_177 = vector.broadcast %add3A_176 : i32 to vector<16xi32>
          %gather3A_178 = tpu.vector_load_idx %arg5[%iota3A, %broadcast_in_dim3A_177] : memref<32x1024xf32, #tpu.memory_space<vmem>>[vector<16xi32>, vector<16xi32>], vector<16xf32>,
          %mul3A_179 = arith.constant 32 : i32
          %mul3A_180 = arith.muli %add3A_176, %mul3A_179 : i32
          %swap3A_181 = arith.index_cast %mul3A_180 : i32 to index
          %swap3A_182 = tpu.vector_load %arg6[%swap3A_181] {strides = array<i32>} : memref<32768xf32, #tpu.memory_space<vmem>>, vector<16xf32>,
          tpu.vector_store %arg6[%swap3A_181], %gather3A_178 {strides = array<i32>} : memref<32768xf32, #tpu.memory_space<vmem>>, vector<16xf32>,
          %gather3A_183 = tpu.vector_load_idx %arg5[%add3A_3, %broadcast_in_dim3A_177] : memref<32x1024xf32, #tpu.memory_space<vmem>>[vector<16xi32>, vector<16xi32>], vector<16xf32>,
          %mul3A_184 = arith.constant 32 : i32
          %mul3A_185 = arith.muli %add3A_176, %mul3A_184 : i32
          %add3A_186 = arith.constant 16 : i32
          %add3A_187 = arith.addi %mul3A_185, %add3A_186 : i32
          %swap3A_188 = arith.index_cast %add3A_187 : i32 to index
          %swap3A_189 = tpu.vector_load %arg6[%swap3A_188] {strides = array<i32>} : memref<32768xf32, #tpu.memory_space<vmem>>, vector<16xf32>,
          tpu.vector_store %arg6[%swap3A_188], %gather3A_183 {strides = array<i32>} : memref<32768xf32, #tpu.memory_space<vmem>>, vector<16xf32>,
          %mul3A_190 = arith.constant 8 : i32
          %mul3A_191 = arith.muli %scan3A_73, %mul3A_190 : i32
          %add3A_192 = arith.constant 7 : i32
          %add3A_193 = arith.addi %mul3A_191, %add3A_192 : i32
          %broadcast_in_dim3A_194 = vector.broadcast %add3A_193 : i32 to vector<16xi32>
          %gather3A_195 = tpu.vector_load_idx %arg5[%iota3A, %broadcast_in_dim3A_194] : memref<32x1024xf32, #tpu.memory_space<vmem>>[vector<16xi32>, vector<16xi32>], vector<16xf32>,
          %mul3A_196 = arith.constant 32 : i32
          %mul3A_197 = arith.muli %add3A_193, %mul3A_196 : i32
          %swap3A_198 = arith.index_cast %mul3A_197 : i32 to index
          %swap3A_199 = tpu.vector_load %arg6[%swap3A_198] {strides = array<i32>} : memref<32768xf32, #tpu.memory_space<vmem>>, vector<16xf32>,
          tpu.vector_store %arg6[%swap3A_198], %gather3A_195 {strides = array<i32>} : memref<32768xf32, #tpu.memory_space<vmem>>, vector<16xf32>,
          %gather3A_200 = tpu.vector_load_idx %arg5[%add3A_3, %broadcast_in_dim3A_194] : memref<32x1024xf32, #tpu.memory_space<vmem>>[vector<16xi32>, vector<16xi32>], vector<16xf32>,
          %mul3A_201 = arith.constant 32 : i32
          %mul3A_202 = arith.muli %add3A_193, %mul3A_201 : i32
          %add3A_203 = arith.constant 16 : i32
          %add3A_204 = arith.addi %mul3A_202, %add3A_203 : i32
          %swap3A_205 = arith.index_cast %add3A_204 : i32 to index
          %swap3A_206 = tpu.vector_load %arg6[%swap3A_205] {strides = array<i32>} : memref<32768xf32, #tpu.memory_space<vmem>>, vector<16xf32>,
          tpu.vector_store %arg6[%swap3A_205], %gather3A_200 {strides = array<i32>} : memref<32768xf32, #tpu.memory_space<vmem>>, vector<16xf32>,
        }
        %scan3A_66 = arith.constant 84 : i32
        %mul3A_67 = arith.constant 100000 : i32
        %mul3A_68 = arith.muli %select_n3A_39, %mul3A_67 : i32
        %add3A_69 = arith.constant 99328 : i32
        %add3A_70 = arith.addi %mul3A_68, %add3A_69 : i32
        %mul3A_71 = arith.constant 32 : i32
        %mul3A_72 = arith.muli %add3A_70, %mul3A_71 : i32
        "tpu.region"() ({
          %run_scoped3A = tpu.sem_alloc : memref<!tpu.dma_semaphore, #tpu.memory_space<semaphore_mem>>
          %dma_start3A = arith.constant 0 : i32
          %dma_start3A_73 = tpu.memref_slice %arg6[%dma_start3A] : memref<32768xf32, #tpu.memory_space<vmem>> -> memref<21504xf32, #tpu.memory_space<vmem>>
          %dma_start3A_74 = tpu.memref_slice %arg4[%mul3A_72] : memref<83200000xf32, #tpu.memory_space<hbm>> -> memref<21504xf32, #tpu.memory_space<hbm>>
          %dma_start3A_75 = tpu.memref_slice %arg4[%mul3A_72] : memref<83200000xf32, #tpu.memory_space<hbm>> -> memref<21504xf32, #tpu.memory_space<hbm>>
          %dma_start3A_76 = arith.constant 0 : i32
          %dma_start3A_77 = tpu.memref_slice %arg6[%dma_start3A_76] : memref<32768xf32, #tpu.memory_space<vmem>> -> memref<21504xf32, #tpu.memory_space<vmem>>
          tpu.enqueue_dma source(%dma_start3A_77 : memref<21504xf32, #tpu.memory_space<vmem>>) target(%dma_start3A_75 : memref<21504xf32, #tpu.memory_space<hbm>>) target_semaphore(%run_scoped3A : memref<!tpu.dma_semaphore, #tpu.memory_space<semaphore_mem>>)
          %dma_wait3A = arith.constant 0 : i32
          %dma_wait3A_78 = tpu.memref_slice %arg6[%dma_wait3A] : memref<32768xf32, #tpu.memory_space<vmem>> -> memref<21504xf32, #tpu.memory_space<vmem>>
          %dma_wait3A_79 = tpu.memref_slice %arg4[%mul3A_72] : memref<83200000xf32, #tpu.memory_space<hbm>> -> memref<21504xf32, #tpu.memory_space<hbm>>
          %dma_wait3A_80 = tpu.memref_slice %arg4[%mul3A_72] : memref<83200000xf32, #tpu.memory_space<hbm>> -> memref<21504xf32, #tpu.memory_space<hbm>>
          %dma_wait3A_81 = arith.constant 0 : i32
          %dma_wait3A_82 = tpu.memref_slice %arg6[%dma_wait3A_81] : memref<32768xf32, #tpu.memory_space<vmem>> -> memref<21504xf32, #tpu.memory_space<vmem>>
          tpu.wait_dma2 semaphore(%run_scoped3A : memref<!tpu.dma_semaphore, #tpu.memory_space<semaphore_mem>>) src(%dma_wait3A_82 : memref<21504xf32, #tpu.memory_space<vmem>>) dst(%dma_wait3A_80 : memref<21504xf32, #tpu.memory_space<hbm>>)
          tpu.yield
        }) : () -> ()
      } else {
      }
    }
    %while3A_20 = arith.constant 1 : i32
    scf.for %while3A_21 = %while3A_18 to %while3A_14 step %while3A_20  : i32 {
      %jit3A_22 = arith.constant 98 : i32
      %div3A = arith.divsi %while3A_21, %jit3A_22 : i32
      %sign3A = arith.constant 0 : i32
      %sign3A_23 = arith.cmpi sgt, %while3A_21, %sign3A : i32
      %sign3A_24 = arith.extui %sign3A_23 : i1 to i32
      %sign3A_25 = arith.constant 0 : i32
      %sign3A_26 = arith.cmpi slt, %while3A_21, %sign3A_25 : i32
      %sign3A_27 = arith.extui %sign3A_26 : i1 to i32
      %sign3A_28 = arith.subi %sign3A_24, %sign3A_27 : i32
      %sign3A_29 = arith.constant 0 : i32
      %sign3A_30 = arith.cmpi sgt, %jit3A_22, %sign3A_29 : i32
      %sign3A_31 = arith.extui %sign3A_30 : i1 to i32
      %sign3A_32 = arith.constant 0 : i32
      %sign3A_33 = arith.cmpi slt, %jit3A_22, %sign3A_32 : i32
      %sign3A_34 = arith.extui %sign3A_33 : i1 to i32
      %sign3A_35 = arith.subi %sign3A_31, %sign3A_34 : i32
      %ne3A = arith.cmpi ne, %sign3A_28, %sign3A_35 : i32
      %rem3A = arith.remsi %while3A_21, %jit3A_22 : i32
      %ne3A_36 = arith.constant 0 : i32
      %ne3A_37 = arith.cmpi ne, %rem3A, %ne3A_36 : i32
      %and3A = arith.andi %ne3A, %ne3A_37 : i1
      %sub3A = arith.constant 1 : i32
      %sub3A_38 = arith.subi %div3A, %sub3A : i32
      %select_n3A_39 = arith.select %and3A, %sub3A_38, %div3A : i32
      %jit3A_40 = arith.constant 98 : i32
      %eq3A = arith.constant 0 : i32
      %eq3A_41 = arith.cmpi eq, %jit3A_40, %eq3A : i32
      %jit3A_42 = arith.constant 1 : i32
      %select_n3A_43 = arith.select %eq3A_41, %jit3A_42, %jit3A_40 : i32
      %rem3A_44 = arith.remsi %while3A_21, %select_n3A_43 : i32
      %ne3A_45 = arith.constant 0 : i32
      %ne3A_46 = arith.cmpi ne, %rem3A_44, %ne3A_45 : i32
      %lt3A_47 = arith.constant 0 : i32
      %lt3A_48 = arith.cmpi slt, %rem3A_44, %lt3A_47 : i32
      %lt3A_49 = arith.constant 0 : i32
      %lt3A_50 = arith.cmpi slt, %select_n3A_43, %lt3A_49 : i32
      %ne3A_51 = arith.xori %lt3A_48, %lt3A_50 : i1
      %and3A_52 = arith.andi %ne3A_51, %ne3A_46 : i1
      %add3A_53 = arith.addi %rem3A_44, %select_n3A_43 : i32
      %select_n3A_54 = arith.select %and3A_52, %add3A_53, %rem3A_44 : i32
      %eq3A_55 = arith.constant 97 : i32
      %eq3A_56 = arith.cmpi eq, %select_n3A_54, %eq3A_55 : i32
      %not3A = arith.constant true
      %not3A_57 = arith.xori %eq3A_56, %not3A : i1
      %convert_element_type3A = arith.extui %not3A_57 : i1 to i32
      %cond3A = arith.constant 0 : i32
      %cond3A_58 = arith.cmpi ne, %convert_element_type3A, %cond3A : i32
      scf.if %cond3A_58 {
        %mul3A_62 = arith.constant 8 : i32
        %mul3A_63 = arith.muli %select_n3A_54, %mul3A_62 : i32
        %mul3A_64 = arith.constant 128 : i32
        %mul3A_65 = arith.muli %mul3A_63, %mul3A_64 : i32
        "tpu.region"() ({
          %run_scoped3A = tpu.sem_alloc : memref<!tpu.dma_semaphore, #tpu.memory_space<semaphore_mem>>
          %dma_start3A = arith.constant 0 : i32
          %dma_start3A_80 = tpu.memref_slice %arg2[%select_n3A_39, %dma_start3A, %mul3A_65] : memref<26x32x100000xf32, #tpu.memory_space<hbm>> -> memref<1x32x1024xf32, #tpu.memory_space<hbm>>
          %dma_start3A_81 = tpu.memref_squeeze %dma_start3A_80 : memref<1x32x1024xf32, #tpu.memory_space<hbm>> -> memref<32x1024xf32, #tpu.memory_space<hbm>>
          %dma_start3A_82 = arith.constant 0 : i32
          %dma_start3A_83 = tpu.memref_slice %arg2[%select_n3A_39, %dma_start3A_82, %mul3A_65] : memref<26x32x100000xf32, #tpu.memory_space<hbm>> -> memref<1x32x1024xf32, #tpu.memory_space<hbm>>
          %dma_start3A_84 = tpu.memref_squeeze %dma_start3A_83 : memref<1x32x1024xf32, #tpu.memory_space<hbm>> -> memref<32x1024xf32, #tpu.memory_space<hbm>>
          tpu.enqueue_dma source(%dma_start3A_84 : memref<32x1024xf32, #tpu.memory_space<hbm>>) target(%arg5 : memref<32x1024xf32, #tpu.memory_space<vmem>>) target_semaphore(%run_scoped3A : memref<!tpu.dma_semaphore, #tpu.memory_space<semaphore_mem>>)
          %dma_wait3A = arith.constant 0 : i32
          %dma_wait3A_85 = tpu.memref_slice %arg2[%select_n3A_39, %dma_wait3A, %mul3A_65] : memref<26x32x100000xf32, #tpu.memory_space<hbm>> -> memref<1x32x1024xf32, #tpu.memory_space<hbm>>
          %dma_wait3A_86 = tpu.memref_squeeze %dma_wait3A_85 : memref<1x32x1024xf32, #tpu.memory_space<hbm>> -> memref<32x1024xf32, #tpu.memory_space<hbm>>
          %dma_wait3A_87 = arith.constant 0 : i32
          %dma_wait3A_88 = tpu.memref_slice %arg2[%select_n3A_39, %dma_wait3A_87, %mul3A_65] : memref<26x32x100000xf32, #tpu.memory_space<hbm>> -> memref<1x32x1024xf32, #tpu.memory_space<hbm>>
          %dma_wait3A_89 = tpu.memref_squeeze %dma_wait3A_88 : memref<1x32x1024xf32, #tpu.memory_space<hbm>> -> memref<32x1024xf32, #tpu.memory_space<hbm>>
          tpu.wait_dma2 semaphore(%run_scoped3A : memref<!tpu.dma_semaphore, #tpu.memory_space<semaphore_mem>>) src(%dma_wait3A_89 : memref<32x1024xf32, #tpu.memory_space<hbm>>) dst(%arg5 : memref<32x1024xf32, #tpu.memory_space<vmem>>)
          tpu.yield
        }) : () -> ()
        %scan3A = arith.constant 0 : i32
        %scan3A_66 = arith.constant 0 : i32
        %scan3A_67 = arith.constant 128 : i32
        %scan3A_68 = arith.addi %scan3A_66, %scan3A_67 : i32
        %scan3A_69 = arith.constant 1 : i32
        scf.for %scan3A_80 = %scan3A_66 to %scan3A_68 step %scan3A_69  : i32 {
          %mul3A_81 = arith.constant 8 : i32
          %mul3A_82 = arith.muli %scan3A_80, %mul3A_81 : i32
          %add3A_83 = arith.constant 0 : i32
          %add3A_84 = arith.addi %mul3A_82, %add3A_83 : i32
          %broadcast_in_dim3A = vector.broadcast %add3A_84 : i32 to vector<16xi32>
          %gather3A = tpu.vector_load_idx %arg5[%iota3A, %broadcast_in_dim3A] : memref<32x1024xf32, #tpu.memory_space<vmem>>[vector<16xi32>, vector<16xi32>], vector<16xf32>,
          %mul3A_85 = arith.constant 32 : i32
          %mul3A_86 = arith.muli %add3A_84, %mul3A_85 : i32
          %swap3A = arith.index_cast %mul3A_86 : i32 to index
          %swap3A_87 = tpu.vector_load %arg6[%swap3A] {strides = array<i32>} : memref<32768xf32, #tpu.memory_space<vmem>>, vector<16xf32>,
          tpu.vector_store %arg6[%swap3A], %gather3A {strides = array<i32>} : memref<32768xf32, #tpu.memory_space<vmem>>, vector<16xf32>,
          %gather3A_88 = tpu.vector_load_idx %arg5[%add3A_3, %broadcast_in_dim3A] : memref<32x1024xf32, #tpu.memory_space<vmem>>[vector<16xi32>, vector<16xi32>], vector<16xf32>,
          %mul3A_89 = arith.constant 32 : i32
          %mul3A_90 = arith.muli %add3A_84, %mul3A_89 : i32
          %add3A_91 = arith.constant 16 : i32
          %add3A_92 = arith.addi %mul3A_90, %add3A_91 : i32
          %swap3A_93 = arith.index_cast %add3A_92 : i32 to index
          %swap3A_94 = tpu.vector_load %arg6[%swap3A_93] {strides = array<i32>} : memref<32768xf32, #tpu.memory_space<vmem>>, vector<16xf32>,
          tpu.vector_store %arg6[%swap3A_93], %gather3A_88 {strides = array<i32>} : memref<32768xf32, #tpu.memory_space<vmem>>, vector<16xf32>,
          %mul3A_95 = arith.constant 8 : i32
          %mul3A_96 = arith.muli %scan3A_80, %mul3A_95 : i32
          %add3A_97 = arith.constant 1 : i32
          %add3A_98 = arith.addi %mul3A_96, %add3A_97 : i32
          %broadcast_in_dim3A_99 = vector.broadcast %add3A_98 : i32 to vector<16xi32>
          %gather3A_100 = tpu.vector_load_idx %arg5[%iota3A, %broadcast_in_dim3A_99] : memref<32x1024xf32, #tpu.memory_space<vmem>>[vector<16xi32>, vector<16xi32>], vector<16xf32>,
          %mul3A_101 = arith.constant 32 : i32
          %mul3A_102 = arith.muli %add3A_98, %mul3A_101 : i32
          %swap3A_103 = arith.index_cast %mul3A_102 : i32 to index
          %swap3A_104 = tpu.vector_load %arg6[%swap3A_103] {strides = array<i32>} : memref<32768xf32, #tpu.memory_space<vmem>>, vector<16xf32>,
          tpu.vector_store %arg6[%swap3A_103], %gather3A_100 {strides = array<i32>} : memref<32768xf32, #tpu.memory_space<vmem>>, vector<16xf32>,
          %gather3A_105 = tpu.vector_load_idx %arg5[%add3A_3, %broadcast_in_dim3A_99] : memref<32x1024xf32, #tpu.memory_space<vmem>>[vector<16xi32>, vector<16xi32>], vector<16xf32>,
          %mul3A_106 = arith.constant 32 : i32
          %mul3A_107 = arith.muli %add3A_98, %mul3A_106 : i32
          %add3A_108 = arith.constant 16 : i32
          %add3A_109 = arith.addi %mul3A_107, %add3A_108 : i32
          %swap3A_110 = arith.index_cast %add3A_109 : i32 to index
          %swap3A_111 = tpu.vector_load %arg6[%swap3A_110] {strides = array<i32>} : memref<32768xf32, #tpu.memory_space<vmem>>, vector<16xf32>,
          tpu.vector_store %arg6[%swap3A_110], %gather3A_105 {strides = array<i32>} : memref<32768xf32, #tpu.memory_space<vmem>>, vector<16xf32>,
          %mul3A_112 = arith.constant 8 : i32
          %mul3A_113 = arith.muli %scan3A_80, %mul3A_112 : i32
          %add3A_114 = arith.constant 2 : i32
          %add3A_115 = arith.addi %mul3A_113, %add3A_114 : i32
          %broadcast_in_dim3A_116 = vector.broadcast %add3A_115 : i32 to vector<16xi32>
          %gather3A_117 = tpu.vector_load_idx %arg5[%iota3A, %broadcast_in_dim3A_116] : memref<32x1024xf32, #tpu.memory_space<vmem>>[vector<16xi32>, vector<16xi32>], vector<16xf32>,
          %mul3A_118 = arith.constant 32 : i32
          %mul3A_119 = arith.muli %add3A_115, %mul3A_118 : i32
          %swap3A_120 = arith.index_cast %mul3A_119 : i32 to index
          %swap3A_121 = tpu.vector_load %arg6[%swap3A_120] {strides = array<i32>} : memref<32768xf32, #tpu.memory_space<vmem>>, vector<16xf32>,
          tpu.vector_store %arg6[%swap3A_120], %gather3A_117 {strides = array<i32>} : memref<32768xf32, #tpu.memory_space<vmem>>, vector<16xf32>,
          %gather3A_122 = tpu.vector_load_idx %arg5[%add3A_3, %broadcast_in_dim3A_116] : memref<32x1024xf32, #tpu.memory_space<vmem>>[vector<16xi32>, vector<16xi32>], vector<16xf32>,
          %mul3A_123 = arith.constant 32 : i32
          %mul3A_124 = arith.muli %add3A_115, %mul3A_123 : i32
          %add3A_125 = arith.constant 16 : i32
          %add3A_126 = arith.addi %mul3A_124, %add3A_125 : i32
          %swap3A_127 = arith.index_cast %add3A_126 : i32 to index
          %swap3A_128 = tpu.vector_load %arg6[%swap3A_127] {strides = array<i32>} : memref<32768xf32, #tpu.memory_space<vmem>>, vector<16xf32>,
          tpu.vector_store %arg6[%swap3A_127], %gather3A_122 {strides = array<i32>} : memref<32768xf32, #tpu.memory_space<vmem>>, vector<16xf32>,
          %mul3A_129 = arith.constant 8 : i32
          %mul3A_130 = arith.muli %scan3A_80, %mul3A_129 : i32
          %add3A_131 = arith.constant 3 : i32
          %add3A_132 = arith.addi %mul3A_130, %add3A_131 : i32
          %broadcast_in_dim3A_133 = vector.broadcast %add3A_132 : i32 to vector<16xi32>
          %gather3A_134 = tpu.vector_load_idx %arg5[%iota3A, %broadcast_in_dim3A_133] : memref<32x1024xf32, #tpu.memory_space<vmem>>[vector<16xi32>, vector<16xi32>], vector<16xf32>,
          %mul3A_135 = arith.constant 32 : i32
          %mul3A_136 = arith.muli %add3A_132, %mul3A_135 : i32
          %swap3A_137 = arith.index_cast %mul3A_136 : i32 to index
          %swap3A_138 = tpu.vector_load %arg6[%swap3A_137] {strides = array<i32>} : memref<32768xf32, #tpu.memory_space<vmem>>, vector<16xf32>,
          tpu.vector_store %arg6[%swap3A_137], %gather3A_134 {strides = array<i32>} : memref<32768xf32, #tpu.memory_space<vmem>>, vector<16xf32>,
          %gather3A_139 = tpu.vector_load_idx %arg5[%add3A_3, %broadcast_in_dim3A_133] : memref<32x1024xf32, #tpu.memory_space<vmem>>[vector<16xi32>, vector<16xi32>], vector<16xf32>,
          %mul3A_140 = arith.constant 32 : i32
          %mul3A_141 = arith.muli %add3A_132, %mul3A_140 : i32
          %add3A_142 = arith.constant 16 : i32
          %add3A_143 = arith.addi %mul3A_141, %add3A_142 : i32
          %swap3A_144 = arith.index_cast %add3A_143 : i32 to index
          %swap3A_145 = tpu.vector_load %arg6[%swap3A_144] {strides = array<i32>} : memref<32768xf32, #tpu.memory_space<vmem>>, vector<16xf32>,
          tpu.vector_store %arg6[%swap3A_144], %gather3A_139 {strides = array<i32>} : memref<32768xf32, #tpu.memory_space<vmem>>, vector<16xf32>,
          %mul3A_146 = arith.constant 8 : i32
          %mul3A_147 = arith.muli %scan3A_80, %mul3A_146 : i32
          %add3A_148 = arith.constant 4 : i32
          %add3A_149 = arith.addi %mul3A_147, %add3A_148 : i32
          %broadcast_in_dim3A_150 = vector.broadcast %add3A_149 : i32 to vector<16xi32>
          %gather3A_151 = tpu.vector_load_idx %arg5[%iota3A, %broadcast_in_dim3A_150] : memref<32x1024xf32, #tpu.memory_space<vmem>>[vector<16xi32>, vector<16xi32>], vector<16xf32>,
          %mul3A_152 = arith.constant 32 : i32
          %mul3A_153 = arith.muli %add3A_149, %mul3A_152 : i32
          %swap3A_154 = arith.index_cast %mul3A_153 : i32 to index
          %swap3A_155 = tpu.vector_load %arg6[%swap3A_154] {strides = array<i32>} : memref<32768xf32, #tpu.memory_space<vmem>>, vector<16xf32>,
          tpu.vector_store %arg6[%swap3A_154], %gather3A_151 {strides = array<i32>} : memref<32768xf32, #tpu.memory_space<vmem>>, vector<16xf32>,
          %gather3A_156 = tpu.vector_load_idx %arg5[%add3A_3, %broadcast_in_dim3A_150] : memref<32x1024xf32, #tpu.memory_space<vmem>>[vector<16xi32>, vector<16xi32>], vector<16xf32>,
          %mul3A_157 = arith.constant 32 : i32
          %mul3A_158 = arith.muli %add3A_149, %mul3A_157 : i32
          %add3A_159 = arith.constant 16 : i32
          %add3A_160 = arith.addi %mul3A_158, %add3A_159 : i32
          %swap3A_161 = arith.index_cast %add3A_160 : i32 to index
          %swap3A_162 = tpu.vector_load %arg6[%swap3A_161] {strides = array<i32>} : memref<32768xf32, #tpu.memory_space<vmem>>, vector<16xf32>,
          tpu.vector_store %arg6[%swap3A_161], %gather3A_156 {strides = array<i32>} : memref<32768xf32, #tpu.memory_space<vmem>>, vector<16xf32>,
          %mul3A_163 = arith.constant 8 : i32
          %mul3A_164 = arith.muli %scan3A_80, %mul3A_163 : i32
          %add3A_165 = arith.constant 5 : i32
          %add3A_166 = arith.addi %mul3A_164, %add3A_165 : i32
          %broadcast_in_dim3A_167 = vector.broadcast %add3A_166 : i32 to vector<16xi32>
          %gather3A_168 = tpu.vector_load_idx %arg5[%iota3A, %broadcast_in_dim3A_167] : memref<32x1024xf32, #tpu.memory_space<vmem>>[vector<16xi32>, vector<16xi32>], vector<16xf32>,
          %mul3A_169 = arith.constant 32 : i32
          %mul3A_170 = arith.muli %add3A_166, %mul3A_169 : i32
          %swap3A_171 = arith.index_cast %mul3A_170 : i32 to index
          %swap3A_172 = tpu.vector_load %arg6[%swap3A_171] {strides = array<i32>} : memref<32768xf32, #tpu.memory_space<vmem>>, vector<16xf32>,
          tpu.vector_store %arg6[%swap3A_171], %gather3A_168 {strides = array<i32>} : memref<32768xf32, #tpu.memory_space<vmem>>, vector<16xf32>,
          %gather3A_173 = tpu.vector_load_idx %arg5[%add3A_3, %broadcast_in_dim3A_167] : memref<32x1024xf32, #tpu.memory_space<vmem>>[vector<16xi32>, vector<16xi32>], vector<16xf32>,
          %mul3A_174 = arith.constant 32 : i32
          %mul3A_175 = arith.muli %add3A_166, %mul3A_174 : i32
          %add3A_176 = arith.constant 16 : i32
          %add3A_177 = arith.addi %mul3A_175, %add3A_176 : i32
          %swap3A_178 = arith.index_cast %add3A_177 : i32 to index
          %swap3A_179 = tpu.vector_load %arg6[%swap3A_178] {strides = array<i32>} : memref<32768xf32, #tpu.memory_space<vmem>>, vector<16xf32>,
          tpu.vector_store %arg6[%swap3A_178], %gather3A_173 {strides = array<i32>} : memref<32768xf32, #tpu.memory_space<vmem>>, vector<16xf32>,
          %mul3A_180 = arith.constant 8 : i32
          %mul3A_181 = arith.muli %scan3A_80, %mul3A_180 : i32
          %add3A_182 = arith.constant 6 : i32
          %add3A_183 = arith.addi %mul3A_181, %add3A_182 : i32
          %broadcast_in_dim3A_184 = vector.broadcast %add3A_183 : i32 to vector<16xi32>
          %gather3A_185 = tpu.vector_load_idx %arg5[%iota3A, %broadcast_in_dim3A_184] : memref<32x1024xf32, #tpu.memory_space<vmem>>[vector<16xi32>, vector<16xi32>], vector<16xf32>,
          %mul3A_186 = arith.constant 32 : i32
          %mul3A_187 = arith.muli %add3A_183, %mul3A_186 : i32
          %swap3A_188 = arith.index_cast %mul3A_187 : i32 to index
          %swap3A_189 = tpu.vector_load %arg6[%swap3A_188] {strides = array<i32>} : memref<32768xf32, #tpu.memory_space<vmem>>, vector<16xf32>,
          tpu.vector_store %arg6[%swap3A_188], %gather3A_185 {strides = array<i32>} : memref<32768xf32, #tpu.memory_space<vmem>>, vector<16xf32>,
          %gather3A_190 = tpu.vector_load_idx %arg5[%add3A_3, %broadcast_in_dim3A_184] : memref<32x1024xf32, #tpu.memory_space<vmem>>[vector<16xi32>, vector<16xi32>], vector<16xf32>,
          %mul3A_191 = arith.constant 32 : i32
          %mul3A_192 = arith.muli %add3A_183, %mul3A_191 : i32
          %add3A_193 = arith.constant 16 : i32
          %add3A_194 = arith.addi %mul3A_192, %add3A_193 : i32
          %swap3A_195 = arith.index_cast %add3A_194 : i32 to index
          %swap3A_196 = tpu.vector_load %arg6[%swap3A_195] {strides = array<i32>} : memref<32768xf32, #tpu.memory_space<vmem>>, vector<16xf32>,
          tpu.vector_store %arg6[%swap3A_195], %gather3A_190 {strides = array<i32>} : memref<32768xf32, #tpu.memory_space<vmem>>, vector<16xf32>,
          %mul3A_197 = arith.constant 8 : i32
          %mul3A_198 = arith.muli %scan3A_80, %mul3A_197 : i32
          %add3A_199 = arith.constant 7 : i32
          %add3A_200 = arith.addi %mul3A_198, %add3A_199 : i32
          %broadcast_in_dim3A_201 = vector.broadcast %add3A_200 : i32 to vector<16xi32>
          %gather3A_202 = tpu.vector_load_idx %arg5[%iota3A, %broadcast_in_dim3A_201] : memref<32x1024xf32, #tpu.memory_space<vmem>>[vector<16xi32>, vector<16xi32>], vector<16xf32>,
          %mul3A_203 = arith.constant 32 : i32
          %mul3A_204 = arith.muli %add3A_200, %mul3A_203 : i32
          %swap3A_205 = arith.index_cast %mul3A_204 : i32 to index
          %swap3A_206 = tpu.vector_load %arg6[%swap3A_205] {strides = array<i32>} : memref<32768xf32, #tpu.memory_space<vmem>>, vector<16xf32>,
          tpu.vector_store %arg6[%swap3A_205], %gather3A_202 {strides = array<i32>} : memref<32768xf32, #tpu.memory_space<vmem>>, vector<16xf32>,
          %gather3A_207 = tpu.vector_load_idx %arg5[%add3A_3, %broadcast_in_dim3A_201] : memref<32x1024xf32, #tpu.memory_space<vmem>>[vector<16xi32>, vector<16xi32>], vector<16xf32>,
          %mul3A_208 = arith.constant 32 : i32
          %mul3A_209 = arith.muli %add3A_200, %mul3A_208 : i32
          %add3A_210 = arith.constant 16 : i32
          %add3A_211 = arith.addi %mul3A_209, %add3A_210 : i32
          %swap3A_212 = arith.index_cast %add3A_211 : i32 to index
          %swap3A_213 = tpu.vector_load %arg6[%swap3A_212] {strides = array<i32>} : memref<32768xf32, #tpu.memory_space<vmem>>, vector<16xf32>,
          tpu.vector_store %arg6[%swap3A_212], %gather3A_207 {strides = array<i32>} : memref<32768xf32, #tpu.memory_space<vmem>>, vector<16xf32>,
        }
        %scan3A_70 = arith.constant 128 : i32
        %mul3A_71 = arith.constant 100000 : i32
        %mul3A_72 = arith.muli %select_n3A_39, %mul3A_71 : i32
        %mul3A_73 = arith.constant 8 : i32
        %mul3A_74 = arith.muli %select_n3A_54, %mul3A_73 : i32
        %mul3A_75 = arith.constant 128 : i32
        %mul3A_76 = arith.muli %mul3A_74, %mul3A_75 : i32
        %add3A_77 = arith.addi %mul3A_72, %mul3A_76 : i32
        %mul3A_78 = arith.constant 32 : i32
        %mul3A_79 = arith.muli %add3A_77, %mul3A_78 : i32
        "tpu.region"() ({
          %run_scoped3A = tpu.sem_alloc : memref<!tpu.dma_semaphore, #tpu.memory_space<semaphore_mem>>
          %dma_start3A = tpu.memref_slice %arg4[%mul3A_79] : memref<83200000xf32, #tpu.memory_space<hbm>> -> memref<32768xf32, #tpu.memory_space<hbm>>
          %dma_start3A_80 = tpu.memref_slice %arg4[%mul3A_79] : memref<83200000xf32, #tpu.memory_space<hbm>> -> memref<32768xf32, #tpu.memory_space<hbm>>
          tpu.enqueue_dma source(%arg6 : memref<32768xf32, #tpu.memory_space<vmem>>) target(%dma_start3A_80 : memref<32768xf32, #tpu.memory_space<hbm>>) target_semaphore(%run_scoped3A : memref<!tpu.dma_semaphore, #tpu.memory_space<semaphore_mem>>)
          %dma_wait3A = tpu.memref_slice %arg4[%mul3A_79] : memref<83200000xf32, #tpu.memory_space<hbm>> -> memref<32768xf32, #tpu.memory_space<hbm>>
          %dma_wait3A_81 = tpu.memref_slice %arg4[%mul3A_79] : memref<83200000xf32, #tpu.memory_space<hbm>> -> memref<32768xf32, #tpu.memory_space<hbm>>
          tpu.wait_dma2 semaphore(%run_scoped3A : memref<!tpu.dma_semaphore, #tpu.memory_space<semaphore_mem>>) src(%arg6 : memref<32768xf32, #tpu.memory_space<vmem>>) dst(%dma_wait3A_81 : memref<32768xf32, #tpu.memory_space<hbm>>)
          tpu.yield
        }) : () -> ()
      } else {
      }
      %convert_element_type3A_59 = arith.extui %eq3A_56 : i1 to i32
      %cond3A_60 = arith.constant 0 : i32
      %cond3A_61 = arith.cmpi ne, %convert_element_type3A_59, %cond3A_60 : i32
      scf.if %cond3A_61 {
        "tpu.region"() ({
          %run_scoped3A = tpu.sem_alloc : memref<!tpu.dma_semaphore, #tpu.memory_space<semaphore_mem>>
          %dma_start3A = arith.constant 0 : i32
          %dma_start3A_73 = arith.constant 0 : i32
          %dma_start3A_74 = tpu.memref_slice %arg5[%dma_start3A, %dma_start3A_73] : memref<32x1024xf32, #tpu.memory_space<vmem>> -> memref<32x640xf32, #tpu.memory_space<vmem>>
          %dma_start3A_75 = arith.constant 0 : i32
          %dma_start3A_76 = arith.constant 99328 : i32
          %dma_start3A_77 = tpu.memref_slice %arg2[%select_n3A_39, %dma_start3A_75, %dma_start3A_76] : memref<26x32x100000xf32, #tpu.memory_space<hbm>> -> memref<1x32x640xf32, #tpu.memory_space<hbm>>
          %dma_start3A_78 = tpu.memref_squeeze %dma_start3A_77 : memref<1x32x640xf32, #tpu.memory_space<hbm>> -> memref<32x640xf32, #tpu.memory_space<hbm>>
          %dma_start3A_79 = arith.constant 0 : i32
          %dma_start3A_80 = arith.constant 0 : i32
          %dma_start3A_81 = tpu.memref_slice %arg5[%dma_start3A_79, %dma_start3A_80] : memref<32x1024xf32, #tpu.memory_space<vmem>> -> memref<32x640xf32, #tpu.memory_space<vmem>>
          %dma_start3A_82 = arith.constant 0 : i32
          %dma_start3A_83 = arith.constant 99328 : i32
          %dma_start3A_84 = tpu.memref_slice %arg2[%select_n3A_39, %dma_start3A_82, %dma_start3A_83] : memref<26x32x100000xf32, #tpu.memory_space<hbm>> -> memref<1x32x640xf32, #tpu.memory_space<hbm>>
          %dma_start3A_85 = tpu.memref_squeeze %dma_start3A_84 : memref<1x32x640xf32, #tpu.memory_space<hbm>> -> memref<32x640xf32, #tpu.memory_space<hbm>>
          tpu.enqueue_dma source(%dma_start3A_85 : memref<32x640xf32, #tpu.memory_space<hbm>>) target(%dma_start3A_81 : memref<32x640xf32, #tpu.memory_space<vmem>>) target_semaphore(%run_scoped3A : memref<!tpu.dma_semaphore, #tpu.memory_space<semaphore_mem>>)
          %dma_wait3A = arith.constant 0 : i32
          %dma_wait3A_86 = arith.constant 0 : i32
          %dma_wait3A_87 = tpu.memref_slice %arg5[%dma_wait3A, %dma_wait3A_86] : memref<32x1024xf32, #tpu.memory_space<vmem>> -> memref<32x640xf32, #tpu.memory_space<vmem>>
          %dma_wait3A_88 = arith.constant 0 : i32
          %dma_wait3A_89 = arith.constant 99328 : i32
          %dma_wait3A_90 = tpu.memref_slice %arg2[%select_n3A_39, %dma_wait3A_88, %dma_wait3A_89] : memref<26x32x100000xf32, #tpu.memory_space<hbm>> -> memref<1x32x640xf32, #tpu.memory_space<hbm>>
          %dma_wait3A_91 = tpu.memref_squeeze %dma_wait3A_90 : memref<1x32x640xf32, #tpu.memory_space<hbm>> -> memref<32x640xf32, #tpu.memory_space<hbm>>
          %dma_wait3A_92 = arith.constant 0 : i32
          %dma_wait3A_93 = arith.constant 0 : i32
          %dma_wait3A_94 = tpu.memref_slice %arg5[%dma_wait3A_92, %dma_wait3A_93] : memref<32x1024xf32, #tpu.memory_space<vmem>> -> memref<32x640xf32, #tpu.memory_space<vmem>>
          %dma_wait3A_95 = arith.constant 0 : i32
          %dma_wait3A_96 = arith.constant 99328 : i32
          %dma_wait3A_97 = tpu.memref_slice %arg2[%select_n3A_39, %dma_wait3A_95, %dma_wait3A_96] : memref<26x32x100000xf32, #tpu.memory_space<hbm>> -> memref<1x32x640xf32, #tpu.memory_space<hbm>>
          %dma_wait3A_98 = tpu.memref_squeeze %dma_wait3A_97 : memref<1x32x640xf32, #tpu.memory_space<hbm>> -> memref<32x640xf32, #tpu.memory_space<hbm>>
          tpu.wait_dma2 semaphore(%run_scoped3A : memref<!tpu.dma_semaphore, #tpu.memory_space<semaphore_mem>>) src(%dma_wait3A_98 : memref<32x640xf32, #tpu.memory_space<hbm>>) dst(%dma_wait3A_94 : memref<32x640xf32, #tpu.memory_space<vmem>>)
          tpu.yield
        }) : () -> ()
        "tpu.region"() ({
          %run_scoped3A = tpu.sem_alloc : memref<!tpu.dma_semaphore, #tpu.memory_space<semaphore_mem>>
          %dma_start3A = arith.constant 0 : i32
          %dma_start3A_73 = arith.constant 640 : i32
          %dma_start3A_74 = tpu.memref_slice %arg5[%dma_start3A, %dma_start3A_73] : memref<32x1024xf32, #tpu.memory_space<vmem>> -> memref<32x128xf32, #tpu.memory_space<vmem>>
          %dma_start3A_75 = arith.constant 0 : i32
          %dma_start3A_76 = arith.constant 0 : i32
          %dma_start3A_77 = tpu.memref_slice %arg3[%select_n3A_39, %dma_start3A_75, %dma_start3A_76] : memref<26x32x128xf32, #tpu.memory_space<hbm>> -> memref<1x32x128xf32, #tpu.memory_space<hbm>>
          %dma_start3A_78 = tpu.memref_squeeze %dma_start3A_77 : memref<1x32x128xf32, #tpu.memory_space<hbm>> -> memref<32x128xf32, #tpu.memory_space<hbm>>
          %dma_start3A_79 = arith.constant 0 : i32
          %dma_start3A_80 = arith.constant 640 : i32
          %dma_start3A_81 = tpu.memref_slice %arg5[%dma_start3A_79, %dma_start3A_80] : memref<32x1024xf32, #tpu.memory_space<vmem>> -> memref<32x128xf32, #tpu.memory_space<vmem>>
          %dma_start3A_82 = arith.constant 0 : i32
          %dma_start3A_83 = arith.constant 0 : i32
          %dma_start3A_84 = tpu.memref_slice %arg3[%select_n3A_39, %dma_start3A_82, %dma_start3A_83] : memref<26x32x128xf32, #tpu.memory_space<hbm>> -> memref<1x32x128xf32, #tpu.memory_space<hbm>>
          %dma_start3A_85 = tpu.memref_squeeze %dma_start3A_84 : memref<1x32x128xf32, #tpu.memory_space<hbm>> -> memref<32x128xf32, #tpu.memory_space<hbm>>
          tpu.enqueue_dma source(%dma_start3A_85 : memref<32x128xf32, #tpu.memory_space<hbm>>) target(%dma_start3A_81 : memref<32x128xf32, #tpu.memory_space<vmem>>) target_semaphore(%run_scoped3A : memref<!tpu.dma_semaphore, #tpu.memory_space<semaphore_mem>>)
          %dma_wait3A = arith.constant 0 : i32
          %dma_wait3A_86 = arith.constant 640 : i32
          %dma_wait3A_87 = tpu.memref_slice %arg5[%dma_wait3A, %dma_wait3A_86] : memref<32x1024xf32, #tpu.memory_space<vmem>> -> memref<32x128xf32, #tpu.memory_space<vmem>>
          %dma_wait3A_88 = arith.constant 0 : i32
          %dma_wait3A_89 = arith.constant 0 : i32
          %dma_wait3A_90 = tpu.memref_slice %arg3[%select_n3A_39, %dma_wait3A_88, %dma_wait3A_89] : memref<26x32x128xf32, #tpu.memory_space<hbm>> -> memref<1x32x128xf32, #tpu.memory_space<hbm>>
          %dma_wait3A_91 = tpu.memref_squeeze %dma_wait3A_90 : memref<1x32x128xf32, #tpu.memory_space<hbm>> -> memref<32x128xf32, #tpu.memory_space<hbm>>
          %dma_wait3A_92 = arith.constant 0 : i32
          %dma_wait3A_93 = arith.constant 640 : i32
          %dma_wait3A_94 = tpu.memref_slice %arg5[%dma_wait3A_92, %dma_wait3A_93] : memref<32x1024xf32, #tpu.memory_space<vmem>> -> memref<32x128xf32, #tpu.memory_space<vmem>>
          %dma_wait3A_95 = arith.constant 0 : i32
          %dma_wait3A_96 = arith.constant 0 : i32
          %dma_wait3A_97 = tpu.memref_slice %arg3[%select_n3A_39, %dma_wait3A_95, %dma_wait3A_96] : memref<26x32x128xf32, #tpu.memory_space<hbm>> -> memref<1x32x128xf32, #tpu.memory_space<hbm>>
          %dma_wait3A_98 = tpu.memref_squeeze %dma_wait3A_97 : memref<1x32x128xf32, #tpu.memory_space<hbm>> -> memref<32x128xf32, #tpu.memory_space<hbm>>
          tpu.wait_dma2 semaphore(%run_scoped3A : memref<!tpu.dma_semaphore, #tpu.memory_space<semaphore_mem>>) src(%dma_wait3A_98 : memref<32x128xf32, #tpu.memory_space<hbm>>) dst(%dma_wait3A_94 : memref<32x128xf32, #tpu.memory_space<vmem>>)
          tpu.yield
        }) : () -> ()
        %scan3A = arith.constant 0 : i32
        %scan3A_62 = arith.constant 0 : i32
        %scan3A_63 = arith.constant 84 : i32
        %scan3A_64 = arith.addi %scan3A_62, %scan3A_63 : i32
        %scan3A_65 = arith.constant 1 : i32
        scf.for %scan3A_73 = %scan3A_62 to %scan3A_64 step %scan3A_65  : i32 {
          %mul3A_74 = arith.constant 8 : i32
          %mul3A_75 = arith.muli %scan3A_73, %mul3A_74 : i32
          %add3A_76 = arith.constant 0 : i32
          %add3A_77 = arith.addi %mul3A_75, %add3A_76 : i32
          %broadcast_in_dim3A = vector.broadcast %add3A_77 : i32 to vector<16xi32>
          %gather3A = tpu.vector_load_idx %arg5[%iota3A, %broadcast_in_dim3A] : memref<32x1024xf32, #tpu.memory_space<vmem>>[vector<16xi32>, vector<16xi32>], vector<16xf32>,
          %mul3A_78 = arith.constant 32 : i32
          %mul3A_79 = arith.muli %add3A_77, %mul3A_78 : i32
          %swap3A = arith.index_cast %mul3A_79 : i32 to index
          %swap3A_80 = tpu.vector_load %arg6[%swap3A] {strides = array<i32>} : memref<32768xf32, #tpu.memory_space<vmem>>, vector<16xf32>,
          tpu.vector_store %arg6[%swap3A], %gather3A {strides = array<i32>} : memref<32768xf32, #tpu.memory_space<vmem>>, vector<16xf32>,
          %gather3A_81 = tpu.vector_load_idx %arg5[%add3A_3, %broadcast_in_dim3A] : memref<32x1024xf32, #tpu.memory_space<vmem>>[vector<16xi32>, vector<16xi32>], vector<16xf32>,
          %mul3A_82 = arith.constant 32 : i32
          %mul3A_83 = arith.muli %add3A_77, %mul3A_82 : i32
          %add3A_84 = arith.constant 16 : i32
          %add3A_85 = arith.addi %mul3A_83, %add3A_84 : i32
          %swap3A_86 = arith.index_cast %add3A_85 : i32 to index
          %swap3A_87 = tpu.vector_load %arg6[%swap3A_86] {strides = array<i32>} : memref<32768xf32, #tpu.memory_space<vmem>>, vector<16xf32>,
          tpu.vector_store %arg6[%swap3A_86], %gather3A_81 {strides = array<i32>} : memref<32768xf32, #tpu.memory_space<vmem>>, vector<16xf32>,
          %mul3A_88 = arith.constant 8 : i32
          %mul3A_89 = arith.muli %scan3A_73, %mul3A_88 : i32
          %add3A_90 = arith.constant 1 : i32
          %add3A_91 = arith.addi %mul3A_89, %add3A_90 : i32
          %broadcast_in_dim3A_92 = vector.broadcast %add3A_91 : i32 to vector<16xi32>
          %gather3A_93 = tpu.vector_load_idx %arg5[%iota3A, %broadcast_in_dim3A_92] : memref<32x1024xf32, #tpu.memory_space<vmem>>[vector<16xi32>, vector<16xi32>], vector<16xf32>,
          %mul3A_94 = arith.constant 32 : i32
          %mul3A_95 = arith.muli %add3A_91, %mul3A_94 : i32
          %swap3A_96 = arith.index_cast %mul3A_95 : i32 to index
          %swap3A_97 = tpu.vector_load %arg6[%swap3A_96] {strides = array<i32>} : memref<32768xf32, #tpu.memory_space<vmem>>, vector<16xf32>,
          tpu.vector_store %arg6[%swap3A_96], %gather3A_93 {strides = array<i32>} : memref<32768xf32, #tpu.memory_space<vmem>>, vector<16xf32>,
          %gather3A_98 = tpu.vector_load_idx %arg5[%add3A_3, %broadcast_in_dim3A_92] : memref<32x1024xf32, #tpu.memory_space<vmem>>[vector<16xi32>, vector<16xi32>], vector<16xf32>,
          %mul3A_99 = arith.constant 32 : i32
          %mul3A_100 = arith.muli %add3A_91, %mul3A_99 : i32
          %add3A_101 = arith.constant 16 : i32
          %add3A_102 = arith.addi %mul3A_100, %add3A_101 : i32
          %swap3A_103 = arith.index_cast %add3A_102 : i32 to index
          %swap3A_104 = tpu.vector_load %arg6[%swap3A_103] {strides = array<i32>} : memref<32768xf32, #tpu.memory_space<vmem>>, vector<16xf32>,
          tpu.vector_store %arg6[%swap3A_103], %gather3A_98 {strides = array<i32>} : memref<32768xf32, #tpu.memory_space<vmem>>, vector<16xf32>,
          %mul3A_105 = arith.constant 8 : i32
          %mul3A_106 = arith.muli %scan3A_73, %mul3A_105 : i32
          %add3A_107 = arith.constant 2 : i32
          %add3A_108 = arith.addi %mul3A_106, %add3A_107 : i32
          %broadcast_in_dim3A_109 = vector.broadcast %add3A_108 : i32 to vector<16xi32>
          %gather3A_110 = tpu.vector_load_idx %arg5[%iota3A, %broadcast_in_dim3A_109] : memref<32x1024xf32, #tpu.memory_space<vmem>>[vector<16xi32>, vector<16xi32>], vector<16xf32>,
          %mul3A_111 = arith.constant 32 : i32
          %mul3A_112 = arith.muli %add3A_108, %mul3A_111 : i32
          %swap3A_113 = arith.index_cast %mul3A_112 : i32 to index
          %swap3A_114 = tpu.vector_load %arg6[%swap3A_113] {strides = array<i32>} : memref<32768xf32, #tpu.memory_space<vmem>>, vector<16xf32>,
          tpu.vector_store %arg6[%swap3A_113], %gather3A_110 {strides = array<i32>} : memref<32768xf32, #tpu.memory_space<vmem>>, vector<16xf32>,
          %gather3A_115 = tpu.vector_load_idx %arg5[%add3A_3, %broadcast_in_dim3A_109] : memref<32x1024xf32, #tpu.memory_space<vmem>>[vector<16xi32>, vector<16xi32>], vector<16xf32>,
          %mul3A_116 = arith.constant 32 : i32
          %mul3A_117 = arith.muli %add3A_108, %mul3A_116 : i32
          %add3A_118 = arith.constant 16 : i32
          %add3A_119 = arith.addi %mul3A_117, %add3A_118 : i32
          %swap3A_120 = arith.index_cast %add3A_119 : i32 to index
          %swap3A_121 = tpu.vector_load %arg6[%swap3A_120] {strides = array<i32>} : memref<32768xf32, #tpu.memory_space<vmem>>, vector<16xf32>,
          tpu.vector_store %arg6[%swap3A_120], %gather3A_115 {strides = array<i32>} : memref<32768xf32, #tpu.memory_space<vmem>>, vector<16xf32>,
          %mul3A_122 = arith.constant 8 : i32
          %mul3A_123 = arith.muli %scan3A_73, %mul3A_122 : i32
          %add3A_124 = arith.constant 3 : i32
          %add3A_125 = arith.addi %mul3A_123, %add3A_124 : i32
          %broadcast_in_dim3A_126 = vector.broadcast %add3A_125 : i32 to vector<16xi32>
          %gather3A_127 = tpu.vector_load_idx %arg5[%iota3A, %broadcast_in_dim3A_126] : memref<32x1024xf32, #tpu.memory_space<vmem>>[vector<16xi32>, vector<16xi32>], vector<16xf32>,
          %mul3A_128 = arith.constant 32 : i32
          %mul3A_129 = arith.muli %add3A_125, %mul3A_128 : i32
          %swap3A_130 = arith.index_cast %mul3A_129 : i32 to index
          %swap3A_131 = tpu.vector_load %arg6[%swap3A_130] {strides = array<i32>} : memref<32768xf32, #tpu.memory_space<vmem>>, vector<16xf32>,
          tpu.vector_store %arg6[%swap3A_130], %gather3A_127 {strides = array<i32>} : memref<32768xf32, #tpu.memory_space<vmem>>, vector<16xf32>,
          %gather3A_132 = tpu.vector_load_idx %arg5[%add3A_3, %broadcast_in_dim3A_126] : memref<32x1024xf32, #tpu.memory_space<vmem>>[vector<16xi32>, vector<16xi32>], vector<16xf32>,
          %mul3A_133 = arith.constant 32 : i32
          %mul3A_134 = arith.muli %add3A_125, %mul3A_133 : i32
          %add3A_135 = arith.constant 16 : i32
          %add3A_136 = arith.addi %mul3A_134, %add3A_135 : i32
          %swap3A_137 = arith.index_cast %add3A_136 : i32 to index
          %swap3A_138 = tpu.vector_load %arg6[%swap3A_137] {strides = array<i32>} : memref<32768xf32, #tpu.memory_space<vmem>>, vector<16xf32>,
          tpu.vector_store %arg6[%swap3A_137], %gather3A_132 {strides = array<i32>} : memref<32768xf32, #tpu.memory_space<vmem>>, vector<16xf32>,
          %mul3A_139 = arith.constant 8 : i32
          %mul3A_140 = arith.muli %scan3A_73, %mul3A_139 : i32
          %add3A_141 = arith.constant 4 : i32
          %add3A_142 = arith.addi %mul3A_140, %add3A_141 : i32
          %broadcast_in_dim3A_143 = vector.broadcast %add3A_142 : i32 to vector<16xi32>
          %gather3A_144 = tpu.vector_load_idx %arg5[%iota3A, %broadcast_in_dim3A_143] : memref<32x1024xf32, #tpu.memory_space<vmem>>[vector<16xi32>, vector<16xi32>], vector<16xf32>,
          %mul3A_145 = arith.constant 32 : i32
          %mul3A_146 = arith.muli %add3A_142, %mul3A_145 : i32
          %swap3A_147 = arith.index_cast %mul3A_146 : i32 to index
          %swap3A_148 = tpu.vector_load %arg6[%swap3A_147] {strides = array<i32>} : memref<32768xf32, #tpu.memory_space<vmem>>, vector<16xf32>,
          tpu.vector_store %arg6[%swap3A_147], %gather3A_144 {strides = array<i32>} : memref<32768xf32, #tpu.memory_space<vmem>>, vector<16xf32>,
          %gather3A_149 = tpu.vector_load_idx %arg5[%add3A_3, %broadcast_in_dim3A_143] : memref<32x1024xf32, #tpu.memory_space<vmem>>[vector<16xi32>, vector<16xi32>], vector<16xf32>,
          %mul3A_150 = arith.constant 32 : i32
          %mul3A_151 = arith.muli %add3A_142, %mul3A_150 : i32
          %add3A_152 = arith.constant 16 : i32
          %add3A_153 = arith.addi %mul3A_151, %add3A_152 : i32
          %swap3A_154 = arith.index_cast %add3A_153 : i32 to index
          %swap3A_155 = tpu.vector_load %arg6[%swap3A_154] {strides = array<i32>} : memref<32768xf32, #tpu.memory_space<vmem>>, vector<16xf32>,
          tpu.vector_store %arg6[%swap3A_154], %gather3A_149 {strides = array<i32>} : memref<32768xf32, #tpu.memory_space<vmem>>, vector<16xf32>,
          %mul3A_156 = arith.constant 8 : i32
          %mul3A_157 = arith.muli %scan3A_73, %mul3A_156 : i32
          %add3A_158 = arith.constant 5 : i32
          %add3A_159 = arith.addi %mul3A_157, %add3A_158 : i32
          %broadcast_in_dim3A_160 = vector.broadcast %add3A_159 : i32 to vector<16xi32>
          %gather3A_161 = tpu.vector_load_idx %arg5[%iota3A, %broadcast_in_dim3A_160] : memref<32x1024xf32, #tpu.memory_space<vmem>>[vector<16xi32>, vector<16xi32>], vector<16xf32>,
          %mul3A_162 = arith.constant 32 : i32
          %mul3A_163 = arith.muli %add3A_159, %mul3A_162 : i32
          %swap3A_164 = arith.index_cast %mul3A_163 : i32 to index
          %swap3A_165 = tpu.vector_load %arg6[%swap3A_164] {strides = array<i32>} : memref<32768xf32, #tpu.memory_space<vmem>>, vector<16xf32>,
          tpu.vector_store %arg6[%swap3A_164], %gather3A_161 {strides = array<i32>} : memref<32768xf32, #tpu.memory_space<vmem>>, vector<16xf32>,
          %gather3A_166 = tpu.vector_load_idx %arg5[%add3A_3, %broadcast_in_dim3A_160] : memref<32x1024xf32, #tpu.memory_space<vmem>>[vector<16xi32>, vector<16xi32>], vector<16xf32>,
          %mul3A_167 = arith.constant 32 : i32
          %mul3A_168 = arith.muli %add3A_159, %mul3A_167 : i32
          %add3A_169 = arith.constant 16 : i32
          %add3A_170 = arith.addi %mul3A_168, %add3A_169 : i32
          %swap3A_171 = arith.index_cast %add3A_170 : i32 to index
          %swap3A_172 = tpu.vector_load %arg6[%swap3A_171] {strides = array<i32>} : memref<32768xf32, #tpu.memory_space<vmem>>, vector<16xf32>,
          tpu.vector_store %arg6[%swap3A_171], %gather3A_166 {strides = array<i32>} : memref<32768xf32, #tpu.memory_space<vmem>>, vector<16xf32>,
          %mul3A_173 = arith.constant 8 : i32
          %mul3A_174 = arith.muli %scan3A_73, %mul3A_173 : i32
          %add3A_175 = arith.constant 6 : i32
          %add3A_176 = arith.addi %mul3A_174, %add3A_175 : i32
          %broadcast_in_dim3A_177 = vector.broadcast %add3A_176 : i32 to vector<16xi32>
          %gather3A_178 = tpu.vector_load_idx %arg5[%iota3A, %broadcast_in_dim3A_177] : memref<32x1024xf32, #tpu.memory_space<vmem>>[vector<16xi32>, vector<16xi32>], vector<16xf32>,
          %mul3A_179 = arith.constant 32 : i32
          %mul3A_180 = arith.muli %add3A_176, %mul3A_179 : i32
          %swap3A_181 = arith.index_cast %mul3A_180 : i32 to index
          %swap3A_182 = tpu.vector_load %arg6[%swap3A_181] {strides = array<i32>} : memref<32768xf32, #tpu.memory_space<vmem>>, vector<16xf32>,
          tpu.vector_store %arg6[%swap3A_181], %gather3A_178 {strides = array<i32>} : memref<32768xf32, #tpu.memory_space<vmem>>, vector<16xf32>,
          %gather3A_183 = tpu.vector_load_idx %arg5[%add3A_3, %broadcast_in_dim3A_177] : memref<32x1024xf32, #tpu.memory_space<vmem>>[vector<16xi32>, vector<16xi32>], vector<16xf32>,
          %mul3A_184 = arith.constant 32 : i32
          %mul3A_185 = arith.muli %add3A_176, %mul3A_184 : i32
          %add3A_186 = arith.constant 16 : i32
          %add3A_187 = arith.addi %mul3A_185, %add3A_186 : i32
          %swap3A_188 = arith.index_cast %add3A_187 : i32 to index
          %swap3A_189 = tpu.vector_load %arg6[%swap3A_188] {strides = array<i32>} : memref<32768xf32, #tpu.memory_space<vmem>>, vector<16xf32>,
          tpu.vector_store %arg6[%swap3A_188], %gather3A_183 {strides = array<i32>} : memref<32768xf32, #tpu.memory_space<vmem>>, vector<16xf32>,
          %mul3A_190 = arith.constant 8 : i32
          %mul3A_191 = arith.muli %scan3A_73, %mul3A_190 : i32
          %add3A_192 = arith.constant 7 : i32
          %add3A_193 = arith.addi %mul3A_191, %add3A_192 : i32
          %broadcast_in_dim3A_194 = vector.broadcast %add3A_193 : i32 to vector<16xi32>
          %gather3A_195 = tpu.vector_load_idx %arg5[%iota3A, %broadcast_in_dim3A_194] : memref<32x1024xf32, #tpu.memory_space<vmem>>[vector<16xi32>, vector<16xi32>], vector<16xf32>,
          %mul3A_196 = arith.constant 32 : i32
          %mul3A_197 = arith.muli %add3A_193, %mul3A_196 : i32
          %swap3A_198 = arith.index_cast %mul3A_197 : i32 to index
          %swap3A_199 = tpu.vector_load %arg6[%swap3A_198] {strides = array<i32>} : memref<32768xf32, #tpu.memory_space<vmem>>, vector<16xf32>,
          tpu.vector_store %arg6[%swap3A_198], %gather3A_195 {strides = array<i32>} : memref<32768xf32, #tpu.memory_space<vmem>>, vector<16xf32>,
          %gather3A_200 = tpu.vector_load_idx %arg5[%add3A_3, %broadcast_in_dim3A_194] : memref<32x1024xf32, #tpu.memory_space<vmem>>[vector<16xi32>, vector<16xi32>], vector<16xf32>,
          %mul3A_201 = arith.constant 32 : i32
          %mul3A_202 = arith.muli %add3A_193, %mul3A_201 : i32
          %add3A_203 = arith.constant 16 : i32
          %add3A_204 = arith.addi %mul3A_202, %add3A_203 : i32
          %swap3A_205 = arith.index_cast %add3A_204 : i32 to index
          %swap3A_206 = tpu.vector_load %arg6[%swap3A_205] {strides = array<i32>} : memref<32768xf32, #tpu.memory_space<vmem>>, vector<16xf32>,
          tpu.vector_store %arg6[%swap3A_205], %gather3A_200 {strides = array<i32>} : memref<32768xf32, #tpu.memory_space<vmem>>, vector<16xf32>,
        }
        %scan3A_66 = arith.constant 84 : i32
        %mul3A_67 = arith.constant 100000 : i32
        %mul3A_68 = arith.muli %select_n3A_39, %mul3A_67 : i32
        %add3A_69 = arith.constant 99328 : i32
        %add3A_70 = arith.addi %mul3A_68, %add3A_69 : i32
        %mul3A_71 = arith.constant 32 : i32
        %mul3A_72 = arith.muli %add3A_70, %mul3A_71 : i32
        "tpu.region"() ({
          %run_scoped3A = tpu.sem_alloc : memref<!tpu.dma_semaphore, #tpu.memory_space<semaphore_mem>>
          %dma_start3A = arith.constant 0 : i32
          %dma_start3A_73 = tpu.memref_slice %arg6[%dma_start3A] : memref<32768xf32, #tpu.memory_space<vmem>> -> memref<21504xf32, #tpu.memory_space<vmem>>
          %dma_start3A_74 = tpu.memref_slice %arg4[%mul3A_72] : memref<83200000xf32, #tpu.memory_space<hbm>> -> memref<21504xf32, #tpu.memory_space<hbm>>
          %dma_start3A_75 = tpu.memref_slice %arg4[%mul3A_72] : memref<83200000xf32, #tpu.memory_space<hbm>> -> memref<21504xf32, #tpu.memory_space<hbm>>
          %dma_start3A_76 = arith.constant 0 : i32
          %dma_start3A_77 = tpu.memref_slice %arg6[%dma_start3A_76] : memref<32768xf32, #tpu.memory_space<vmem>> -> memref<21504xf32, #tpu.memory_space<vmem>>
          tpu.enqueue_dma source(%dma_start3A_77 : memref<21504xf32, #tpu.memory_space<vmem>>) target(%dma_start3A_75 : memref<21504xf32, #tpu.memory_space<hbm>>) target_semaphore(%run_scoped3A : memref<!tpu.dma_semaphore, #tpu.memory_space<semaphore_mem>>)
          %dma_wait3A = arith.constant 0 : i32
          %dma_wait3A_78 = tpu.memref_slice %arg6[%dma_wait3A] : memref<32768xf32, #tpu.memory_space<vmem>> -> memref<21504xf32, #tpu.memory_space<vmem>>
          %dma_wait3A_79 = tpu.memref_slice %arg4[%mul3A_72] : memref<83200000xf32, #tpu.memory_space<hbm>> -> memref<21504xf32, #tpu.memory_space<hbm>>
          %dma_wait3A_80 = tpu.memref_slice %arg4[%mul3A_72] : memref<83200000xf32, #tpu.memory_space<hbm>> -> memref<21504xf32, #tpu.memory_space<hbm>>
          %dma_wait3A_81 = arith.constant 0 : i32
          %dma_wait3A_82 = tpu.memref_slice %arg6[%dma_wait3A_81] : memref<32768xf32, #tpu.memory_space<vmem>> -> memref<21504xf32, #tpu.memory_space<vmem>>
          tpu.wait_dma2 semaphore(%run_scoped3A : memref<!tpu.dma_semaphore, #tpu.memory_space<semaphore_mem>>) src(%dma_wait3A_82 : memref<21504xf32, #tpu.memory_space<vmem>>) dst(%dma_wait3A_80 : memref<21504xf32, #tpu.memory_space<hbm>>)
          tpu.yield
        }) : () -> ()
      } else {
      }
    }
    return
  }
}

#map = affine_map<(d0, d1) -> (0)>
#map1 = affine_map<(d0, d1) -> (0, 0)>
module attributes {stable_mosaic.version = 14 : i64} {
  func.func @_emb_gather(%arg0: i32, %arg1: i32, %arg2: memref<425984xi32, #tpu.memory_space<hbm>>, %arg3: memref<2600000x32xf32, #tpu.memory_space<hbm>>, %arg4: memref<425984x32xf32, #tpu.memory_space<hbm>>, %arg5: memref<13312xi32, #tpu.memory_space<vmem>>, %arg6: memref<1664x32xf32, #tpu.memory_space<vmem>>, %arg7: memref<!tpu.dma_semaphore, #tpu.memory_space<semaphore_mem>>) attributes {dimension_semantics = [#tpu.dimension_semantics<core_parallel>, #tpu.dimension_semantics<subcore_parallel>], iteration_bounds = array<i64: 2, 16>, scalar_prefetch = 0 : i64, scratch_operands = 3 : i64, tpu.core_type = #tpu.core_type<sc_vector_subcore>, window_params = [{transform_indices = #map}, {transform_indices = #map1}, {transform_indices = #map1}]} {
    %mul3A = arith.constant 2 : i32
    %mul3A_0 = arith.muli %arg1, %mul3A : i32
    %add3A = arith.addi %mul3A_0, %arg0 : i32
    %mul3A_1 = arith.constant 13312 : i32
    %mul3A_2 = arith.muli %add3A, %mul3A_1 : i32
    "tpu.region"() ({
      %run_scoped3A = tpu.sem_alloc : memref<!tpu.dma_semaphore, #tpu.memory_space<semaphore_mem>>
      %dma_start3A_97 = tpu.memref_slice %arg2[%mul3A_2] : memref<425984xi32, #tpu.memory_space<hbm>> -> memref<13312xi32, #tpu.memory_space<hbm>>
      %dma_start3A_98 = tpu.memref_slice %arg2[%mul3A_2] : memref<425984xi32, #tpu.memory_space<hbm>> -> memref<13312xi32, #tpu.memory_space<hbm>>
      tpu.enqueue_dma source(%dma_start3A_98 : memref<13312xi32, #tpu.memory_space<hbm>>) target(%arg5 : memref<13312xi32, #tpu.memory_space<vmem>>) target_semaphore(%run_scoped3A : memref<!tpu.dma_semaphore, #tpu.memory_space<semaphore_mem>>)
      %dma_wait3A_99 = tpu.memref_slice %arg2[%mul3A_2] : memref<425984xi32, #tpu.memory_space<hbm>> -> memref<13312xi32, #tpu.memory_space<hbm>>
      %dma_wait3A_100 = tpu.memref_slice %arg2[%mul3A_2] : memref<425984xi32, #tpu.memory_space<hbm>> -> memref<13312xi32, #tpu.memory_space<hbm>>
      tpu.wait_dma2 semaphore(%run_scoped3A : memref<!tpu.dma_semaphore, #tpu.memory_space<semaphore_mem>>) src(%dma_wait3A_100 : memref<13312xi32, #tpu.memory_space<hbm>>) dst(%arg5 : memref<13312xi32, #tpu.memory_space<vmem>>)
      tpu.yield
    }) : () -> ()
    %dma_start3A = arith.constant 0 : i32
    %dma_start3A_3 = tpu.memref_slice %arg5[%dma_start3A] : memref<13312xi32, #tpu.memory_space<vmem>> -> memref<1664xi32, #tpu.memory_space<vmem>>
    %dma_start3A_4 = arith.constant 0 : i32
    %dma_start3A_5 = arith.constant 0 : i32
    %dma_start3A_6 = tpu.memref_slice %arg3[%dma_start3A_4, %dma_start3A_5] : memref<2600000x32xf32, #tpu.memory_space<hbm>> -> memref<2600000x32xf32, #tpu.memory_space<hbm>>
    tpu.enqueue_indirect_dma source(%dma_start3A_6 : memref<2600000x32xf32, #tpu.memory_space<hbm>>) target(%arg6 : memref<1664x32xf32, #tpu.memory_space<vmem>>) offsets(%dma_start3A_3 : memref<1664xi32, #tpu.memory_space<vmem>>) semaphore(%arg7 : memref<!tpu.dma_semaphore, #tpu.memory_space<semaphore_mem>>)
    %dma_wait3A = arith.constant 0 : i32
    %dma_wait3A_7 = tpu.memref_slice %arg5[%dma_wait3A] : memref<13312xi32, #tpu.memory_space<vmem>> -> memref<1664xi32, #tpu.memory_space<vmem>>
    %dma_wait3A_8 = arith.constant 0 : i32
    %dma_wait3A_9 = arith.constant 0 : i32
    %dma_wait3A_10 = tpu.memref_slice %arg3[%dma_wait3A_8, %dma_wait3A_9] : memref<2600000x32xf32, #tpu.memory_space<hbm>> -> memref<2600000x32xf32, #tpu.memory_space<hbm>>
    tpu.wait_indirect_dma semaphore(%arg7 : memref<!tpu.dma_semaphore, #tpu.memory_space<semaphore_mem>>) src(%dma_wait3A_10 : memref<2600000x32xf32, #tpu.memory_space<hbm>>) dst(%arg6 : memref<1664x32xf32, #tpu.memory_space<vmem>>)
    %add3A_11 = arith.constant 0 : i32
    %add3A_12 = arith.addi %mul3A_2, %add3A_11 : i32
    "tpu.region"() ({
      %run_scoped3A = tpu.sem_alloc : memref<!tpu.dma_semaphore, #tpu.memory_space<semaphore_mem>>
      %dma_start3A_97 = arith.constant 0 : i32
      %dma_start3A_98 = tpu.memref_slice %arg4[%add3A_12, %dma_start3A_97] : memref<425984x32xf32, #tpu.memory_space<hbm>> -> memref<1664x32xf32, #tpu.memory_space<hbm>>
      %dma_start3A_99 = arith.constant 0 : i32
      %dma_start3A_100 = tpu.memref_slice %arg4[%add3A_12, %dma_start3A_99] : memref<425984x32xf32, #tpu.memory_space<hbm>> -> memref<1664x32xf32, #tpu.memory_space<hbm>>
      tpu.enqueue_dma source(%arg6 : memref<1664x32xf32, #tpu.memory_space<vmem>>) target(%dma_start3A_100 : memref<1664x32xf32, #tpu.memory_space<hbm>>) target_semaphore(%run_scoped3A : memref<!tpu.dma_semaphore, #tpu.memory_space<semaphore_mem>>)
      %dma_wait3A_101 = arith.constant 0 : i32
      %dma_wait3A_102 = tpu.memref_slice %arg4[%add3A_12, %dma_wait3A_101] : memref<425984x32xf32, #tpu.memory_space<hbm>> -> memref<1664x32xf32, #tpu.memory_space<hbm>>
      %dma_wait3A_103 = arith.constant 0 : i32
      %dma_wait3A_104 = tpu.memref_slice %arg4[%add3A_12, %dma_wait3A_103] : memref<425984x32xf32, #tpu.memory_space<hbm>> -> memref<1664x32xf32, #tpu.memory_space<hbm>>
      tpu.wait_dma2 semaphore(%run_scoped3A : memref<!tpu.dma_semaphore, #tpu.memory_space<semaphore_mem>>) src(%arg6 : memref<1664x32xf32, #tpu.memory_space<vmem>>) dst(%dma_wait3A_104 : memref<1664x32xf32, #tpu.memory_space<hbm>>)
      tpu.yield
    }) : () -> ()
    %dma_start3A_13 = arith.constant 1664 : i32
    %dma_start3A_14 = tpu.memref_slice %arg5[%dma_start3A_13] : memref<13312xi32, #tpu.memory_space<vmem>> -> memref<1664xi32, #tpu.memory_space<vmem>>
    %dma_start3A_15 = arith.constant 0 : i32
    %dma_start3A_16 = arith.constant 0 : i32
    %dma_start3A_17 = tpu.memref_slice %arg3[%dma_start3A_15, %dma_start3A_16] : memref<2600000x32xf32, #tpu.memory_space<hbm>> -> memref<2600000x32xf32, #tpu.memory_space<hbm>>
    tpu.enqueue_indirect_dma source(%dma_start3A_17 : memref<2600000x32xf32, #tpu.memory_space<hbm>>) target(%arg6 : memref<1664x32xf32, #tpu.memory_space<vmem>>) offsets(%dma_start3A_14 : memref<1664xi32, #tpu.memory_space<vmem>>) semaphore(%arg7 : memref<!tpu.dma_semaphore, #tpu.memory_space<semaphore_mem>>)
    %dma_wait3A_18 = arith.constant 1664 : i32
    %dma_wait3A_19 = tpu.memref_slice %arg5[%dma_wait3A_18] : memref<13312xi32, #tpu.memory_space<vmem>> -> memref<1664xi32, #tpu.memory_space<vmem>>
    %dma_wait3A_20 = arith.constant 0 : i32
    %dma_wait3A_21 = arith.constant 0 : i32
    %dma_wait3A_22 = tpu.memref_slice %arg3[%dma_wait3A_20, %dma_wait3A_21] : memref<2600000x32xf32, #tpu.memory_space<hbm>> -> memref<2600000x32xf32, #tpu.memory_space<hbm>>
    tpu.wait_indirect_dma semaphore(%arg7 : memref<!tpu.dma_semaphore, #tpu.memory_space<semaphore_mem>>) src(%dma_wait3A_22 : memref<2600000x32xf32, #tpu.memory_space<hbm>>) dst(%arg6 : memref<1664x32xf32, #tpu.memory_space<vmem>>)
    %add3A_23 = arith.constant 1664 : i32
    %add3A_24 = arith.addi %mul3A_2, %add3A_23 : i32
    "tpu.region"() ({
      %run_scoped3A = tpu.sem_alloc : memref<!tpu.dma_semaphore, #tpu.memory_space<semaphore_mem>>
      %dma_start3A_97 = arith.constant 0 : i32
      %dma_start3A_98 = tpu.memref_slice %arg4[%add3A_24, %dma_start3A_97] : memref<425984x32xf32, #tpu.memory_space<hbm>> -> memref<1664x32xf32, #tpu.memory_space<hbm>>
      %dma_start3A_99 = arith.constant 0 : i32
      %dma_start3A_100 = tpu.memref_slice %arg4[%add3A_24, %dma_start3A_99] : memref<425984x32xf32, #tpu.memory_space<hbm>> -> memref<1664x32xf32, #tpu.memory_space<hbm>>
      tpu.enqueue_dma source(%arg6 : memref<1664x32xf32, #tpu.memory_space<vmem>>) target(%dma_start3A_100 : memref<1664x32xf32, #tpu.memory_space<hbm>>) target_semaphore(%run_scoped3A : memref<!tpu.dma_semaphore, #tpu.memory_space<semaphore_mem>>)
      %dma_wait3A_101 = arith.constant 0 : i32
      %dma_wait3A_102 = tpu.memref_slice %arg4[%add3A_24, %dma_wait3A_101] : memref<425984x32xf32, #tpu.memory_space<hbm>> -> memref<1664x32xf32, #tpu.memory_space<hbm>>
      %dma_wait3A_103 = arith.constant 0 : i32
      %dma_wait3A_104 = tpu.memref_slice %arg4[%add3A_24, %dma_wait3A_103] : memref<425984x32xf32, #tpu.memory_space<hbm>> -> memref<1664x32xf32, #tpu.memory_space<hbm>>
      tpu.wait_dma2 semaphore(%run_scoped3A : memref<!tpu.dma_semaphore, #tpu.memory_space<semaphore_mem>>) src(%arg6 : memref<1664x32xf32, #tpu.memory_space<vmem>>) dst(%dma_wait3A_104 : memref<1664x32xf32, #tpu.memory_space<hbm>>)
      tpu.yield
    }) : () -> ()
    %dma_start3A_25 = arith.constant 3328 : i32
    %dma_start3A_26 = tpu.memref_slice %arg5[%dma_start3A_25] : memref<13312xi32, #tpu.memory_space<vmem>> -> memref<1664xi32, #tpu.memory_space<vmem>>
    %dma_start3A_27 = arith.constant 0 : i32
    %dma_start3A_28 = arith.constant 0 : i32
    %dma_start3A_29 = tpu.memref_slice %arg3[%dma_start3A_27, %dma_start3A_28] : memref<2600000x32xf32, #tpu.memory_space<hbm>> -> memref<2600000x32xf32, #tpu.memory_space<hbm>>
    tpu.enqueue_indirect_dma source(%dma_start3A_29 : memref<2600000x32xf32, #tpu.memory_space<hbm>>) target(%arg6 : memref<1664x32xf32, #tpu.memory_space<vmem>>) offsets(%dma_start3A_26 : memref<1664xi32, #tpu.memory_space<vmem>>) semaphore(%arg7 : memref<!tpu.dma_semaphore, #tpu.memory_space<semaphore_mem>>)
    %dma_wait3A_30 = arith.constant 3328 : i32
    %dma_wait3A_31 = tpu.memref_slice %arg5[%dma_wait3A_30] : memref<13312xi32, #tpu.memory_space<vmem>> -> memref<1664xi32, #tpu.memory_space<vmem>>
    %dma_wait3A_32 = arith.constant 0 : i32
    %dma_wait3A_33 = arith.constant 0 : i32
    %dma_wait3A_34 = tpu.memref_slice %arg3[%dma_wait3A_32, %dma_wait3A_33] : memref<2600000x32xf32, #tpu.memory_space<hbm>> -> memref<2600000x32xf32, #tpu.memory_space<hbm>>
    tpu.wait_indirect_dma semaphore(%arg7 : memref<!tpu.dma_semaphore, #tpu.memory_space<semaphore_mem>>) src(%dma_wait3A_34 : memref<2600000x32xf32, #tpu.memory_space<hbm>>) dst(%arg6 : memref<1664x32xf32, #tpu.memory_space<vmem>>)
    %add3A_35 = arith.constant 3328 : i32
    %add3A_36 = arith.addi %mul3A_2, %add3A_35 : i32
    "tpu.region"() ({
      %run_scoped3A = tpu.sem_alloc : memref<!tpu.dma_semaphore, #tpu.memory_space<semaphore_mem>>
      %dma_start3A_97 = arith.constant 0 : i32
      %dma_start3A_98 = tpu.memref_slice %arg4[%add3A_36, %dma_start3A_97] : memref<425984x32xf32, #tpu.memory_space<hbm>> -> memref<1664x32xf32, #tpu.memory_space<hbm>>
      %dma_start3A_99 = arith.constant 0 : i32
      %dma_start3A_100 = tpu.memref_slice %arg4[%add3A_36, %dma_start3A_99] : memref<425984x32xf32, #tpu.memory_space<hbm>> -> memref<1664x32xf32, #tpu.memory_space<hbm>>
      tpu.enqueue_dma source(%arg6 : memref<1664x32xf32, #tpu.memory_space<vmem>>) target(%dma_start3A_100 : memref<1664x32xf32, #tpu.memory_space<hbm>>) target_semaphore(%run_scoped3A : memref<!tpu.dma_semaphore, #tpu.memory_space<semaphore_mem>>)
      %dma_wait3A_101 = arith.constant 0 : i32
      %dma_wait3A_102 = tpu.memref_slice %arg4[%add3A_36, %dma_wait3A_101] : memref<425984x32xf32, #tpu.memory_space<hbm>> -> memref<1664x32xf32, #tpu.memory_space<hbm>>
      %dma_wait3A_103 = arith.constant 0 : i32
      %dma_wait3A_104 = tpu.memref_slice %arg4[%add3A_36, %dma_wait3A_103] : memref<425984x32xf32, #tpu.memory_space<hbm>> -> memref<1664x32xf32, #tpu.memory_space<hbm>>
      tpu.wait_dma2 semaphore(%run_scoped3A : memref<!tpu.dma_semaphore, #tpu.memory_space<semaphore_mem>>) src(%arg6 : memref<1664x32xf32, #tpu.memory_space<vmem>>) dst(%dma_wait3A_104 : memref<1664x32xf32, #tpu.memory_space<hbm>>)
      tpu.yield
    }) : () -> ()
    %dma_start3A_37 = arith.constant 4992 : i32
    %dma_start3A_38 = tpu.memref_slice %arg5[%dma_start3A_37] : memref<13312xi32, #tpu.memory_space<vmem>> -> memref<1664xi32, #tpu.memory_space<vmem>>
    %dma_start3A_39 = arith.constant 0 : i32
    %dma_start3A_40 = arith.constant 0 : i32
    %dma_start3A_41 = tpu.memref_slice %arg3[%dma_start3A_39, %dma_start3A_40] : memref<2600000x32xf32, #tpu.memory_space<hbm>> -> memref<2600000x32xf32, #tpu.memory_space<hbm>>
    tpu.enqueue_indirect_dma source(%dma_start3A_41 : memref<2600000x32xf32, #tpu.memory_space<hbm>>) target(%arg6 : memref<1664x32xf32, #tpu.memory_space<vmem>>) offsets(%dma_start3A_38 : memref<1664xi32, #tpu.memory_space<vmem>>) semaphore(%arg7 : memref<!tpu.dma_semaphore, #tpu.memory_space<semaphore_mem>>)
    %dma_wait3A_42 = arith.constant 4992 : i32
    %dma_wait3A_43 = tpu.memref_slice %arg5[%dma_wait3A_42] : memref<13312xi32, #tpu.memory_space<vmem>> -> memref<1664xi32, #tpu.memory_space<vmem>>
    %dma_wait3A_44 = arith.constant 0 : i32
    %dma_wait3A_45 = arith.constant 0 : i32
    %dma_wait3A_46 = tpu.memref_slice %arg3[%dma_wait3A_44, %dma_wait3A_45] : memref<2600000x32xf32, #tpu.memory_space<hbm>> -> memref<2600000x32xf32, #tpu.memory_space<hbm>>
    tpu.wait_indirect_dma semaphore(%arg7 : memref<!tpu.dma_semaphore, #tpu.memory_space<semaphore_mem>>) src(%dma_wait3A_46 : memref<2600000x32xf32, #tpu.memory_space<hbm>>) dst(%arg6 : memref<1664x32xf32, #tpu.memory_space<vmem>>)
    %add3A_47 = arith.constant 4992 : i32
    %add3A_48 = arith.addi %mul3A_2, %add3A_47 : i32
    "tpu.region"() ({
      %run_scoped3A = tpu.sem_alloc : memref<!tpu.dma_semaphore, #tpu.memory_space<semaphore_mem>>
      %dma_start3A_97 = arith.constant 0 : i32
      %dma_start3A_98 = tpu.memref_slice %arg4[%add3A_48, %dma_start3A_97] : memref<425984x32xf32, #tpu.memory_space<hbm>> -> memref<1664x32xf32, #tpu.memory_space<hbm>>
      %dma_start3A_99 = arith.constant 0 : i32
      %dma_start3A_100 = tpu.memref_slice %arg4[%add3A_48, %dma_start3A_99] : memref<425984x32xf32, #tpu.memory_space<hbm>> -> memref<1664x32xf32, #tpu.memory_space<hbm>>
      tpu.enqueue_dma source(%arg6 : memref<1664x32xf32, #tpu.memory_space<vmem>>) target(%dma_start3A_100 : memref<1664x32xf32, #tpu.memory_space<hbm>>) target_semaphore(%run_scoped3A : memref<!tpu.dma_semaphore, #tpu.memory_space<semaphore_mem>>)
      %dma_wait3A_101 = arith.constant 0 : i32
      %dma_wait3A_102 = tpu.memref_slice %arg4[%add3A_48, %dma_wait3A_101] : memref<425984x32xf32, #tpu.memory_space<hbm>> -> memref<1664x32xf32, #tpu.memory_space<hbm>>
      %dma_wait3A_103 = arith.constant 0 : i32
      %dma_wait3A_104 = tpu.memref_slice %arg4[%add3A_48, %dma_wait3A_103] : memref<425984x32xf32, #tpu.memory_space<hbm>> -> memref<1664x32xf32, #tpu.memory_space<hbm>>
      tpu.wait_dma2 semaphore(%run_scoped3A : memref<!tpu.dma_semaphore, #tpu.memory_space<semaphore_mem>>) src(%arg6 : memref<1664x32xf32, #tpu.memory_space<vmem>>) dst(%dma_wait3A_104 : memref<1664x32xf32, #tpu.memory_space<hbm>>)
      tpu.yield
    }) : () -> ()
    %dma_start3A_49 = arith.constant 6656 : i32
    %dma_start3A_50 = tpu.memref_slice %arg5[%dma_start3A_49] : memref<13312xi32, #tpu.memory_space<vmem>> -> memref<1664xi32, #tpu.memory_space<vmem>>
    %dma_start3A_51 = arith.constant 0 : i32
    %dma_start3A_52 = arith.constant 0 : i32
    %dma_start3A_53 = tpu.memref_slice %arg3[%dma_start3A_51, %dma_start3A_52] : memref<2600000x32xf32, #tpu.memory_space<hbm>> -> memref<2600000x32xf32, #tpu.memory_space<hbm>>
    tpu.enqueue_indirect_dma source(%dma_start3A_53 : memref<2600000x32xf32, #tpu.memory_space<hbm>>) target(%arg6 : memref<1664x32xf32, #tpu.memory_space<vmem>>) offsets(%dma_start3A_50 : memref<1664xi32, #tpu.memory_space<vmem>>) semaphore(%arg7 : memref<!tpu.dma_semaphore, #tpu.memory_space<semaphore_mem>>)
    %dma_wait3A_54 = arith.constant 6656 : i32
    %dma_wait3A_55 = tpu.memref_slice %arg5[%dma_wait3A_54] : memref<13312xi32, #tpu.memory_space<vmem>> -> memref<1664xi32, #tpu.memory_space<vmem>>
    %dma_wait3A_56 = arith.constant 0 : i32
    %dma_wait3A_57 = arith.constant 0 : i32
    %dma_wait3A_58 = tpu.memref_slice %arg3[%dma_wait3A_56, %dma_wait3A_57] : memref<2600000x32xf32, #tpu.memory_space<hbm>> -> memref<2600000x32xf32, #tpu.memory_space<hbm>>
    tpu.wait_indirect_dma semaphore(%arg7 : memref<!tpu.dma_semaphore, #tpu.memory_space<semaphore_mem>>) src(%dma_wait3A_58 : memref<2600000x32xf32, #tpu.memory_space<hbm>>) dst(%arg6 : memref<1664x32xf32, #tpu.memory_space<vmem>>)
    %add3A_59 = arith.constant 6656 : i32
    %add3A_60 = arith.addi %mul3A_2, %add3A_59 : i32
    "tpu.region"() ({
      %run_scoped3A = tpu.sem_alloc : memref<!tpu.dma_semaphore, #tpu.memory_space<semaphore_mem>>
      %dma_start3A_97 = arith.constant 0 : i32
      %dma_start3A_98 = tpu.memref_slice %arg4[%add3A_60, %dma_start3A_97] : memref<425984x32xf32, #tpu.memory_space<hbm>> -> memref<1664x32xf32, #tpu.memory_space<hbm>>
      %dma_start3A_99 = arith.constant 0 : i32
      %dma_start3A_100 = tpu.memref_slice %arg4[%add3A_60, %dma_start3A_99] : memref<425984x32xf32, #tpu.memory_space<hbm>> -> memref<1664x32xf32, #tpu.memory_space<hbm>>
      tpu.enqueue_dma source(%arg6 : memref<1664x32xf32, #tpu.memory_space<vmem>>) target(%dma_start3A_100 : memref<1664x32xf32, #tpu.memory_space<hbm>>) target_semaphore(%run_scoped3A : memref<!tpu.dma_semaphore, #tpu.memory_space<semaphore_mem>>)
      %dma_wait3A_101 = arith.constant 0 : i32
      %dma_wait3A_102 = tpu.memref_slice %arg4[%add3A_60, %dma_wait3A_101] : memref<425984x32xf32, #tpu.memory_space<hbm>> -> memref<1664x32xf32, #tpu.memory_space<hbm>>
      %dma_wait3A_103 = arith.constant 0 : i32
      %dma_wait3A_104 = tpu.memref_slice %arg4[%add3A_60, %dma_wait3A_103] : memref<425984x32xf32, #tpu.memory_space<hbm>> -> memref<1664x32xf32, #tpu.memory_space<hbm>>
      tpu.wait_dma2 semaphore(%run_scoped3A : memref<!tpu.dma_semaphore, #tpu.memory_space<semaphore_mem>>) src(%arg6 : memref<1664x32xf32, #tpu.memory_space<vmem>>) dst(%dma_wait3A_104 : memref<1664x32xf32, #tpu.memory_space<hbm>>)
      tpu.yield
    }) : () -> ()
    %dma_start3A_61 = arith.constant 8320 : i32
    %dma_start3A_62 = tpu.memref_slice %arg5[%dma_start3A_61] : memref<13312xi32, #tpu.memory_space<vmem>> -> memref<1664xi32, #tpu.memory_space<vmem>>
    %dma_start3A_63 = arith.constant 0 : i32
    %dma_start3A_64 = arith.constant 0 : i32
    %dma_start3A_65 = tpu.memref_slice %arg3[%dma_start3A_63, %dma_start3A_64] : memref<2600000x32xf32, #tpu.memory_space<hbm>> -> memref<2600000x32xf32, #tpu.memory_space<hbm>>
    tpu.enqueue_indirect_dma source(%dma_start3A_65 : memref<2600000x32xf32, #tpu.memory_space<hbm>>) target(%arg6 : memref<1664x32xf32, #tpu.memory_space<vmem>>) offsets(%dma_start3A_62 : memref<1664xi32, #tpu.memory_space<vmem>>) semaphore(%arg7 : memref<!tpu.dma_semaphore, #tpu.memory_space<semaphore_mem>>)
    %dma_wait3A_66 = arith.constant 8320 : i32
    %dma_wait3A_67 = tpu.memref_slice %arg5[%dma_wait3A_66] : memref<13312xi32, #tpu.memory_space<vmem>> -> memref<1664xi32, #tpu.memory_space<vmem>>
    %dma_wait3A_68 = arith.constant 0 : i32
    %dma_wait3A_69 = arith.constant 0 : i32
    %dma_wait3A_70 = tpu.memref_slice %arg3[%dma_wait3A_68, %dma_wait3A_69] : memref<2600000x32xf32, #tpu.memory_space<hbm>> -> memref<2600000x32xf32, #tpu.memory_space<hbm>>
    tpu.wait_indirect_dma semaphore(%arg7 : memref<!tpu.dma_semaphore, #tpu.memory_space<semaphore_mem>>) src(%dma_wait3A_70 : memref<2600000x32xf32, #tpu.memory_space<hbm>>) dst(%arg6 : memref<1664x32xf32, #tpu.memory_space<vmem>>)
    %add3A_71 = arith.constant 8320 : i32
    %add3A_72 = arith.addi %mul3A_2, %add3A_71 : i32
    "tpu.region"() ({
      %run_scoped3A = tpu.sem_alloc : memref<!tpu.dma_semaphore, #tpu.memory_space<semaphore_mem>>
      %dma_start3A_97 = arith.constant 0 : i32
      %dma_start3A_98 = tpu.memref_slice %arg4[%add3A_72, %dma_start3A_97] : memref<425984x32xf32, #tpu.memory_space<hbm>> -> memref<1664x32xf32, #tpu.memory_space<hbm>>
      %dma_start3A_99 = arith.constant 0 : i32
      %dma_start3A_100 = tpu.memref_slice %arg4[%add3A_72, %dma_start3A_99] : memref<425984x32xf32, #tpu.memory_space<hbm>> -> memref<1664x32xf32, #tpu.memory_space<hbm>>
      tpu.enqueue_dma source(%arg6 : memref<1664x32xf32, #tpu.memory_space<vmem>>) target(%dma_start3A_100 : memref<1664x32xf32, #tpu.memory_space<hbm>>) target_semaphore(%run_scoped3A : memref<!tpu.dma_semaphore, #tpu.memory_space<semaphore_mem>>)
      %dma_wait3A_101 = arith.constant 0 : i32
      %dma_wait3A_102 = tpu.memref_slice %arg4[%add3A_72, %dma_wait3A_101] : memref<425984x32xf32, #tpu.memory_space<hbm>> -> memref<1664x32xf32, #tpu.memory_space<hbm>>
      %dma_wait3A_103 = arith.constant 0 : i32
      %dma_wait3A_104 = tpu.memref_slice %arg4[%add3A_72, %dma_wait3A_103] : memref<425984x32xf32, #tpu.memory_space<hbm>> -> memref<1664x32xf32, #tpu.memory_space<hbm>>
      tpu.wait_dma2 semaphore(%run_scoped3A : memref<!tpu.dma_semaphore, #tpu.memory_space<semaphore_mem>>) src(%arg6 : memref<1664x32xf32, #tpu.memory_space<vmem>>) dst(%dma_wait3A_104 : memref<1664x32xf32, #tpu.memory_space<hbm>>)
      tpu.yield
    }) : () -> ()
    %dma_start3A_73 = arith.constant 9984 : i32
    %dma_start3A_74 = tpu.memref_slice %arg5[%dma_start3A_73] : memref<13312xi32, #tpu.memory_space<vmem>> -> memref<1664xi32, #tpu.memory_space<vmem>>
    %dma_start3A_75 = arith.constant 0 : i32
    %dma_start3A_76 = arith.constant 0 : i32
    %dma_start3A_77 = tpu.memref_slice %arg3[%dma_start3A_75, %dma_start3A_76] : memref<2600000x32xf32, #tpu.memory_space<hbm>> -> memref<2600000x32xf32, #tpu.memory_space<hbm>>
    tpu.enqueue_indirect_dma source(%dma_start3A_77 : memref<2600000x32xf32, #tpu.memory_space<hbm>>) target(%arg6 : memref<1664x32xf32, #tpu.memory_space<vmem>>) offsets(%dma_start3A_74 : memref<1664xi32, #tpu.memory_space<vmem>>) semaphore(%arg7 : memref<!tpu.dma_semaphore, #tpu.memory_space<semaphore_mem>>)
    %dma_wait3A_78 = arith.constant 9984 : i32
    %dma_wait3A_79 = tpu.memref_slice %arg5[%dma_wait3A_78] : memref<13312xi32, #tpu.memory_space<vmem>> -> memref<1664xi32, #tpu.memory_space<vmem>>
    %dma_wait3A_80 = arith.constant 0 : i32
    %dma_wait3A_81 = arith.constant 0 : i32
    %dma_wait3A_82 = tpu.memref_slice %arg3[%dma_wait3A_80, %dma_wait3A_81] : memref<2600000x32xf32, #tpu.memory_space<hbm>> -> memref<2600000x32xf32, #tpu.memory_space<hbm>>
    tpu.wait_indirect_dma semaphore(%arg7 : memref<!tpu.dma_semaphore, #tpu.memory_space<semaphore_mem>>) src(%dma_wait3A_82 : memref<2600000x32xf32, #tpu.memory_space<hbm>>) dst(%arg6 : memref<1664x32xf32, #tpu.memory_space<vmem>>)
    %add3A_83 = arith.constant 9984 : i32
    %add3A_84 = arith.addi %mul3A_2, %add3A_83 : i32
    "tpu.region"() ({
      %run_scoped3A = tpu.sem_alloc : memref<!tpu.dma_semaphore, #tpu.memory_space<semaphore_mem>>
      %dma_start3A_97 = arith.constant 0 : i32
      %dma_start3A_98 = tpu.memref_slice %arg4[%add3A_84, %dma_start3A_97] : memref<425984x32xf32, #tpu.memory_space<hbm>> -> memref<1664x32xf32, #tpu.memory_space<hbm>>
      %dma_start3A_99 = arith.constant 0 : i32
      %dma_start3A_100 = tpu.memref_slice %arg4[%add3A_84, %dma_start3A_99] : memref<425984x32xf32, #tpu.memory_space<hbm>> -> memref<1664x32xf32, #tpu.memory_space<hbm>>
      tpu.enqueue_dma source(%arg6 : memref<1664x32xf32, #tpu.memory_space<vmem>>) target(%dma_start3A_100 : memref<1664x32xf32, #tpu.memory_space<hbm>>) target_semaphore(%run_scoped3A : memref<!tpu.dma_semaphore, #tpu.memory_space<semaphore_mem>>)
      %dma_wait3A_101 = arith.constant 0 : i32
      %dma_wait3A_102 = tpu.memref_slice %arg4[%add3A_84, %dma_wait3A_101] : memref<425984x32xf32, #tpu.memory_space<hbm>> -> memref<1664x32xf32, #tpu.memory_space<hbm>>
      %dma_wait3A_103 = arith.constant 0 : i32
      %dma_wait3A_104 = tpu.memref_slice %arg4[%add3A_84, %dma_wait3A_103] : memref<425984x32xf32, #tpu.memory_space<hbm>> -> memref<1664x32xf32, #tpu.memory_space<hbm>>
      tpu.wait_dma2 semaphore(%run_scoped3A : memref<!tpu.dma_semaphore, #tpu.memory_space<semaphore_mem>>) src(%arg6 : memref<1664x32xf32, #tpu.memory_space<vmem>>) dst(%dma_wait3A_104 : memref<1664x32xf32, #tpu.memory_space<hbm>>)
      tpu.yield
    }) : () -> ()
    %dma_start3A_85 = arith.constant 11648 : i32
    %dma_start3A_86 = tpu.memref_slice %arg5[%dma_start3A_85] : memref<13312xi32, #tpu.memory_space<vmem>> -> memref<1664xi32, #tpu.memory_space<vmem>>
    %dma_start3A_87 = arith.constant 0 : i32
    %dma_start3A_88 = arith.constant 0 : i32
    %dma_start3A_89 = tpu.memref_slice %arg3[%dma_start3A_87, %dma_start3A_88] : memref<2600000x32xf32, #tpu.memory_space<hbm>> -> memref<2600000x32xf32, #tpu.memory_space<hbm>>
    tpu.enqueue_indirect_dma source(%dma_start3A_89 : memref<2600000x32xf32, #tpu.memory_space<hbm>>) target(%arg6 : memref<1664x32xf32, #tpu.memory_space<vmem>>) offsets(%dma_start3A_86 : memref<1664xi32, #tpu.memory_space<vmem>>) semaphore(%arg7 : memref<!tpu.dma_semaphore, #tpu.memory_space<semaphore_mem>>)
    %dma_wait3A_90 = arith.constant 11648 : i32
    %dma_wait3A_91 = tpu.memref_slice %arg5[%dma_wait3A_90] : memref<13312xi32, #tpu.memory_space<vmem>> -> memref<1664xi32, #tpu.memory_space<vmem>>
    %dma_wait3A_92 = arith.constant 0 : i32
    %dma_wait3A_93 = arith.constant 0 : i32
    %dma_wait3A_94 = tpu.memref_slice %arg3[%dma_wait3A_92, %dma_wait3A_93] : memref<2600000x32xf32, #tpu.memory_space<hbm>> -> memref<2600000x32xf32, #tpu.memory_space<hbm>>
    tpu.wait_indirect_dma semaphore(%arg7 : memref<!tpu.dma_semaphore, #tpu.memory_space<semaphore_mem>>) src(%dma_wait3A_94 : memref<2600000x32xf32, #tpu.memory_space<hbm>>) dst(%arg6 : memref<1664x32xf32, #tpu.memory_space<vmem>>)
    %add3A_95 = arith.constant 11648 : i32
    %add3A_96 = arith.addi %mul3A_2, %add3A_95 : i32
    "tpu.region"() ({
      %run_scoped3A = tpu.sem_alloc : memref<!tpu.dma_semaphore, #tpu.memory_space<semaphore_mem>>
      %dma_start3A_97 = arith.constant 0 : i32
      %dma_start3A_98 = tpu.memref_slice %arg4[%add3A_96, %dma_start3A_97] : memref<425984x32xf32, #tpu.memory_space<hbm>> -> memref<1664x32xf32, #tpu.memory_space<hbm>>
      %dma_start3A_99 = arith.constant 0 : i32
      %dma_start3A_100 = tpu.memref_slice %arg4[%add3A_96, %dma_start3A_99] : memref<425984x32xf32, #tpu.memory_space<hbm>> -> memref<1664x32xf32, #tpu.memory_space<hbm>>
      tpu.enqueue_dma source(%arg6 : memref<1664x32xf32, #tpu.memory_space<vmem>>) target(%dma_start3A_100 : memref<1664x32xf32, #tpu.memory_space<hbm>>) target_semaphore(%run_scoped3A : memref<!tpu.dma_semaphore, #tpu.memory_space<semaphore_mem>>)
      %dma_wait3A_101 = arith.constant 0 : i32
      %dma_wait3A_102 = tpu.memref_slice %arg4[%add3A_96, %dma_wait3A_101] : memref<425984x32xf32, #tpu.memory_space<hbm>> -> memref<1664x32xf32, #tpu.memory_space<hbm>>
      %dma_wait3A_103 = arith.constant 0 : i32
      %dma_wait3A_104 = tpu.memref_slice %arg4[%add3A_96, %dma_wait3A_103] : memref<425984x32xf32, #tpu.memory_space<hbm>> -> memref<1664x32xf32, #tpu.memory_space<hbm>>
      tpu.wait_dma2 semaphore(%run_scoped3A : memref<!tpu.dma_semaphore, #tpu.memory_space<semaphore_mem>>) src(%arg6 : memref<1664x32xf32, #tpu.memory_space<vmem>>) dst(%dma_wait3A_104 : memref<1664x32xf32, #tpu.memory_space<hbm>>)
      tpu.yield
    }) : () -> ()
    return
  }
}

#map = affine_map<(d0, d1) -> (0, 0)>
#map1 = affine_map<(d0, d1) -> (0)>
module attributes {stable_mosaic.version = 14 : i64} {
  func.func @_idx_prep(%arg0: i32, %arg1: i32, %arg2: memref<26x16384xi32, #tpu.memory_space<hbm>>, %arg3: memref<8x16384xi32, #tpu.memory_space<hbm>>, %arg4: memref<425984xi32, #tpu.memory_space<hbm>>, %arg5: memref<32x128xi32, #tpu.memory_space<vmem>>, %arg6: memref<3328xi32, #tpu.memory_space<vmem>>) attributes {dimension_semantics = [#tpu.dimension_semantics<core_parallel>, #tpu.dimension_semantics<subcore_parallel>], iteration_bounds = array<i64: 2, 16>, scalar_prefetch = 0 : i64, scratch_operands = 2 : i64, tpu.core_type = #tpu.core_type<sc_vector_subcore>, window_params = [{transform_indices = #map}, {transform_indices = #map}, {transform_indices = #map1}]} {
    %mul3A = arith.constant 2 : i32
    %mul3A_0 = arith.muli %arg1, %mul3A : i32
    %add3A = arith.addi %mul3A_0, %arg0 : i32
    %iota3A = tpu.iota {dimensions = array<i32: 0>} : vector<16xi32>
    %add3A_1 = arith.constant 0 : i32
    %add3A_2 = vector.broadcast %add3A_1 : i32 to vector<16xi32>
    %add3A_3 = arith.addi %add3A_2, %iota3A : vector<16xi32>
    %rem3A = arith.constant 26 : i32
    %rem3A_4 = vector.broadcast %rem3A : i32 to vector<16xi32>
    %rem3A_5 = arith.remsi %add3A_3, %rem3A_4 : vector<16xi32>
    %add3A_6 = arith.constant 16 : i32
    %add3A_7 = vector.broadcast %add3A_6 : i32 to vector<16xi32>
    %add3A_8 = arith.addi %add3A_7, %iota3A : vector<16xi32>
    %rem3A_9 = arith.constant 26 : i32
    %rem3A_10 = vector.broadcast %rem3A_9 : i32 to vector<16xi32>
    %rem3A_11 = arith.remsi %add3A_8, %rem3A_10 : vector<16xi32>
    %add3A_12 = arith.constant 32 : i32
    %add3A_13 = vector.broadcast %add3A_12 : i32 to vector<16xi32>
    %add3A_14 = arith.addi %add3A_13, %iota3A : vector<16xi32>
    %rem3A_15 = arith.constant 26 : i32
    %rem3A_16 = vector.broadcast %rem3A_15 : i32 to vector<16xi32>
    %rem3A_17 = arith.remsi %add3A_14, %rem3A_16 : vector<16xi32>
    %add3A_18 = arith.constant 48 : i32
    %add3A_19 = vector.broadcast %add3A_18 : i32 to vector<16xi32>
    %add3A_20 = arith.addi %add3A_19, %iota3A : vector<16xi32>
    %rem3A_21 = arith.constant 26 : i32
    %rem3A_22 = vector.broadcast %rem3A_21 : i32 to vector<16xi32>
    %rem3A_23 = arith.remsi %add3A_20, %rem3A_22 : vector<16xi32>
    %add3A_24 = arith.constant 64 : i32
    %add3A_25 = vector.broadcast %add3A_24 : i32 to vector<16xi32>
    %add3A_26 = arith.addi %add3A_25, %iota3A : vector<16xi32>
    %rem3A_27 = arith.constant 26 : i32
    %rem3A_28 = vector.broadcast %rem3A_27 : i32 to vector<16xi32>
    %rem3A_29 = arith.remsi %add3A_26, %rem3A_28 : vector<16xi32>
    %add3A_30 = arith.constant 80 : i32
    %add3A_31 = vector.broadcast %add3A_30 : i32 to vector<16xi32>
    %add3A_32 = arith.addi %add3A_31, %iota3A : vector<16xi32>
    %rem3A_33 = arith.constant 26 : i32
    %rem3A_34 = vector.broadcast %rem3A_33 : i32 to vector<16xi32>
    %rem3A_35 = arith.remsi %add3A_32, %rem3A_34 : vector<16xi32>
    %add3A_36 = arith.constant 96 : i32
    %add3A_37 = vector.broadcast %add3A_36 : i32 to vector<16xi32>
    %add3A_38 = arith.addi %add3A_37, %iota3A : vector<16xi32>
    %rem3A_39 = arith.constant 26 : i32
    %rem3A_40 = vector.broadcast %rem3A_39 : i32 to vector<16xi32>
    %rem3A_41 = arith.remsi %add3A_38, %rem3A_40 : vector<16xi32>
    %add3A_42 = arith.constant 112 : i32
    %add3A_43 = vector.broadcast %add3A_42 : i32 to vector<16xi32>
    %add3A_44 = arith.addi %add3A_43, %iota3A : vector<16xi32>
    %rem3A_45 = arith.constant 26 : i32
    %rem3A_46 = vector.broadcast %rem3A_45 : i32 to vector<16xi32>
    %rem3A_47 = arith.remsi %add3A_44, %rem3A_46 : vector<16xi32>
    %add3A_48 = arith.constant 128 : i32
    %add3A_49 = vector.broadcast %add3A_48 : i32 to vector<16xi32>
    %add3A_50 = arith.addi %add3A_49, %iota3A : vector<16xi32>
    %rem3A_51 = arith.constant 26 : i32
    %rem3A_52 = vector.broadcast %rem3A_51 : i32 to vector<16xi32>
    %rem3A_53 = arith.remsi %add3A_50, %rem3A_52 : vector<16xi32>
    %add3A_54 = arith.constant 144 : i32
    %add3A_55 = vector.broadcast %add3A_54 : i32 to vector<16xi32>
    %add3A_56 = arith.addi %add3A_55, %iota3A : vector<16xi32>
    %rem3A_57 = arith.constant 26 : i32
    %rem3A_58 = vector.broadcast %rem3A_57 : i32 to vector<16xi32>
    %rem3A_59 = arith.remsi %add3A_56, %rem3A_58 : vector<16xi32>
    %add3A_60 = arith.constant 160 : i32
    %add3A_61 = vector.broadcast %add3A_60 : i32 to vector<16xi32>
    %add3A_62 = arith.addi %add3A_61, %iota3A : vector<16xi32>
    %rem3A_63 = arith.constant 26 : i32
    %rem3A_64 = vector.broadcast %rem3A_63 : i32 to vector<16xi32>
    %rem3A_65 = arith.remsi %add3A_62, %rem3A_64 : vector<16xi32>
    %add3A_66 = arith.constant 176 : i32
    %add3A_67 = vector.broadcast %add3A_66 : i32 to vector<16xi32>
    %add3A_68 = arith.addi %add3A_67, %iota3A : vector<16xi32>
    %rem3A_69 = arith.constant 26 : i32
    %rem3A_70 = vector.broadcast %rem3A_69 : i32 to vector<16xi32>
    %rem3A_71 = arith.remsi %add3A_68, %rem3A_70 : vector<16xi32>
    %add3A_72 = arith.constant 192 : i32
    %add3A_73 = vector.broadcast %add3A_72 : i32 to vector<16xi32>
    %add3A_74 = arith.addi %add3A_73, %iota3A : vector<16xi32>
    %rem3A_75 = arith.constant 26 : i32
    %rem3A_76 = vector.broadcast %rem3A_75 : i32 to vector<16xi32>
    %rem3A_77 = arith.remsi %add3A_74, %rem3A_76 : vector<16xi32>
    %mul3A_78 = arith.constant 4 : i32
    %mul3A_79 = arith.muli %add3A, %mul3A_78 : i32
    %add3A_80 = arith.constant 0 : i32
    %add3A_81 = arith.addi %mul3A_79, %add3A_80 : i32
    %mul3A_82 = arith.constant 128 : i32
    %mul3A_83 = arith.muli %add3A_81, %mul3A_82 : i32
    "tpu.region"() ({
      %run_scoped3A = tpu.sem_alloc : memref<!tpu.dma_semaphore, #tpu.memory_space<semaphore_mem>>
      %dma_start3A = arith.constant 0 : i32
      %dma_start3A_137 = arith.constant 0 : i32
      %dma_start3A_138 = tpu.memref_slice %arg5[%dma_start3A, %dma_start3A_137] : memref<32x128xi32, #tpu.memory_space<vmem>> -> memref<24x128xi32, #tpu.memory_space<vmem>>
      %dma_start3A_139 = arith.constant 0 : i32
      %dma_start3A_140 = tpu.memref_slice %arg2[%dma_start3A_139, %mul3A_83] : memref<26x16384xi32, #tpu.memory_space<hbm>> -> memref<24x128xi32, #tpu.memory_space<hbm>>
      %dma_start3A_141 = arith.constant 0 : i32
      %dma_start3A_142 = arith.constant 0 : i32
      %dma_start3A_143 = tpu.memref_slice %arg5[%dma_start3A_141, %dma_start3A_142] : memref<32x128xi32, #tpu.memory_space<vmem>> -> memref<24x128xi32, #tpu.memory_space<vmem>>
      %dma_start3A_144 = arith.constant 0 : i32
      %dma_start3A_145 = tpu.memref_slice %arg2[%dma_start3A_144, %mul3A_83] : memref<26x16384xi32, #tpu.memory_space<hbm>> -> memref<24x128xi32, #tpu.memory_space<hbm>>
      tpu.enqueue_dma source(%dma_start3A_145 : memref<24x128xi32, #tpu.memory_space<hbm>>) target(%dma_start3A_143 : memref<24x128xi32, #tpu.memory_space<vmem>>) target_semaphore(%run_scoped3A : memref<!tpu.dma_semaphore, #tpu.memory_space<semaphore_mem>>)
      %dma_wait3A = arith.constant 0 : i32
      %dma_wait3A_146 = arith.constant 0 : i32
      %dma_wait3A_147 = tpu.memref_slice %arg5[%dma_wait3A, %dma_wait3A_146] : memref<32x128xi32, #tpu.memory_space<vmem>> -> memref<24x128xi32, #tpu.memory_space<vmem>>
      %dma_wait3A_148 = arith.constant 0 : i32
      %dma_wait3A_149 = tpu.memref_slice %arg2[%dma_wait3A_148, %mul3A_83] : memref<26x16384xi32, #tpu.memory_space<hbm>> -> memref<24x128xi32, #tpu.memory_space<hbm>>
      %dma_wait3A_150 = arith.constant 0 : i32
      %dma_wait3A_151 = arith.constant 0 : i32
      %dma_wait3A_152 = tpu.memref_slice %arg5[%dma_wait3A_150, %dma_wait3A_151] : memref<32x128xi32, #tpu.memory_space<vmem>> -> memref<24x128xi32, #tpu.memory_space<vmem>>
      %dma_wait3A_153 = arith.constant 0 : i32
      %dma_wait3A_154 = tpu.memref_slice %arg2[%dma_wait3A_153, %mul3A_83] : memref<26x16384xi32, #tpu.memory_space<hbm>> -> memref<24x128xi32, #tpu.memory_space<hbm>>
      tpu.wait_dma2 semaphore(%run_scoped3A : memref<!tpu.dma_semaphore, #tpu.memory_space<semaphore_mem>>) src(%dma_wait3A_154 : memref<24x128xi32, #tpu.memory_space<hbm>>) dst(%dma_wait3A_152 : memref<24x128xi32, #tpu.memory_space<vmem>>)
      tpu.yield
    }) : () -> ()
    %mul3A_84 = arith.constant 128 : i32
    %mul3A_85 = arith.muli %add3A_81, %mul3A_84 : i32
    "tpu.region"() ({
      %run_scoped3A = tpu.sem_alloc : memref<!tpu.dma_semaphore, #tpu.memory_space<semaphore_mem>>
      %dma_start3A = arith.constant 24 : i32
      %dma_start3A_137 = arith.constant 0 : i32
      %dma_start3A_138 = tpu.memref_slice %arg5[%dma_start3A, %dma_start3A_137] : memref<32x128xi32, #tpu.memory_space<vmem>> -> memref<8x128xi32, #tpu.memory_space<vmem>>
      %dma_start3A_139 = arith.constant 0 : i32
      %dma_start3A_140 = tpu.memref_slice %arg3[%dma_start3A_139, %mul3A_85] : memref<8x16384xi32, #tpu.memory_space<hbm>> -> memref<8x128xi32, #tpu.memory_space<hbm>>
      %dma_start3A_141 = arith.constant 24 : i32
      %dma_start3A_142 = arith.constant 0 : i32
      %dma_start3A_143 = tpu.memref_slice %arg5[%dma_start3A_141, %dma_start3A_142] : memref<32x128xi32, #tpu.memory_space<vmem>> -> memref<8x128xi32, #tpu.memory_space<vmem>>
      %dma_start3A_144 = arith.constant 0 : i32
      %dma_start3A_145 = tpu.memref_slice %arg3[%dma_start3A_144, %mul3A_85] : memref<8x16384xi32, #tpu.memory_space<hbm>> -> memref<8x128xi32, #tpu.memory_space<hbm>>
      tpu.enqueue_dma source(%dma_start3A_145 : memref<8x128xi32, #tpu.memory_space<hbm>>) target(%dma_start3A_143 : memref<8x128xi32, #tpu.memory_space<vmem>>) target_semaphore(%run_scoped3A : memref<!tpu.dma_semaphore, #tpu.memory_space<semaphore_mem>>)
      %dma_wait3A = arith.constant 24 : i32
      %dma_wait3A_146 = arith.constant 0 : i32
      %dma_wait3A_147 = tpu.memref_slice %arg5[%dma_wait3A, %dma_wait3A_146] : memref<32x128xi32, #tpu.memory_space<vmem>> -> memref<8x128xi32, #tpu.memory_space<vmem>>
      %dma_wait3A_148 = arith.constant 0 : i32
      %dma_wait3A_149 = tpu.memref_slice %arg3[%dma_wait3A_148, %mul3A_85] : memref<8x16384xi32, #tpu.memory_space<hbm>> -> memref<8x128xi32, #tpu.memory_space<hbm>>
      %dma_wait3A_150 = arith.constant 24 : i32
      %dma_wait3A_151 = arith.constant 0 : i32
      %dma_wait3A_152 = tpu.memref_slice %arg5[%dma_wait3A_150, %dma_wait3A_151] : memref<32x128xi32, #tpu.memory_space<vmem>> -> memref<8x128xi32, #tpu.memory_space<vmem>>
      %dma_wait3A_153 = arith.constant 0 : i32
      %dma_wait3A_154 = tpu.memref_slice %arg3[%dma_wait3A_153, %mul3A_85] : memref<8x16384xi32, #tpu.memory_space<hbm>> -> memref<8x128xi32, #tpu.memory_space<hbm>>
      tpu.wait_dma2 semaphore(%run_scoped3A : memref<!tpu.dma_semaphore, #tpu.memory_space<semaphore_mem>>) src(%dma_wait3A_154 : memref<8x128xi32, #tpu.memory_space<hbm>>) dst(%dma_wait3A_152 : memref<8x128xi32, #tpu.memory_space<vmem>>)
      tpu.yield
    }) : () -> ()
    %scan3A = arith.constant 0 : i32
    %scan3A_86 = arith.constant 16 : i32
    %scan3A_87 = arith.addi %scan3A, %scan3A_86 : i32
    %scan3A_88 = arith.constant 1 : i32
    scf.for %scan3A_137 = %scan3A to %scan3A_87 step %scan3A_88  : i32 {
      %mul3A_138 = arith.constant 13 : i32
      %mul3A_139 = arith.muli %scan3A_137, %mul3A_138 : i32
      %add3A_140 = arith.constant 0 : i32
      %add3A_141 = arith.addi %mul3A_139, %add3A_140 : i32
      %mul3A_142 = arith.constant 16 : i32
      %mul3A_143 = arith.muli %add3A_141, %mul3A_142 : i32
      %add3A_144 = vector.broadcast %mul3A_143 : i32 to vector<16xi32>
      %add3A_145 = arith.addi %add3A_144, %iota3A : vector<16xi32>
      %sub3A = arith.subi %add3A_145, %rem3A_5 : vector<16xi32>
      %shift_right_logical3A = arith.constant 1 : i32
      %shift_right_logical3A_146 = vector.broadcast %shift_right_logical3A : i32 to vector<16xi32>
      %shift_right_logical3A_147 = arith.shrui %sub3A, %shift_right_logical3A_146 : vector<16xi32>
      %mul3A_148 = arith.constant -991146299 : i32
      %mul3A_149 = vector.broadcast %mul3A_148 : i32 to vector<16xi32>
      %mul3A_150 = arith.muli %shift_right_logical3A_147, %mul3A_149 : vector<16xi32>
      %gather3A = tpu.vector_load_idx %arg5[%rem3A_5, %mul3A_150] : memref<32x128xi32, #tpu.memory_space<vmem>>[vector<16xi32>, vector<16xi32>], vector<16xi32>,
      %mul3A_151 = arith.constant 100000 : i32
      %mul3A_152 = vector.broadcast %mul3A_151 : i32 to vector<16xi32>
      %mul3A_153 = arith.muli %rem3A_5, %mul3A_152 : vector<16xi32>
      %add3A_154 = arith.addi %gather3A, %mul3A_153 : vector<16xi32>
      %mul3A_155 = arith.constant 16 : i32
      %mul3A_156 = arith.muli %add3A_141, %mul3A_155 : i32
      %swap3A = arith.index_cast %mul3A_156 : i32 to index
      %swap3A_157 = tpu.vector_load %arg6[%swap3A] {strides = array<i32>} : memref<3328xi32, #tpu.memory_space<vmem>>, vector<16xi32>,
      tpu.vector_store %arg6[%swap3A], %add3A_154 {strides = array<i32>} : memref<3328xi32, #tpu.memory_space<vmem>>, vector<16xi32>,
      %mul3A_158 = arith.constant 13 : i32
      %mul3A_159 = arith.muli %scan3A_137, %mul3A_158 : i32
      %add3A_160 = arith.constant 1 : i32
      %add3A_161 = arith.addi %mul3A_159, %add3A_160 : i32
      %mul3A_162 = arith.constant 16 : i32
      %mul3A_163 = arith.muli %add3A_161, %mul3A_162 : i32
      %add3A_164 = vector.broadcast %mul3A_163 : i32 to vector<16xi32>
      %add3A_165 = arith.addi %add3A_164, %iota3A : vector<16xi32>
      %sub3A_166 = arith.subi %add3A_165, %rem3A_11 : vector<16xi32>
      %shift_right_logical3A_167 = arith.constant 1 : i32
      %shift_right_logical3A_168 = vector.broadcast %shift_right_logical3A_167 : i32 to vector<16xi32>
      %shift_right_logical3A_169 = arith.shrui %sub3A_166, %shift_right_logical3A_168 : vector<16xi32>
      %mul3A_170 = arith.constant -991146299 : i32
      %mul3A_171 = vector.broadcast %mul3A_170 : i32 to vector<16xi32>
      %mul3A_172 = arith.muli %shift_right_logical3A_169, %mul3A_171 : vector<16xi32>
      %gather3A_173 = tpu.vector_load_idx %arg5[%rem3A_11, %mul3A_172] : memref<32x128xi32, #tpu.memory_space<vmem>>[vector<16xi32>, vector<16xi32>], vector<16xi32>,
      %mul3A_174 = arith.constant 100000 : i32
      %mul3A_175 = vector.broadcast %mul3A_174 : i32 to vector<16xi32>
      %mul3A_176 = arith.muli %rem3A_11, %mul3A_175 : vector<16xi32>
      %add3A_177 = arith.addi %gather3A_173, %mul3A_176 : vector<16xi32>
      %mul3A_178 = arith.constant 16 : i32
      %mul3A_179 = arith.muli %add3A_161, %mul3A_178 : i32
      %swap3A_180 = arith.index_cast %mul3A_179 : i32 to index
      %swap3A_181 = tpu.vector_load %arg6[%swap3A_180] {strides = array<i32>} : memref<3328xi32, #tpu.memory_space<vmem>>, vector<16xi32>,
      tpu.vector_store %arg6[%swap3A_180], %add3A_177 {strides = array<i32>} : memref<3328xi32, #tpu.memory_space<vmem>>, vector<16xi32>,
      %mul3A_182 = arith.constant 13 : i32
      %mul3A_183 = arith.muli %scan3A_137, %mul3A_182 : i32
      %add3A_184 = arith.constant 2 : i32
      %add3A_185 = arith.addi %mul3A_183, %add3A_184 : i32
      %mul3A_186 = arith.constant 16 : i32
      %mul3A_187 = arith.muli %add3A_185, %mul3A_186 : i32
      %add3A_188 = vector.broadcast %mul3A_187 : i32 to vector<16xi32>
      %add3A_189 = arith.addi %add3A_188, %iota3A : vector<16xi32>
      %sub3A_190 = arith.subi %add3A_189, %rem3A_17 : vector<16xi32>
      %shift_right_logical3A_191 = arith.constant 1 : i32
      %shift_right_logical3A_192 = vector.broadcast %shift_right_logical3A_191 : i32 to vector<16xi32>
      %shift_right_logical3A_193 = arith.shrui %sub3A_190, %shift_right_logical3A_192 : vector<16xi32>
      %mul3A_194 = arith.constant -991146299 : i32
      %mul3A_195 = vector.broadcast %mul3A_194 : i32 to vector<16xi32>
      %mul3A_196 = arith.muli %shift_right_logical3A_193, %mul3A_195 : vector<16xi32>
      %gather3A_197 = tpu.vector_load_idx %arg5[%rem3A_17, %mul3A_196] : memref<32x128xi32, #tpu.memory_space<vmem>>[vector<16xi32>, vector<16xi32>], vector<16xi32>,
      %mul3A_198 = arith.constant 100000 : i32
      %mul3A_199 = vector.broadcast %mul3A_198 : i32 to vector<16xi32>
      %mul3A_200 = arith.muli %rem3A_17, %mul3A_199 : vector<16xi32>
      %add3A_201 = arith.addi %gather3A_197, %mul3A_200 : vector<16xi32>
      %mul3A_202 = arith.constant 16 : i32
      %mul3A_203 = arith.muli %add3A_185, %mul3A_202 : i32
      %swap3A_204 = arith.index_cast %mul3A_203 : i32 to index
      %swap3A_205 = tpu.vector_load %arg6[%swap3A_204] {strides = array<i32>} : memref<3328xi32, #tpu.memory_space<vmem>>, vector<16xi32>,
      tpu.vector_store %arg6[%swap3A_204], %add3A_201 {strides = array<i32>} : memref<3328xi32, #tpu.memory_space<vmem>>, vector<16xi32>,
      %mul3A_206 = arith.constant 13 : i32
      %mul3A_207 = arith.muli %scan3A_137, %mul3A_206 : i32
      %add3A_208 = arith.constant 3 : i32
      %add3A_209 = arith.addi %mul3A_207, %add3A_208 : i32
      %mul3A_210 = arith.constant 16 : i32
      %mul3A_211 = arith.muli %add3A_209, %mul3A_210 : i32
      %add3A_212 = vector.broadcast %mul3A_211 : i32 to vector<16xi32>
      %add3A_213 = arith.addi %add3A_212, %iota3A : vector<16xi32>
      %sub3A_214 = arith.subi %add3A_213, %rem3A_23 : vector<16xi32>
      %shift_right_logical3A_215 = arith.constant 1 : i32
      %shift_right_logical3A_216 = vector.broadcast %shift_right_logical3A_215 : i32 to vector<16xi32>
      %shift_right_logical3A_217 = arith.shrui %sub3A_214, %shift_right_logical3A_216 : vector<16xi32>
      %mul3A_218 = arith.constant -991146299 : i32
      %mul3A_219 = vector.broadcast %mul3A_218 : i32 to vector<16xi32>
      %mul3A_220 = arith.muli %shift_right_logical3A_217, %mul3A_219 : vector<16xi32>
      %gather3A_221 = tpu.vector_load_idx %arg5[%rem3A_23, %mul3A_220] : memref<32x128xi32, #tpu.memory_space<vmem>>[vector<16xi32>, vector<16xi32>], vector<16xi32>,
      %mul3A_222 = arith.constant 100000 : i32
      %mul3A_223 = vector.broadcast %mul3A_222 : i32 to vector<16xi32>
      %mul3A_224 = arith.muli %rem3A_23, %mul3A_223 : vector<16xi32>
      %add3A_225 = arith.addi %gather3A_221, %mul3A_224 : vector<16xi32>
      %mul3A_226 = arith.constant 16 : i32
      %mul3A_227 = arith.muli %add3A_209, %mul3A_226 : i32
      %swap3A_228 = arith.index_cast %mul3A_227 : i32 to index
      %swap3A_229 = tpu.vector_load %arg6[%swap3A_228] {strides = array<i32>} : memref<3328xi32, #tpu.memory_space<vmem>>, vector<16xi32>,
      tpu.vector_store %arg6[%swap3A_228], %add3A_225 {strides = array<i32>} : memref<3328xi32, #tpu.memory_space<vmem>>, vector<16xi32>,
      %mul3A_230 = arith.constant 13 : i32
      %mul3A_231 = arith.muli %scan3A_137, %mul3A_230 : i32
      %add3A_232 = arith.constant 4 : i32
      %add3A_233 = arith.addi %mul3A_231, %add3A_232 : i32
      %mul3A_234 = arith.constant 16 : i32
      %mul3A_235 = arith.muli %add3A_233, %mul3A_234 : i32
      %add3A_236 = vector.broadcast %mul3A_235 : i32 to vector<16xi32>
      %add3A_237 = arith.addi %add3A_236, %iota3A : vector<16xi32>
      %sub3A_238 = arith.subi %add3A_237, %rem3A_29 : vector<16xi32>
      %shift_right_logical3A_239 = arith.constant 1 : i32
      %shift_right_logical3A_240 = vector.broadcast %shift_right_logical3A_239 : i32 to vector<16xi32>
      %shift_right_logical3A_241 = arith.shrui %sub3A_238, %shift_right_logical3A_240 : vector<16xi32>
      %mul3A_242 = arith.constant -991146299 : i32
      %mul3A_243 = vector.broadcast %mul3A_242 : i32 to vector<16xi32>
      %mul3A_244 = arith.muli %shift_right_logical3A_241, %mul3A_243 : vector<16xi32>
      %gather3A_245 = tpu.vector_load_idx %arg5[%rem3A_29, %mul3A_244] : memref<32x128xi32, #tpu.memory_space<vmem>>[vector<16xi32>, vector<16xi32>], vector<16xi32>,
      %mul3A_246 = arith.constant 100000 : i32
      %mul3A_247 = vector.broadcast %mul3A_246 : i32 to vector<16xi32>
      %mul3A_248 = arith.muli %rem3A_29, %mul3A_247 : vector<16xi32>
      %add3A_249 = arith.addi %gather3A_245, %mul3A_248 : vector<16xi32>
      %mul3A_250 = arith.constant 16 : i32
      %mul3A_251 = arith.muli %add3A_233, %mul3A_250 : i32
      %swap3A_252 = arith.index_cast %mul3A_251 : i32 to index
      %swap3A_253 = tpu.vector_load %arg6[%swap3A_252] {strides = array<i32>} : memref<3328xi32, #tpu.memory_space<vmem>>, vector<16xi32>,
      tpu.vector_store %arg6[%swap3A_252], %add3A_249 {strides = array<i32>} : memref<3328xi32, #tpu.memory_space<vmem>>, vector<16xi32>,
      %mul3A_254 = arith.constant 13 : i32
      %mul3A_255 = arith.muli %scan3A_137, %mul3A_254 : i32
      %add3A_256 = arith.constant 5 : i32
      %add3A_257 = arith.addi %mul3A_255, %add3A_256 : i32
      %mul3A_258 = arith.constant 16 : i32
      %mul3A_259 = arith.muli %add3A_257, %mul3A_258 : i32
      %add3A_260 = vector.broadcast %mul3A_259 : i32 to vector<16xi32>
      %add3A_261 = arith.addi %add3A_260, %iota3A : vector<16xi32>
      %sub3A_262 = arith.subi %add3A_261, %rem3A_35 : vector<16xi32>
      %shift_right_logical3A_263 = arith.constant 1 : i32
      %shift_right_logical3A_264 = vector.broadcast %shift_right_logical3A_263 : i32 to vector<16xi32>
      %shift_right_logical3A_265 = arith.shrui %sub3A_262, %shift_right_logical3A_264 : vector<16xi32>
      %mul3A_266 = arith.constant -991146299 : i32
      %mul3A_267 = vector.broadcast %mul3A_266 : i32 to vector<16xi32>
      %mul3A_268 = arith.muli %shift_right_logical3A_265, %mul3A_267 : vector<16xi32>
      %gather3A_269 = tpu.vector_load_idx %arg5[%rem3A_35, %mul3A_268] : memref<32x128xi32, #tpu.memory_space<vmem>>[vector<16xi32>, vector<16xi32>], vector<16xi32>,
      %mul3A_270 = arith.constant 100000 : i32
      %mul3A_271 = vector.broadcast %mul3A_270 : i32 to vector<16xi32>
      %mul3A_272 = arith.muli %rem3A_35, %mul3A_271 : vector<16xi32>
      %add3A_273 = arith.addi %gather3A_269, %mul3A_272 : vector<16xi32>
      %mul3A_274 = arith.constant 16 : i32
      %mul3A_275 = arith.muli %add3A_257, %mul3A_274 : i32
      %swap3A_276 = arith.index_cast %mul3A_275 : i32 to index
      %swap3A_277 = tpu.vector_load %arg6[%swap3A_276] {strides = array<i32>} : memref<3328xi32, #tpu.memory_space<vmem>>, vector<16xi32>,
      tpu.vector_store %arg6[%swap3A_276], %add3A_273 {strides = array<i32>} : memref<3328xi32, #tpu.memory_space<vmem>>, vector<16xi32>,
      %mul3A_278 = arith.constant 13 : i32
      %mul3A_279 = arith.muli %scan3A_137, %mul3A_278 : i32
      %add3A_280 = arith.constant 6 : i32
      %add3A_281 = arith.addi %mul3A_279, %add3A_280 : i32
      %mul3A_282 = arith.constant 16 : i32
      %mul3A_283 = arith.muli %add3A_281, %mul3A_282 : i32
      %add3A_284 = vector.broadcast %mul3A_283 : i32 to vector<16xi32>
      %add3A_285 = arith.addi %add3A_284, %iota3A : vector<16xi32>
      %sub3A_286 = arith.subi %add3A_285, %rem3A_41 : vector<16xi32>
      %shift_right_logical3A_287 = arith.constant 1 : i32
      %shift_right_logical3A_288 = vector.broadcast %shift_right_logical3A_287 : i32 to vector<16xi32>
      %shift_right_logical3A_289 = arith.shrui %sub3A_286, %shift_right_logical3A_288 : vector<16xi32>
      %mul3A_290 = arith.constant -991146299 : i32
      %mul3A_291 = vector.broadcast %mul3A_290 : i32 to vector<16xi32>
      %mul3A_292 = arith.muli %shift_right_logical3A_289, %mul3A_291 : vector<16xi32>
      %gather3A_293 = tpu.vector_load_idx %arg5[%rem3A_41, %mul3A_292] : memref<32x128xi32, #tpu.memory_space<vmem>>[vector<16xi32>, vector<16xi32>], vector<16xi32>,
      %mul3A_294 = arith.constant 100000 : i32
      %mul3A_295 = vector.broadcast %mul3A_294 : i32 to vector<16xi32>
      %mul3A_296 = arith.muli %rem3A_41, %mul3A_295 : vector<16xi32>
      %add3A_297 = arith.addi %gather3A_293, %mul3A_296 : vector<16xi32>
      %mul3A_298 = arith.constant 16 : i32
      %mul3A_299 = arith.muli %add3A_281, %mul3A_298 : i32
      %swap3A_300 = arith.index_cast %mul3A_299 : i32 to index
      %swap3A_301 = tpu.vector_load %arg6[%swap3A_300] {strides = array<i32>} : memref<3328xi32, #tpu.memory_space<vmem>>, vector<16xi32>,
      tpu.vector_store %arg6[%swap3A_300], %add3A_297 {strides = array<i32>} : memref<3328xi32, #tpu.memory_space<vmem>>, vector<16xi32>,
      %mul3A_302 = arith.constant 13 : i32
      %mul3A_303 = arith.muli %scan3A_137, %mul3A_302 : i32
      %add3A_304 = arith.constant 7 : i32
      %add3A_305 = arith.addi %mul3A_303, %add3A_304 : i32
      %mul3A_306 = arith.constant 16 : i32
      %mul3A_307 = arith.muli %add3A_305, %mul3A_306 : i32
      %add3A_308 = vector.broadcast %mul3A_307 : i32 to vector<16xi32>
      %add3A_309 = arith.addi %add3A_308, %iota3A : vector<16xi32>
      %sub3A_310 = arith.subi %add3A_309, %rem3A_47 : vector<16xi32>
      %shift_right_logical3A_311 = arith.constant 1 : i32
      %shift_right_logical3A_312 = vector.broadcast %shift_right_logical3A_311 : i32 to vector<16xi32>
      %shift_right_logical3A_313 = arith.shrui %sub3A_310, %shift_right_logical3A_312 : vector<16xi32>
      %mul3A_314 = arith.constant -991146299 : i32
      %mul3A_315 = vector.broadcast %mul3A_314 : i32 to vector<16xi32>
      %mul3A_316 = arith.muli %shift_right_logical3A_313, %mul3A_315 : vector<16xi32>
      %gather3A_317 = tpu.vector_load_idx %arg5[%rem3A_47, %mul3A_316] : memref<32x128xi32, #tpu.memory_space<vmem>>[vector<16xi32>, vector<16xi32>], vector<16xi32>,
      %mul3A_318 = arith.constant 100000 : i32
      %mul3A_319 = vector.broadcast %mul3A_318 : i32 to vector<16xi32>
      %mul3A_320 = arith.muli %rem3A_47, %mul3A_319 : vector<16xi32>
      %add3A_321 = arith.addi %gather3A_317, %mul3A_320 : vector<16xi32>
      %mul3A_322 = arith.constant 16 : i32
      %mul3A_323 = arith.muli %add3A_305, %mul3A_322 : i32
      %swap3A_324 = arith.index_cast %mul3A_323 : i32 to index
      %swap3A_325 = tpu.vector_load %arg6[%swap3A_324] {strides = array<i32>} : memref<3328xi32, #tpu.memory_space<vmem>>, vector<16xi32>,
      tpu.vector_store %arg6[%swap3A_324], %add3A_321 {strides = array<i32>} : memref<3328xi32, #tpu.memory_space<vmem>>, vector<16xi32>,
      %mul3A_326 = arith.constant 13 : i32
      %mul3A_327 = arith.muli %scan3A_137, %mul3A_326 : i32
      %add3A_328 = arith.constant 8 : i32
      %add3A_329 = arith.addi %mul3A_327, %add3A_328 : i32
      %mul3A_330 = arith.constant 16 : i32
      %mul3A_331 = arith.muli %add3A_329, %mul3A_330 : i32
      %add3A_332 = vector.broadcast %mul3A_331 : i32 to vector<16xi32>
      %add3A_333 = arith.addi %add3A_332, %iota3A : vector<16xi32>
      %sub3A_334 = arith.subi %add3A_333, %rem3A_53 : vector<16xi32>
      %shift_right_logical3A_335 = arith.constant 1 : i32
      %shift_right_logical3A_336 = vector.broadcast %shift_right_logical3A_335 : i32 to vector<16xi32>
      %shift_right_logical3A_337 = arith.shrui %sub3A_334, %shift_right_logical3A_336 : vector<16xi32>
      %mul3A_338 = arith.constant -991146299 : i32
      %mul3A_339 = vector.broadcast %mul3A_338 : i32 to vector<16xi32>
      %mul3A_340 = arith.muli %shift_right_logical3A_337, %mul3A_339 : vector<16xi32>
      %gather3A_341 = tpu.vector_load_idx %arg5[%rem3A_53, %mul3A_340] : memref<32x128xi32, #tpu.memory_space<vmem>>[vector<16xi32>, vector<16xi32>], vector<16xi32>,
      %mul3A_342 = arith.constant 100000 : i32
      %mul3A_343 = vector.broadcast %mul3A_342 : i32 to vector<16xi32>
      %mul3A_344 = arith.muli %rem3A_53, %mul3A_343 : vector<16xi32>
      %add3A_345 = arith.addi %gather3A_341, %mul3A_344 : vector<16xi32>
      %mul3A_346 = arith.constant 16 : i32
      %mul3A_347 = arith.muli %add3A_329, %mul3A_346 : i32
      %swap3A_348 = arith.index_cast %mul3A_347 : i32 to index
      %swap3A_349 = tpu.vector_load %arg6[%swap3A_348] {strides = array<i32>} : memref<3328xi32, #tpu.memory_space<vmem>>, vector<16xi32>,
      tpu.vector_store %arg6[%swap3A_348], %add3A_345 {strides = array<i32>} : memref<3328xi32, #tpu.memory_space<vmem>>, vector<16xi32>,
      %mul3A_350 = arith.constant 13 : i32
      %mul3A_351 = arith.muli %scan3A_137, %mul3A_350 : i32
      %add3A_352 = arith.constant 9 : i32
      %add3A_353 = arith.addi %mul3A_351, %add3A_352 : i32
      %mul3A_354 = arith.constant 16 : i32
      %mul3A_355 = arith.muli %add3A_353, %mul3A_354 : i32
      %add3A_356 = vector.broadcast %mul3A_355 : i32 to vector<16xi32>
      %add3A_357 = arith.addi %add3A_356, %iota3A : vector<16xi32>
      %sub3A_358 = arith.subi %add3A_357, %rem3A_59 : vector<16xi32>
      %shift_right_logical3A_359 = arith.constant 1 : i32
      %shift_right_logical3A_360 = vector.broadcast %shift_right_logical3A_359 : i32 to vector<16xi32>
      %shift_right_logical3A_361 = arith.shrui %sub3A_358, %shift_right_logical3A_360 : vector<16xi32>
      %mul3A_362 = arith.constant -991146299 : i32
      %mul3A_363 = vector.broadcast %mul3A_362 : i32 to vector<16xi32>
      %mul3A_364 = arith.muli %shift_right_logical3A_361, %mul3A_363 : vector<16xi32>
      %gather3A_365 = tpu.vector_load_idx %arg5[%rem3A_59, %mul3A_364] : memref<32x128xi32, #tpu.memory_space<vmem>>[vector<16xi32>, vector<16xi32>], vector<16xi32>,
      %mul3A_366 = arith.constant 100000 : i32
      %mul3A_367 = vector.broadcast %mul3A_366 : i32 to vector<16xi32>
      %mul3A_368 = arith.muli %rem3A_59, %mul3A_367 : vector<16xi32>
      %add3A_369 = arith.addi %gather3A_365, %mul3A_368 : vector<16xi32>
      %mul3A_370 = arith.constant 16 : i32
      %mul3A_371 = arith.muli %add3A_353, %mul3A_370 : i32
      %swap3A_372 = arith.index_cast %mul3A_371 : i32 to index
      %swap3A_373 = tpu.vector_load %arg6[%swap3A_372] {strides = array<i32>} : memref<3328xi32, #tpu.memory_space<vmem>>, vector<16xi32>,
      tpu.vector_store %arg6[%swap3A_372], %add3A_369 {strides = array<i32>} : memref<3328xi32, #tpu.memory_space<vmem>>, vector<16xi32>,
      %mul3A_374 = arith.constant 13 : i32
      %mul3A_375 = arith.muli %scan3A_137, %mul3A_374 : i32
      %add3A_376 = arith.constant 10 : i32
      %add3A_377 = arith.addi %mul3A_375, %add3A_376 : i32
      %mul3A_378 = arith.constant 16 : i32
      %mul3A_379 = arith.muli %add3A_377, %mul3A_378 : i32
      %add3A_380 = vector.broadcast %mul3A_379 : i32 to vector<16xi32>
      %add3A_381 = arith.addi %add3A_380, %iota3A : vector<16xi32>
      %sub3A_382 = arith.subi %add3A_381, %rem3A_65 : vector<16xi32>
      %shift_right_logical3A_383 = arith.constant 1 : i32
      %shift_right_logical3A_384 = vector.broadcast %shift_right_logical3A_383 : i32 to vector<16xi32>
      %shift_right_logical3A_385 = arith.shrui %sub3A_382, %shift_right_logical3A_384 : vector<16xi32>
      %mul3A_386 = arith.constant -991146299 : i32
      %mul3A_387 = vector.broadcast %mul3A_386 : i32 to vector<16xi32>
      %mul3A_388 = arith.muli %shift_right_logical3A_385, %mul3A_387 : vector<16xi32>
      %gather3A_389 = tpu.vector_load_idx %arg5[%rem3A_65, %mul3A_388] : memref<32x128xi32, #tpu.memory_space<vmem>>[vector<16xi32>, vector<16xi32>], vector<16xi32>,
      %mul3A_390 = arith.constant 100000 : i32
      %mul3A_391 = vector.broadcast %mul3A_390 : i32 to vector<16xi32>
      %mul3A_392 = arith.muli %rem3A_65, %mul3A_391 : vector<16xi32>
      %add3A_393 = arith.addi %gather3A_389, %mul3A_392 : vector<16xi32>
      %mul3A_394 = arith.constant 16 : i32
      %mul3A_395 = arith.muli %add3A_377, %mul3A_394 : i32
      %swap3A_396 = arith.index_cast %mul3A_395 : i32 to index
      %swap3A_397 = tpu.vector_load %arg6[%swap3A_396] {strides = array<i32>} : memref<3328xi32, #tpu.memory_space<vmem>>, vector<16xi32>,
      tpu.vector_store %arg6[%swap3A_396], %add3A_393 {strides = array<i32>} : memref<3328xi32, #tpu.memory_space<vmem>>, vector<16xi32>,
      %mul3A_398 = arith.constant 13 : i32
      %mul3A_399 = arith.muli %scan3A_137, %mul3A_398 : i32
      %add3A_400 = arith.constant 11 : i32
      %add3A_401 = arith.addi %mul3A_399, %add3A_400 : i32
      %mul3A_402 = arith.constant 16 : i32
      %mul3A_403 = arith.muli %add3A_401, %mul3A_402 : i32
      %add3A_404 = vector.broadcast %mul3A_403 : i32 to vector<16xi32>
      %add3A_405 = arith.addi %add3A_404, %iota3A : vector<16xi32>
      %sub3A_406 = arith.subi %add3A_405, %rem3A_71 : vector<16xi32>
      %shift_right_logical3A_407 = arith.constant 1 : i32
      %shift_right_logical3A_408 = vector.broadcast %shift_right_logical3A_407 : i32 to vector<16xi32>
      %shift_right_logical3A_409 = arith.shrui %sub3A_406, %shift_right_logical3A_408 : vector<16xi32>
      %mul3A_410 = arith.constant -991146299 : i32
      %mul3A_411 = vector.broadcast %mul3A_410 : i32 to vector<16xi32>
      %mul3A_412 = arith.muli %shift_right_logical3A_409, %mul3A_411 : vector<16xi32>
      %gather3A_413 = tpu.vector_load_idx %arg5[%rem3A_71, %mul3A_412] : memref<32x128xi32, #tpu.memory_space<vmem>>[vector<16xi32>, vector<16xi32>], vector<16xi32>,
      %mul3A_414 = arith.constant 100000 : i32
      %mul3A_415 = vector.broadcast %mul3A_414 : i32 to vector<16xi32>
      %mul3A_416 = arith.muli %rem3A_71, %mul3A_415 : vector<16xi32>
      %add3A_417 = arith.addi %gather3A_413, %mul3A_416 : vector<16xi32>
      %mul3A_418 = arith.constant 16 : i32
      %mul3A_419 = arith.muli %add3A_401, %mul3A_418 : i32
      %swap3A_420 = arith.index_cast %mul3A_419 : i32 to index
      %swap3A_421 = tpu.vector_load %arg6[%swap3A_420] {strides = array<i32>} : memref<3328xi32, #tpu.memory_space<vmem>>, vector<16xi32>,
      tpu.vector_store %arg6[%swap3A_420], %add3A_417 {strides = array<i32>} : memref<3328xi32, #tpu.memory_space<vmem>>, vector<16xi32>,
      %mul3A_422 = arith.constant 13 : i32
      %mul3A_423 = arith.muli %scan3A_137, %mul3A_422 : i32
      %add3A_424 = arith.constant 12 : i32
      %add3A_425 = arith.addi %mul3A_423, %add3A_424 : i32
      %mul3A_426 = arith.constant 16 : i32
      %mul3A_427 = arith.muli %add3A_425, %mul3A_426 : i32
      %add3A_428 = vector.broadcast %mul3A_427 : i32 to vector<16xi32>
      %add3A_429 = arith.addi %add3A_428, %iota3A : vector<16xi32>
      %sub3A_430 = arith.subi %add3A_429, %rem3A_77 : vector<16xi32>
      %shift_right_logical3A_431 = arith.constant 1 : i32
      %shift_right_logical3A_432 = vector.broadcast %shift_right_logical3A_431 : i32 to vector<16xi32>
      %shift_right_logical3A_433 = arith.shrui %sub3A_430, %shift_right_logical3A_432 : vector<16xi32>
      %mul3A_434 = arith.constant -991146299 : i32
      %mul3A_435 = vector.broadcast %mul3A_434 : i32 to vector<16xi32>
      %mul3A_436 = arith.muli %shift_right_logical3A_433, %mul3A_435 : vector<16xi32>
      %gather3A_437 = tpu.vector_load_idx %arg5[%rem3A_77, %mul3A_436] : memref<32x128xi32, #tpu.memory_space<vmem>>[vector<16xi32>, vector<16xi32>], vector<16xi32>,
      %mul3A_438 = arith.constant 100000 : i32
      %mul3A_439 = vector.broadcast %mul3A_438 : i32 to vector<16xi32>
      %mul3A_440 = arith.muli %rem3A_77, %mul3A_439 : vector<16xi32>
      %add3A_441 = arith.addi %gather3A_437, %mul3A_440 : vector<16xi32>
      %mul3A_442 = arith.constant 16 : i32
      %mul3A_443 = arith.muli %add3A_425, %mul3A_442 : i32
      %swap3A_444 = arith.index_cast %mul3A_443 : i32 to index
      %swap3A_445 = tpu.vector_load %arg6[%swap3A_444] {strides = array<i32>} : memref<3328xi32, #tpu.memory_space<vmem>>, vector<16xi32>,
      tpu.vector_store %arg6[%swap3A_444], %add3A_441 {strides = array<i32>} : memref<3328xi32, #tpu.memory_space<vmem>>, vector<16xi32>,
    }
    %scan3A_89 = arith.constant 16 : i32
    %mul3A_90 = arith.constant 3328 : i32
    %mul3A_91 = arith.muli %add3A_81, %mul3A_90 : i32
    "tpu.region"() ({
      %run_scoped3A = tpu.sem_alloc : memref<!tpu.dma_semaphore, #tpu.memory_space<semaphore_mem>>
      %dma_start3A = tpu.memref_slice %arg4[%mul3A_91] : memref<425984xi32, #tpu.memory_space<hbm>> -> memref<3328xi32, #tpu.memory_space<hbm>>
      %dma_start3A_137 = tpu.memref_slice %arg4[%mul3A_91] : memref<425984xi32, #tpu.memory_space<hbm>> -> memref<3328xi32, #tpu.memory_space<hbm>>
      tpu.enqueue_dma source(%arg6 : memref<3328xi32, #tpu.memory_space<vmem>>) target(%dma_start3A_137 : memref<3328xi32, #tpu.memory_space<hbm>>) target_semaphore(%run_scoped3A : memref<!tpu.dma_semaphore, #tpu.memory_space<semaphore_mem>>)
      %dma_wait3A = tpu.memref_slice %arg4[%mul3A_91] : memref<425984xi32, #tpu.memory_space<hbm>> -> memref<3328xi32, #tpu.memory_space<hbm>>
      %dma_wait3A_138 = tpu.memref_slice %arg4[%mul3A_91] : memref<425984xi32, #tpu.memory_space<hbm>> -> memref<3328xi32, #tpu.memory_space<hbm>>
      tpu.wait_dma2 semaphore(%run_scoped3A : memref<!tpu.dma_semaphore, #tpu.memory_space<semaphore_mem>>) src(%arg6 : memref<3328xi32, #tpu.memory_space<vmem>>) dst(%dma_wait3A_138 : memref<3328xi32, #tpu.memory_space<hbm>>)
      tpu.yield
    }) : () -> ()
    %mul3A_92 = arith.constant 4 : i32
    %mul3A_93 = arith.muli %add3A, %mul3A_92 : i32
    %add3A_94 = arith.constant 1 : i32
    %add3A_95 = arith.addi %mul3A_93, %add3A_94 : i32
    %mul3A_96 = arith.constant 128 : i32
    %mul3A_97 = arith.muli %add3A_95, %mul3A_96 : i32
    "tpu.region"() ({
      %run_scoped3A = tpu.sem_alloc : memref<!tpu.dma_semaphore, #tpu.memory_space<semaphore_mem>>
      %dma_start3A = arith.constant 0 : i32
      %dma_start3A_137 = arith.constant 0 : i32
      %dma_start3A_138 = tpu.memref_slice %arg5[%dma_start3A, %dma_start3A_137] : memref<32x128xi32, #tpu.memory_space<vmem>> -> memref<24x128xi32, #tpu.memory_space<vmem>>
      %dma_start3A_139 = arith.constant 0 : i32
      %dma_start3A_140 = tpu.memref_slice %arg2[%dma_start3A_139, %mul3A_97] : memref<26x16384xi32, #tpu.memory_space<hbm>> -> memref<24x128xi32, #tpu.memory_space<hbm>>
      %dma_start3A_141 = arith.constant 0 : i32
      %dma_start3A_142 = arith.constant 0 : i32
      %dma_start3A_143 = tpu.memref_slice %arg5[%dma_start3A_141, %dma_start3A_142] : memref<32x128xi32, #tpu.memory_space<vmem>> -> memref<24x128xi32, #tpu.memory_space<vmem>>
      %dma_start3A_144 = arith.constant 0 : i32
      %dma_start3A_145 = tpu.memref_slice %arg2[%dma_start3A_144, %mul3A_97] : memref<26x16384xi32, #tpu.memory_space<hbm>> -> memref<24x128xi32, #tpu.memory_space<hbm>>
      tpu.enqueue_dma source(%dma_start3A_145 : memref<24x128xi32, #tpu.memory_space<hbm>>) target(%dma_start3A_143 : memref<24x128xi32, #tpu.memory_space<vmem>>) target_semaphore(%run_scoped3A : memref<!tpu.dma_semaphore, #tpu.memory_space<semaphore_mem>>)
      %dma_wait3A = arith.constant 0 : i32
      %dma_wait3A_146 = arith.constant 0 : i32
      %dma_wait3A_147 = tpu.memref_slice %arg5[%dma_wait3A, %dma_wait3A_146] : memref<32x128xi32, #tpu.memory_space<vmem>> -> memref<24x128xi32, #tpu.memory_space<vmem>>
      %dma_wait3A_148 = arith.constant 0 : i32
      %dma_wait3A_149 = tpu.memref_slice %arg2[%dma_wait3A_148, %mul3A_97] : memref<26x16384xi32, #tpu.memory_space<hbm>> -> memref<24x128xi32, #tpu.memory_space<hbm>>
      %dma_wait3A_150 = arith.constant 0 : i32
      %dma_wait3A_151 = arith.constant 0 : i32
      %dma_wait3A_152 = tpu.memref_slice %arg5[%dma_wait3A_150, %dma_wait3A_151] : memref<32x128xi32, #tpu.memory_space<vmem>> -> memref<24x128xi32, #tpu.memory_space<vmem>>
      %dma_wait3A_153 = arith.constant 0 : i32
      %dma_wait3A_154 = tpu.memref_slice %arg2[%dma_wait3A_153, %mul3A_97] : memref<26x16384xi32, #tpu.memory_space<hbm>> -> memref<24x128xi32, #tpu.memory_space<hbm>>
      tpu.wait_dma2 semaphore(%run_scoped3A : memref<!tpu.dma_semaphore, #tpu.memory_space<semaphore_mem>>) src(%dma_wait3A_154 : memref<24x128xi32, #tpu.memory_space<hbm>>) dst(%dma_wait3A_152 : memref<24x128xi32, #tpu.memory_space<vmem>>)
      tpu.yield
    }) : () -> ()
    %mul3A_98 = arith.constant 128 : i32
    %mul3A_99 = arith.muli %add3A_95, %mul3A_98 : i32
    "tpu.region"() ({
      %run_scoped3A = tpu.sem_alloc : memref<!tpu.dma_semaphore, #tpu.memory_space<semaphore_mem>>
      %dma_start3A = arith.constant 24 : i32
      %dma_start3A_137 = arith.constant 0 : i32
      %dma_start3A_138 = tpu.memref_slice %arg5[%dma_start3A, %dma_start3A_137] : memref<32x128xi32, #tpu.memory_space<vmem>> -> memref<8x128xi32, #tpu.memory_space<vmem>>
      %dma_start3A_139 = arith.constant 0 : i32
      %dma_start3A_140 = tpu.memref_slice %arg3[%dma_start3A_139, %mul3A_99] : memref<8x16384xi32, #tpu.memory_space<hbm>> -> memref<8x128xi32, #tpu.memory_space<hbm>>
      %dma_start3A_141 = arith.constant 24 : i32
      %dma_start3A_142 = arith.constant 0 : i32
      %dma_start3A_143 = tpu.memref_slice %arg5[%dma_start3A_141, %dma_start3A_142] : memref<32x128xi32, #tpu.memory_space<vmem>> -> memref<8x128xi32, #tpu.memory_space<vmem>>
      %dma_start3A_144 = arith.constant 0 : i32
      %dma_start3A_145 = tpu.memref_slice %arg3[%dma_start3A_144, %mul3A_99] : memref<8x16384xi32, #tpu.memory_space<hbm>> -> memref<8x128xi32, #tpu.memory_space<hbm>>
      tpu.enqueue_dma source(%dma_start3A_145 : memref<8x128xi32, #tpu.memory_space<hbm>>) target(%dma_start3A_143 : memref<8x128xi32, #tpu.memory_space<vmem>>) target_semaphore(%run_scoped3A : memref<!tpu.dma_semaphore, #tpu.memory_space<semaphore_mem>>)
      %dma_wait3A = arith.constant 24 : i32
      %dma_wait3A_146 = arith.constant 0 : i32
      %dma_wait3A_147 = tpu.memref_slice %arg5[%dma_wait3A, %dma_wait3A_146] : memref<32x128xi32, #tpu.memory_space<vmem>> -> memref<8x128xi32, #tpu.memory_space<vmem>>
      %dma_wait3A_148 = arith.constant 0 : i32
      %dma_wait3A_149 = tpu.memref_slice %arg3[%dma_wait3A_148, %mul3A_99] : memref<8x16384xi32, #tpu.memory_space<hbm>> -> memref<8x128xi32, #tpu.memory_space<hbm>>
      %dma_wait3A_150 = arith.constant 24 : i32
      %dma_wait3A_151 = arith.constant 0 : i32
      %dma_wait3A_152 = tpu.memref_slice %arg5[%dma_wait3A_150, %dma_wait3A_151] : memref<32x128xi32, #tpu.memory_space<vmem>> -> memref<8x128xi32, #tpu.memory_space<vmem>>
      %dma_wait3A_153 = arith.constant 0 : i32
      %dma_wait3A_154 = tpu.memref_slice %arg3[%dma_wait3A_153, %mul3A_99] : memref<8x16384xi32, #tpu.memory_space<hbm>> -> memref<8x128xi32, #tpu.memory_space<hbm>>
      tpu.wait_dma2 semaphore(%run_scoped3A : memref<!tpu.dma_semaphore, #tpu.memory_space<semaphore_mem>>) src(%dma_wait3A_154 : memref<8x128xi32, #tpu.memory_space<hbm>>) dst(%dma_wait3A_152 : memref<8x128xi32, #tpu.memory_space<vmem>>)
      tpu.yield
    }) : () -> ()
    %scan3A_100 = arith.constant 0 : i32
    %scan3A_101 = arith.constant 16 : i32
    %scan3A_102 = arith.addi %scan3A_100, %scan3A_101 : i32
    %scan3A_103 = arith.constant 1 : i32
    scf.for %scan3A_137 = %scan3A_100 to %scan3A_102 step %scan3A_103  : i32 {
      %mul3A_138 = arith.constant 13 : i32
      %mul3A_139 = arith.muli %scan3A_137, %mul3A_138 : i32
      %add3A_140 = arith.constant 0 : i32
      %add3A_141 = arith.addi %mul3A_139, %add3A_140 : i32
      %mul3A_142 = arith.constant 16 : i32
      %mul3A_143 = arith.muli %add3A_141, %mul3A_142 : i32
      %add3A_144 = vector.broadcast %mul3A_143 : i32 to vector<16xi32>
      %add3A_145 = arith.addi %add3A_144, %iota3A : vector<16xi32>
      %sub3A = arith.subi %add3A_145, %rem3A_5 : vector<16xi32>
      %shift_right_logical3A = arith.constant 1 : i32
      %shift_right_logical3A_146 = vector.broadcast %shift_right_logical3A : i32 to vector<16xi32>
      %shift_right_logical3A_147 = arith.shrui %sub3A, %shift_right_logical3A_146 : vector<16xi32>
      %mul3A_148 = arith.constant -991146299 : i32
      %mul3A_149 = vector.broadcast %mul3A_148 : i32 to vector<16xi32>
      %mul3A_150 = arith.muli %shift_right_logical3A_147, %mul3A_149 : vector<16xi32>
      %gather3A = tpu.vector_load_idx %arg5[%rem3A_5, %mul3A_150] : memref<32x128xi32, #tpu.memory_space<vmem>>[vector<16xi32>, vector<16xi32>], vector<16xi32>,
      %mul3A_151 = arith.constant 100000 : i32
      %mul3A_152 = vector.broadcast %mul3A_151 : i32 to vector<16xi32>
      %mul3A_153 = arith.muli %rem3A_5, %mul3A_152 : vector<16xi32>
      %add3A_154 = arith.addi %gather3A, %mul3A_153 : vector<16xi32>
      %mul3A_155 = arith.constant 16 : i32
      %mul3A_156 = arith.muli %add3A_141, %mul3A_155 : i32
      %swap3A = arith.index_cast %mul3A_156 : i32 to index
      %swap3A_157 = tpu.vector_load %arg6[%swap3A] {strides = array<i32>} : memref<3328xi32, #tpu.memory_space<vmem>>, vector<16xi32>,
      tpu.vector_store %arg6[%swap3A], %add3A_154 {strides = array<i32>} : memref<3328xi32, #tpu.memory_space<vmem>>, vector<16xi32>,
      %mul3A_158 = arith.constant 13 : i32
      %mul3A_159 = arith.muli %scan3A_137, %mul3A_158 : i32
      %add3A_160 = arith.constant 1 : i32
      %add3A_161 = arith.addi %mul3A_159, %add3A_160 : i32
      %mul3A_162 = arith.constant 16 : i32
      %mul3A_163 = arith.muli %add3A_161, %mul3A_162 : i32
      %add3A_164 = vector.broadcast %mul3A_163 : i32 to vector<16xi32>
      %add3A_165 = arith.addi %add3A_164, %iota3A : vector<16xi32>
      %sub3A_166 = arith.subi %add3A_165, %rem3A_11 : vector<16xi32>
      %shift_right_logical3A_167 = arith.constant 1 : i32
      %shift_right_logical3A_168 = vector.broadcast %shift_right_logical3A_167 : i32 to vector<16xi32>
      %shift_right_logical3A_169 = arith.shrui %sub3A_166, %shift_right_logical3A_168 : vector<16xi32>
      %mul3A_170 = arith.constant -991146299 : i32
      %mul3A_171 = vector.broadcast %mul3A_170 : i32 to vector<16xi32>
      %mul3A_172 = arith.muli %shift_right_logical3A_169, %mul3A_171 : vector<16xi32>
      %gather3A_173 = tpu.vector_load_idx %arg5[%rem3A_11, %mul3A_172] : memref<32x128xi32, #tpu.memory_space<vmem>>[vector<16xi32>, vector<16xi32>], vector<16xi32>,
      %mul3A_174 = arith.constant 100000 : i32
      %mul3A_175 = vector.broadcast %mul3A_174 : i32 to vector<16xi32>
      %mul3A_176 = arith.muli %rem3A_11, %mul3A_175 : vector<16xi32>
      %add3A_177 = arith.addi %gather3A_173, %mul3A_176 : vector<16xi32>
      %mul3A_178 = arith.constant 16 : i32
      %mul3A_179 = arith.muli %add3A_161, %mul3A_178 : i32
      %swap3A_180 = arith.index_cast %mul3A_179 : i32 to index
      %swap3A_181 = tpu.vector_load %arg6[%swap3A_180] {strides = array<i32>} : memref<3328xi32, #tpu.memory_space<vmem>>, vector<16xi32>,
      tpu.vector_store %arg6[%swap3A_180], %add3A_177 {strides = array<i32>} : memref<3328xi32, #tpu.memory_space<vmem>>, vector<16xi32>,
      %mul3A_182 = arith.constant 13 : i32
      %mul3A_183 = arith.muli %scan3A_137, %mul3A_182 : i32
      %add3A_184 = arith.constant 2 : i32
      %add3A_185 = arith.addi %mul3A_183, %add3A_184 : i32
      %mul3A_186 = arith.constant 16 : i32
      %mul3A_187 = arith.muli %add3A_185, %mul3A_186 : i32
      %add3A_188 = vector.broadcast %mul3A_187 : i32 to vector<16xi32>
      %add3A_189 = arith.addi %add3A_188, %iota3A : vector<16xi32>
      %sub3A_190 = arith.subi %add3A_189, %rem3A_17 : vector<16xi32>
      %shift_right_logical3A_191 = arith.constant 1 : i32
      %shift_right_logical3A_192 = vector.broadcast %shift_right_logical3A_191 : i32 to vector<16xi32>
      %shift_right_logical3A_193 = arith.shrui %sub3A_190, %shift_right_logical3A_192 : vector<16xi32>
      %mul3A_194 = arith.constant -991146299 : i32
      %mul3A_195 = vector.broadcast %mul3A_194 : i32 to vector<16xi32>
      %mul3A_196 = arith.muli %shift_right_logical3A_193, %mul3A_195 : vector<16xi32>
      %gather3A_197 = tpu.vector_load_idx %arg5[%rem3A_17, %mul3A_196] : memref<32x128xi32, #tpu.memory_space<vmem>>[vector<16xi32>, vector<16xi32>], vector<16xi32>,
      %mul3A_198 = arith.constant 100000 : i32
      %mul3A_199 = vector.broadcast %mul3A_198 : i32 to vector<16xi32>
      %mul3A_200 = arith.muli %rem3A_17, %mul3A_199 : vector<16xi32>
      %add3A_201 = arith.addi %gather3A_197, %mul3A_200 : vector<16xi32>
      %mul3A_202 = arith.constant 16 : i32
      %mul3A_203 = arith.muli %add3A_185, %mul3A_202 : i32
      %swap3A_204 = arith.index_cast %mul3A_203 : i32 to index
      %swap3A_205 = tpu.vector_load %arg6[%swap3A_204] {strides = array<i32>} : memref<3328xi32, #tpu.memory_space<vmem>>, vector<16xi32>,
      tpu.vector_store %arg6[%swap3A_204], %add3A_201 {strides = array<i32>} : memref<3328xi32, #tpu.memory_space<vmem>>, vector<16xi32>,
      %mul3A_206 = arith.constant 13 : i32
      %mul3A_207 = arith.muli %scan3A_137, %mul3A_206 : i32
      %add3A_208 = arith.constant 3 : i32
      %add3A_209 = arith.addi %mul3A_207, %add3A_208 : i32
      %mul3A_210 = arith.constant 16 : i32
      %mul3A_211 = arith.muli %add3A_209, %mul3A_210 : i32
      %add3A_212 = vector.broadcast %mul3A_211 : i32 to vector<16xi32>
      %add3A_213 = arith.addi %add3A_212, %iota3A : vector<16xi32>
      %sub3A_214 = arith.subi %add3A_213, %rem3A_23 : vector<16xi32>
      %shift_right_logical3A_215 = arith.constant 1 : i32
      %shift_right_logical3A_216 = vector.broadcast %shift_right_logical3A_215 : i32 to vector<16xi32>
      %shift_right_logical3A_217 = arith.shrui %sub3A_214, %shift_right_logical3A_216 : vector<16xi32>
      %mul3A_218 = arith.constant -991146299 : i32
      %mul3A_219 = vector.broadcast %mul3A_218 : i32 to vector<16xi32>
      %mul3A_220 = arith.muli %shift_right_logical3A_217, %mul3A_219 : vector<16xi32>
      %gather3A_221 = tpu.vector_load_idx %arg5[%rem3A_23, %mul3A_220] : memref<32x128xi32, #tpu.memory_space<vmem>>[vector<16xi32>, vector<16xi32>], vector<16xi32>,
      %mul3A_222 = arith.constant 100000 : i32
      %mul3A_223 = vector.broadcast %mul3A_222 : i32 to vector<16xi32>
      %mul3A_224 = arith.muli %rem3A_23, %mul3A_223 : vector<16xi32>
      %add3A_225 = arith.addi %gather3A_221, %mul3A_224 : vector<16xi32>
      %mul3A_226 = arith.constant 16 : i32
      %mul3A_227 = arith.muli %add3A_209, %mul3A_226 : i32
      %swap3A_228 = arith.index_cast %mul3A_227 : i32 to index
      %swap3A_229 = tpu.vector_load %arg6[%swap3A_228] {strides = array<i32>} : memref<3328xi32, #tpu.memory_space<vmem>>, vector<16xi32>,
      tpu.vector_store %arg6[%swap3A_228], %add3A_225 {strides = array<i32>} : memref<3328xi32, #tpu.memory_space<vmem>>, vector<16xi32>,
      %mul3A_230 = arith.constant 13 : i32
      %mul3A_231 = arith.muli %scan3A_137, %mul3A_230 : i32
      %add3A_232 = arith.constant 4 : i32
      %add3A_233 = arith.addi %mul3A_231, %add3A_232 : i32
      %mul3A_234 = arith.constant 16 : i32
      %mul3A_235 = arith.muli %add3A_233, %mul3A_234 : i32
      %add3A_236 = vector.broadcast %mul3A_235 : i32 to vector<16xi32>
      %add3A_237 = arith.addi %add3A_236, %iota3A : vector<16xi32>
      %sub3A_238 = arith.subi %add3A_237, %rem3A_29 : vector<16xi32>
      %shift_right_logical3A_239 = arith.constant 1 : i32
      %shift_right_logical3A_240 = vector.broadcast %shift_right_logical3A_239 : i32 to vector<16xi32>
      %shift_right_logical3A_241 = arith.shrui %sub3A_238, %shift_right_logical3A_240 : vector<16xi32>
      %mul3A_242 = arith.constant -991146299 : i32
      %mul3A_243 = vector.broadcast %mul3A_242 : i32 to vector<16xi32>
      %mul3A_244 = arith.muli %shift_right_logical3A_241, %mul3A_243 : vector<16xi32>
      %gather3A_245 = tpu.vector_load_idx %arg5[%rem3A_29, %mul3A_244] : memref<32x128xi32, #tpu.memory_space<vmem>>[vector<16xi32>, vector<16xi32>], vector<16xi32>,
      %mul3A_246 = arith.constant 100000 : i32
      %mul3A_247 = vector.broadcast %mul3A_246 : i32 to vector<16xi32>
      %mul3A_248 = arith.muli %rem3A_29, %mul3A_247 : vector<16xi32>
      %add3A_249 = arith.addi %gather3A_245, %mul3A_248 : vector<16xi32>
      %mul3A_250 = arith.constant 16 : i32
      %mul3A_251 = arith.muli %add3A_233, %mul3A_250 : i32
      %swap3A_252 = arith.index_cast %mul3A_251 : i32 to index
      %swap3A_253 = tpu.vector_load %arg6[%swap3A_252] {strides = array<i32>} : memref<3328xi32, #tpu.memory_space<vmem>>, vector<16xi32>,
      tpu.vector_store %arg6[%swap3A_252], %add3A_249 {strides = array<i32>} : memref<3328xi32, #tpu.memory_space<vmem>>, vector<16xi32>,
      %mul3A_254 = arith.constant 13 : i32
      %mul3A_255 = arith.muli %scan3A_137, %mul3A_254 : i32
      %add3A_256 = arith.constant 5 : i32
      %add3A_257 = arith.addi %mul3A_255, %add3A_256 : i32
      %mul3A_258 = arith.constant 16 : i32
      %mul3A_259 = arith.muli %add3A_257, %mul3A_258 : i32
      %add3A_260 = vector.broadcast %mul3A_259 : i32 to vector<16xi32>
      %add3A_261 = arith.addi %add3A_260, %iota3A : vector<16xi32>
      %sub3A_262 = arith.subi %add3A_261, %rem3A_35 : vector<16xi32>
      %shift_right_logical3A_263 = arith.constant 1 : i32
      %shift_right_logical3A_264 = vector.broadcast %shift_right_logical3A_263 : i32 to vector<16xi32>
      %shift_right_logical3A_265 = arith.shrui %sub3A_262, %shift_right_logical3A_264 : vector<16xi32>
      %mul3A_266 = arith.constant -991146299 : i32
      %mul3A_267 = vector.broadcast %mul3A_266 : i32 to vector<16xi32>
      %mul3A_268 = arith.muli %shift_right_logical3A_265, %mul3A_267 : vector<16xi32>
      %gather3A_269 = tpu.vector_load_idx %arg5[%rem3A_35, %mul3A_268] : memref<32x128xi32, #tpu.memory_space<vmem>>[vector<16xi32>, vector<16xi32>], vector<16xi32>,
      %mul3A_270 = arith.constant 100000 : i32
      %mul3A_271 = vector.broadcast %mul3A_270 : i32 to vector<16xi32>
      %mul3A_272 = arith.muli %rem3A_35, %mul3A_271 : vector<16xi32>
      %add3A_273 = arith.addi %gather3A_269, %mul3A_272 : vector<16xi32>
      %mul3A_274 = arith.constant 16 : i32
      %mul3A_275 = arith.muli %add3A_257, %mul3A_274 : i32
      %swap3A_276 = arith.index_cast %mul3A_275 : i32 to index
      %swap3A_277 = tpu.vector_load %arg6[%swap3A_276] {strides = array<i32>} : memref<3328xi32, #tpu.memory_space<vmem>>, vector<16xi32>,
      tpu.vector_store %arg6[%swap3A_276], %add3A_273 {strides = array<i32>} : memref<3328xi32, #tpu.memory_space<vmem>>, vector<16xi32>,
      %mul3A_278 = arith.constant 13 : i32
      %mul3A_279 = arith.muli %scan3A_137, %mul3A_278 : i32
      %add3A_280 = arith.constant 6 : i32
      %add3A_281 = arith.addi %mul3A_279, %add3A_280 : i32
      %mul3A_282 = arith.constant 16 : i32
      %mul3A_283 = arith.muli %add3A_281, %mul3A_282 : i32
      %add3A_284 = vector.broadcast %mul3A_283 : i32 to vector<16xi32>
      %add3A_285 = arith.addi %add3A_284, %iota3A : vector<16xi32>
      %sub3A_286 = arith.subi %add3A_285, %rem3A_41 : vector<16xi32>
      %shift_right_logical3A_287 = arith.constant 1 : i32
      %shift_right_logical3A_288 = vector.broadcast %shift_right_logical3A_287 : i32 to vector<16xi32>
      %shift_right_logical3A_289 = arith.shrui %sub3A_286, %shift_right_logical3A_288 : vector<16xi32>
      %mul3A_290 = arith.constant -991146299 : i32
      %mul3A_291 = vector.broadcast %mul3A_290 : i32 to vector<16xi32>
      %mul3A_292 = arith.muli %shift_right_logical3A_289, %mul3A_291 : vector<16xi32>
      %gather3A_293 = tpu.vector_load_idx %arg5[%rem3A_41, %mul3A_292] : memref<32x128xi32, #tpu.memory_space<vmem>>[vector<16xi32>, vector<16xi32>], vector<16xi32>,
      %mul3A_294 = arith.constant 100000 : i32
      %mul3A_295 = vector.broadcast %mul3A_294 : i32 to vector<16xi32>
      %mul3A_296 = arith.muli %rem3A_41, %mul3A_295 : vector<16xi32>
      %add3A_297 = arith.addi %gather3A_293, %mul3A_296 : vector<16xi32>
      %mul3A_298 = arith.constant 16 : i32
      %mul3A_299 = arith.muli %add3A_281, %mul3A_298 : i32
      %swap3A_300 = arith.index_cast %mul3A_299 : i32 to index
      %swap3A_301 = tpu.vector_load %arg6[%swap3A_300] {strides = array<i32>} : memref<3328xi32, #tpu.memory_space<vmem>>, vector<16xi32>,
      tpu.vector_store %arg6[%swap3A_300], %add3A_297 {strides = array<i32>} : memref<3328xi32, #tpu.memory_space<vmem>>, vector<16xi32>,
      %mul3A_302 = arith.constant 13 : i32
      %mul3A_303 = arith.muli %scan3A_137, %mul3A_302 : i32
      %add3A_304 = arith.constant 7 : i32
      %add3A_305 = arith.addi %mul3A_303, %add3A_304 : i32
      %mul3A_306 = arith.constant 16 : i32
      %mul3A_307 = arith.muli %add3A_305, %mul3A_306 : i32
      %add3A_308 = vector.broadcast %mul3A_307 : i32 to vector<16xi32>
      %add3A_309 = arith.addi %add3A_308, %iota3A : vector<16xi32>
      %sub3A_310 = arith.subi %add3A_309, %rem3A_47 : vector<16xi32>
      %shift_right_logical3A_311 = arith.constant 1 : i32
      %shift_right_logical3A_312 = vector.broadcast %shift_right_logical3A_311 : i32 to vector<16xi32>
      %shift_right_logical3A_313 = arith.shrui %sub3A_310, %shift_right_logical3A_312 : vector<16xi32>
      %mul3A_314 = arith.constant -991146299 : i32
      %mul3A_315 = vector.broadcast %mul3A_314 : i32 to vector<16xi32>
      %mul3A_316 = arith.muli %shift_right_logical3A_313, %mul3A_315 : vector<16xi32>
      %gather3A_317 = tpu.vector_load_idx %arg5[%rem3A_47, %mul3A_316] : memref<32x128xi32, #tpu.memory_space<vmem>>[vector<16xi32>, vector<16xi32>], vector<16xi32>,
      %mul3A_318 = arith.constant 100000 : i32
      %mul3A_319 = vector.broadcast %mul3A_318 : i32 to vector<16xi32>
      %mul3A_320 = arith.muli %rem3A_47, %mul3A_319 : vector<16xi32>
      %add3A_321 = arith.addi %gather3A_317, %mul3A_320 : vector<16xi32>
      %mul3A_322 = arith.constant 16 : i32
      %mul3A_323 = arith.muli %add3A_305, %mul3A_322 : i32
      %swap3A_324 = arith.index_cast %mul3A_323 : i32 to index
      %swap3A_325 = tpu.vector_load %arg6[%swap3A_324] {strides = array<i32>} : memref<3328xi32, #tpu.memory_space<vmem>>, vector<16xi32>,
      tpu.vector_store %arg6[%swap3A_324], %add3A_321 {strides = array<i32>} : memref<3328xi32, #tpu.memory_space<vmem>>, vector<16xi32>,
      %mul3A_326 = arith.constant 13 : i32
      %mul3A_327 = arith.muli %scan3A_137, %mul3A_326 : i32
      %add3A_328 = arith.constant 8 : i32
      %add3A_329 = arith.addi %mul3A_327, %add3A_328 : i32
      %mul3A_330 = arith.constant 16 : i32
      %mul3A_331 = arith.muli %add3A_329, %mul3A_330 : i32
      %add3A_332 = vector.broadcast %mul3A_331 : i32 to vector<16xi32>
      %add3A_333 = arith.addi %add3A_332, %iota3A : vector<16xi32>
      %sub3A_334 = arith.subi %add3A_333, %rem3A_53 : vector<16xi32>
      %shift_right_logical3A_335 = arith.constant 1 : i32
      %shift_right_logical3A_336 = vector.broadcast %shift_right_logical3A_335 : i32 to vector<16xi32>
      %shift_right_logical3A_337 = arith.shrui %sub3A_334, %shift_right_logical3A_336 : vector<16xi32>
      %mul3A_338 = arith.constant -991146299 : i32
      %mul3A_339 = vector.broadcast %mul3A_338 : i32 to vector<16xi32>
      %mul3A_340 = arith.muli %shift_right_logical3A_337, %mul3A_339 : vector<16xi32>
      %gather3A_341 = tpu.vector_load_idx %arg5[%rem3A_53, %mul3A_340] : memref<32x128xi32, #tpu.memory_space<vmem>>[vector<16xi32>, vector<16xi32>], vector<16xi32>,
      %mul3A_342 = arith.constant 100000 : i32
      %mul3A_343 = vector.broadcast %mul3A_342 : i32 to vector<16xi32>
      %mul3A_344 = arith.muli %rem3A_53, %mul3A_343 : vector<16xi32>
      %add3A_345 = arith.addi %gather3A_341, %mul3A_344 : vector<16xi32>
      %mul3A_346 = arith.constant 16 : i32
      %mul3A_347 = arith.muli %add3A_329, %mul3A_346 : i32
      %swap3A_348 = arith.index_cast %mul3A_347 : i32 to index
      %swap3A_349 = tpu.vector_load %arg6[%swap3A_348] {strides = array<i32>} : memref<3328xi32, #tpu.memory_space<vmem>>, vector<16xi32>,
      tpu.vector_store %arg6[%swap3A_348], %add3A_345 {strides = array<i32>} : memref<3328xi32, #tpu.memory_space<vmem>>, vector<16xi32>,
      %mul3A_350 = arith.constant 13 : i32
      %mul3A_351 = arith.muli %scan3A_137, %mul3A_350 : i32
      %add3A_352 = arith.constant 9 : i32
      %add3A_353 = arith.addi %mul3A_351, %add3A_352 : i32
      %mul3A_354 = arith.constant 16 : i32
      %mul3A_355 = arith.muli %add3A_353, %mul3A_354 : i32
      %add3A_356 = vector.broadcast %mul3A_355 : i32 to vector<16xi32>
      %add3A_357 = arith.addi %add3A_356, %iota3A : vector<16xi32>
      %sub3A_358 = arith.subi %add3A_357, %rem3A_59 : vector<16xi32>
      %shift_right_logical3A_359 = arith.constant 1 : i32
      %shift_right_logical3A_360 = vector.broadcast %shift_right_logical3A_359 : i32 to vector<16xi32>
      %shift_right_logical3A_361 = arith.shrui %sub3A_358, %shift_right_logical3A_360 : vector<16xi32>
      %mul3A_362 = arith.constant -991146299 : i32
      %mul3A_363 = vector.broadcast %mul3A_362 : i32 to vector<16xi32>
      %mul3A_364 = arith.muli %shift_right_logical3A_361, %mul3A_363 : vector<16xi32>
      %gather3A_365 = tpu.vector_load_idx %arg5[%rem3A_59, %mul3A_364] : memref<32x128xi32, #tpu.memory_space<vmem>>[vector<16xi32>, vector<16xi32>], vector<16xi32>,
      %mul3A_366 = arith.constant 100000 : i32
      %mul3A_367 = vector.broadcast %mul3A_366 : i32 to vector<16xi32>
      %mul3A_368 = arith.muli %rem3A_59, %mul3A_367 : vector<16xi32>
      %add3A_369 = arith.addi %gather3A_365, %mul3A_368 : vector<16xi32>
      %mul3A_370 = arith.constant 16 : i32
      %mul3A_371 = arith.muli %add3A_353, %mul3A_370 : i32
      %swap3A_372 = arith.index_cast %mul3A_371 : i32 to index
      %swap3A_373 = tpu.vector_load %arg6[%swap3A_372] {strides = array<i32>} : memref<3328xi32, #tpu.memory_space<vmem>>, vector<16xi32>,
      tpu.vector_store %arg6[%swap3A_372], %add3A_369 {strides = array<i32>} : memref<3328xi32, #tpu.memory_space<vmem>>, vector<16xi32>,
      %mul3A_374 = arith.constant 13 : i32
      %mul3A_375 = arith.muli %scan3A_137, %mul3A_374 : i32
      %add3A_376 = arith.constant 10 : i32
      %add3A_377 = arith.addi %mul3A_375, %add3A_376 : i32
      %mul3A_378 = arith.constant 16 : i32
      %mul3A_379 = arith.muli %add3A_377, %mul3A_378 : i32
      %add3A_380 = vector.broadcast %mul3A_379 : i32 to vector<16xi32>
      %add3A_381 = arith.addi %add3A_380, %iota3A : vector<16xi32>
      %sub3A_382 = arith.subi %add3A_381, %rem3A_65 : vector<16xi32>
      %shift_right_logical3A_383 = arith.constant 1 : i32
      %shift_right_logical3A_384 = vector.broadcast %shift_right_logical3A_383 : i32 to vector<16xi32>
      %shift_right_logical3A_385 = arith.shrui %sub3A_382, %shift_right_logical3A_384 : vector<16xi32>
      %mul3A_386 = arith.constant -991146299 : i32
      %mul3A_387 = vector.broadcast %mul3A_386 : i32 to vector<16xi32>
      %mul3A_388 = arith.muli %shift_right_logical3A_385, %mul3A_387 : vector<16xi32>
      %gather3A_389 = tpu.vector_load_idx %arg5[%rem3A_65, %mul3A_388] : memref<32x128xi32, #tpu.memory_space<vmem>>[vector<16xi32>, vector<16xi32>], vector<16xi32>,
      %mul3A_390 = arith.constant 100000 : i32
      %mul3A_391 = vector.broadcast %mul3A_390 : i32 to vector<16xi32>
      %mul3A_392 = arith.muli %rem3A_65, %mul3A_391 : vector<16xi32>
      %add3A_393 = arith.addi %gather3A_389, %mul3A_392 : vector<16xi32>
      %mul3A_394 = arith.constant 16 : i32
      %mul3A_395 = arith.muli %add3A_377, %mul3A_394 : i32
      %swap3A_396 = arith.index_cast %mul3A_395 : i32 to index
      %swap3A_397 = tpu.vector_load %arg6[%swap3A_396] {strides = array<i32>} : memref<3328xi32, #tpu.memory_space<vmem>>, vector<16xi32>,
      tpu.vector_store %arg6[%swap3A_396], %add3A_393 {strides = array<i32>} : memref<3328xi32, #tpu.memory_space<vmem>>, vector<16xi32>,
      %mul3A_398 = arith.constant 13 : i32
      %mul3A_399 = arith.muli %scan3A_137, %mul3A_398 : i32
      %add3A_400 = arith.constant 11 : i32
      %add3A_401 = arith.addi %mul3A_399, %add3A_400 : i32
      %mul3A_402 = arith.constant 16 : i32
      %mul3A_403 = arith.muli %add3A_401, %mul3A_402 : i32
      %add3A_404 = vector.broadcast %mul3A_403 : i32 to vector<16xi32>
      %add3A_405 = arith.addi %add3A_404, %iota3A : vector<16xi32>
      %sub3A_406 = arith.subi %add3A_405, %rem3A_71 : vector<16xi32>
      %shift_right_logical3A_407 = arith.constant 1 : i32
      %shift_right_logical3A_408 = vector.broadcast %shift_right_logical3A_407 : i32 to vector<16xi32>
      %shift_right_logical3A_409 = arith.shrui %sub3A_406, %shift_right_logical3A_408 : vector<16xi32>
      %mul3A_410 = arith.constant -991146299 : i32
      %mul3A_411 = vector.broadcast %mul3A_410 : i32 to vector<16xi32>
      %mul3A_412 = arith.muli %shift_right_logical3A_409, %mul3A_411 : vector<16xi32>
      %gather3A_413 = tpu.vector_load_idx %arg5[%rem3A_71, %mul3A_412] : memref<32x128xi32, #tpu.memory_space<vmem>>[vector<16xi32>, vector<16xi32>], vector<16xi32>,
      %mul3A_414 = arith.constant 100000 : i32
      %mul3A_415 = vector.broadcast %mul3A_414 : i32 to vector<16xi32>
      %mul3A_416 = arith.muli %rem3A_71, %mul3A_415 : vector<16xi32>
      %add3A_417 = arith.addi %gather3A_413, %mul3A_416 : vector<16xi32>
      %mul3A_418 = arith.constant 16 : i32
      %mul3A_419 = arith.muli %add3A_401, %mul3A_418 : i32
      %swap3A_420 = arith.index_cast %mul3A_419 : i32 to index
      %swap3A_421 = tpu.vector_load %arg6[%swap3A_420] {strides = array<i32>} : memref<3328xi32, #tpu.memory_space<vmem>>, vector<16xi32>,
      tpu.vector_store %arg6[%swap3A_420], %add3A_417 {strides = array<i32>} : memref<3328xi32, #tpu.memory_space<vmem>>, vector<16xi32>,
      %mul3A_422 = arith.constant 13 : i32
      %mul3A_423 = arith.muli %scan3A_137, %mul3A_422 : i32
      %add3A_424 = arith.constant 12 : i32
      %add3A_425 = arith.addi %mul3A_423, %add3A_424 : i32
      %mul3A_426 = arith.constant 16 : i32
      %mul3A_427 = arith.muli %add3A_425, %mul3A_426 : i32
      %add3A_428 = vector.broadcast %mul3A_427 : i32 to vector<16xi32>
      %add3A_429 = arith.addi %add3A_428, %iota3A : vector<16xi32>
      %sub3A_430 = arith.subi %add3A_429, %rem3A_77 : vector<16xi32>
      %shift_right_logical3A_431 = arith.constant 1 : i32
      %shift_right_logical3A_432 = vector.broadcast %shift_right_logical3A_431 : i32 to vector<16xi32>
      %shift_right_logical3A_433 = arith.shrui %sub3A_430, %shift_right_logical3A_432 : vector<16xi32>
      %mul3A_434 = arith.constant -991146299 : i32
      %mul3A_435 = vector.broadcast %mul3A_434 : i32 to vector<16xi32>
      %mul3A_436 = arith.muli %shift_right_logical3A_433, %mul3A_435 : vector<16xi32>
      %gather3A_437 = tpu.vector_load_idx %arg5[%rem3A_77, %mul3A_436] : memref<32x128xi32, #tpu.memory_space<vmem>>[vector<16xi32>, vector<16xi32>], vector<16xi32>,
      %mul3A_438 = arith.constant 100000 : i32
      %mul3A_439 = vector.broadcast %mul3A_438 : i32 to vector<16xi32>
      %mul3A_440 = arith.muli %rem3A_77, %mul3A_439 : vector<16xi32>
      %add3A_441 = arith.addi %gather3A_437, %mul3A_440 : vector<16xi32>
      %mul3A_442 = arith.constant 16 : i32
      %mul3A_443 = arith.muli %add3A_425, %mul3A_442 : i32
      %swap3A_444 = arith.index_cast %mul3A_443 : i32 to index
      %swap3A_445 = tpu.vector_load %arg6[%swap3A_444] {strides = array<i32>} : memref<3328xi32, #tpu.memory_space<vmem>>, vector<16xi32>,
      tpu.vector_store %arg6[%swap3A_444], %add3A_441 {strides = array<i32>} : memref<3328xi32, #tpu.memory_space<vmem>>, vector<16xi32>,
    }
    %scan3A_104 = arith.constant 16 : i32
    %mul3A_105 = arith.constant 3328 : i32
    %mul3A_106 = arith.muli %add3A_95, %mul3A_105 : i32
    "tpu.region"() ({
      %run_scoped3A = tpu.sem_alloc : memref<!tpu.dma_semaphore, #tpu.memory_space<semaphore_mem>>
      %dma_start3A = tpu.memref_slice %arg4[%mul3A_106] : memref<425984xi32, #tpu.memory_space<hbm>> -> memref<3328xi32, #tpu.memory_space<hbm>>
      %dma_start3A_137 = tpu.memref_slice %arg4[%mul3A_106] : memref<425984xi32, #tpu.memory_space<hbm>> -> memref<3328xi32, #tpu.memory_space<hbm>>
      tpu.enqueue_dma source(%arg6 : memref<3328xi32, #tpu.memory_space<vmem>>) target(%dma_start3A_137 : memref<3328xi32, #tpu.memory_space<hbm>>) target_semaphore(%run_scoped3A : memref<!tpu.dma_semaphore, #tpu.memory_space<semaphore_mem>>)
      %dma_wait3A = tpu.memref_slice %arg4[%mul3A_106] : memref<425984xi32, #tpu.memory_space<hbm>> -> memref<3328xi32, #tpu.memory_space<hbm>>
      %dma_wait3A_138 = tpu.memref_slice %arg4[%mul3A_106] : memref<425984xi32, #tpu.memory_space<hbm>> -> memref<3328xi32, #tpu.memory_space<hbm>>
      tpu.wait_dma2 semaphore(%run_scoped3A : memref<!tpu.dma_semaphore, #tpu.memory_space<semaphore_mem>>) src(%arg6 : memref<3328xi32, #tpu.memory_space<vmem>>) dst(%dma_wait3A_138 : memref<3328xi32, #tpu.memory_space<hbm>>)
      tpu.yield
    }) : () -> ()
    %mul3A_107 = arith.constant 4 : i32
    %mul3A_108 = arith.muli %add3A, %mul3A_107 : i32
    %add3A_109 = arith.constant 2 : i32
    %add3A_110 = arith.addi %mul3A_108, %add3A_109 : i32
    %mul3A_111 = arith.constant 128 : i32
    %mul3A_112 = arith.muli %add3A_110, %mul3A_111 : i32
    "tpu.region"() ({
      %run_scoped3A = tpu.sem_alloc : memref<!tpu.dma_semaphore, #tpu.memory_space<semaphore_mem>>
      %dma_start3A = arith.constant 0 : i32
      %dma_start3A_137 = arith.constant 0 : i32
      %dma_start3A_138 = tpu.memref_slice %arg5[%dma_start3A, %dma_start3A_137] : memref<32x128xi32, #tpu.memory_space<vmem>> -> memref<24x128xi32, #tpu.memory_space<vmem>>
      %dma_start3A_139 = arith.constant 0 : i32
      %dma_start3A_140 = tpu.memref_slice %arg2[%dma_start3A_139, %mul3A_112] : memref<26x16384xi32, #tpu.memory_space<hbm>> -> memref<24x128xi32, #tpu.memory_space<hbm>>
      %dma_start3A_141 = arith.constant 0 : i32
      %dma_start3A_142 = arith.constant 0 : i32
      %dma_start3A_143 = tpu.memref_slice %arg5[%dma_start3A_141, %dma_start3A_142] : memref<32x128xi32, #tpu.memory_space<vmem>> -> memref<24x128xi32, #tpu.memory_space<vmem>>
      %dma_start3A_144 = arith.constant 0 : i32
      %dma_start3A_145 = tpu.memref_slice %arg2[%dma_start3A_144, %mul3A_112] : memref<26x16384xi32, #tpu.memory_space<hbm>> -> memref<24x128xi32, #tpu.memory_space<hbm>>
      tpu.enqueue_dma source(%dma_start3A_145 : memref<24x128xi32, #tpu.memory_space<hbm>>) target(%dma_start3A_143 : memref<24x128xi32, #tpu.memory_space<vmem>>) target_semaphore(%run_scoped3A : memref<!tpu.dma_semaphore, #tpu.memory_space<semaphore_mem>>)
      %dma_wait3A = arith.constant 0 : i32
      %dma_wait3A_146 = arith.constant 0 : i32
      %dma_wait3A_147 = tpu.memref_slice %arg5[%dma_wait3A, %dma_wait3A_146] : memref<32x128xi32, #tpu.memory_space<vmem>> -> memref<24x128xi32, #tpu.memory_space<vmem>>
      %dma_wait3A_148 = arith.constant 0 : i32
      %dma_wait3A_149 = tpu.memref_slice %arg2[%dma_wait3A_148, %mul3A_112] : memref<26x16384xi32, #tpu.memory_space<hbm>> -> memref<24x128xi32, #tpu.memory_space<hbm>>
      %dma_wait3A_150 = arith.constant 0 : i32
      %dma_wait3A_151 = arith.constant 0 : i32
      %dma_wait3A_152 = tpu.memref_slice %arg5[%dma_wait3A_150, %dma_wait3A_151] : memref<32x128xi32, #tpu.memory_space<vmem>> -> memref<24x128xi32, #tpu.memory_space<vmem>>
      %dma_wait3A_153 = arith.constant 0 : i32
      %dma_wait3A_154 = tpu.memref_slice %arg2[%dma_wait3A_153, %mul3A_112] : memref<26x16384xi32, #tpu.memory_space<hbm>> -> memref<24x128xi32, #tpu.memory_space<hbm>>
      tpu.wait_dma2 semaphore(%run_scoped3A : memref<!tpu.dma_semaphore, #tpu.memory_space<semaphore_mem>>) src(%dma_wait3A_154 : memref<24x128xi32, #tpu.memory_space<hbm>>) dst(%dma_wait3A_152 : memref<24x128xi32, #tpu.memory_space<vmem>>)
      tpu.yield
    }) : () -> ()
    %mul3A_113 = arith.constant 128 : i32
    %mul3A_114 = arith.muli %add3A_110, %mul3A_113 : i32
    "tpu.region"() ({
      %run_scoped3A = tpu.sem_alloc : memref<!tpu.dma_semaphore, #tpu.memory_space<semaphore_mem>>
      %dma_start3A = arith.constant 24 : i32
      %dma_start3A_137 = arith.constant 0 : i32
      %dma_start3A_138 = tpu.memref_slice %arg5[%dma_start3A, %dma_start3A_137] : memref<32x128xi32, #tpu.memory_space<vmem>> -> memref<8x128xi32, #tpu.memory_space<vmem>>
      %dma_start3A_139 = arith.constant 0 : i32
      %dma_start3A_140 = tpu.memref_slice %arg3[%dma_start3A_139, %mul3A_114] : memref<8x16384xi32, #tpu.memory_space<hbm>> -> memref<8x128xi32, #tpu.memory_space<hbm>>
      %dma_start3A_141 = arith.constant 24 : i32
      %dma_start3A_142 = arith.constant 0 : i32
      %dma_start3A_143 = tpu.memref_slice %arg5[%dma_start3A_141, %dma_start3A_142] : memref<32x128xi32, #tpu.memory_space<vmem>> -> memref<8x128xi32, #tpu.memory_space<vmem>>
      %dma_start3A_144 = arith.constant 0 : i32
      %dma_start3A_145 = tpu.memref_slice %arg3[%dma_start3A_144, %mul3A_114] : memref<8x16384xi32, #tpu.memory_space<hbm>> -> memref<8x128xi32, #tpu.memory_space<hbm>>
      tpu.enqueue_dma source(%dma_start3A_145 : memref<8x128xi32, #tpu.memory_space<hbm>>) target(%dma_start3A_143 : memref<8x128xi32, #tpu.memory_space<vmem>>) target_semaphore(%run_scoped3A : memref<!tpu.dma_semaphore, #tpu.memory_space<semaphore_mem>>)
      %dma_wait3A = arith.constant 24 : i32
      %dma_wait3A_146 = arith.constant 0 : i32
      %dma_wait3A_147 = tpu.memref_slice %arg5[%dma_wait3A, %dma_wait3A_146] : memref<32x128xi32, #tpu.memory_space<vmem>> -> memref<8x128xi32, #tpu.memory_space<vmem>>
      %dma_wait3A_148 = arith.constant 0 : i32
      %dma_wait3A_149 = tpu.memref_slice %arg3[%dma_wait3A_148, %mul3A_114] : memref<8x16384xi32, #tpu.memory_space<hbm>> -> memref<8x128xi32, #tpu.memory_space<hbm>>
      %dma_wait3A_150 = arith.constant 24 : i32
      %dma_wait3A_151 = arith.constant 0 : i32
      %dma_wait3A_152 = tpu.memref_slice %arg5[%dma_wait3A_150, %dma_wait3A_151] : memref<32x128xi32, #tpu.memory_space<vmem>> -> memref<8x128xi32, #tpu.memory_space<vmem>>
      %dma_wait3A_153 = arith.constant 0 : i32
      %dma_wait3A_154 = tpu.memref_slice %arg3[%dma_wait3A_153, %mul3A_114] : memref<8x16384xi32, #tpu.memory_space<hbm>> -> memref<8x128xi32, #tpu.memory_space<hbm>>
      tpu.wait_dma2 semaphore(%run_scoped3A : memref<!tpu.dma_semaphore, #tpu.memory_space<semaphore_mem>>) src(%dma_wait3A_154 : memref<8x128xi32, #tpu.memory_space<hbm>>) dst(%dma_wait3A_152 : memref<8x128xi32, #tpu.memory_space<vmem>>)
      tpu.yield
    }) : () -> ()
    %scan3A_115 = arith.constant 0 : i32
    %scan3A_116 = arith.constant 16 : i32
    %scan3A_117 = arith.addi %scan3A_115, %scan3A_116 : i32
    %scan3A_118 = arith.constant 1 : i32
    scf.for %scan3A_137 = %scan3A_115 to %scan3A_117 step %scan3A_118  : i32 {
      %mul3A_138 = arith.constant 13 : i32
      %mul3A_139 = arith.muli %scan3A_137, %mul3A_138 : i32
      %add3A_140 = arith.constant 0 : i32
      %add3A_141 = arith.addi %mul3A_139, %add3A_140 : i32
      %mul3A_142 = arith.constant 16 : i32
      %mul3A_143 = arith.muli %add3A_141, %mul3A_142 : i32
      %add3A_144 = vector.broadcast %mul3A_143 : i32 to vector<16xi32>
      %add3A_145 = arith.addi %add3A_144, %iota3A : vector<16xi32>
      %sub3A = arith.subi %add3A_145, %rem3A_5 : vector<16xi32>
      %shift_right_logical3A = arith.constant 1 : i32
      %shift_right_logical3A_146 = vector.broadcast %shift_right_logical3A : i32 to vector<16xi32>
      %shift_right_logical3A_147 = arith.shrui %sub3A, %shift_right_logical3A_146 : vector<16xi32>
      %mul3A_148 = arith.constant -991146299 : i32
      %mul3A_149 = vector.broadcast %mul3A_148 : i32 to vector<16xi32>
      %mul3A_150 = arith.muli %shift_right_logical3A_147, %mul3A_149 : vector<16xi32>
      %gather3A = tpu.vector_load_idx %arg5[%rem3A_5, %mul3A_150] : memref<32x128xi32, #tpu.memory_space<vmem>>[vector<16xi32>, vector<16xi32>], vector<16xi32>,
      %mul3A_151 = arith.constant 100000 : i32
      %mul3A_152 = vector.broadcast %mul3A_151 : i32 to vector<16xi32>
      %mul3A_153 = arith.muli %rem3A_5, %mul3A_152 : vector<16xi32>
      %add3A_154 = arith.addi %gather3A, %mul3A_153 : vector<16xi32>
      %mul3A_155 = arith.constant 16 : i32
      %mul3A_156 = arith.muli %add3A_141, %mul3A_155 : i32
      %swap3A = arith.index_cast %mul3A_156 : i32 to index
      %swap3A_157 = tpu.vector_load %arg6[%swap3A] {strides = array<i32>} : memref<3328xi32, #tpu.memory_space<vmem>>, vector<16xi32>,
      tpu.vector_store %arg6[%swap3A], %add3A_154 {strides = array<i32>} : memref<3328xi32, #tpu.memory_space<vmem>>, vector<16xi32>,
      %mul3A_158 = arith.constant 13 : i32
      %mul3A_159 = arith.muli %scan3A_137, %mul3A_158 : i32
      %add3A_160 = arith.constant 1 : i32
      %add3A_161 = arith.addi %mul3A_159, %add3A_160 : i32
      %mul3A_162 = arith.constant 16 : i32
      %mul3A_163 = arith.muli %add3A_161, %mul3A_162 : i32
      %add3A_164 = vector.broadcast %mul3A_163 : i32 to vector<16xi32>
      %add3A_165 = arith.addi %add3A_164, %iota3A : vector<16xi32>
      %sub3A_166 = arith.subi %add3A_165, %rem3A_11 : vector<16xi32>
      %shift_right_logical3A_167 = arith.constant 1 : i32
      %shift_right_logical3A_168 = vector.broadcast %shift_right_logical3A_167 : i32 to vector<16xi32>
      %shift_right_logical3A_169 = arith.shrui %sub3A_166, %shift_right_logical3A_168 : vector<16xi32>
      %mul3A_170 = arith.constant -991146299 : i32
      %mul3A_171 = vector.broadcast %mul3A_170 : i32 to vector<16xi32>
      %mul3A_172 = arith.muli %shift_right_logical3A_169, %mul3A_171 : vector<16xi32>
      %gather3A_173 = tpu.vector_load_idx %arg5[%rem3A_11, %mul3A_172] : memref<32x128xi32, #tpu.memory_space<vmem>>[vector<16xi32>, vector<16xi32>], vector<16xi32>,
      %mul3A_174 = arith.constant 100000 : i32
      %mul3A_175 = vector.broadcast %mul3A_174 : i32 to vector<16xi32>
      %mul3A_176 = arith.muli %rem3A_11, %mul3A_175 : vector<16xi32>
      %add3A_177 = arith.addi %gather3A_173, %mul3A_176 : vector<16xi32>
      %mul3A_178 = arith.constant 16 : i32
      %mul3A_179 = arith.muli %add3A_161, %mul3A_178 : i32
      %swap3A_180 = arith.index_cast %mul3A_179 : i32 to index
      %swap3A_181 = tpu.vector_load %arg6[%swap3A_180] {strides = array<i32>} : memref<3328xi32, #tpu.memory_space<vmem>>, vector<16xi32>,
      tpu.vector_store %arg6[%swap3A_180], %add3A_177 {strides = array<i32>} : memref<3328xi32, #tpu.memory_space<vmem>>, vector<16xi32>,
      %mul3A_182 = arith.constant 13 : i32
      %mul3A_183 = arith.muli %scan3A_137, %mul3A_182 : i32
      %add3A_184 = arith.constant 2 : i32
      %add3A_185 = arith.addi %mul3A_183, %add3A_184 : i32
      %mul3A_186 = arith.constant 16 : i32
      %mul3A_187 = arith.muli %add3A_185, %mul3A_186 : i32
      %add3A_188 = vector.broadcast %mul3A_187 : i32 to vector<16xi32>
      %add3A_189 = arith.addi %add3A_188, %iota3A : vector<16xi32>
      %sub3A_190 = arith.subi %add3A_189, %rem3A_17 : vector<16xi32>
      %shift_right_logical3A_191 = arith.constant 1 : i32
      %shift_right_logical3A_192 = vector.broadcast %shift_right_logical3A_191 : i32 to vector<16xi32>
      %shift_right_logical3A_193 = arith.shrui %sub3A_190, %shift_right_logical3A_192 : vector<16xi32>
      %mul3A_194 = arith.constant -991146299 : i32
      %mul3A_195 = vector.broadcast %mul3A_194 : i32 to vector<16xi32>
      %mul3A_196 = arith.muli %shift_right_logical3A_193, %mul3A_195 : vector<16xi32>
      %gather3A_197 = tpu.vector_load_idx %arg5[%rem3A_17, %mul3A_196] : memref<32x128xi32, #tpu.memory_space<vmem>>[vector<16xi32>, vector<16xi32>], vector<16xi32>,
      %mul3A_198 = arith.constant 100000 : i32
      %mul3A_199 = vector.broadcast %mul3A_198 : i32 to vector<16xi32>
      %mul3A_200 = arith.muli %rem3A_17, %mul3A_199 : vector<16xi32>
      %add3A_201 = arith.addi %gather3A_197, %mul3A_200 : vector<16xi32>
      %mul3A_202 = arith.constant 16 : i32
      %mul3A_203 = arith.muli %add3A_185, %mul3A_202 : i32
      %swap3A_204 = arith.index_cast %mul3A_203 : i32 to index
      %swap3A_205 = tpu.vector_load %arg6[%swap3A_204] {strides = array<i32>} : memref<3328xi32, #tpu.memory_space<vmem>>, vector<16xi32>,
      tpu.vector_store %arg6[%swap3A_204], %add3A_201 {strides = array<i32>} : memref<3328xi32, #tpu.memory_space<vmem>>, vector<16xi32>,
      %mul3A_206 = arith.constant 13 : i32
      %mul3A_207 = arith.muli %scan3A_137, %mul3A_206 : i32
      %add3A_208 = arith.constant 3 : i32
      %add3A_209 = arith.addi %mul3A_207, %add3A_208 : i32
      %mul3A_210 = arith.constant 16 : i32
      %mul3A_211 = arith.muli %add3A_209, %mul3A_210 : i32
      %add3A_212 = vector.broadcast %mul3A_211 : i32 to vector<16xi32>
      %add3A_213 = arith.addi %add3A_212, %iota3A : vector<16xi32>
      %sub3A_214 = arith.subi %add3A_213, %rem3A_23 : vector<16xi32>
      %shift_right_logical3A_215 = arith.constant 1 : i32
      %shift_right_logical3A_216 = vector.broadcast %shift_right_logical3A_215 : i32 to vector<16xi32>
      %shift_right_logical3A_217 = arith.shrui %sub3A_214, %shift_right_logical3A_216 : vector<16xi32>
      %mul3A_218 = arith.constant -991146299 : i32
      %mul3A_219 = vector.broadcast %mul3A_218 : i32 to vector<16xi32>
      %mul3A_220 = arith.muli %shift_right_logical3A_217, %mul3A_219 : vector<16xi32>
      %gather3A_221 = tpu.vector_load_idx %arg5[%rem3A_23, %mul3A_220] : memref<32x128xi32, #tpu.memory_space<vmem>>[vector<16xi32>, vector<16xi32>], vector<16xi32>,
      %mul3A_222 = arith.constant 100000 : i32
      %mul3A_223 = vector.broadcast %mul3A_222 : i32 to vector<16xi32>
      %mul3A_224 = arith.muli %rem3A_23, %mul3A_223 : vector<16xi32>
      %add3A_225 = arith.addi %gather3A_221, %mul3A_224 : vector<16xi32>
      %mul3A_226 = arith.constant 16 : i32
      %mul3A_227 = arith.muli %add3A_209, %mul3A_226 : i32
      %swap3A_228 = arith.index_cast %mul3A_227 : i32 to index
      %swap3A_229 = tpu.vector_load %arg6[%swap3A_228] {strides = array<i32>} : memref<3328xi32, #tpu.memory_space<vmem>>, vector<16xi32>,
      tpu.vector_store %arg6[%swap3A_228], %add3A_225 {strides = array<i32>} : memref<3328xi32, #tpu.memory_space<vmem>>, vector<16xi32>,
      %mul3A_230 = arith.constant 13 : i32
      %mul3A_231 = arith.muli %scan3A_137, %mul3A_230 : i32
      %add3A_232 = arith.constant 4 : i32
      %add3A_233 = arith.addi %mul3A_231, %add3A_232 : i32
      %mul3A_234 = arith.constant 16 : i32
      %mul3A_235 = arith.muli %add3A_233, %mul3A_234 : i32
      %add3A_236 = vector.broadcast %mul3A_235 : i32 to vector<16xi32>
      %add3A_237 = arith.addi %add3A_236, %iota3A : vector<16xi32>
      %sub3A_238 = arith.subi %add3A_237, %rem3A_29 : vector<16xi32>
      %shift_right_logical3A_239 = arith.constant 1 : i32
      %shift_right_logical3A_240 = vector.broadcast %shift_right_logical3A_239 : i32 to vector<16xi32>
      %shift_right_logical3A_241 = arith.shrui %sub3A_238, %shift_right_logical3A_240 : vector<16xi32>
      %mul3A_242 = arith.constant -991146299 : i32
      %mul3A_243 = vector.broadcast %mul3A_242 : i32 to vector<16xi32>
      %mul3A_244 = arith.muli %shift_right_logical3A_241, %mul3A_243 : vector<16xi32>
      %gather3A_245 = tpu.vector_load_idx %arg5[%rem3A_29, %mul3A_244] : memref<32x128xi32, #tpu.memory_space<vmem>>[vector<16xi32>, vector<16xi32>], vector<16xi32>,
      %mul3A_246 = arith.constant 100000 : i32
      %mul3A_247 = vector.broadcast %mul3A_246 : i32 to vector<16xi32>
      %mul3A_248 = arith.muli %rem3A_29, %mul3A_247 : vector<16xi32>
      %add3A_249 = arith.addi %gather3A_245, %mul3A_248 : vector<16xi32>
      %mul3A_250 = arith.constant 16 : i32
      %mul3A_251 = arith.muli %add3A_233, %mul3A_250 : i32
      %swap3A_252 = arith.index_cast %mul3A_251 : i32 to index
      %swap3A_253 = tpu.vector_load %arg6[%swap3A_252] {strides = array<i32>} : memref<3328xi32, #tpu.memory_space<vmem>>, vector<16xi32>,
      tpu.vector_store %arg6[%swap3A_252], %add3A_249 {strides = array<i32>} : memref<3328xi32, #tpu.memory_space<vmem>>, vector<16xi32>,
      %mul3A_254 = arith.constant 13 : i32
      %mul3A_255 = arith.muli %scan3A_137, %mul3A_254 : i32
      %add3A_256 = arith.constant 5 : i32
      %add3A_257 = arith.addi %mul3A_255, %add3A_256 : i32
      %mul3A_258 = arith.constant 16 : i32
      %mul3A_259 = arith.muli %add3A_257, %mul3A_258 : i32
      %add3A_260 = vector.broadcast %mul3A_259 : i32 to vector<16xi32>
      %add3A_261 = arith.addi %add3A_260, %iota3A : vector<16xi32>
      %sub3A_262 = arith.subi %add3A_261, %rem3A_35 : vector<16xi32>
      %shift_right_logical3A_263 = arith.constant 1 : i32
      %shift_right_logical3A_264 = vector.broadcast %shift_right_logical3A_263 : i32 to vector<16xi32>
      %shift_right_logical3A_265 = arith.shrui %sub3A_262, %shift_right_logical3A_264 : vector<16xi32>
      %mul3A_266 = arith.constant -991146299 : i32
      %mul3A_267 = vector.broadcast %mul3A_266 : i32 to vector<16xi32>
      %mul3A_268 = arith.muli %shift_right_logical3A_265, %mul3A_267 : vector<16xi32>
      %gather3A_269 = tpu.vector_load_idx %arg5[%rem3A_35, %mul3A_268] : memref<32x128xi32, #tpu.memory_space<vmem>>[vector<16xi32>, vector<16xi32>], vector<16xi32>,
      %mul3A_270 = arith.constant 100000 : i32
      %mul3A_271 = vector.broadcast %mul3A_270 : i32 to vector<16xi32>
      %mul3A_272 = arith.muli %rem3A_35, %mul3A_271 : vector<16xi32>
      %add3A_273 = arith.addi %gather3A_269, %mul3A_272 : vector<16xi32>
      %mul3A_274 = arith.constant 16 : i32
      %mul3A_275 = arith.muli %add3A_257, %mul3A_274 : i32
      %swap3A_276 = arith.index_cast %mul3A_275 : i32 to index
      %swap3A_277 = tpu.vector_load %arg6[%swap3A_276] {strides = array<i32>} : memref<3328xi32, #tpu.memory_space<vmem>>, vector<16xi32>,
      tpu.vector_store %arg6[%swap3A_276], %add3A_273 {strides = array<i32>} : memref<3328xi32, #tpu.memory_space<vmem>>, vector<16xi32>,
      %mul3A_278 = arith.constant 13 : i32
      %mul3A_279 = arith.muli %scan3A_137, %mul3A_278 : i32
      %add3A_280 = arith.constant 6 : i32
      %add3A_281 = arith.addi %mul3A_279, %add3A_280 : i32
      %mul3A_282 = arith.constant 16 : i32
      %mul3A_283 = arith.muli %add3A_281, %mul3A_282 : i32
      %add3A_284 = vector.broadcast %mul3A_283 : i32 to vector<16xi32>
      %add3A_285 = arith.addi %add3A_284, %iota3A : vector<16xi32>
      %sub3A_286 = arith.subi %add3A_285, %rem3A_41 : vector<16xi32>
      %shift_right_logical3A_287 = arith.constant 1 : i32
      %shift_right_logical3A_288 = vector.broadcast %shift_right_logical3A_287 : i32 to vector<16xi32>
      %shift_right_logical3A_289 = arith.shrui %sub3A_286, %shift_right_logical3A_288 : vector<16xi32>
      %mul3A_290 = arith.constant -991146299 : i32
      %mul3A_291 = vector.broadcast %mul3A_290 : i32 to vector<16xi32>
      %mul3A_292 = arith.muli %shift_right_logical3A_289, %mul3A_291 : vector<16xi32>
      %gather3A_293 = tpu.vector_load_idx %arg5[%rem3A_41, %mul3A_292] : memref<32x128xi32, #tpu.memory_space<vmem>>[vector<16xi32>, vector<16xi32>], vector<16xi32>,
      %mul3A_294 = arith.constant 100000 : i32
      %mul3A_295 = vector.broadcast %mul3A_294 : i32 to vector<16xi32>
      %mul3A_296 = arith.muli %rem3A_41, %mul3A_295 : vector<16xi32>
      %add3A_297 = arith.addi %gather3A_293, %mul3A_296 : vector<16xi32>
      %mul3A_298 = arith.constant 16 : i32
      %mul3A_299 = arith.muli %add3A_281, %mul3A_298 : i32
      %swap3A_300 = arith.index_cast %mul3A_299 : i32 to index
      %swap3A_301 = tpu.vector_load %arg6[%swap3A_300] {strides = array<i32>} : memref<3328xi32, #tpu.memory_space<vmem>>, vector<16xi32>,
      tpu.vector_store %arg6[%swap3A_300], %add3A_297 {strides = array<i32>} : memref<3328xi32, #tpu.memory_space<vmem>>, vector<16xi32>,
      %mul3A_302 = arith.constant 13 : i32
      %mul3A_303 = arith.muli %scan3A_137, %mul3A_302 : i32
      %add3A_304 = arith.constant 7 : i32
      %add3A_305 = arith.addi %mul3A_303, %add3A_304 : i32
      %mul3A_306 = arith.constant 16 : i32
      %mul3A_307 = arith.muli %add3A_305, %mul3A_306 : i32
      %add3A_308 = vector.broadcast %mul3A_307 : i32 to vector<16xi32>
      %add3A_309 = arith.addi %add3A_308, %iota3A : vector<16xi32>
      %sub3A_310 = arith.subi %add3A_309, %rem3A_47 : vector<16xi32>
      %shift_right_logical3A_311 = arith.constant 1 : i32
      %shift_right_logical3A_312 = vector.broadcast %shift_right_logical3A_311 : i32 to vector<16xi32>
      %shift_right_logical3A_313 = arith.shrui %sub3A_310, %shift_right_logical3A_312 : vector<16xi32>
      %mul3A_314 = arith.constant -991146299 : i32
      %mul3A_315 = vector.broadcast %mul3A_314 : i32 to vector<16xi32>
      %mul3A_316 = arith.muli %shift_right_logical3A_313, %mul3A_315 : vector<16xi32>
      %gather3A_317 = tpu.vector_load_idx %arg5[%rem3A_47, %mul3A_316] : memref<32x128xi32, #tpu.memory_space<vmem>>[vector<16xi32>, vector<16xi32>], vector<16xi32>,
      %mul3A_318 = arith.constant 100000 : i32
      %mul3A_319 = vector.broadcast %mul3A_318 : i32 to vector<16xi32>
      %mul3A_320 = arith.muli %rem3A_47, %mul3A_319 : vector<16xi32>
      %add3A_321 = arith.addi %gather3A_317, %mul3A_320 : vector<16xi32>
      %mul3A_322 = arith.constant 16 : i32
      %mul3A_323 = arith.muli %add3A_305, %mul3A_322 : i32
      %swap3A_324 = arith.index_cast %mul3A_323 : i32 to index
      %swap3A_325 = tpu.vector_load %arg6[%swap3A_324] {strides = array<i32>} : memref<3328xi32, #tpu.memory_space<vmem>>, vector<16xi32>,
      tpu.vector_store %arg6[%swap3A_324], %add3A_321 {strides = array<i32>} : memref<3328xi32, #tpu.memory_space<vmem>>, vector<16xi32>,
      %mul3A_326 = arith.constant 13 : i32
      %mul3A_327 = arith.muli %scan3A_137, %mul3A_326 : i32
      %add3A_328 = arith.constant 8 : i32
      %add3A_329 = arith.addi %mul3A_327, %add3A_328 : i32
      %mul3A_330 = arith.constant 16 : i32
      %mul3A_331 = arith.muli %add3A_329, %mul3A_330 : i32
      %add3A_332 = vector.broadcast %mul3A_331 : i32 to vector<16xi32>
      %add3A_333 = arith.addi %add3A_332, %iota3A : vector<16xi32>
      %sub3A_334 = arith.subi %add3A_333, %rem3A_53 : vector<16xi32>
      %shift_right_logical3A_335 = arith.constant 1 : i32
      %shift_right_logical3A_336 = vector.broadcast %shift_right_logical3A_335 : i32 to vector<16xi32>
      %shift_right_logical3A_337 = arith.shrui %sub3A_334, %shift_right_logical3A_336 : vector<16xi32>
      %mul3A_338 = arith.constant -991146299 : i32
      %mul3A_339 = vector.broadcast %mul3A_338 : i32 to vector<16xi32>
      %mul3A_340 = arith.muli %shift_right_logical3A_337, %mul3A_339 : vector<16xi32>
      %gather3A_341 = tpu.vector_load_idx %arg5[%rem3A_53, %mul3A_340] : memref<32x128xi32, #tpu.memory_space<vmem>>[vector<16xi32>, vector<16xi32>], vector<16xi32>,
      %mul3A_342 = arith.constant 100000 : i32
      %mul3A_343 = vector.broadcast %mul3A_342 : i32 to vector<16xi32>
      %mul3A_344 = arith.muli %rem3A_53, %mul3A_343 : vector<16xi32>
      %add3A_345 = arith.addi %gather3A_341, %mul3A_344 : vector<16xi32>
      %mul3A_346 = arith.constant 16 : i32
      %mul3A_347 = arith.muli %add3A_329, %mul3A_346 : i32
      %swap3A_348 = arith.index_cast %mul3A_347 : i32 to index
      %swap3A_349 = tpu.vector_load %arg6[%swap3A_348] {strides = array<i32>} : memref<3328xi32, #tpu.memory_space<vmem>>, vector<16xi32>,
      tpu.vector_store %arg6[%swap3A_348], %add3A_345 {strides = array<i32>} : memref<3328xi32, #tpu.memory_space<vmem>>, vector<16xi32>,
      %mul3A_350 = arith.constant 13 : i32
      %mul3A_351 = arith.muli %scan3A_137, %mul3A_350 : i32
      %add3A_352 = arith.constant 9 : i32
      %add3A_353 = arith.addi %mul3A_351, %add3A_352 : i32
      %mul3A_354 = arith.constant 16 : i32
      %mul3A_355 = arith.muli %add3A_353, %mul3A_354 : i32
      %add3A_356 = vector.broadcast %mul3A_355 : i32 to vector<16xi32>
      %add3A_357 = arith.addi %add3A_356, %iota3A : vector<16xi32>
      %sub3A_358 = arith.subi %add3A_357, %rem3A_59 : vector<16xi32>
      %shift_right_logical3A_359 = arith.constant 1 : i32
      %shift_right_logical3A_360 = vector.broadcast %shift_right_logical3A_359 : i32 to vector<16xi32>
      %shift_right_logical3A_361 = arith.shrui %sub3A_358, %shift_right_logical3A_360 : vector<16xi32>
      %mul3A_362 = arith.constant -991146299 : i32
      %mul3A_363 = vector.broadcast %mul3A_362 : i32 to vector<16xi32>
      %mul3A_364 = arith.muli %shift_right_logical3A_361, %mul3A_363 : vector<16xi32>
      %gather3A_365 = tpu.vector_load_idx %arg5[%rem3A_59, %mul3A_364] : memref<32x128xi32, #tpu.memory_space<vmem>>[vector<16xi32>, vector<16xi32>], vector<16xi32>,
      %mul3A_366 = arith.constant 100000 : i32
      %mul3A_367 = vector.broadcast %mul3A_366 : i32 to vector<16xi32>
      %mul3A_368 = arith.muli %rem3A_59, %mul3A_367 : vector<16xi32>
      %add3A_369 = arith.addi %gather3A_365, %mul3A_368 : vector<16xi32>
      %mul3A_370 = arith.constant 16 : i32
      %mul3A_371 = arith.muli %add3A_353, %mul3A_370 : i32
      %swap3A_372 = arith.index_cast %mul3A_371 : i32 to index
      %swap3A_373 = tpu.vector_load %arg6[%swap3A_372] {strides = array<i32>} : memref<3328xi32, #tpu.memory_space<vmem>>, vector<16xi32>,
      tpu.vector_store %arg6[%swap3A_372], %add3A_369 {strides = array<i32>} : memref<3328xi32, #tpu.memory_space<vmem>>, vector<16xi32>,
      %mul3A_374 = arith.constant 13 : i32
      %mul3A_375 = arith.muli %scan3A_137, %mul3A_374 : i32
      %add3A_376 = arith.constant 10 : i32
      %add3A_377 = arith.addi %mul3A_375, %add3A_376 : i32
      %mul3A_378 = arith.constant 16 : i32
      %mul3A_379 = arith.muli %add3A_377, %mul3A_378 : i32
      %add3A_380 = vector.broadcast %mul3A_379 : i32 to vector<16xi32>
      %add3A_381 = arith.addi %add3A_380, %iota3A : vector<16xi32>
      %sub3A_382 = arith.subi %add3A_381, %rem3A_65 : vector<16xi32>
      %shift_right_logical3A_383 = arith.constant 1 : i32
      %shift_right_logical3A_384 = vector.broadcast %shift_right_logical3A_383 : i32 to vector<16xi32>
      %shift_right_logical3A_385 = arith.shrui %sub3A_382, %shift_right_logical3A_384 : vector<16xi32>
      %mul3A_386 = arith.constant -991146299 : i32
      %mul3A_387 = vector.broadcast %mul3A_386 : i32 to vector<16xi32>
      %mul3A_388 = arith.muli %shift_right_logical3A_385, %mul3A_387 : vector<16xi32>
      %gather3A_389 = tpu.vector_load_idx %arg5[%rem3A_65, %mul3A_388] : memref<32x128xi32, #tpu.memory_space<vmem>>[vector<16xi32>, vector<16xi32>], vector<16xi32>,
      %mul3A_390 = arith.constant 100000 : i32
      %mul3A_391 = vector.broadcast %mul3A_390 : i32 to vector<16xi32>
      %mul3A_392 = arith.muli %rem3A_65, %mul3A_391 : vector<16xi32>
      %add3A_393 = arith.addi %gather3A_389, %mul3A_392 : vector<16xi32>
      %mul3A_394 = arith.constant 16 : i32
      %mul3A_395 = arith.muli %add3A_377, %mul3A_394 : i32
      %swap3A_396 = arith.index_cast %mul3A_395 : i32 to index
      %swap3A_397 = tpu.vector_load %arg6[%swap3A_396] {strides = array<i32>} : memref<3328xi32, #tpu.memory_space<vmem>>, vector<16xi32>,
      tpu.vector_store %arg6[%swap3A_396], %add3A_393 {strides = array<i32>} : memref<3328xi32, #tpu.memory_space<vmem>>, vector<16xi32>,
      %mul3A_398 = arith.constant 13 : i32
      %mul3A_399 = arith.muli %scan3A_137, %mul3A_398 : i32
      %add3A_400 = arith.constant 11 : i32
      %add3A_401 = arith.addi %mul3A_399, %add3A_400 : i32
      %mul3A_402 = arith.constant 16 : i32
      %mul3A_403 = arith.muli %add3A_401, %mul3A_402 : i32
      %add3A_404 = vector.broadcast %mul3A_403 : i32 to vector<16xi32>
      %add3A_405 = arith.addi %add3A_404, %iota3A : vector<16xi32>
      %sub3A_406 = arith.subi %add3A_405, %rem3A_71 : vector<16xi32>
      %shift_right_logical3A_407 = arith.constant 1 : i32
      %shift_right_logical3A_408 = vector.broadcast %shift_right_logical3A_407 : i32 to vector<16xi32>
      %shift_right_logical3A_409 = arith.shrui %sub3A_406, %shift_right_logical3A_408 : vector<16xi32>
      %mul3A_410 = arith.constant -991146299 : i32
      %mul3A_411 = vector.broadcast %mul3A_410 : i32 to vector<16xi32>
      %mul3A_412 = arith.muli %shift_right_logical3A_409, %mul3A_411 : vector<16xi32>
      %gather3A_413 = tpu.vector_load_idx %arg5[%rem3A_71, %mul3A_412] : memref<32x128xi32, #tpu.memory_space<vmem>>[vector<16xi32>, vector<16xi32>], vector<16xi32>,
      %mul3A_414 = arith.constant 100000 : i32
      %mul3A_415 = vector.broadcast %mul3A_414 : i32 to vector<16xi32>
      %mul3A_416 = arith.muli %rem3A_71, %mul3A_415 : vector<16xi32>
      %add3A_417 = arith.addi %gather3A_413, %mul3A_416 : vector<16xi32>
      %mul3A_418 = arith.constant 16 : i32
      %mul3A_419 = arith.muli %add3A_401, %mul3A_418 : i32
      %swap3A_420 = arith.index_cast %mul3A_419 : i32 to index
      %swap3A_421 = tpu.vector_load %arg6[%swap3A_420] {strides = array<i32>} : memref<3328xi32, #tpu.memory_space<vmem>>, vector<16xi32>,
      tpu.vector_store %arg6[%swap3A_420], %add3A_417 {strides = array<i32>} : memref<3328xi32, #tpu.memory_space<vmem>>, vector<16xi32>,
      %mul3A_422 = arith.constant 13 : i32
      %mul3A_423 = arith.muli %scan3A_137, %mul3A_422 : i32
      %add3A_424 = arith.constant 12 : i32
      %add3A_425 = arith.addi %mul3A_423, %add3A_424 : i32
      %mul3A_426 = arith.constant 16 : i32
      %mul3A_427 = arith.muli %add3A_425, %mul3A_426 : i32
      %add3A_428 = vector.broadcast %mul3A_427 : i32 to vector<16xi32>
      %add3A_429 = arith.addi %add3A_428, %iota3A : vector<16xi32>
      %sub3A_430 = arith.subi %add3A_429, %rem3A_77 : vector<16xi32>
      %shift_right_logical3A_431 = arith.constant 1 : i32
      %shift_right_logical3A_432 = vector.broadcast %shift_right_logical3A_431 : i32 to vector<16xi32>
      %shift_right_logical3A_433 = arith.shrui %sub3A_430, %shift_right_logical3A_432 : vector<16xi32>
      %mul3A_434 = arith.constant -991146299 : i32
      %mul3A_435 = vector.broadcast %mul3A_434 : i32 to vector<16xi32>
      %mul3A_436 = arith.muli %shift_right_logical3A_433, %mul3A_435 : vector<16xi32>
      %gather3A_437 = tpu.vector_load_idx %arg5[%rem3A_77, %mul3A_436] : memref<32x128xi32, #tpu.memory_space<vmem>>[vector<16xi32>, vector<16xi32>], vector<16xi32>,
      %mul3A_438 = arith.constant 100000 : i32
      %mul3A_439 = vector.broadcast %mul3A_438 : i32 to vector<16xi32>
      %mul3A_440 = arith.muli %rem3A_77, %mul3A_439 : vector<16xi32>
      %add3A_441 = arith.addi %gather3A_437, %mul3A_440 : vector<16xi32>
      %mul3A_442 = arith.constant 16 : i32
      %mul3A_443 = arith.muli %add3A_425, %mul3A_442 : i32
      %swap3A_444 = arith.index_cast %mul3A_443 : i32 to index
      %swap3A_445 = tpu.vector_load %arg6[%swap3A_444] {strides = array<i32>} : memref<3328xi32, #tpu.memory_space<vmem>>, vector<16xi32>,
      tpu.vector_store %arg6[%swap3A_444], %add3A_441 {strides = array<i32>} : memref<3328xi32, #tpu.memory_space<vmem>>, vector<16xi32>,
    }
    %scan3A_119 = arith.constant 16 : i32
    %mul3A_120 = arith.constant 3328 : i32
    %mul3A_121 = arith.muli %add3A_110, %mul3A_120 : i32
    "tpu.region"() ({
      %run_scoped3A = tpu.sem_alloc : memref<!tpu.dma_semaphore, #tpu.memory_space<semaphore_mem>>
      %dma_start3A = tpu.memref_slice %arg4[%mul3A_121] : memref<425984xi32, #tpu.memory_space<hbm>> -> memref<3328xi32, #tpu.memory_space<hbm>>
      %dma_start3A_137 = tpu.memref_slice %arg4[%mul3A_121] : memref<425984xi32, #tpu.memory_space<hbm>> -> memref<3328xi32, #tpu.memory_space<hbm>>
      tpu.enqueue_dma source(%arg6 : memref<3328xi32, #tpu.memory_space<vmem>>) target(%dma_start3A_137 : memref<3328xi32, #tpu.memory_space<hbm>>) target_semaphore(%run_scoped3A : memref<!tpu.dma_semaphore, #tpu.memory_space<semaphore_mem>>)
      %dma_wait3A = tpu.memref_slice %arg4[%mul3A_121] : memref<425984xi32, #tpu.memory_space<hbm>> -> memref<3328xi32, #tpu.memory_space<hbm>>
      %dma_wait3A_138 = tpu.memref_slice %arg4[%mul3A_121] : memref<425984xi32, #tpu.memory_space<hbm>> -> memref<3328xi32, #tpu.memory_space<hbm>>
      tpu.wait_dma2 semaphore(%run_scoped3A : memref<!tpu.dma_semaphore, #tpu.memory_space<semaphore_mem>>) src(%arg6 : memref<3328xi32, #tpu.memory_space<vmem>>) dst(%dma_wait3A_138 : memref<3328xi32, #tpu.memory_space<hbm>>)
      tpu.yield
    }) : () -> ()
    %mul3A_122 = arith.constant 4 : i32
    %mul3A_123 = arith.muli %add3A, %mul3A_122 : i32
    %add3A_124 = arith.constant 3 : i32
    %add3A_125 = arith.addi %mul3A_123, %add3A_124 : i32
    %mul3A_126 = arith.constant 128 : i32
    %mul3A_127 = arith.muli %add3A_125, %mul3A_126 : i32
    "tpu.region"() ({
      %run_scoped3A = tpu.sem_alloc : memref<!tpu.dma_semaphore, #tpu.memory_space<semaphore_mem>>
      %dma_start3A = arith.constant 0 : i32
      %dma_start3A_137 = arith.constant 0 : i32
      %dma_start3A_138 = tpu.memref_slice %arg5[%dma_start3A, %dma_start3A_137] : memref<32x128xi32, #tpu.memory_space<vmem>> -> memref<24x128xi32, #tpu.memory_space<vmem>>
      %dma_start3A_139 = arith.constant 0 : i32
      %dma_start3A_140 = tpu.memref_slice %arg2[%dma_start3A_139, %mul3A_127] : memref<26x16384xi32, #tpu.memory_space<hbm>> -> memref<24x128xi32, #tpu.memory_space<hbm>>
      %dma_start3A_141 = arith.constant 0 : i32
      %dma_start3A_142 = arith.constant 0 : i32
      %dma_start3A_143 = tpu.memref_slice %arg5[%dma_start3A_141, %dma_start3A_142] : memref<32x128xi32, #tpu.memory_space<vmem>> -> memref<24x128xi32, #tpu.memory_space<vmem>>
      %dma_start3A_144 = arith.constant 0 : i32
      %dma_start3A_145 = tpu.memref_slice %arg2[%dma_start3A_144, %mul3A_127] : memref<26x16384xi32, #tpu.memory_space<hbm>> -> memref<24x128xi32, #tpu.memory_space<hbm>>
      tpu.enqueue_dma source(%dma_start3A_145 : memref<24x128xi32, #tpu.memory_space<hbm>>) target(%dma_start3A_143 : memref<24x128xi32, #tpu.memory_space<vmem>>) target_semaphore(%run_scoped3A : memref<!tpu.dma_semaphore, #tpu.memory_space<semaphore_mem>>)
      %dma_wait3A = arith.constant 0 : i32
      %dma_wait3A_146 = arith.constant 0 : i32
      %dma_wait3A_147 = tpu.memref_slice %arg5[%dma_wait3A, %dma_wait3A_146] : memref<32x128xi32, #tpu.memory_space<vmem>> -> memref<24x128xi32, #tpu.memory_space<vmem>>
      %dma_wait3A_148 = arith.constant 0 : i32
      %dma_wait3A_149 = tpu.memref_slice %arg2[%dma_wait3A_148, %mul3A_127] : memref<26x16384xi32, #tpu.memory_space<hbm>> -> memref<24x128xi32, #tpu.memory_space<hbm>>
      %dma_wait3A_150 = arith.constant 0 : i32
      %dma_wait3A_151 = arith.constant 0 : i32
      %dma_wait3A_152 = tpu.memref_slice %arg5[%dma_wait3A_150, %dma_wait3A_151] : memref<32x128xi32, #tpu.memory_space<vmem>> -> memref<24x128xi32, #tpu.memory_space<vmem>>
      %dma_wait3A_153 = arith.constant 0 : i32
      %dma_wait3A_154 = tpu.memref_slice %arg2[%dma_wait3A_153, %mul3A_127] : memref<26x16384xi32, #tpu.memory_space<hbm>> -> memref<24x128xi32, #tpu.memory_space<hbm>>
      tpu.wait_dma2 semaphore(%run_scoped3A : memref<!tpu.dma_semaphore, #tpu.memory_space<semaphore_mem>>) src(%dma_wait3A_154 : memref<24x128xi32, #tpu.memory_space<hbm>>) dst(%dma_wait3A_152 : memref<24x128xi32, #tpu.memory_space<vmem>>)
      tpu.yield
    }) : () -> ()
    %mul3A_128 = arith.constant 128 : i32
    %mul3A_129 = arith.muli %add3A_125, %mul3A_128 : i32
    "tpu.region"() ({
      %run_scoped3A = tpu.sem_alloc : memref<!tpu.dma_semaphore, #tpu.memory_space<semaphore_mem>>
      %dma_start3A = arith.constant 24 : i32
      %dma_start3A_137 = arith.constant 0 : i32
      %dma_start3A_138 = tpu.memref_slice %arg5[%dma_start3A, %dma_start3A_137] : memref<32x128xi32, #tpu.memory_space<vmem>> -> memref<8x128xi32, #tpu.memory_space<vmem>>
      %dma_start3A_139 = arith.constant 0 : i32
      %dma_start3A_140 = tpu.memref_slice %arg3[%dma_start3A_139, %mul3A_129] : memref<8x16384xi32, #tpu.memory_space<hbm>> -> memref<8x128xi32, #tpu.memory_space<hbm>>
      %dma_start3A_141 = arith.constant 24 : i32
      %dma_start3A_142 = arith.constant 0 : i32
      %dma_start3A_143 = tpu.memref_slice %arg5[%dma_start3A_141, %dma_start3A_142] : memref<32x128xi32, #tpu.memory_space<vmem>> -> memref<8x128xi32, #tpu.memory_space<vmem>>
      %dma_start3A_144 = arith.constant 0 : i32
      %dma_start3A_145 = tpu.memref_slice %arg3[%dma_start3A_144, %mul3A_129] : memref<8x16384xi32, #tpu.memory_space<hbm>> -> memref<8x128xi32, #tpu.memory_space<hbm>>
      tpu.enqueue_dma source(%dma_start3A_145 : memref<8x128xi32, #tpu.memory_space<hbm>>) target(%dma_start3A_143 : memref<8x128xi32, #tpu.memory_space<vmem>>) target_semaphore(%run_scoped3A : memref<!tpu.dma_semaphore, #tpu.memory_space<semaphore_mem>>)
      %dma_wait3A = arith.constant 24 : i32
      %dma_wait3A_146 = arith.constant 0 : i32
      %dma_wait3A_147 = tpu.memref_slice %arg5[%dma_wait3A, %dma_wait3A_146] : memref<32x128xi32, #tpu.memory_space<vmem>> -> memref<8x128xi32, #tpu.memory_space<vmem>>
      %dma_wait3A_148 = arith.constant 0 : i32
      %dma_wait3A_149 = tpu.memref_slice %arg3[%dma_wait3A_148, %mul3A_129] : memref<8x16384xi32, #tpu.memory_space<hbm>> -> memref<8x128xi32, #tpu.memory_space<hbm>>
      %dma_wait3A_150 = arith.constant 24 : i32
      %dma_wait3A_151 = arith.constant 0 : i32
      %dma_wait3A_152 = tpu.memref_slice %arg5[%dma_wait3A_150, %dma_wait3A_151] : memref<32x128xi32, #tpu.memory_space<vmem>> -> memref<8x128xi32, #tpu.memory_space<vmem>>
      %dma_wait3A_153 = arith.constant 0 : i32
      %dma_wait3A_154 = tpu.memref_slice %arg3[%dma_wait3A_153, %mul3A_129] : memref<8x16384xi32, #tpu.memory_space<hbm>> -> memref<8x128xi32, #tpu.memory_space<hbm>>
      tpu.wait_dma2 semaphore(%run_scoped3A : memref<!tpu.dma_semaphore, #tpu.memory_space<semaphore_mem>>) src(%dma_wait3A_154 : memref<8x128xi32, #tpu.memory_space<hbm>>) dst(%dma_wait3A_152 : memref<8x128xi32, #tpu.memory_space<vmem>>)
      tpu.yield
    }) : () -> ()
    %scan3A_130 = arith.constant 0 : i32
    %scan3A_131 = arith.constant 16 : i32
    %scan3A_132 = arith.addi %scan3A_130, %scan3A_131 : i32
    %scan3A_133 = arith.constant 1 : i32
    scf.for %scan3A_137 = %scan3A_130 to %scan3A_132 step %scan3A_133  : i32 {
      %mul3A_138 = arith.constant 13 : i32
      %mul3A_139 = arith.muli %scan3A_137, %mul3A_138 : i32
      %add3A_140 = arith.constant 0 : i32
      %add3A_141 = arith.addi %mul3A_139, %add3A_140 : i32
      %mul3A_142 = arith.constant 16 : i32
      %mul3A_143 = arith.muli %add3A_141, %mul3A_142 : i32
      %add3A_144 = vector.broadcast %mul3A_143 : i32 to vector<16xi32>
      %add3A_145 = arith.addi %add3A_144, %iota3A : vector<16xi32>
      %sub3A = arith.subi %add3A_145, %rem3A_5 : vector<16xi32>
      %shift_right_logical3A = arith.constant 1 : i32
      %shift_right_logical3A_146 = vector.broadcast %shift_right_logical3A : i32 to vector<16xi32>
      %shift_right_logical3A_147 = arith.shrui %sub3A, %shift_right_logical3A_146 : vector<16xi32>
      %mul3A_148 = arith.constant -991146299 : i32
      %mul3A_149 = vector.broadcast %mul3A_148 : i32 to vector<16xi32>
      %mul3A_150 = arith.muli %shift_right_logical3A_147, %mul3A_149 : vector<16xi32>
      %gather3A = tpu.vector_load_idx %arg5[%rem3A_5, %mul3A_150] : memref<32x128xi32, #tpu.memory_space<vmem>>[vector<16xi32>, vector<16xi32>], vector<16xi32>,
      %mul3A_151 = arith.constant 100000 : i32
      %mul3A_152 = vector.broadcast %mul3A_151 : i32 to vector<16xi32>
      %mul3A_153 = arith.muli %rem3A_5, %mul3A_152 : vector<16xi32>
      %add3A_154 = arith.addi %gather3A, %mul3A_153 : vector<16xi32>
      %mul3A_155 = arith.constant 16 : i32
      %mul3A_156 = arith.muli %add3A_141, %mul3A_155 : i32
      %swap3A = arith.index_cast %mul3A_156 : i32 to index
      %swap3A_157 = tpu.vector_load %arg6[%swap3A] {strides = array<i32>} : memref<3328xi32, #tpu.memory_space<vmem>>, vector<16xi32>,
      tpu.vector_store %arg6[%swap3A], %add3A_154 {strides = array<i32>} : memref<3328xi32, #tpu.memory_space<vmem>>, vector<16xi32>,
      %mul3A_158 = arith.constant 13 : i32
      %mul3A_159 = arith.muli %scan3A_137, %mul3A_158 : i32
      %add3A_160 = arith.constant 1 : i32
      %add3A_161 = arith.addi %mul3A_159, %add3A_160 : i32
      %mul3A_162 = arith.constant 16 : i32
      %mul3A_163 = arith.muli %add3A_161, %mul3A_162 : i32
      %add3A_164 = vector.broadcast %mul3A_163 : i32 to vector<16xi32>
      %add3A_165 = arith.addi %add3A_164, %iota3A : vector<16xi32>
      %sub3A_166 = arith.subi %add3A_165, %rem3A_11 : vector<16xi32>
      %shift_right_logical3A_167 = arith.constant 1 : i32
      %shift_right_logical3A_168 = vector.broadcast %shift_right_logical3A_167 : i32 to vector<16xi32>
      %shift_right_logical3A_169 = arith.shrui %sub3A_166, %shift_right_logical3A_168 : vector<16xi32>
      %mul3A_170 = arith.constant -991146299 : i32
      %mul3A_171 = vector.broadcast %mul3A_170 : i32 to vector<16xi32>
      %mul3A_172 = arith.muli %shift_right_logical3A_169, %mul3A_171 : vector<16xi32>
      %gather3A_173 = tpu.vector_load_idx %arg5[%rem3A_11, %mul3A_172] : memref<32x128xi32, #tpu.memory_space<vmem>>[vector<16xi32>, vector<16xi32>], vector<16xi32>,
      %mul3A_174 = arith.constant 100000 : i32
      %mul3A_175 = vector.broadcast %mul3A_174 : i32 to vector<16xi32>
      %mul3A_176 = arith.muli %rem3A_11, %mul3A_175 : vector<16xi32>
      %add3A_177 = arith.addi %gather3A_173, %mul3A_176 : vector<16xi32>
      %mul3A_178 = arith.constant 16 : i32
      %mul3A_179 = arith.muli %add3A_161, %mul3A_178 : i32
      %swap3A_180 = arith.index_cast %mul3A_179 : i32 to index
      %swap3A_181 = tpu.vector_load %arg6[%swap3A_180] {strides = array<i32>} : memref<3328xi32, #tpu.memory_space<vmem>>, vector<16xi32>,
      tpu.vector_store %arg6[%swap3A_180], %add3A_177 {strides = array<i32>} : memref<3328xi32, #tpu.memory_space<vmem>>, vector<16xi32>,
      %mul3A_182 = arith.constant 13 : i32
      %mul3A_183 = arith.muli %scan3A_137, %mul3A_182 : i32
      %add3A_184 = arith.constant 2 : i32
      %add3A_185 = arith.addi %mul3A_183, %add3A_184 : i32
      %mul3A_186 = arith.constant 16 : i32
      %mul3A_187 = arith.muli %add3A_185, %mul3A_186 : i32
      %add3A_188 = vector.broadcast %mul3A_187 : i32 to vector<16xi32>
      %add3A_189 = arith.addi %add3A_188, %iota3A : vector<16xi32>
      %sub3A_190 = arith.subi %add3A_189, %rem3A_17 : vector<16xi32>
      %shift_right_logical3A_191 = arith.constant 1 : i32
      %shift_right_logical3A_192 = vector.broadcast %shift_right_logical3A_191 : i32 to vector<16xi32>
      %shift_right_logical3A_193 = arith.shrui %sub3A_190, %shift_right_logical3A_192 : vector<16xi32>
      %mul3A_194 = arith.constant -991146299 : i32
      %mul3A_195 = vector.broadcast %mul3A_194 : i32 to vector<16xi32>
      %mul3A_196 = arith.muli %shift_right_logical3A_193, %mul3A_195 : vector<16xi32>
      %gather3A_197 = tpu.vector_load_idx %arg5[%rem3A_17, %mul3A_196] : memref<32x128xi32, #tpu.memory_space<vmem>>[vector<16xi32>, vector<16xi32>], vector<16xi32>,
      %mul3A_198 = arith.constant 100000 : i32
      %mul3A_199 = vector.broadcast %mul3A_198 : i32 to vector<16xi32>
      %mul3A_200 = arith.muli %rem3A_17, %mul3A_199 : vector<16xi32>
      %add3A_201 = arith.addi %gather3A_197, %mul3A_200 : vector<16xi32>
      %mul3A_202 = arith.constant 16 : i32
      %mul3A_203 = arith.muli %add3A_185, %mul3A_202 : i32
      %swap3A_204 = arith.index_cast %mul3A_203 : i32 to index
      %swap3A_205 = tpu.vector_load %arg6[%swap3A_204] {strides = array<i32>} : memref<3328xi32, #tpu.memory_space<vmem>>, vector<16xi32>,
      tpu.vector_store %arg6[%swap3A_204], %add3A_201 {strides = array<i32>} : memref<3328xi32, #tpu.memory_space<vmem>>, vector<16xi32>,
      %mul3A_206 = arith.constant 13 : i32
      %mul3A_207 = arith.muli %scan3A_137, %mul3A_206 : i32
      %add3A_208 = arith.constant 3 : i32
      %add3A_209 = arith.addi %mul3A_207, %add3A_208 : i32
      %mul3A_210 = arith.constant 16 : i32
      %mul3A_211 = arith.muli %add3A_209, %mul3A_210 : i32
      %add3A_212 = vector.broadcast %mul3A_211 : i32 to vector<16xi32>
      %add3A_213 = arith.addi %add3A_212, %iota3A : vector<16xi32>
      %sub3A_214 = arith.subi %add3A_213, %rem3A_23 : vector<16xi32>
      %shift_right_logical3A_215 = arith.constant 1 : i32
      %shift_right_logical3A_216 = vector.broadcast %shift_right_logical3A_215 : i32 to vector<16xi32>
      %shift_right_logical3A_217 = arith.shrui %sub3A_214, %shift_right_logical3A_216 : vector<16xi32>
      %mul3A_218 = arith.constant -991146299 : i32
      %mul3A_219 = vector.broadcast %mul3A_218 : i32 to vector<16xi32>
      %mul3A_220 = arith.muli %shift_right_logical3A_217, %mul3A_219 : vector<16xi32>
      %gather3A_221 = tpu.vector_load_idx %arg5[%rem3A_23, %mul3A_220] : memref<32x128xi32, #tpu.memory_space<vmem>>[vector<16xi32>, vector<16xi32>], vector<16xi32>,
      %mul3A_222 = arith.constant 100000 : i32
      %mul3A_223 = vector.broadcast %mul3A_222 : i32 to vector<16xi32>
      %mul3A_224 = arith.muli %rem3A_23, %mul3A_223 : vector<16xi32>
      %add3A_225 = arith.addi %gather3A_221, %mul3A_224 : vector<16xi32>
      %mul3A_226 = arith.constant 16 : i32
      %mul3A_227 = arith.muli %add3A_209, %mul3A_226 : i32
      %swap3A_228 = arith.index_cast %mul3A_227 : i32 to index
      %swap3A_229 = tpu.vector_load %arg6[%swap3A_228] {strides = array<i32>} : memref<3328xi32, #tpu.memory_space<vmem>>, vector<16xi32>,
      tpu.vector_store %arg6[%swap3A_228], %add3A_225 {strides = array<i32>} : memref<3328xi32, #tpu.memory_space<vmem>>, vector<16xi32>,
      %mul3A_230 = arith.constant 13 : i32
      %mul3A_231 = arith.muli %scan3A_137, %mul3A_230 : i32
      %add3A_232 = arith.constant 4 : i32
      %add3A_233 = arith.addi %mul3A_231, %add3A_232 : i32
      %mul3A_234 = arith.constant 16 : i32
      %mul3A_235 = arith.muli %add3A_233, %mul3A_234 : i32
      %add3A_236 = vector.broadcast %mul3A_235 : i32 to vector<16xi32>
      %add3A_237 = arith.addi %add3A_236, %iota3A : vector<16xi32>
      %sub3A_238 = arith.subi %add3A_237, %rem3A_29 : vector<16xi32>
      %shift_right_logical3A_239 = arith.constant 1 : i32
      %shift_right_logical3A_240 = vector.broadcast %shift_right_logical3A_239 : i32 to vector<16xi32>
      %shift_right_logical3A_241 = arith.shrui %sub3A_238, %shift_right_logical3A_240 : vector<16xi32>
      %mul3A_242 = arith.constant -991146299 : i32
      %mul3A_243 = vector.broadcast %mul3A_242 : i32 to vector<16xi32>
      %mul3A_244 = arith.muli %shift_right_logical3A_241, %mul3A_243 : vector<16xi32>
      %gather3A_245 = tpu.vector_load_idx %arg5[%rem3A_29, %mul3A_244] : memref<32x128xi32, #tpu.memory_space<vmem>>[vector<16xi32>, vector<16xi32>], vector<16xi32>,
      %mul3A_246 = arith.constant 100000 : i32
      %mul3A_247 = vector.broadcast %mul3A_246 : i32 to vector<16xi32>
      %mul3A_248 = arith.muli %rem3A_29, %mul3A_247 : vector<16xi32>
      %add3A_249 = arith.addi %gather3A_245, %mul3A_248 : vector<16xi32>
      %mul3A_250 = arith.constant 16 : i32
      %mul3A_251 = arith.muli %add3A_233, %mul3A_250 : i32
      %swap3A_252 = arith.index_cast %mul3A_251 : i32 to index
      %swap3A_253 = tpu.vector_load %arg6[%swap3A_252] {strides = array<i32>} : memref<3328xi32, #tpu.memory_space<vmem>>, vector<16xi32>,
      tpu.vector_store %arg6[%swap3A_252], %add3A_249 {strides = array<i32>} : memref<3328xi32, #tpu.memory_space<vmem>>, vector<16xi32>,
      %mul3A_254 = arith.constant 13 : i32
      %mul3A_255 = arith.muli %scan3A_137, %mul3A_254 : i32
      %add3A_256 = arith.constant 5 : i32
      %add3A_257 = arith.addi %mul3A_255, %add3A_256 : i32
      %mul3A_258 = arith.constant 16 : i32
      %mul3A_259 = arith.muli %add3A_257, %mul3A_258 : i32
      %add3A_260 = vector.broadcast %mul3A_259 : i32 to vector<16xi32>
      %add3A_261 = arith.addi %add3A_260, %iota3A : vector<16xi32>
      %sub3A_262 = arith.subi %add3A_261, %rem3A_35 : vector<16xi32>
      %shift_right_logical3A_263 = arith.constant 1 : i32
      %shift_right_logical3A_264 = vector.broadcast %shift_right_logical3A_263 : i32 to vector<16xi32>
      %shift_right_logical3A_265 = arith.shrui %sub3A_262, %shift_right_logical3A_264 : vector<16xi32>
      %mul3A_266 = arith.constant -991146299 : i32
      %mul3A_267 = vector.broadcast %mul3A_266 : i32 to vector<16xi32>
      %mul3A_268 = arith.muli %shift_right_logical3A_265, %mul3A_267 : vector<16xi32>
      %gather3A_269 = tpu.vector_load_idx %arg5[%rem3A_35, %mul3A_268] : memref<32x128xi32, #tpu.memory_space<vmem>>[vector<16xi32>, vector<16xi32>], vector<16xi32>,
      %mul3A_270 = arith.constant 100000 : i32
      %mul3A_271 = vector.broadcast %mul3A_270 : i32 to vector<16xi32>
      %mul3A_272 = arith.muli %rem3A_35, %mul3A_271 : vector<16xi32>
      %add3A_273 = arith.addi %gather3A_269, %mul3A_272 : vector<16xi32>
      %mul3A_274 = arith.constant 16 : i32
      %mul3A_275 = arith.muli %add3A_257, %mul3A_274 : i32
      %swap3A_276 = arith.index_cast %mul3A_275 : i32 to index
      %swap3A_277 = tpu.vector_load %arg6[%swap3A_276] {strides = array<i32>} : memref<3328xi32, #tpu.memory_space<vmem>>, vector<16xi32>,
      tpu.vector_store %arg6[%swap3A_276], %add3A_273 {strides = array<i32>} : memref<3328xi32, #tpu.memory_space<vmem>>, vector<16xi32>,
      %mul3A_278 = arith.constant 13 : i32
      %mul3A_279 = arith.muli %scan3A_137, %mul3A_278 : i32
      %add3A_280 = arith.constant 6 : i32
      %add3A_281 = arith.addi %mul3A_279, %add3A_280 : i32
      %mul3A_282 = arith.constant 16 : i32
      %mul3A_283 = arith.muli %add3A_281, %mul3A_282 : i32
      %add3A_284 = vector.broadcast %mul3A_283 : i32 to vector<16xi32>
      %add3A_285 = arith.addi %add3A_284, %iota3A : vector<16xi32>
      %sub3A_286 = arith.subi %add3A_285, %rem3A_41 : vector<16xi32>
      %shift_right_logical3A_287 = arith.constant 1 : i32
      %shift_right_logical3A_288 = vector.broadcast %shift_right_logical3A_287 : i32 to vector<16xi32>
      %shift_right_logical3A_289 = arith.shrui %sub3A_286, %shift_right_logical3A_288 : vector<16xi32>
      %mul3A_290 = arith.constant -991146299 : i32
      %mul3A_291 = vector.broadcast %mul3A_290 : i32 to vector<16xi32>
      %mul3A_292 = arith.muli %shift_right_logical3A_289, %mul3A_291 : vector<16xi32>
      %gather3A_293 = tpu.vector_load_idx %arg5[%rem3A_41, %mul3A_292] : memref<32x128xi32, #tpu.memory_space<vmem>>[vector<16xi32>, vector<16xi32>], vector<16xi32>,
      %mul3A_294 = arith.constant 100000 : i32
      %mul3A_295 = vector.broadcast %mul3A_294 : i32 to vector<16xi32>
      %mul3A_296 = arith.muli %rem3A_41, %mul3A_295 : vector<16xi32>
      %add3A_297 = arith.addi %gather3A_293, %mul3A_296 : vector<16xi32>
      %mul3A_298 = arith.constant 16 : i32
      %mul3A_299 = arith.muli %add3A_281, %mul3A_298 : i32
      %swap3A_300 = arith.index_cast %mul3A_299 : i32 to index
      %swap3A_301 = tpu.vector_load %arg6[%swap3A_300] {strides = array<i32>} : memref<3328xi32, #tpu.memory_space<vmem>>, vector<16xi32>,
      tpu.vector_store %arg6[%swap3A_300], %add3A_297 {strides = array<i32>} : memref<3328xi32, #tpu.memory_space<vmem>>, vector<16xi32>,
      %mul3A_302 = arith.constant 13 : i32
      %mul3A_303 = arith.muli %scan3A_137, %mul3A_302 : i32
      %add3A_304 = arith.constant 7 : i32
      %add3A_305 = arith.addi %mul3A_303, %add3A_304 : i32
      %mul3A_306 = arith.constant 16 : i32
      %mul3A_307 = arith.muli %add3A_305, %mul3A_306 : i32
      %add3A_308 = vector.broadcast %mul3A_307 : i32 to vector<16xi32>
      %add3A_309 = arith.addi %add3A_308, %iota3A : vector<16xi32>
      %sub3A_310 = arith.subi %add3A_309, %rem3A_47 : vector<16xi32>
      %shift_right_logical3A_311 = arith.constant 1 : i32
      %shift_right_logical3A_312 = vector.broadcast %shift_right_logical3A_311 : i32 to vector<16xi32>
      %shift_right_logical3A_313 = arith.shrui %sub3A_310, %shift_right_logical3A_312 : vector<16xi32>
      %mul3A_314 = arith.constant -991146299 : i32
      %mul3A_315 = vector.broadcast %mul3A_314 : i32 to vector<16xi32>
      %mul3A_316 = arith.muli %shift_right_logical3A_313, %mul3A_315 : vector<16xi32>
      %gather3A_317 = tpu.vector_load_idx %arg5[%rem3A_47, %mul3A_316] : memref<32x128xi32, #tpu.memory_space<vmem>>[vector<16xi32>, vector<16xi32>], vector<16xi32>,
      %mul3A_318 = arith.constant 100000 : i32
      %mul3A_319 = vector.broadcast %mul3A_318 : i32 to vector<16xi32>
      %mul3A_320 = arith.muli %rem3A_47, %mul3A_319 : vector<16xi32>
      %add3A_321 = arith.addi %gather3A_317, %mul3A_320 : vector<16xi32>
      %mul3A_322 = arith.constant 16 : i32
      %mul3A_323 = arith.muli %add3A_305, %mul3A_322 : i32
      %swap3A_324 = arith.index_cast %mul3A_323 : i32 to index
      %swap3A_325 = tpu.vector_load %arg6[%swap3A_324] {strides = array<i32>} : memref<3328xi32, #tpu.memory_space<vmem>>, vector<16xi32>,
      tpu.vector_store %arg6[%swap3A_324], %add3A_321 {strides = array<i32>} : memref<3328xi32, #tpu.memory_space<vmem>>, vector<16xi32>,
      %mul3A_326 = arith.constant 13 : i32
      %mul3A_327 = arith.muli %scan3A_137, %mul3A_326 : i32
      %add3A_328 = arith.constant 8 : i32
      %add3A_329 = arith.addi %mul3A_327, %add3A_328 : i32
      %mul3A_330 = arith.constant 16 : i32
      %mul3A_331 = arith.muli %add3A_329, %mul3A_330 : i32
      %add3A_332 = vector.broadcast %mul3A_331 : i32 to vector<16xi32>
      %add3A_333 = arith.addi %add3A_332, %iota3A : vector<16xi32>
      %sub3A_334 = arith.subi %add3A_333, %rem3A_53 : vector<16xi32>
      %shift_right_logical3A_335 = arith.constant 1 : i32
      %shift_right_logical3A_336 = vector.broadcast %shift_right_logical3A_335 : i32 to vector<16xi32>
      %shift_right_logical3A_337 = arith.shrui %sub3A_334, %shift_right_logical3A_336 : vector<16xi32>
      %mul3A_338 = arith.constant -991146299 : i32
      %mul3A_339 = vector.broadcast %mul3A_338 : i32 to vector<16xi32>
      %mul3A_340 = arith.muli %shift_right_logical3A_337, %mul3A_339 : vector<16xi32>
      %gather3A_341 = tpu.vector_load_idx %arg5[%rem3A_53, %mul3A_340] : memref<32x128xi32, #tpu.memory_space<vmem>>[vector<16xi32>, vector<16xi32>], vector<16xi32>,
      %mul3A_342 = arith.constant 100000 : i32
      %mul3A_343 = vector.broadcast %mul3A_342 : i32 to vector<16xi32>
      %mul3A_344 = arith.muli %rem3A_53, %mul3A_343 : vector<16xi32>
      %add3A_345 = arith.addi %gather3A_341, %mul3A_344 : vector<16xi32>
      %mul3A_346 = arith.constant 16 : i32
      %mul3A_347 = arith.muli %add3A_329, %mul3A_346 : i32
      %swap3A_348 = arith.index_cast %mul3A_347 : i32 to index
      %swap3A_349 = tpu.vector_load %arg6[%swap3A_348] {strides = array<i32>} : memref<3328xi32, #tpu.memory_space<vmem>>, vector<16xi32>,
      tpu.vector_store %arg6[%swap3A_348], %add3A_345 {strides = array<i32>} : memref<3328xi32, #tpu.memory_space<vmem>>, vector<16xi32>,
      %mul3A_350 = arith.constant 13 : i32
      %mul3A_351 = arith.muli %scan3A_137, %mul3A_350 : i32
      %add3A_352 = arith.constant 9 : i32
      %add3A_353 = arith.addi %mul3A_351, %add3A_352 : i32
      %mul3A_354 = arith.constant 16 : i32
      %mul3A_355 = arith.muli %add3A_353, %mul3A_354 : i32
      %add3A_356 = vector.broadcast %mul3A_355 : i32 to vector<16xi32>
      %add3A_357 = arith.addi %add3A_356, %iota3A : vector<16xi32>
      %sub3A_358 = arith.subi %add3A_357, %rem3A_59 : vector<16xi32>
      %shift_right_logical3A_359 = arith.constant 1 : i32
      %shift_right_logical3A_360 = vector.broadcast %shift_right_logical3A_359 : i32 to vector<16xi32>
      %shift_right_logical3A_361 = arith.shrui %sub3A_358, %shift_right_logical3A_360 : vector<16xi32>
      %mul3A_362 = arith.constant -991146299 : i32
      %mul3A_363 = vector.broadcast %mul3A_362 : i32 to vector<16xi32>
      %mul3A_364 = arith.muli %shift_right_logical3A_361, %mul3A_363 : vector<16xi32>
      %gather3A_365 = tpu.vector_load_idx %arg5[%rem3A_59, %mul3A_364] : memref<32x128xi32, #tpu.memory_space<vmem>>[vector<16xi32>, vector<16xi32>], vector<16xi32>,
      %mul3A_366 = arith.constant 100000 : i32
      %mul3A_367 = vector.broadcast %mul3A_366 : i32 to vector<16xi32>
      %mul3A_368 = arith.muli %rem3A_59, %mul3A_367 : vector<16xi32>
      %add3A_369 = arith.addi %gather3A_365, %mul3A_368 : vector<16xi32>
      %mul3A_370 = arith.constant 16 : i32
      %mul3A_371 = arith.muli %add3A_353, %mul3A_370 : i32
      %swap3A_372 = arith.index_cast %mul3A_371 : i32 to index
      %swap3A_373 = tpu.vector_load %arg6[%swap3A_372] {strides = array<i32>} : memref<3328xi32, #tpu.memory_space<vmem>>, vector<16xi32>,
      tpu.vector_store %arg6[%swap3A_372], %add3A_369 {strides = array<i32>} : memref<3328xi32, #tpu.memory_space<vmem>>, vector<16xi32>,
      %mul3A_374 = arith.constant 13 : i32
      %mul3A_375 = arith.muli %scan3A_137, %mul3A_374 : i32
      %add3A_376 = arith.constant 10 : i32
      %add3A_377 = arith.addi %mul3A_375, %add3A_376 : i32
      %mul3A_378 = arith.constant 16 : i32
      %mul3A_379 = arith.muli %add3A_377, %mul3A_378 : i32
      %add3A_380 = vector.broadcast %mul3A_379 : i32 to vector<16xi32>
      %add3A_381 = arith.addi %add3A_380, %iota3A : vector<16xi32>
      %sub3A_382 = arith.subi %add3A_381, %rem3A_65 : vector<16xi32>
      %shift_right_logical3A_383 = arith.constant 1 : i32
      %shift_right_logical3A_384 = vector.broadcast %shift_right_logical3A_383 : i32 to vector<16xi32>
      %shift_right_logical3A_385 = arith.shrui %sub3A_382, %shift_right_logical3A_384 : vector<16xi32>
      %mul3A_386 = arith.constant -991146299 : i32
      %mul3A_387 = vector.broadcast %mul3A_386 : i32 to vector<16xi32>
      %mul3A_388 = arith.muli %shift_right_logical3A_385, %mul3A_387 : vector<16xi32>
      %gather3A_389 = tpu.vector_load_idx %arg5[%rem3A_65, %mul3A_388] : memref<32x128xi32, #tpu.memory_space<vmem>>[vector<16xi32>, vector<16xi32>], vector<16xi32>,
      %mul3A_390 = arith.constant 100000 : i32
      %mul3A_391 = vector.broadcast %mul3A_390 : i32 to vector<16xi32>
      %mul3A_392 = arith.muli %rem3A_65, %mul3A_391 : vector<16xi32>
      %add3A_393 = arith.addi %gather3A_389, %mul3A_392 : vector<16xi32>
      %mul3A_394 = arith.constant 16 : i32
      %mul3A_395 = arith.muli %add3A_377, %mul3A_394 : i32
      %swap3A_396 = arith.index_cast %mul3A_395 : i32 to index
      %swap3A_397 = tpu.vector_load %arg6[%swap3A_396] {strides = array<i32>} : memref<3328xi32, #tpu.memory_space<vmem>>, vector<16xi32>,
      tpu.vector_store %arg6[%swap3A_396], %add3A_393 {strides = array<i32>} : memref<3328xi32, #tpu.memory_space<vmem>>, vector<16xi32>,
      %mul3A_398 = arith.constant 13 : i32
      %mul3A_399 = arith.muli %scan3A_137, %mul3A_398 : i32
      %add3A_400 = arith.constant 11 : i32
      %add3A_401 = arith.addi %mul3A_399, %add3A_400 : i32
      %mul3A_402 = arith.constant 16 : i32
      %mul3A_403 = arith.muli %add3A_401, %mul3A_402 : i32
      %add3A_404 = vector.broadcast %mul3A_403 : i32 to vector<16xi32>
      %add3A_405 = arith.addi %add3A_404, %iota3A : vector<16xi32>
      %sub3A_406 = arith.subi %add3A_405, %rem3A_71 : vector<16xi32>
      %shift_right_logical3A_407 = arith.constant 1 : i32
      %shift_right_logical3A_408 = vector.broadcast %shift_right_logical3A_407 : i32 to vector<16xi32>
      %shift_right_logical3A_409 = arith.shrui %sub3A_406, %shift_right_logical3A_408 : vector<16xi32>
      %mul3A_410 = arith.constant -991146299 : i32
      %mul3A_411 = vector.broadcast %mul3A_410 : i32 to vector<16xi32>
      %mul3A_412 = arith.muli %shift_right_logical3A_409, %mul3A_411 : vector<16xi32>
      %gather3A_413 = tpu.vector_load_idx %arg5[%rem3A_71, %mul3A_412] : memref<32x128xi32, #tpu.memory_space<vmem>>[vector<16xi32>, vector<16xi32>], vector<16xi32>,
      %mul3A_414 = arith.constant 100000 : i32
      %mul3A_415 = vector.broadcast %mul3A_414 : i32 to vector<16xi32>
      %mul3A_416 = arith.muli %rem3A_71, %mul3A_415 : vector<16xi32>
      %add3A_417 = arith.addi %gather3A_413, %mul3A_416 : vector<16xi32>
      %mul3A_418 = arith.constant 16 : i32
      %mul3A_419 = arith.muli %add3A_401, %mul3A_418 : i32
      %swap3A_420 = arith.index_cast %mul3A_419 : i32 to index
      %swap3A_421 = tpu.vector_load %arg6[%swap3A_420] {strides = array<i32>} : memref<3328xi32, #tpu.memory_space<vmem>>, vector<16xi32>,
      tpu.vector_store %arg6[%swap3A_420], %add3A_417 {strides = array<i32>} : memref<3328xi32, #tpu.memory_space<vmem>>, vector<16xi32>,
      %mul3A_422 = arith.constant 13 : i32
      %mul3A_423 = arith.muli %scan3A_137, %mul3A_422 : i32
      %add3A_424 = arith.constant 12 : i32
      %add3A_425 = arith.addi %mul3A_423, %add3A_424 : i32
      %mul3A_426 = arith.constant 16 : i32
      %mul3A_427 = arith.muli %add3A_425, %mul3A_426 : i32
      %add3A_428 = vector.broadcast %mul3A_427 : i32 to vector<16xi32>
      %add3A_429 = arith.addi %add3A_428, %iota3A : vector<16xi32>
      %sub3A_430 = arith.subi %add3A_429, %rem3A_77 : vector<16xi32>
      %shift_right_logical3A_431 = arith.constant 1 : i32
      %shift_right_logical3A_432 = vector.broadcast %shift_right_logical3A_431 : i32 to vector<16xi32>
      %shift_right_logical3A_433 = arith.shrui %sub3A_430, %shift_right_logical3A_432 : vector<16xi32>
      %mul3A_434 = arith.constant -991146299 : i32
      %mul3A_435 = vector.broadcast %mul3A_434 : i32 to vector<16xi32>
      %mul3A_436 = arith.muli %shift_right_logical3A_433, %mul3A_435 : vector<16xi32>
      %gather3A_437 = tpu.vector_load_idx %arg5[%rem3A_77, %mul3A_436] : memref<32x128xi32, #tpu.memory_space<vmem>>[vector<16xi32>, vector<16xi32>], vector<16xi32>,
      %mul3A_438 = arith.constant 100000 : i32
      %mul3A_439 = vector.broadcast %mul3A_438 : i32 to vector<16xi32>
      %mul3A_440 = arith.muli %rem3A_77, %mul3A_439 : vector<16xi32>
      %add3A_441 = arith.addi %gather3A_437, %mul3A_440 : vector<16xi32>
      %mul3A_442 = arith.constant 16 : i32
      %mul3A_443 = arith.muli %add3A_425, %mul3A_442 : i32
      %swap3A_444 = arith.index_cast %mul3A_443 : i32 to index
      %swap3A_445 = tpu.vector_load %arg6[%swap3A_444] {strides = array<i32>} : memref<3328xi32, #tpu.memory_space<vmem>>, vector<16xi32>,
      tpu.vector_store %arg6[%swap3A_444], %add3A_441 {strides = array<i32>} : memref<3328xi32, #tpu.memory_space<vmem>>, vector<16xi32>,
    }
    %scan3A_134 = arith.constant 16 : i32
    %mul3A_135 = arith.constant 3328 : i32
    %mul3A_136 = arith.muli %add3A_125, %mul3A_135 : i32
    "tpu.region"() ({
      %run_scoped3A = tpu.sem_alloc : memref<!tpu.dma_semaphore, #tpu.memory_space<semaphore_mem>>
      %dma_start3A = tpu.memref_slice %arg4[%mul3A_136] : memref<425984xi32, #tpu.memory_space<hbm>> -> memref<3328xi32, #tpu.memory_space<hbm>>
      %dma_start3A_137 = tpu.memref_slice %arg4[%mul3A_136] : memref<425984xi32, #tpu.memory_space<hbm>> -> memref<3328xi32, #tpu.memory_space<hbm>>
      tpu.enqueue_dma source(%arg6 : memref<3328xi32, #tpu.memory_space<vmem>>) target(%dma_start3A_137 : memref<3328xi32, #tpu.memory_space<hbm>>) target_semaphore(%run_scoped3A : memref<!tpu.dma_semaphore, #tpu.memory_space<semaphore_mem>>)
      %dma_wait3A = tpu.memref_slice %arg4[%mul3A_136] : memref<425984xi32, #tpu.memory_space<hbm>> -> memref<3328xi32, #tpu.memory_space<hbm>>
      %dma_wait3A_138 = tpu.memref_slice %arg4[%mul3A_136] : memref<425984xi32, #tpu.memory_space<hbm>> -> memref<3328xi32, #tpu.memory_space<hbm>>
      tpu.wait_dma2 semaphore(%run_scoped3A : memref<!tpu.dma_semaphore, #tpu.memory_space<semaphore_mem>>) src(%arg6 : memref<3328xi32, #tpu.memory_space<vmem>>) dst(%dma_wait3A_138 : memref<3328xi32, #tpu.memory_space<hbm>>)
      tpu.yield
    }) : () -> ()
    return
  }
}

</mosaic_0001>

<sc_bundles>
// kernel: kernel.11.cloned.1.call-start
scs
__scs_entry_jumppad:
0x0: {  	(pc) =	sbr.rel $0x88, $3  }
0x1: {  	(tag) =	ssettag $0x0;
	lr =	simm.s32 $0x1  }
0x2: {  	[smem:$0x3F9F] =	sst lr;
	_ =	strace $0xD0000000  }
0x3: {  	_ = 	snop  }
0x4: {  	_ = 	snop  }
0x5: {  	_ = 	snop  }
0x6: {  	_ = 	snop  }
0x7: {  	_ = 	snop  }
__scs_overlays_trampoline_lowered:
0x8: {  	[smem:$0x3FAE] =	sst s0  }
0x9: {  	[smem:$0x3FAF] =	sst s1  }
0xa: {  	[smem:$0x3FB0] =	sst s2  }
0xb: {  	[smem:$0x3FB1] =	sst s3  }
0xc: {  	[smem:$0x3FB2] =	sst s4  }
0xd: {  	[smem:$0x3FB3] =	sst s5  }
0xe: {  	[smem:$0x3FB4] =	sst s6  }
0xf: {  	[smem:$0x3FB5] =	sst s7  }
0x10: {  	[smem:$0x3FB6] =	sst s8  }
0x11: {  	[smem:$0x3FB7] =	sst s9;
	s0 =	simm.s32 @!p0 $0x0  }
0x12: {  	s1 =	sld [smem:$0x3F9D];
	s0 =	simm.s32 @p0 $0x1  }
0x13: {  	[smem:$0x3FB8] =	sst s0;
	s0 =	simm.s32 @!p1 $0x0  }
0x14: {  	s2 =	sld [smem:$0x3F9C];
	s0 =	simm.s32 @p1 $0x1  }
0x15: {  	[smem:$0x3FB9] =	sst s0;
	s0 =	simm.s32 @!p2 $0x0  }
0x16: {  	s3 =	sld [smem:$0x3FDB];
	s0 =	simm.s32 @p2 $0x1  }
0x17: {  	s4 =	simm.s32 $0x1BF5;
	[smem:$0x3FBB] =	sst s0  }
0x18: {  	s0 =	sld [smem:$0x3F9E];
	_ =	swait.ge [sflag:s4], $0x0  }
0x19: {  	s7 =	sld [smem:$0x3F9F]  }
0x1a: {  	s8 =	sadd.s32 $0xFFFFE003, lr  }
0x1b: {  	s9 =	sadd.s32 $0xFFFFFEF7, lr;
	s5 =	simm.s32 $0xFFFFFFFF;
	p2 =	slt.u32 s8, $0xFFFFF086  }
0x1c: {  	p1 =	slt.u32 s9, $0xF7A;
	s5 =	simm.s32 @!p2 $0x0  }
0x1d: {  	s5 =	simm.s32 @p1 $0x1;
	p0 =	seq.s32 s7, s2  }
0x1e: {  	s7 =	smul.u32 @!p0 $0xF7A, s2;
	p2 =	seq.s32 @!p0 s5, $0x0  }
0x1f: {  	s9 =	smul.u32 $0xF7A, s1;
	s8 =	simm.s32 @!p0 $0x1BF5;
	p2 =	por !p2, p0  }
0x20: {  	[sflag:s8] =	ssyncset.s32 @!p0 $0xFFFFF086;
	s6 =	sadd.s32 @!p0 s3, s7;
	s7 =	simm.s32 @!p0 $0x108  }
0x21: {  	s3 =	sadd.s32 s3, s9;
	s6 =	sadd.s32 @!p0 $0x88, s6;
	s7 =	simm.s32 @p2 $0x1082  }
0x22: {  	[simem:s7], [sflag:s8] =	dma.local @!p0 [hbm:s6], $0xF7A  }
0x23: {  	s9 =	sor.u32 $0xD0000000, s2;
	s6 =	simm.s32 $0x108;
	_ =	swait.ge @!p0 [sflag:s8], $0x0  }
0x24: {  	s3 =	sadd.s32 $0x88, s3;
	s6 =	simm.s32 @!p1 $0x1082;
	[sflag:s4] =	ssyncset.s32 $0xFFFFF086  }
0x25: {  	[simem:s6], [sflag:s4] =	dma.local [hbm:s3], $0xF7A  }
0x26: {  	[smem:$0x3F9F] =	sst s1;
	(tag) =	ssettag s2;
	_ =	strace s9  }
0x27: {  	s1 =	sld [smem:$0x3FAF]  }
0x28: {  	s2 =	sld [smem:$0x3FB0]  }
0x29: {  	s4 =	sld [smem:$0x3FB2]  }
0x2a: {  	p0 =	seq.s32 s5, $0x0;
	s5 =	sld [smem:$0x3FB3]  }
0x2b: {  	s6 =	sld [smem:$0x3FB4]  }
0x2c: {  	s7 =	sld [smem:$0x3FB5]  }
0x2d: {  	s3 =	simm.s32 $0x108;
	s8 =	sld [smem:$0x3FB6]  }
0x2e: {  	s3 =	simm.s32 @!p0 $0x1082;
	s9 =	sld [smem:$0x3FB7]  }
0x2f: {  	lr =	sadd.s32 s0, s3;
	s0 =	sld [smem:$0x3FAE]  }
0x30: {  	s3 =	sld [smem:$0x3FB1]  }
0x31: {  	[smem:$0x3FBA] =	sst s10  }
0x32: {  	s10 =	sld [smem:$0x3FB8];
	_ =	sdelay $0x3  }
0x33: {  	p0 =	seq.s32 s10, $0x1;
	s10 =	sld [smem:$0x3FBA];
	_ =	sdelay $0x3  }
0x34: {  	[smem:$0x3FBA] =	sst s10  }
0x35: {  	s10 =	sld [smem:$0x3FB9];
	_ =	sdelay $0x3  }
0x36: {  	p1 =	seq.s32 s10, $0x1;
	s10 =	sld [smem:$0x3FBA];
	_ =	sdelay $0x3  }
0x37: {  	[smem:$0x3FBA] =	sst s10  }
0x38: {  	s10 =	sld [smem:$0x3FBB]  }
0x39: {  	_ = 	snop;
	(pc) =	sbr.ind lr, $3  }
0x3a: {  	_ = 	snop  }
0x3b: {  	_ = 	snop  }
0x3c: {  	p2 =	seq.s32 s10, $0x1;
	s10 =	sld [smem:$0x3FBA]  }
0x3d: {  	_ =	shalt  }
0x3e: {  	_ =	shalt  }
0x3f: {  	_ =	shalt  }
0x40: {  	_ =	shalt  }
0x41: {  	_ =	shalt  }
0x42: {  	_ =	shalt  }
0x43: {  	_ =	shalt  }
0x44: {  	_ =	shalt  }
0x45: {  	_ =	shalt  }
0x46: {  	_ =	shalt  }
0x47: {  	_ =	shalt  }
0x48: {  	_ =	shalt  }
0x49: {  	_ =	shalt  }
0x4a: {  	_ =	shalt  }
0x4b: {  	_ =	shalt  }
0x4c: {  	_ =	shalt  }
0x4d: {  	_ =	shalt  }
0x4e: {  	_ =	shalt  }
0x4f: {  	_ =	shalt  }
0x50: {  	_ =	shalt  }
0x51: {  	_ =	shalt  }
0x52: {  	_ =	shalt  }
0x53: {  	_ =	shalt  }
0x54: {  	_ =	shalt  }
0x55: {  	_ =	shalt  }
0x56: {  	_ =	shalt  }
0x57: {  	_ =	shalt  }
0x58: {  	_ =	shalt  }
0x59: {  	_ =	shalt  }
0x5a: {  	_ =	shalt  }
0x5b: {  	_ =	shalt  }
0x5c: {  	_ =	shalt  }
0x5d: {  	_ =	shalt  }
0x5e: {  	_ =	shalt  }
0x5f: {  	_ =	shalt  }
0x60: {  	_ =	shalt  }
0x61: {  	_ =	shalt  }
0x62: {  	_ =	shalt  }
0x63: {  	_ =	shalt  }
0x64: {  	_ =	shalt  }
0x65: {  	_ =	shalt  }
0x66: {  	_ =	shalt  }
0x67: {  	_ =	shalt  }
0x68: {  	_ =	shalt  }
0x69: {  	_ =	shalt  }
0x6a: {  	_ =	shalt  }
0x6b: {  	_ =	shalt  }
0x6c: {  	_ =	shalt  }
0x6d: {  	_ =	shalt  }
0x6e: {  	_ =	shalt  }
0x6f: {  	_ =	shalt  }
0x70: {  	_ =	shalt  }
0x71: {  	_ =	shalt  }
0x72: {  	_ =	shalt  }
0x73: {  	_ =	shalt  }
0x74: {  	_ =	shalt  }
0x75: {  	_ =	shalt  }
0x76: {  	_ =	shalt  }
0x77: {  	_ =	shalt  }
0x78: {  	_ =	shalt  }
0x79: {  	_ =	shalt  }
0x7a: {  	_ =	shalt  }
0x7b: {  	_ =	shalt  }
0x7c: {  	_ =	shalt  }
0x7d: {  	_ =	shalt  }
0x7e: {  	_ =	shalt  }
0x7f: {  	_ =	shalt  }
0x80: {  	_ =	shalt  }
0x81: {  	_ =	shalt  }
0x82: {  	_ =	shalt  }
0x83: {  	_ =	shalt  }
0x84: {  	_ =	shalt  }
0x85: {  	_ =	shalt  }
0x86: {  	_ =	shalt  }
0x87: {  	_ =	shalt  }
.Lfunc_end0:
.L_simem_size_0:
called_computation.3_lowered:
.L_overlay_start_0:
0x88: {  	s2 =	sld [smem:$0x3FD9]  }
0x89: {  	s3 =	sld [smem:$0x3FFE];
	_ =	sdelay $0x1  }
0x8a: {  	s1 =	srdreg.scid  }
0x8b: {  	s0 =	sand.u32 $0x1, s1  }
0x8c: {  	s17 =	sshll.u32 s0, $0xA;
	s2 =	sadd.s32 s3, s2  }
0x8d: {  	s2 =	sadd.s32 s2, s17  }
0x8e: {  	[smem:$0x3FC6] =	sst s2  }
0x8f: {  	_ = 	snop  }
0x90: {  	s2 =	sld [smem:$0x3FD0];
	(tm) =	ssettm $0x1  }
0x91: {  	s18 =	sld [smem:$0x3FFB];
	_ =	sdelay $0x3  }
0x92: {  	_ =	strace s18  }
0x93: {  	s3 =	sld [smem:$0x3FFC];
	_ =	sdelay $0x3  }
0x94: {  	_ =	strace s3  }
0x95: {  	s3 =	sld [smem:$0x3FFD];
	_ =	sdelay $0x3  }
0x96: {  	_ =	strace s3  }
0x97: {  	_ =	strace $0x8FFFFFFF  }
0x98: {  	s19 =	sld [smem:$0x3FDB];
	_ =	sdelay $0x1  }
0x99: {  	s4 =	simm.s32 $_scs_section_size  }
0x9a: {  	s5 =	simm.s32 $_size__tile_overlayer_lowered;
	s6 =	simm.s32 $_tile_overlayer_lowered  }
0x9b: {  	s22 =	simm.s32 $0x1BFF;
	s21 =	sshll.u32 s6, $0x1;
	s3 =	sadd.s32 s4, s19  }
0x9c: {  	s7 =	simm.s32 $0x0;
	s20 =	sshll.u32 s5, $0x1;
	s5 =	sadd.s32 s21, s3  }
0x9d: {  	[timem:s7], [sflag:s22] =	dma.local [hbm:s5], s20  }
0x9e: {  	_ =	swait.ge [sflag:s22], s20  }
0x9f: {  	s4 =	ssub.s32 $0x0, s20;
	[sflag:s22] =	ssyncset.done $0x0  }
0xa0: {  	[sflag:s22] =	ssyncadd.s32 s4;
	_ =	sdelay $0x1  }
0xa1: {  	s23 =	simm.s32 $0x1B8B  }
0xa2: {  	_ =	swait.ge [sflag:s23], $0x1  }
0xa3: {  	[sflag:s23] =	ssyncset.done $0x0  }
0xa4: {  	s25 =	simm.s32 $0x1B8E;
	s24 =	sld [smem:$0x3FFE];
	[sflag:s23] =	ssyncadd.s32 $0xFFFFFFFF  }
0xa5: {  	s26 =	simm.s32 $execute0_lowered;
	[smem:$0x3FD2] =	sst s25  }
0xa6: {  	s5 =	sshll.u32 s26, $0x1;
	_ =	strace $0x8000004C;
	[dreg:$0x1] =	wrdreg $0xFFFFFFFF  }
0xa7: {  	s28 =	simm.s32 $_size_execute0_lowered;
	s3 =	sadd.s32 s3, s5;
	[dreg:$0x0] =	wrdreg $0x0  }
0xa8: {  	s5 =	sshll.u32 s28, $0x1;
	[dreg:$0x2] =	wrdreg s3  }
0xa9: {  	[dreg:$0x3] =	wrdreg s5  }
0xaa: {  	[dreg:$0x4] =	wrdreg $0xC0  }
0xab: {  	_ =	task [dreg:s7], $0x5FFFF  }
0xac: {  	[dreg:$0x1] =	wrdreg $0xFFFFFFFF  }
0xad: {  	[dreg:$0x0] =	wrdreg $0x60  }
0xae: {  	[dreg:$0x2] =	wrdreg s24  }
0xaf: {  	[dreg:$0x3] =	wrdreg s2  }
0xb0: {  	[dreg:$0x4] =	wrdreg $0x9  }
0xb1: {  	_ =	task.clear_ibuf [dreg:s7], $0x5FFFF;
	_ =	strace $0x9000004C  }
0xb2: {  	s29 =	simm.s32 $0x9;
	_ =	strace $0x8000004E  }
0xb3: {  	_ =	swait.ge [sflag:s29], $0x1  }
0xb4: {  	[sflag:s29] =	ssyncadd.s32 $0xFFFFFFFF  }
0xb5: {  	_ =	strace $0x9000004E  }
0xb6: {  	_ =	sfence  }
0xb7: {  	s30 =	sld [smem:$0x0];
	_ =	sdelay $0x2  }
0xb8: {  	s31 =	sshll.u32 s1, $0xD;
	s1 =	sshrl.u32 s1, $0x2  }
0xb9: {  	s3 =	sand.u32 $0x4000, s31;
	s1 =	sadd.s32 s1, s30  }
0xba: {  	s0 =	sor.u32 s3, s0;
	s1 =	sshll.u32 s1, $0x11  }
0xbb: {  	s0 =	sor.u32 s1, s0  }
0xbc: {  	s0 =	sadd.s32 $0x8F2B, s0  }
0xbd: {  	[sflag:s0] =	ssyncadd.remote.s32 $0x1  }
0xbe: {  	_ =	sfence.sel $0xFFFF  }
0xbf: {  	[dreg:$0x0] =	wrdreg $0xFFFFFFFF;
	(pc) =	sbr.abs _section_cstart, $3  }
0xc0: {  	[dreg:$0x1] =	wrdreg $0xFFFFFFFF  }
0xc1: {  	_ =	task.clear_ibuf [dreg:s7], $0x2FFFF;
	_ =	strace $0x9FFFFFFF  }
0xc2: {  	(tm) =	ssettm $0x7FFFFFFF  }
0xc3: {  	_ =	shalt  }
tec
execute0_lowered:
.L_overlay_start_1:
0x0: {  	(tag) =	ssettag $0x1  }
0x1: {  	s1 =	srdreg.scid;
	s0 =	stileid.u32  }
0x2: {  	s21 =	sand.u32 $0x1, s1;
	s31 =	sshll.u32 s0, $0x1  }
0x3: {  	s5 =	rddreg [dreg:$0x0];
	s10 =	sor.u32 s21, s31  }
0x4: {  	s11 =	rddreg [dreg:$0x1];
	s3 =	smul.u32 $0x680, s10  }
0x5: {  	s2 =	simm.s32 $0x0;
	s1 =	rddreg [dreg:$0x2]  }
0x6: {  	[smem:$0x7FF] =	sst s2;
	s3 =	sadd.s32 s3, s5  }
0x7: {  	_ =	strace $0x8000004D;
	s4 =	sadd.s32 $0x1000, s3;
	s3 =	simm.s32 $0x2  }
0x8: {  	[tilespmem:s2], [sflag:$0x2] =	stream.linear.gather [hbm4b:s4+s2], $0x3400, $0x38;
	[tilespmem:$0x10400] =	vst v63  }
0x9: {  	_ =	swait.ge [sflag:s3], $0x3400  }
0xa: {  	s6 =	simm.s32 $0x680;
	s7 =	simm.s32 $0x3400;
	[sflag:s3] =	ssyncset.done $0x0  }
0xb: {  	s8 =	simm.s32 $0x1;
	s5 =	sadd.s32 $0x11400, s5;
	[sflag:s3] =	ssyncadd.s32 $0xFFFFCC00  }
0xc: {  	[tilespmem:s7], [sflag:$0x1] =	stream.indirect.gather [hbm4b:s5+s6], $0x20, s2, s6, $0xb8;
	[tilespmem:$0x10400] =	vst v63  }
0xd: {  	s9 =	smul.u32 $0xD000, s10;
	_ =	swait.ge [sflag:s8], $0xD000  }
0xe: {  	[sflag:s8] =	ssyncset.done $0x0  }
0xf: {  	s9 =	sadd.s32 s11, s9;
	[sflag:s8] =	ssyncadd.s32 $0xFFFF3000  }
0x10: {  	[hbm4b:s9+s2] =	stream.linear.scatter [tilespmem:s7], [sflag:$0x2], $0xD000, $0x38;
	[tilespmem:$0x10400] =	vst v63  }
0x11: {  	_ =	swait.ge [sflag:s3], $0xD000  }
0x12: {  	[sflag:s3] =	ssyncset.done $0x0  }
0x13: {  	s10 =	smul.u32 $0x68000, s10;
	[sflag:s3] =	ssyncadd.s32 $0xFFFF3000  }
0x14: {  	[tilespmem:s7], [sflag:$0x1] =	stream.indirect.gather [hbm4b:s5+s6], $0x20, s6, s6, $0xb8;
	[tilespmem:$0x10400] =	vst v63  }
0x15: {  	s10 =	sshrl.u32 s10, $0x3;
	_ =	swait.ge [sflag:s8], $0xD000  }
0x16: {  	s22 =	sadd.s32 s11, s10;
	[sflag:s8] =	ssyncset.done $0x0  }
0x17: {  	s10 =	sadd.s32 $0x1A00, s22;
	[sflag:s8] =	ssyncadd.s32 $0xFFFF3000  }
0x18: {  	[hbm4b:s10+s2] =	stream.linear.scatter [tilespmem:s7], [sflag:$0x2], $0xD000, $0x38;
	[tilespmem:$0x10400] =	vst v63  }
0x19: {  	_ =	swait.ge [sflag:s3], $0xD000  }
0x1a: {  	[sflag:s3] =	ssyncset.done $0x0  }
0x1b: {  	s11 =	simm.s32 $0xD00;
	[sflag:s3] =	ssyncadd.s32 $0xFFFF3000  }
0x1c: {  	[tilespmem:s7], [sflag:$0x1] =	stream.indirect.gather [hbm4b:s5+s6], $0x20, s11, s6, $0xb8;
	[tilespmem:$0x10400] =	vst v63  }
0x1d: {  	_ =	swait.ge [sflag:s8], $0xD000  }
0x1e: {  	[sflag:s8] =	ssyncset.done $0x0  }
0x1f: {  	s12 =	sadd.s32 $0x3400, s22;
	[sflag:s8] =	ssyncadd.s32 $0xFFFF3000  }
0x20: {  	[hbm4b:s12+s2] =	stream.linear.scatter [tilespmem:s7], [sflag:$0x2], $0xD000, $0x38;
	[tilespmem:$0x10400] =	vst v63  }
0x21: {  	_ =	swait.ge [sflag:s3], $0xD000  }
0x22: {  	[sflag:s3] =	ssyncset.done $0x0  }
0x23: {  	s13 =	simm.s32 $0x1380;
	[sflag:s3] =	ssyncadd.s32 $0xFFFF3000  }
0x24: {  	[tilespmem:s7], [sflag:$0x1] =	stream.indirect.gather [hbm4b:s5+s6], $0x20, s13, s6, $0xb8;
	[tilespmem:$0x10400] =	vst v63  }
0x25: {  	_ =	swait.ge [sflag:s8], $0xD000  }
0x26: {  	[sflag:s8] =	ssyncset.done $0x0  }
0x27: {  	s14 =	sadd.s32 $0x4E00, s22;
	[sflag:s8] =	ssyncadd.s32 $0xFFFF3000  }
0x28: {  	[hbm4b:s14+s2] =	stream.linear.scatter [tilespmem:s7], [sflag:$0x2], $0xD000, $0x38;
	[tilespmem:$0x10400] =	vst v63  }
0x29: {  	_ =	swait.ge [sflag:s3], $0xD000  }
0x2a: {  	[sflag:s3] =	ssyncset.done $0x0  }
0x2b: {  	s15 =	simm.s32 $0x1A00;
	[sflag:s3] =	ssyncadd.s32 $0xFFFF3000  }
0x2c: {  	[tilespmem:s7], [sflag:$0x1] =	stream.indirect.gather [hbm4b:s5+s6], $0x20, s15, s6, $0xb8;
	[tilespmem:$0x10400] =	vst v63  }
0x2d: {  	_ =	swait.ge [sflag:s8], $0xD000  }
0x2e: {  	[sflag:s8] =	ssyncset.done $0x0  }
0x2f: {  	s16 =	sadd.s32 $0x6800, s22;
	[sflag:s8] =	ssyncadd.s32 $0xFFFF3000  }
0x30: {  	[hbm4b:s16+s2] =	stream.linear.scatter [tilespmem:s7], [sflag:$0x2], $0xD000, $0x38;
	[tilespmem:$0x10400] =	vst v63  }
0x31: {  	_ =	swait.ge [sflag:s3], $0xD000  }
0x32: {  	[sflag:s3] =	ssyncset.done $0x0  }
0x33: {  	s17 =	simm.s32 $0x2080;
	[sflag:s3] =	ssyncadd.s32 $0xFFFF3000  }
0x34: {  	[tilespmem:s7], [sflag:$0x1] =	stream.indirect.gather [hbm4b:s5+s6], $0x20, s17, s6, $0xb8;
	[tilespmem:$0x10400] =	vst v63  }
0x35: {  	_ =	swait.ge [sflag:s8], $0xD000  }
0x36: {  	[sflag:s8] =	ssyncset.done $0x0  }
0x37: {  	s18 =	sadd.s32 $0x8200, s22;
	[sflag:s8] =	ssyncadd.s32 $0xFFFF3000  }
0x38: {  	[hbm4b:s18+s2] =	stream.linear.scatter [tilespmem:s7], [sflag:$0x2], $0xD000, $0x38;
	[tilespmem:$0x10400] =	vst v63  }
0x39: {  	_ =	swait.ge [sflag:s3], $0xD000  }
0x3a: {  	[sflag:s3] =	ssyncset.done $0x0  }
0x3b: {  	s19 =	simm.s32 $0x2700;
	[sflag:s3] =	ssyncadd.s32 $0xFFFF3000  }
0x3c: {  	[tilespmem:s7], [sflag:$0x1] =	stream.indirect.gather [hbm4b:s5+s6], $0x20, s19, s6, $0xb8;
	[tilespmem:$0x10400] =	vst v63  }
0x3d: {  	_ =	swait.ge [sflag:s8], $0xD000  }
0x3e: {  	[sflag:s8] =	ssyncset.done $0x0  }
0x3f: {  	s23 =	ssub.s32 $0x2, s21;
	s20 =	sadd.s32 $0x9C00, s22;
	[sflag:s8] =	ssyncadd.s32 $0xFFFF3000  }
0x40: {  	[hbm4b:s20+s2] =	stream.linear.scatter [tilespmem:s7], [sflag:$0x2], $0xD000, $0x38;
	[tilespmem:$0x10400] =	vst v63  }
0x41: {  	s24 =	sshrl.u32 s23, $0x1;
	_ =	swait.ge [sflag:s3], $0xD000  }
0x42: {  	s23 =	ssub.s32 s23, s24;
	[sflag:s3] =	ssyncset.done $0x0  }
0x43: {  	s21 =	simm.s32 $0x2D80;
	s23 =	smax.u32 s23, $0x1;
	[sflag:s3] =	ssyncadd.s32 $0xFFFF3000  }
0x44: {  	[tilespmem:s7], [sflag:$0x1] =	stream.indirect.gather [hbm4b:s5+s6], $0x20, s21, s6, $0xb8;
	[tilespmem:$0x10400] =	vst v63  }
0x45: {  	p0 =	sne.s32 s23, $0x1;
	_ =	swait.ge [sflag:s8], $0xD000  }
.Ltmp0:
0x46: {  	[sflag:s8] =	ssyncset.done $0x0;
	(pc) =	sbr.rel @!p0 .LBB2_2-.Ltmp0, $4  }
0x47: {  	s22 =	sadd.s32 $0xB600, s22;
	[sflag:s8] =	ssyncadd.s32 $0xFFFF3000  }
0x48: {  	[hbm4b:s22+s2] =	stream.linear.scatter [tilespmem:s7], [sflag:$0x2], $0xD000, $0x38;
	[tilespmem:$0x10400] =	vst v63  }
0x49: {  	_ =	swait.ge [sflag:s3], $0xD000  }
0x4a: {  	s23 =	sadd.s32 $0xFFFFFFFF, s23;
	[sflag:s3] =	ssyncset.done $0x0  }
.LBB2_1:
0x4b: {  	p0 =	sne.s32 s23, $0x1;
	s23 =	sadd.s32 $0xFFFFFFFF, s23;
	[sflag:s3] =	ssyncadd.s32 $0xFFFF3000  }
0x4c: {  	[tilespmem:s2], [sflag:$0x2] =	stream.linear.gather [hbm4b:s4+s2], $0x3400, $0x38;
	[tilespmem:$0x10400] =	vst v63  }
0x4d: {  	_ =	swait.ge [sflag:s3], $0x3400  }
0x4e: {  	[sflag:s3] =	ssyncset.done $0x0  }
0x4f: {  	[sflag:s3] =	ssyncadd.s32 $0xFFFFCC00  }
0x50: {  	[tilespmem:s7], [sflag:$0x1] =	stream.indirect.gather [hbm4b:s5+s6], $0x20, s2, s6, $0xb8;
	[tilespmem:$0x10400] =	vst v63  }
0x51: {  	_ =	swait.ge [sflag:s8], $0xD000  }
0x52: {  	[sflag:s8] =	ssyncset.done $0x0  }
0x53: {  	[sflag:s8] =	ssyncadd.s32 $0xFFFF3000  }
0x54: {  	[hbm4b:s9+s2] =	stream.linear.scatter [tilespmem:s7], [sflag:$0x2], $0xD000, $0x38;
	[tilespmem:$0x10400] =	vst v63  }
0x55: {  	_ =	swait.ge [sflag:s3], $0xD000  }
0x56: {  	[sflag:s3] =	ssyncset.done $0x0  }
0x57: {  	[sflag:s3] =	ssyncadd.s32 $0xFFFF3000  }
0x58: {  	[tilespmem:s7], [sflag:$0x1] =	stream.indirect.gather [hbm4b:s5+s6], $0x20, s6, s6, $0xb8;
	[tilespmem:$0x10400] =	vst v63  }
0x59: {  	_ =	swait.ge [sflag:s8], $0xD000  }
0x5a: {  	[sflag:s8] =	ssyncset.done $0x0  }
0x5b: {  	[sflag:s8] =	ssyncadd.s32 $0xFFFF3000  }
0x5c: {  	[hbm4b:s10+s2] =	stream.linear.scatter [tilespmem:s7], [sflag:$0x2], $0xD000, $0x38;
	[tilespmem:$0x10400] =	vst v63  }
0x5d: {  	_ =	swait.ge [sflag:s3], $0xD000  }
0x5e: {  	[sflag:s3] =	ssyncset.done $0x0  }
0x5f: {  	[sflag:s3] =	ssyncadd.s32 $0xFFFF3000  }
0x60: {  	[tilespmem:s7], [sflag:$0x1] =	stream.indirect.gather [hbm4b:s5+s6], $0x20, s11, s6, $0xb8;
	[tilespmem:$0x10400] =	vst v63  }
0x61: {  	_ =	swait.ge [sflag:s8], $0xD000  }
0x62: {  	[sflag:s8] =	ssyncset.done $0x0  }
0x63: {  	[sflag:s8] =	ssyncadd.s32 $0xFFFF3000  }
0x64: {  	[hbm4b:s12+s2] =	stream.linear.scatter [tilespmem:s7], [sflag:$0x2], $0xD000, $0x38;
	[tilespmem:$0x10400] =	vst v63  }
0x65: {  	_ =	swait.ge [sflag:s3], $0xD000  }
0x66: {  	[sflag:s3] =	ssyncset.done $0x0  }
0x67: {  	[sflag:s3] =	ssyncadd.s32 $0xFFFF3000  }
0x68: {  	[tilespmem:s7], [sflag:$0x1] =	stream.indirect.gather [hbm4b:s5+s6], $0x20, s13, s6, $0xb8;
	[tilespmem:$0x10400] =	vst v63  }
0x69: {  	_ =	swait.ge [sflag:s8], $0xD000  }
0x6a: {  	[sflag:s8] =	ssyncset.done $0x0  }
0x6b: {  	[sflag:s8] =	ssyncadd.s32 $0xFFFF3000  }
0x6c: {  	[hbm4b:s14+s2] =	stream.linear.scatter [tilespmem:s7], [sflag:$0x2], $0xD000, $0x38;
	[tilespmem:$0x10400] =	vst v63  }
0x6d: {  	_ =	swait.ge [sflag:s3], $0xD000  }
0x6e: {  	[sflag:s3] =	ssyncset.done $0x0  }
0x6f: {  	[sflag:s3] =	ssyncadd.s32 $0xFFFF3000  }
0x70: {  	[tilespmem:s7], [sflag:$0x1] =	stream.indirect.gather [hbm4b:s5+s6], $0x20, s15, s6, $0xb8;
	[tilespmem:$0x10400] =	vst v63  }
0x71: {  	_ =	swait.ge [sflag:s8], $0xD000  }
0x72: {  	[sflag:s8] =	ssyncset.done $0x0  }
0x73: {  	[sflag:s8] =	ssyncadd.s32 $0xFFFF3000  }
0x74: {  	[hbm4b:s16+s2] =	stream.linear.scatter [tilespmem:s7], [sflag:$0x2], $0xD000, $0x38;
	[tilespmem:$0x10400] =	vst v63  }
0x75: {  	_ =	swait.ge [sflag:s3], $0xD000  }
0x76: {  	[sflag:s3] =	ssyncset.done $0x0  }
0x77: {  	[sflag:s3] =	ssyncadd.s32 $0xFFFF3000  }
0x78: {  	[tilespmem:s7], [sflag:$0x1] =	stream.indirect.gather [hbm4b:s5+s6], $0x20, s17, s6, $0xb8;
	[tilespmem:$0x10400] =	vst v63  }
0x79: {  	_ =	swait.ge [sflag:s8], $0xD000  }
0x7a: {  	[sflag:s8] =	ssyncset.done $0x0  }
0x7b: {  	[sflag:s8] =	ssyncadd.s32 $0xFFFF3000  }
0x7c: {  	[hbm4b:s18+s2] =	stream.linear.scatter [tilespmem:s7], [sflag:$0x2], $0xD000, $0x38;
	[tilespmem:$0x10400] =	vst v63  }
0x7d: {  	_ =	swait.ge [sflag:s3], $0xD000  }
0x7e: {  	[sflag:s3] =	ssyncset.done $0x0  }
0x7f: {  	[sflag:s3] =	ssyncadd.s32 $0xFFFF3000  }
0x80: {  	[tilespmem:s7], [sflag:$0x1] =	stream.indirect.gather [hbm4b:s5+s6], $0x20, s19, s6, $0xb8;
	[tilespmem:$0x10400] =	vst v63  }
0x81: {  	_ =	swait.ge [sflag:s8], $0xD000  }
0x82: {  	[sflag:s8] =	ssyncset.done $0x0  }
0x83: {  	[sflag:s8] =	ssyncadd.s32 $0xFFFF3000  }
0x84: {  	[hbm4b:s20+s2] =	stream.linear.scatter [tilespmem:s7], [sflag:$0x2], $0xD000, $0x38;
	[tilespmem:$0x10400] =	vst v63  }
0x85: {  	_ =	swait.ge [sflag:s3], $0xD000  }
0x86: {  	[sflag:s3] =	ssyncset.done $0x0  }
0x87: {  	[sflag:s3] =	ssyncadd.s32 $0xFFFF3000  }
0x88: {  	[tilespmem:s7], [sflag:$0x1] =	stream.indirect.gather [hbm4b:s5+s6], $0x20, s21, s6, $0xb8;
	[tilespmem:$0x10400] =	vst v63  }
0x89: {  	_ =	swait.ge [sflag:s8], $0xD000  }
.Ltmp1:
0x8a: {  	[sflag:s8] =	ssyncset.done $0x0;
	(pc) =	sbr.rel @p0 .LBB2_1-.Ltmp1, $4  }
0x8b: {  	[sflag:s8] =	ssyncadd.s32 $0xFFFF3000  }
0x8c: {  	[hbm4b:s22+s2] =	stream.linear.scatter [tilespmem:s7], [sflag:$0x2], $0xD000, $0x38;
	[tilespmem:$0x10400] =	vst v63  }
0x8d: {  	_ =	swait.ge [sflag:s3], $0xD000  }
0x8e: {  	[sflag:s3] =	ssyncset.done $0x0  }
.LBB2_2:
0x8f: {  	[sflag:s3] =	ssyncadd.s32 $0xFFFF3000  }
0x90: {  	_ =	sfence.sel $0x180000  }
0x91: {  	[bflag:$0x0] =	sbarrier.arrive $0xFFFF  }
0x92: {  	p0 =	sne.s32 s0, $0x0;
	_ =	strace $0x9000004D  }
0x93: {  	s0 =	sadd.s32 @!p0 $0x100000, s1;
	[bflag:$0x2] =	sbarrier.arrive $0xFFFF  }
0x94: {  	[sflag:s0] =	ssyncadd.tile.s32 @!p0 $0x1;
	_ =	shalt  }
.Lfunc_end2:
_tile_overlayer_lowered:
.L_overlay_start_2:
0x95: {  	(tag) =	ssettag $0x2  }
0x96: {  	s0 =	rddreg [dreg:$0x0];
	s2 =	stileid.u32  }
0x97: {  	s1 =	rddreg [dreg:$0x1];
	p0 =	sne.s32 s2, $0x0  }
0x98: {  	s3 =	rddreg [dreg:$0x2];
	[bflag:$0x3] =	sbarrier.arrive $0xFFFF;
	s2 =	simm.s32 @!p0 $0x1C02  }
0x99: {  	[timem:s3], [sflag:s2] =	dma.local @!p0 [hbm:s0], s1  }
0x9a: {  	s0 =	simm.s32 @!p0 $0x2  }
0x9b: {  	_ =	swait.ge @!p0 [sflag:s0], s1  }
0x9c: {  	s1 =	ssub.s32 @!p0 $0x0, s1;
	[sflag:s0] =	ssyncset.done @!p0 $0x0  }
0x9d: {  	[sflag:s0] =	ssyncadd.s32 @!p0 s1  }
0x9e: {  	[bflag:$0x3] =	sbarrier.arrive $0xFFFF  }
0x9f: {  	_ =	shalt  }

// kernel: kernel.5.cloned.1.call-start
scs
__scs_entry_jumppad:
0x0: {  	(pc) =	sbr.rel $0x88, $3  }
0x1: {  	(tag) =	ssettag $0x0;
	lr =	simm.s32 $0x1  }
0x2: {  	[smem:$0x3F9F] =	sst lr;
	_ =	strace $0xD0000000  }
0x3: {  	_ = 	snop  }
0x4: {  	_ = 	snop  }
0x5: {  	_ = 	snop  }
0x6: {  	_ = 	snop  }
0x7: {  	_ = 	snop  }
__scs_overlays_trampoline_lowered:
0x8: {  	[smem:$0x3FAE] =	sst s0  }
0x9: {  	[smem:$0x3FAF] =	sst s1  }
0xa: {  	[smem:$0x3FB0] =	sst s2  }
0xb: {  	[smem:$0x3FB1] =	sst s3  }
0xc: {  	[smem:$0x3FB2] =	sst s4  }
0xd: {  	[smem:$0x3FB3] =	sst s5  }
0xe: {  	[smem:$0x3FB4] =	sst s6  }
0xf: {  	[smem:$0x3FB5] =	sst s7  }
0x10: {  	[smem:$0x3FB6] =	sst s8  }
0x11: {  	[smem:$0x3FB7] =	sst s9;
	s0 =	simm.s32 @!p0 $0x0  }
0x12: {  	s1 =	sld [smem:$0x3F9D];
	s0 =	simm.s32 @p0 $0x1  }
0x13: {  	[smem:$0x3FB8] =	sst s0;
	s0 =	simm.s32 @!p1 $0x0  }
0x14: {  	s2 =	sld [smem:$0x3F9C];
	s0 =	simm.s32 @p1 $0x1  }
0x15: {  	[smem:$0x3FB9] =	sst s0;
	s0 =	simm.s32 @!p2 $0x0  }
0x16: {  	s3 =	sld [smem:$0x3FDB];
	s0 =	simm.s32 @p2 $0x1  }
0x17: {  	s4 =	simm.s32 $0x1BF5;
	[smem:$0x3FBB] =	sst s0  }
0x18: {  	s0 =	sld [smem:$0x3F9E];
	_ =	swait.ge [sflag:s4], $0x0  }
0x19: {  	s7 =	sld [smem:$0x3F9F]  }
0x1a: {  	s8 =	sadd.s32 $0xFFFFE003, lr  }
0x1b: {  	s9 =	sadd.s32 $0xFFFFFEF7, lr;
	s5 =	simm.s32 $0xFFFFFFFF;
	p2 =	slt.u32 s8, $0xFFFFF086  }
0x1c: {  	p1 =	slt.u32 s9, $0xF7A;
	s5 =	simm.s32 @!p2 $0x0  }
0x1d: {  	s5 =	simm.s32 @p1 $0x1;
	p0 =	seq.s32 s7, s2  }
0x1e: {  	s7 =	smul.u32 @!p0 $0xF7A, s2;
	p2 =	seq.s32 @!p0 s5, $0x0  }
0x1f: {  	s9 =	smul.u32 $0xF7A, s1;
	s8 =	simm.s32 @!p0 $0x1BF5;
	p2 =	por !p2, p0  }
0x20: {  	[sflag:s8] =	ssyncset.s32 @!p0 $0xFFFFF086;
	s6 =	sadd.s32 @!p0 s3, s7;
	s7 =	simm.s32 @!p0 $0x108  }
0x21: {  	s3 =	sadd.s32 s3, s9;
	s6 =	sadd.s32 @!p0 $0x88, s6;
	s7 =	simm.s32 @p2 $0x1082  }
0x22: {  	[simem:s7], [sflag:s8] =	dma.local @!p0 [hbm:s6], $0xF7A  }
0x23: {  	s9 =	sor.u32 $0xD0000000, s2;
	s6 =	simm.s32 $0x108;
	_ =	swait.ge @!p0 [sflag:s8], $0x0  }
0x24: {  	s3 =	sadd.s32 $0x88, s3;
	s6 =	simm.s32 @!p1 $0x1082;
	[sflag:s4] =	ssyncset.s32 $0xFFFFF086  }
0x25: {  	[simem:s6], [sflag:s4] =	dma.local [hbm:s3], $0xF7A  }
0x26: {  	[smem:$0x3F9F] =	sst s1;
	(tag) =	ssettag s2;
	_ =	strace s9  }
0x27: {  	s1 =	sld [smem:$0x3FAF]  }
0x28: {  	s2 =	sld [smem:$0x3FB0]  }
0x29: {  	s4 =	sld [smem:$0x3FB2]  }
0x2a: {  	p0 =	seq.s32 s5, $0x0;
	s5 =	sld [smem:$0x3FB3]  }
0x2b: {  	s6 =	sld [smem:$0x3FB4]  }
0x2c: {  	s7 =	sld [smem:$0x3FB5]  }
0x2d: {  	s3 =	simm.s32 $0x108;
	s8 =	sld [smem:$0x3FB6]  }
0x2e: {  	s3 =	simm.s32 @!p0 $0x1082;
	s9 =	sld [smem:$0x3FB7]  }
0x2f: {  	lr =	sadd.s32 s0, s3;
	s0 =	sld [smem:$0x3FAE]  }
0x30: {  	s3 =	sld [smem:$0x3FB1]  }
0x31: {  	[smem:$0x3FBA] =	sst s10  }
0x32: {  	s10 =	sld [smem:$0x3FB8];
	_ =	sdelay $0x3  }
0x33: {  	p0 =	seq.s32 s10, $0x1;
	s10 =	sld [smem:$0x3FBA];
	_ =	sdelay $0x3  }
0x34: {  	[smem:$0x3FBA] =	sst s10  }
0x35: {  	s10 =	sld [smem:$0x3FB9];
	_ =	sdelay $0x3  }
0x36: {  	p1 =	seq.s32 s10, $0x1;
	s10 =	sld [smem:$0x3FBA];
	_ =	sdelay $0x3  }
0x37: {  	[smem:$0x3FBA] =	sst s10  }
0x38: {  	s10 =	sld [smem:$0x3FBB]  }
0x39: {  	_ = 	snop;
	(pc) =	sbr.ind lr, $3  }
0x3a: {  	_ = 	snop  }
0x3b: {  	_ = 	snop  }
0x3c: {  	p2 =	seq.s32 s10, $0x1;
	s10 =	sld [smem:$0x3FBA]  }
0x3d: {  	_ =	shalt  }
0x3e: {  	_ =	shalt  }
0x3f: {  	_ =	shalt  }
0x40: {  	_ =	shalt  }
0x41: {  	_ =	shalt  }
0x42: {  	_ =	shalt  }
0x43: {  	_ =	shalt  }
0x44: {  	_ =	shalt  }
0x45: {  	_ =	shalt  }
0x46: {  	_ =	shalt  }
0x47: {  	_ =	shalt  }
0x48: {  	_ =	shalt  }
0x49: {  	_ =	shalt  }
0x4a: {  	_ =	shalt  }
0x4b: {  	_ =	shalt  }
0x4c: {  	_ =	shalt  }
0x4d: {  	_ =	shalt  }
0x4e: {  	_ =	shalt  }
0x4f: {  	_ =	shalt  }
0x50: {  	_ =	shalt  }
0x51: {  	_ =	shalt  }
0x52: {  	_ =	shalt  }
0x53: {  	_ =	shalt  }
0x54: {  	_ =	shalt  }
0x55: {  	_ =	shalt  }
0x56: {  	_ =	shalt  }
0x57: {  	_ =	shalt  }
0x58: {  	_ =	shalt  }
0x59: {  	_ =	shalt  }
0x5a: {  	_ =	shalt  }
0x5b: {  	_ =	shalt  }
0x5c: {  	_ =	shalt  }
0x5d: {  	_ =	shalt  }
0x5e: {  	_ =	shalt  }
0x5f: {  	_ =	shalt  }
0x60: {  	_ =	shalt  }
0x61: {  	_ =	shalt  }
0x62: {  	_ =	shalt  }
0x63: {  	_ =	shalt  }
0x64: {  	_ =	shalt  }
0x65: {  	_ =	shalt  }
0x66: {  	_ =	shalt  }
0x67: {  	_ =	shalt  }
0x68: {  	_ =	shalt  }
0x69: {  	_ =	shalt  }
0x6a: {  	_ =	shalt  }
0x6b: {  	_ =	shalt  }
0x6c: {  	_ =	shalt  }
0x6d: {  	_ =	shalt  }
0x6e: {  	_ =	shalt  }
0x6f: {  	_ =	shalt  }
0x70: {  	_ =	shalt  }
0x71: {  	_ =	shalt  }
0x72: {  	_ =	shalt  }
0x73: {  	_ =	shalt  }
0x74: {  	_ =	shalt  }
0x75: {  	_ =	shalt  }
0x76: {  	_ =	shalt  }
0x77: {  	_ =	shalt  }
0x78: {  	_ =	shalt  }
0x79: {  	_ =	shalt  }
0x7a: {  	_ =	shalt  }
0x7b: {  	_ =	shalt  }
0x7c: {  	_ =	shalt  }
0x7d: {  	_ =	shalt  }
0x7e: {  	_ =	shalt  }
0x7f: {  	_ =	shalt  }
0x80: {  	_ =	shalt  }
0x81: {  	_ =	shalt  }
0x82: {  	_ =	shalt  }
0x83: {  	_ =	shalt  }
0x84: {  	_ =	shalt  }
0x85: {  	_ =	shalt  }
0x86: {  	_ =	shalt  }
0x87: {  	_ =	shalt  }
.Lfunc_end0:
.L_simem_size_0:
called_computation.1_lowered:
.L_overlay_start_0:
0x88: {  	s2 =	sld [smem:$0x3FD9]  }
0x89: {  	s3 =	sld [smem:$0x3FFE];
	_ =	sdelay $0x1  }
0x8a: {  	s1 =	srdreg.scid  }
0x8b: {  	s0 =	sand.u32 $0x1, s1  }
0x8c: {  	s17 =	sshll.u32 s0, $0xA;
	s2 =	sadd.s32 s3, s2  }
0x8d: {  	s2 =	sadd.s32 s2, s17  }
0x8e: {  	[smem:$0x3FC6] =	sst s2  }
0x8f: {  	_ = 	snop  }
0x90: {  	s2 =	sld [smem:$0x3FC9]  }
0x91: {  	s18 =	sld [smem:$0x3FD0];
	(tm) =	ssettm $0x1  }
0x92: {  	s4 =	sld [smem:$0x3FFB];
	_ =	sdelay $0x3  }
0x93: {  	_ =	strace s4  }
0x94: {  	s4 =	sld [smem:$0x3FFC];
	_ =	sdelay $0x3  }
0x95: {  	_ =	strace s4  }
0x96: {  	s4 =	sld [smem:$0x3FFD];
	_ =	sdelay $0x3  }
0x97: {  	_ =	strace s4  }
0x98: {  	_ =	strace $0x8FFFFFFF  }
0x99: {  	s19 =	sld [smem:$0x3FDB];
	_ =	sdelay $0x1  }
0x9a: {  	s5 =	simm.s32 $_scs_section_size  }
0x9b: {  	s6 =	simm.s32 $_size__tile_overlayer_lowered;
	s7 =	simm.s32 $_tile_overlayer_lowered  }
0x9c: {  	s22 =	simm.s32 $0x1BFF;
	s21 =	sshll.u32 s7, $0x1;
	s4 =	sadd.s32 s5, s19  }
0x9d: {  	s8 =	simm.s32 $0x0;
	s20 =	sshll.u32 s6, $0x1;
	s6 =	sadd.s32 s21, s4  }
0x9e: {  	[timem:s8], [sflag:s22] =	dma.local [hbm:s6], s20  }
0x9f: {  	_ =	swait.ge [sflag:s22], s20  }
0xa0: {  	s5 =	ssub.s32 $0x0, s20;
	[sflag:s22] =	ssyncset.done $0x0  }
0xa1: {  	[sflag:s22] =	ssyncadd.s32 s5;
	_ =	sdelay $0x1  }
0xa2: {  	s23 =	simm.s32 $0x1B8B  }
0xa3: {  	_ =	swait.ge [sflag:s23], $0x1  }
0xa4: {  	[sflag:s23] =	ssyncset.done $0x0  }
0xa5: {  	s25 =	simm.s32 $0x1B8E;
	s24 =	sld [smem:$0x3FFE];
	[sflag:s23] =	ssyncadd.s32 $0xFFFFFFFF  }
0xa6: {  	s26 =	simm.s32 $execute0_lowered;
	[smem:$0x3FD2] =	sst s25  }
0xa7: {  	s6 =	sshll.u32 s26, $0x1;
	_ =	strace $0x80000046;
	[dreg:$0x1] =	wrdreg $0xFFFFFFFF  }
0xa8: {  	s28 =	simm.s32 $_size_execute0_lowered;
	s4 =	sadd.s32 s4, s6;
	[dreg:$0x0] =	wrdreg $0x0  }
0xa9: {  	s6 =	sshll.u32 s28, $0x1;
	[dreg:$0x2] =	wrdreg s4  }
0xaa: {  	[dreg:$0x3] =	wrdreg s6  }
0xab: {  	[dreg:$0x4] =	wrdreg $0xC0  }
0xac: {  	_ =	task [dreg:s8], $0x5FFFF  }
0xad: {  	[dreg:$0x1] =	wrdreg $0xFFFFFFFF  }
0xae: {  	[dreg:$0x0] =	wrdreg $0x60  }
0xaf: {  	[dreg:$0x2] =	wrdreg s2  }
0xb0: {  	[dreg:$0x3] =	wrdreg s18  }
0xb1: {  	[dreg:$0x4] =	wrdreg s24  }
0xb2: {  	[dreg:$0x5] =	wrdreg $0x9  }
0xb3: {  	_ =	task.clear_ibuf [dreg:s8], $0x6FFFF;
	_ =	strace $0x90000046  }
0xb4: {  	s29 =	simm.s32 $0x9;
	_ =	strace $0x80000048  }
0xb5: {  	_ =	swait.ge [sflag:s29], $0x1  }
0xb6: {  	[sflag:s29] =	ssyncadd.s32 $0xFFFFFFFF  }
0xb7: {  	_ =	strace $0x90000048  }
0xb8: {  	_ =	sfence  }
0xb9: {  	s30 =	sld [smem:$0x0];
	_ =	sdelay $0x2  }
0xba: {  	s31 =	sshll.u32 s1, $0xD;
	s1 =	sshrl.u32 s1, $0x2  }
0xbb: {  	s3 =	sand.u32 $0x4000, s31;
	s1 =	sadd.s32 s1, s30  }
0xbc: {  	s0 =	sor.u32 s3, s0;
	s1 =	sshll.u32 s1, $0x11  }
0xbd: {  	s0 =	sor.u32 s1, s0  }
0xbe: {  	s0 =	sadd.s32 $0x8F2B, s0  }
0xbf: {  	[sflag:s0] =	ssyncadd.remote.s32 $0x1  }
0xc0: {  	_ =	sfence.sel $0xFFFF  }
0xc1: {  	[dreg:$0x0] =	wrdreg $0xFFFFFFFF;
	(pc) =	sbr.abs _section_cstart, $3  }
0xc2: {  	[dreg:$0x1] =	wrdreg $0xFFFFFFFF  }
0xc3: {  	_ =	task.clear_ibuf [dreg:s8], $0x2FFFF;
	_ =	strace $0x9FFFFFFF  }
0xc4: {  	(tm) =	ssettm $0x7FFFFFFF  }
0xc5: {  	_ =	shalt  }
tec
execute0_lowered:
.L_overlay_start_1:
0x0: {  	(tag) =	ssettag $0x1  }
0x1: {  	v14 =	vlaneseq.u32;
	v2 =	vimm.s32 $0xA;
	vm14 =	vcmask $0x300  }
0x2: {  	v3 =	vimm.s32 $0x280;
	vm2 =	vcmask $0x2700;
	vm13 =	vcmask $0x704  }
0x3: {  	vm12 =	vcmask $0xB08;
	v4 =	vimm.s32 $0x7A120;
	vm11 =	vcmask $0xF0C  }
0x4: {  	vm10 =	vcmask $0x1310;
	vm9 =	vcmask $0x1714;
	vm8 =	vcmask $0x1B18  }
0x5: {  	vm7 =	vcmask $0x1F1C;
	vm6 =	vcmask $0x2320;
	vm5 =	vcmask $0x2724  }
0x6: {  	vm4 =	vcmask $0x2B28;
	vm3 =	vcmask $0x2F2C;
	vm1 =	vcmask $0x3330  }
0x7: {  	vm0 =	vcmask $0x3734;
	v5 =	vimm.s32 $0x580;
	v8 =	vimm.s32 $0x10C8E0  }
0x8: {  	v9 =	vimm.s32 $0x4;
	vm15 =	vcmask $0xF00;
	v12 =	vimm.s32 $0xE  }
0x9: {  	v15 =	vimm.s32 $0xAAE60;
	v19 =	vimm.s32 $0x680;
	v21 =	vimm.s32 $0x13D620  }
0xa: {  	v22 =	vimm.s32 $0x2;
	v25 =	vimm.s32 $0xC;
	v27 =	vimm.s32 $0xDBBA0  }
0xb: {  	v30 =	vimm.s32 $0x6;
	v0 =	vmul.u32 $0x80, v14;
	v1 =	vmul.u32 $0x186A0, v14  }
0xc: {  	v3 =	vsel vm14, $0x800, v3;
	v4 =	vsel vm14, $0x186A00, v4;
	v2 =	vsel vm2, $0xFFFFFFF0, v2  }
0xd: {  	vm2 =	vcmask $0x3B38;
	v6 =	vsel vm14, $0xB00, v5;
	v8 =	vsel vm14, $0x2191C0, v8  }
0xe: {  	v15 =	vsel vm14, $0x1B7740, v15;
	v14 =	vshrl.u32 v14, $0x3;
	v20 =	vsel vm14, $0xC00, v19  }
0xf: {  	v21 =	vsel vm14, $0x249F00, v21;
	v27 =	vsel vm14, $0x1E8480, v27;
	v3 =	vsel vm13, $0x880, v3  }
0x10: {  	v4 =	vsel vm13, $0x19F0A0, v4;
	v7 =	vsel vm13, $0xB80, v6;
	v8 =	vsel vm13, $0x231860, v8  }
0x11: {  	v15 =	vsel vm13, $0x1CFDE0, v15;
	v17 =	vmul.u32 $0x1A, v14;
	v20 =	vsel vm13, $0xC80, v20  }
0x12: {  	v21 =	vsel vm13, $0x2625A0, v21;
	v27 =	vsel vm13, $0x200B20, v27;
	v3 =	vsel vm12, $0x900, v3  }
0x13: {  	v4 =	vsel vm12, $0x1B7740, v4;
	v5 =	vadd.s32 $0x300, v0;
	v6 =	vadd.s32 $0x927C0, v1  }
0x14: {  	v7 =	vsel vm12, $0xC00, v7;
	v8 =	vsel vm12, $0x249F00, v8;
	v15 =	vsel vm12, $0x1E8480, v15  }
0x15: {  	v14 =	vadd.s32 $0x30D40, v1;
	v19 =	vadd.s32 $0xC3500, v1;
	v20 =	vsel vm12, $0x0, v20  }
0x16: {  	v21 =	vsel vm12, $0x0, v21;
	v27 =	vsel vm12, $0x2191C0, v27;
	v3 =	vsel vm11, $0x980, v3  }
0x17: {  	v4 =	vsel vm11, $0x1CFDE0, v4;
	v7 =	vsel vm11, $0xC80, v7;
	v8 =	vsel vm11, $0x2625A0, v8  }
0x18: {  	v15 =	vsel vm11, $0x200B20, v15;
	v23 =	vsel vm11, $0x80, v20;
	v21 =	vsel vm11, $0x186A0, v21  }
0x19: {  	v27 =	vsel vm11, $0x231860, v27;
	v3 =	vsel vm10, $0xA00, v3;
	v4 =	vsel vm10, $0x1E8480, v4  }
0x1a: {  	v10 =	vsel vm10, $0x0, v7;
	v7 =	vsel vm15, $0xFFFFFFEA, v9;
	v8 =	vsel vm10, $0x0, v8  }
0x1b: {  	vm15 =	vcmask $0x3700;
	v15 =	vsel vm10, $0x2191C0, v15;
	v21 =	vsel vm10, $0x30D40, v21  }
0x1c: {  	v27 =	vsel vm10, $0x249F00, v27;
	v3 =	vsel vm9, $0xA80, v3;
	v4 =	vsel vm9, $0x200B20, v4  }
0x1d: {  	v9 =	vsel vm9, $0x80, v10;
	v10 =	vimm.s32 $0x80;
	v8 =	vsel vm9, $0x186A0, v8  }
0x1e: {  	v15 =	vsel vm9, $0x231860, v15;
	v21 =	vsel vm9, $0x493E0, v21;
	v27 =	vsel vm9, $0x2625A0, v27  }
0x1f: {  	v3 =	vsel vm8, $0xB00, v3;
	v4 =	vsel vm8, $0x2191C0, v4;
	v9 =	vsel vm8, $0x100, v9  }
0x20: {  	v10 =	vsel vm14, $0x600, v10;
	v8 =	vsel vm8, $0x30D40, v8;
	v15 =	vsel vm8, $0x249F00, v15  }
0x21: {  	v21 =	vsel vm8, $0x61A80, v21;
	v27 =	vsel vm8, $0x0, v27;
	v3 =	vsel vm7, $0xB80, v3  }
0x22: {  	v4 =	vsel vm7, $0x231860, v4;
	v9 =	vsel vm7, $0x180, v9;
	v10 =	vsel vm13, $0x680, v10  }
0x23: {  	v8 =	vsel vm7, $0x493E0, v8;
	v15 =	vsel vm7, $0x2625A0, v15;
	v21 =	vsel vm7, $0x7A120, v21  }
0x24: {  	v27 =	vsel vm7, $0x186A0, v27;
	v3 =	vsel vm6, $0xC00, v3;
	v4 =	vsel vm6, $0x249F00, v4  }
0x25: {  	v9 =	vsel vm6, $0x200, v9;
	v10 =	vsel vm12, $0x700, v10;
	v8 =	vsel vm6, $0x61A80, v8  }
0x26: {  	v15 =	vsel vm6, $0x0, v15;
	v21 =	vsel vm6, $0x927C0, v21;
	v27 =	vsel vm6, $0x30D40, v27  }
0x27: {  	v3 =	vsel vm5, $0xC80, v3;
	v4 =	vsel vm5, $0x2625A0, v4;
	v9 =	vsel vm5, $0x280, v9  }
0x28: {  	v10 =	vsel vm11, $0x780, v10;
	v8 =	vsel vm5, $0x7A120, v8;
	v15 =	vsel vm5, $0x186A0, v15  }
0x29: {  	v21 =	vsel vm5, $0xAAE60, v21;
	v29 =	vsel vm5, $0x493E0, v27;
	v27 =	vadd.s32 $0x61A80, v1  }
0x2a: {  	v3 =	vsel vm4, $0x0, v3;
	v4 =	vsel vm4, $0x0, v4;
	v9 =	vsel vm4, $0x300, v9  }
0x2b: {  	v10 =	vsel vm10, $0x800, v10;
	v11 =	vsel vm4, $0x927C0, v8;
	v15 =	vsel vm4, $0x30D40, v15  }
0x2c: {  	v21 =	vsel vm4, $0xC3500, v21;
	v29 =	vsel vm4, $0x61A80, v29;
	v3 =	vsel vm3, $0x80, v3  }
0x2d: {  	v4 =	vsel vm3, $0x186A0, v4;
	v9 =	vsel vm3, $0x380, v9;
	v10 =	vsel vm9, $0x880, v10  }
0x2e: {  	v18 =	vsel vm3, $0x493E0, v15;
	v15 =	vadd.s32 $0xFFFFFFEE, v17;
	v24 =	vsel vm3, $0xDBBA0, v21  }
0x2f: {  	v29 =	vsel vm3, $0x7A120, v29;
	v3 =	vsel vm1, $0x100, v3;
	v4 =	vsel vm1, $0x30D40, v4  }
0x30: {  	v9 =	vsel vm1, $0x400, v9;
	v10 =	vsel vm8, $0x900, v10;
	v17 =	vsel vm1, $0x61A80, v18  }
0x31: {  	v18 =	vadd.s32 $0x400, v0;
	v32 =	vsel vm1, $0x927C0, v29;
	v3 =	vsel vm0, $0x180, v3  }
0x32: {  	v4 =	vsel vm0, $0x493E0, v4;
	v9 =	vsel vm0, $0x480, v9;
	v10 =	vsel vm7, $0x980, v10  }
0x33: {  	v17 =	vsel vm0, $0x7A120, v17;
	v3 =	vsel vm2, $0x200, v3;
	v4 =	vsel vm2, $0x61A80, v4  }
0x34: {  	v8 =	vsel vm2, $0x500, v9;
	v9 =	vsel vm3, $0xAAE60, v11;
	v10 =	vsel vm6, $0xA00, v10  }
0x35: {  	v11 =	vimm.s32 $0x186A0;
	v17 =	vsel vm2, $0x927C0, v17;
	v10 =	vsel vm5, $0xA80, v10  }
0x36: {  	v9 =	vsel vm1, $0xC3500, v9;
	v11 =	vsel vm14, $0x124F80, v11;
	v10 =	vsel vm4, $0xB00, v10  }
0x37: {  	v9 =	vsel vm0, $0xDBBA0, v9;
	v11 =	vsel vm13, $0x13D620, v11;
	v10 =	vsel vm3, $0xB80, v10  }
0x38: {  	v9 =	vsel vm2, $0xF4240, v9;
	v11 =	vsel vm12, $0x155CC0, v11;
	v13 =	vsel vm1, $0xC00, v10  }
0x39: {  	v11 =	vsel vm11, $0x16E360, v11;
	v10 =	vsel vm15, $0xFFFFFFF4, v12;
	vm15 =	vcmask $0x700  }
0x3a: {  	v12 =	vsel vm0, $0xC80, v13;
	v13 =	vsel vm10, $0x186A00, v11;
	v20 =	vsel vm15, $0xFFFFFFE8, v22  }
0x3b: {  	v22 =	vsel vm10, $0x100, v23;
	v23 =	vimm.s32 $0x180;
	vm15 =	vcmask $0x2F00  }
0x3c: {  	v11 =	vsel vm2, $0x0, v12;
	v12 =	vsel vm9, $0x19F0A0, v13;
	v22 =	vsel vm9, $0x180, v22  }
0x3d: {  	v13 =	vimm.s32 $0x380;
	v23 =	vsel vm14, $0x700, v23;
	v22 =	vsel vm8, $0x200, v22  }
0x3e: {  	v12 =	vsel vm8, $0x1B7740, v12;
	v23 =	vsel vm13, $0x780, v23;
	v22 =	vsel vm7, $0x280, v22  }
0x3f: {  	v13 =	vsel vm14, $0x900, v13;
	v23 =	vsel vm12, $0x800, v23;
	v22 =	vsel vm6, $0x300, v22  }
0x40: {  	v12 =	vsel vm7, $0x1CFDE0, v12;
	v23 =	vsel vm11, $0x880, v23;
	v22 =	vsel vm5, $0x380, v22  }
0x41: {  	v13 =	vsel vm13, $0x980, v13;
	v23 =	vsel vm10, $0x900, v23;
	v22 =	vsel vm4, $0x400, v22  }
0x42: {  	v12 =	vsel vm6, $0x1E8480, v12;
	v23 =	vsel vm9, $0x980, v23;
	v22 =	vsel vm3, $0x480, v22  }
0x43: {  	v13 =	vsel vm12, $0xA00, v13;
	v23 =	vsel vm8, $0xA00, v23;
	v22 =	vsel vm1, $0x500, v22  }
0x44: {  	v12 =	vsel vm5, $0x200B20, v12;
	v23 =	vsel vm7, $0xA80, v23;
	v22 =	vsel vm0, $0x580, v22  }
0x45: {  	v13 =	vsel vm11, $0xA80, v13;
	v23 =	vsel vm6, $0xB00, v23;
	v21 =	vsel vm2, $0x600, v22  }
0x46: {  	v22 =	vsel vm1, $0xF4240, v24;
	v23 =	vsel vm5, $0xB80, v23;
	v24 =	vimm.s32 $0x493E0  }
0x47: {  	v12 =	vsel vm4, $0x2191C0, v12;
	v23 =	vsel vm4, $0xC00, v23;
	v24 =	vsel vm14, $0x155CC0, v24  }
0x48: {  	v13 =	vsel vm10, $0xB00, v13;
	v23 =	vsel vm3, $0xC80, v23;
	v24 =	vsel vm13, $0x16E360, v24  }
0x49: {  	v12 =	vsel vm3, $0x231860, v12;
	v26 =	vsel vm1, $0x0, v23;
	v24 =	vsel vm12, $0x186A00, v24  }
0x4a: {  	s12 =	rddreg [dreg:$0x0];
	v23 =	vsel vm15, $0xFFFFFFF2, v25;
	v25 =	vsel vm0, $0x80, v26;
	v26 =	vsel vm11, $0x19F0A0, v24  }
0x4b: {  	s13 =	rddreg [dreg:$0x1];
	v24 =	vsel vm2, $0x100, v25;
	v25 =	vsel vm10, $0x1B7740, v26;
	v26 =	vimm.s32 $0x480  }
0x4c: {  	s3 =	rddreg [dreg:$0x2];
	v13 =	vsel vm9, $0xB80, v13;
	v12 =	vsel vm1, $0x249F00, v12;
	v26 =	vsel vm14, $0xA00, v26  }
0x4d: {  	s0 =	rddreg [dreg:$0x3];
	s4 =	srdreg.scid;
	v13 =	vsel vm8, $0xC00, v13;
	v12 =	vsel vm0, $0x2625A0, v12;
	v26 =	vsel vm13, $0xA80, v26  }
0x4e: {  	s2 =	simm.s32 $0x0;
	s1 =	stileid.u32;
	s19 =	simm.s32 $0xC00;
	v13 =	vsel vm7, $0xC80, v13;
	v12 =	vsel vm2, $0x0, v12;
	v26 =	vsel vm12, $0xB00, v26  }
0x4f: {  	s20 =	simm.s32 $0x1000;
	[smem:$0x7FF] =	sst s2;
	s14 =	sadd.s32 $0x1000, s3;
	v16 =	vsel vm6, $0x0, v13;
	v13 =	vadd.s32 $0x100, v0;
	v26 =	vsel vm11, $0xB80, v26  }
0x50: {  	s4 =	sand.u32 $0x1, s4;
	s6 =	sshll.u32 s1, $0x1;
	_ =	strace $0x80000047;
	v16 =	vsel vm5, $0x80, v16;
	v25 =	vsel vm9, $0x1CFDE0, v25;
	v26 =	vsel vm10, $0xC00, v26  }
0x51: {  	s21 =	simm.s32 $0x0;
	s5 =	ssub.s32 $0x2, s4;
	s9 =	sor.u32 s4, s6;
	v22 =	vsel vm0, $0x10C8E0, v22;
	v25 =	vsel vm8, $0x1E8480, v25;
	v26 =	vsel vm9, $0xC80, v26  }
0x52: {  	s7 =	sshrl.u32 s5, $0x1;
	s4 =	sshll.u32 s9, $0x9;
	s28 =	smul.u32 $0x680, s9;
	v16 =	vsel vm4, $0x100, v16;
	v25 =	vsel vm7, $0x200B20, v25;
	v26 =	vsel vm8, $0x0, v26  }
0x53: {  	s10 =	sshll.u32 s9, $0x2;
	s31 =	sshllo.u32 s9, $0x2;
	s15 =	ssub.s32 s5, s7;
	v22 =	vsel vm2, $0x124F80, v22;
	v25 =	vsel vm6, $0x2191C0, v25;
	v26 =	vsel vm7, $0x80, v26  }
0x54: {  	s29 =	sor.u32 $0x1, s10;
	s3 =	sadd.s32 s12, s4;
	s4 =	sadd.s32 s13, s4;
	v16 =	vsel vm3, $0x180, v16;
	v25 =	vsel vm5, $0x231860, v25;
	v26 =	vsel vm6, $0x100, v26  }
0x55: {  	s10 =	sor.u32 $0x2, s10;
	s17 =	sshll.u32 s31, $0x7;
	s18 =	smul.u32 $0x1A0, s31;
	vm15 =	vcmask $0x1700;
	v25 =	vsel vm4, $0x249F00, v25;
	v28 =	vsel vm5, $0x180, v26  }
0x56: {  	s30 =	sshll.u32 s29, $0x7;
	s8 =	smul.u32 $0x1A0, s29;
	s5 =	sadd.s32 s14, s28;
	v16 =	vsel vm1, $0x200, v16;
	v25 =	vsel vm3, $0x2625A0, v25;
	v28 =	vsel vm4, $0x200, v28  }
0x57: {  	s11 =	sshll.u32 s10, $0x7;
	s16 =	smul.u32 $0x1A0, s10;
	s15 =	smax.u32 s15, $0x1;
	v16 =	vsel vm0, $0x280, v16;
	v25 =	vsel vm1, $0x0, v25;
	v28 =	vsel vm3, $0x280, v28  }
0x58: {  	s6 =	sadd.s32 s12, s30;
	s7 =	sadd.s32 s13, s30;
	s9 =	sadd.s32 s12, s11;
	v16 =	vsel vm2, $0x300, v16;
	v25 =	vsel vm0, $0x186A0, v25;
	v28 =	vsel vm1, $0x300, v28  }
0x59: {  	s10 =	sadd.s32 s13, s11;
	s12 =	sadd.s32 s12, s17;
	s13 =	sadd.s32 s13, s17;
	v25 =	vsel vm2, $0x30D40, v25;
	v26 =	vadd.s32 $0x200, v0;
	v31 =	vsel vm0, $0x380, v28  }
0x5a: {  	s17 =	simm.s32 $0x20000;
	s8 =	sadd.s32 s14, s8;
	s11 =	sadd.s32 s14, s16;
	v28 =	vsel vm15, $0xFFFFFFEC, v30;
	v30 =	vsel vm0, $0xAAE60, v32;
	v32 =	vadd.s32 $0xF4240, v1  }
0x5b: {  	s14 =	sadd.s32 s14, s18;
	s16 =	simm.s32 $0x400;
	s18 =	simm.s32 $0x1;
	v29 =	vsel vm2, $0x400, v31;
	v30 =	vsel vm2, $0xC3500, v30;
	v31 =	vadd.s32 $0x500, v0  }
.LBB2_1:
0x5c: {  	s23 =	simm.s32 $0x0  }
0x5d: {  	v33 =	vmov s23  }
0x5e: {  	v33 =	vshrl.u32 v33, $0x1  }
0x5f: {  	v33 =	vmul.u32 $0xC4EC4EC5, v33;
	_ =	sdelay $0x1  }
0x60: {  	[tilespmem:s2], [sflag:$0x1] =	stream.strided.gather [hbm4b:s3+s16], $0xC00, s17, s16, $0x38;
	v33 =	vand.u32 $0xFFFFFFF8, v33;
	[tilespmem:$0x1D00] =	vst v63  }
0x61: {  	_ =	swait.ge [sflag:s18], $0xC00;
	v33 =	vbroadcast v33, $0x0  }
0x62: {  	[sflag:s18] =	ssyncset.done $0x0  }
0x63: {  	[sflag:s18] =	ssyncadd.s32 $0xFFFFF400;
	v33 =	vadd.s32 v0, v33  }
0x64: {  	[tilespmem:s19], [sflag:$0x1] =	stream.linear.gather [hbm4b:s4+s2], $0x400, $0x38;
	[tilespmem:$0x1D00] =	vst v63  }
0x65: {  	s22 =	simm.s32 $0x10;
	_ =	swait.ge [sflag:s18], $0x400  }
0x66: {  	v34 =	vadd.s32 s22, v2;
	[sflag:s18] =	ssyncset.done $0x0  }
0x67: {  	v34 =	vshrl.u32 v34, $0x1;
	[sflag:s18] =	ssyncadd.s32 $0xFFFFFC00  }
0x68: {  	v34 =	vmul.u32 $0xC4EC4EC5, v34;
	v33 =	vld.idx.msk [tilespmem:v33+s2+$0x0], $0xffff  }
0x69: {  	s29 =	simm.s32 $0x20  }
0x6a: {  	v35 =	vmov s29;
	v34 =	vadd.s32 v3, v34  }
0x6b: {  	v35 =	vadd.s32 $0xFFFFFFFA, v35  }
0x6c: {  	v35 =	vshrl.u32 v35, $0x1  }
0x6d: {  	s22 =	simm.s32 $0x1060;
	v35 =	vmul.u32 $0xC4EC4EC5, v35;
	v33 =	vadd.s32 v1, v33  }
0x6e: {  	[tilespmem:s22+$0xFFFFFFA0] =	vst v33  }
0x6f: {  	v41 =	vbroadcast v35, $0x0;
	v33 =	vld.idx.msk [tilespmem:v34+s2+$0x0], $0xffff;
	_ =	sdelay $0x1  }
0x70: {  	v34 =	vadd.s32 v5, v41;
	_ =	sdelay $0x1  }
0x71: {  	s24 =	simm.s32 $0x30  }
0x72: {  	v42 =	vadd.s32 s24, v7;
	v33 =	vadd.s32 v4, v33  }
0x73: {  	v43 =	vshrl.u32 v42, $0x1;
	[tilespmem:s22+$0xFFFFFFB0] =	vst v33  }
0x74: {  	v33 =	vmul.u32 $0xC4EC4EC5, v43;
	v34 =	vld.idx.msk [tilespmem:v34+s2+$0x0], $0xffff;
	_ =	sdelay $0x1  }
0x75: {  	v33 =	vadd.s32 v8, v33;
	_ =	sdelay $0x1  }
0x76: {  	s30 =	simm.s32 $0x40  }
0x77: {  	v44 =	vadd.s32 s30, v10;
	v34 =	vadd.s32 v6, v34  }
0x78: {  	v45 =	vshrl.u32 v44, $0x1;
	[tilespmem:s22+$0xFFFFFFC0] =	vst v34  }
0x79: {  	v34 =	vmul.u32 $0xC4EC4EC5, v45;
	v33 =	vld.idx.msk [tilespmem:v33+s2+$0x0], $0xffff  }
0x7a: {  	s31 =	simm.s32 $0x50  }
0x7b: {  	v46 =	vmov s31;
	v34 =	vadd.s32 v11, v34  }
0x7c: {  	v35 =	vadd.s32 $0xFFFFFFFE, v46  }
0x7d: {  	v35 =	vshrl.u32 v35, $0x1  }
0x7e: {  	v35 =	vmul.u32 $0xC4EC4EC5, v35;
	v33 =	vadd.s32 v9, v33  }
0x7f: {  	[tilespmem:s22+$0xFFFFFFD0] =	vst v33  }
0x80: {  	v47 =	vbroadcast v35, $0x0;
	v33 =	vld.idx.msk [tilespmem:v34+s2+$0x0], $0xffff;
	_ =	sdelay $0x1  }
0x81: {  	v34 =	vadd.s32 v13, v47;
	_ =	sdelay $0x1  }
0x82: {  	s25 =	simm.s32 $0x60  }
0x83: {  	v48 =	vadd.s32 s25, v15;
	v33 =	vadd.s32 v12, v33  }
0x84: {  	v49 =	vshrl.u32 v48, $0x1;
	[tilespmem:s22+$0xFFFFFFE0] =	vst v33  }
0x85: {  	v33 =	vmul.u32 $0xC4EC4EC5, v49;
	v34 =	vld.idx.msk [tilespmem:v34+s2+$0x0], $0xffff  }
0x86: {  	s26 =	simm.s32 $0x70  }
0x87: {  	v50 =	vmov s26;
	v33 =	vadd.s32 v16, v33  }
0x88: {  	v35 =	vadd.s32 $0xFFFFFFF8, v50  }
0x89: {  	v35 =	vshrl.u32 v35, $0x1  }
0x8a: {  	v35 =	vmul.u32 $0xC4EC4EC5, v35;
	v34 =	vadd.s32 v14, v34  }
0x8b: {  	[tilespmem:s22+$0xFFFFFFF0] =	vst v34  }
0x8c: {  	v51 =	vbroadcast v35, $0x0;
	v33 =	vld.idx.msk [tilespmem:v33+s2+$0x0], $0xffff;
	_ =	sdelay $0x1  }
0x8d: {  	v34 =	vadd.s32 v18, v51;
	_ =	sdelay $0x1  }
0x8e: {  	s28 =	simm.s32 $0x80  }
0x8f: {  	v52 =	vadd.s32 s28, v20;
	v33 =	vadd.s32 v17, v33  }
0x90: {  	v53 =	vshrl.u32 v52, $0x1;
	[tilespmem:s22+$0x0] =	vst v33  }
0x91: {  	v33 =	vmul.u32 $0xC4EC4EC5, v53;
	v34 =	vld.idx.msk [tilespmem:v34+s2+$0x0], $0xffff;
	_ =	sdelay $0x1  }
0x92: {  	v33 =	vadd.s32 v21, v33;
	_ =	sdelay $0x1  }
0x93: {  	s25 =	simm.s32 $0x90  }
0x94: {  	v54 =	vadd.s32 s25, v23;
	v34 =	vadd.s32 v19, v34  }
0x95: {  	v55 =	vshrl.u32 v54, $0x1;
	[tilespmem:s22+$0x10] =	vst v34  }
0x96: {  	v34 =	vmul.u32 $0xC4EC4EC5, v55;
	v33 =	vld.idx.msk [tilespmem:v33+s2+$0x0], $0xffff  }
0x97: {  	s29 =	simm.s32 $0xA0  }
0x98: {  	v56 =	vmov s29;
	v34 =	vadd.s32 v24, v34  }
0x99: {  	v35 =	vadd.s32 $0xFFFFFFFC, v56  }
0x9a: {  	s24 =	sand.u32 $0x1F80, s28;
	s23 =	sand.u32 $0x70, s23;
	v35 =	vshrl.u32 v35, $0x1  }
0x9b: {  	s23 =	sor.u32 s23, s24;
	v35 =	vmul.u32 $0xC4EC4EC5, v35;
	v33 =	vadd.s32 v22, v33  }
0x9c: {  	[tilespmem:s23+$0x1000] =	vst v33  }
0x9d: {  	v57 =	vbroadcast v35, $0x0;
	v33 =	vld.idx.msk [tilespmem:v34+s2+$0x0], $0xffff;
	_ =	sdelay $0x1  }
0x9e: {  	v34 =	vadd.s32 v26, v57;
	_ =	sdelay $0x1  }
0x9f: {  	s30 =	simm.s32 $0xB0  }
0xa0: {  	v58 =	vadd.s32 s30, v28;
	v33 =	vadd.s32 v25, v33  }
0xa1: {  	v59 =	vshrl.u32 v58, $0x1;
	[tilespmem:s22+$0x30] =	vst v33  }
0xa2: {  	v33 =	vmul.u32 $0xC4EC4EC5, v59;
	v34 =	vld.idx.msk [tilespmem:v34+s2+$0x0], $0xffff  }
0xa3: {  	s31 =	simm.s32 $0xC0  }
0xa4: {  	v60 =	vmov s31;
	v33 =	vadd.s32 v29, v33  }
0xa5: {  	v35 =	vadd.s32 $0xFFFFFFF6, v60  }
0xa6: {  	v35 =	vshrl.u32 v35, $0x1  }
0xa7: {  	v35 =	vmul.u32 $0xC4EC4EC5, v35;
	v34 =	vadd.s32 v27, v34  }
0xa8: {  	[tilespmem:s22+$0x40] =	vst v34  }
0xa9: {  	v61 =	vbroadcast v35, $0x0;
	v33 =	vld.idx.msk [tilespmem:v33+s2+$0x0], $0xffff;
	_ =	sdelay $0x1  }
0xaa: {  	s24 =	simm.s32 $0xD0;
	v34 =	vadd.s32 v31, v61  }
0xab: {  	v62 =	vmov s24  }
0xac: {  	v35 =	vshrl.u32 v62, $0x1  }
0xad: {  	v63 =	vmul.u32 $0xC4EC4EC5, v35;
	v33 =	vadd.s32 v30, v33  }
0xae: {  	[tilespmem:s22+$0x50] =	vst v33  }
0xaf: {  	v33 =	vand.u32 $0xFFFFFFF8, v63;
	v34 =	vld.idx.msk [tilespmem:v34+s2+$0x0], $0xffff  }
0xb0: {  	v33 =	vbroadcast v33, $0x0;
	_ =	sdelay $0x1  }
0xb1: {  	v33 =	vadd.s32 v0, v33;
	_ =	sdelay $0x1  }
0xb2: {  	s26 =	simm.s32 $0xE0;
	s25 =	simm.s32 $0x260;
	s23 =	simm.s32 $0x190;
	v34 =	vadd.s32 v32, v34  }
.LBB2_2:
0xb3: {  	p0 =	sne.s32 s25, $0xCF0  }
0xb4: {  	v35 =	vadd.s32 s26, v2;
	[tilespmem:s22+$0x60] =	vst v34;
	s22 =	sadd.s32 $0xD0, s22;
	s26 =	smov.u32 s25;
	s25 =	sadd.s32 $0xD0, s25  }
0xb5: {  	v33 =	vld.idx.msk [tilespmem:v33+s2+$0x0], $0xffff;
	v34 =	vshrl.u32 v35, $0x1  }
0xb6: {  	v34 =	vmul.u32 $0xC4EC4EC5, v34;
	_ =	sdelay $0x1  }
0xb7: {  	s28 =	sadd.s32 $0xFFFFFF60, s23;
	v34 =	vadd.s32 v3, v34  }
0xb8: {  	v35 =	vmov s28  }
0xb9: {  	v35 =	vadd.s32 $0xFFFFFFFA, v35  }
0xba: {  	v35 =	vshrl.u32 v35, $0x1;
	v33 =	vadd.s32 v1, v33  }
0xbb: {  	[tilespmem:s22+$0xFFFFFFA0] =	vst v33;
	v33 =	vmul.u32 $0xC4EC4EC5, v35  }
0xbc: {  	v34 =	vld.idx.msk [tilespmem:v34+s2+$0x0], $0xffff  }
0xbd: {  	v33 =	vbroadcast v33, $0x0;
	_ =	sdelay $0x1  }
0xbe: {  	v33 =	vadd.s32 v5, v33;
	_ =	sdelay $0x2  }
0xbf: {  	s28 =	sadd.s32 $0xFFFFFF70, s23;
	v34 =	vadd.s32 v4, v34  }
0xc0: {  	[tilespmem:s22+$0xFFFFFFB0] =	vst v34;
	v34 =	vadd.s32 s28, v7  }
0xc1: {  	v33 =	vld.idx.msk [tilespmem:v33+s2+$0x0], $0xffff;
	v34 =	vshrl.u32 v34, $0x1  }
0xc2: {  	v34 =	vmul.u32 $0xC4EC4EC5, v34;
	_ =	sdelay $0x1  }
0xc3: {  	v34 =	vadd.s32 v8, v34;
	_ =	sdelay $0x2  }
0xc4: {  	s28 =	sadd.s32 $0xFFFFFF80, s23;
	v33 =	vadd.s32 v6, v33  }
0xc5: {  	[tilespmem:s22+$0xFFFFFFC0] =	vst v33;
	v33 =	vadd.s32 s28, v10  }
0xc6: {  	v34 =	vld.idx.msk [tilespmem:v34+s2+$0x0], $0xffff;
	v33 =	vshrl.u32 v33, $0x1  }
0xc7: {  	v33 =	vmul.u32 $0xC4EC4EC5, v33;
	_ =	sdelay $0x1  }
0xc8: {  	s28 =	sadd.s32 $0xFFFFFF90, s23;
	v33 =	vadd.s32 v11, v33  }
0xc9: {  	v35 =	vmov s28  }
0xca: {  	v35 =	vadd.s32 $0xFFFFFFFE, v35  }
0xcb: {  	v35 =	vshrl.u32 v35, $0x1;
	v34 =	vadd.s32 v9, v34  }
0xcc: {  	[tilespmem:s22+$0xFFFFFFD0] =	vst v34;
	v34 =	vmul.u32 $0xC4EC4EC5, v35  }
0xcd: {  	v33 =	vld.idx.msk [tilespmem:v33+s2+$0x0], $0xffff  }
0xce: {  	v34 =	vbroadcast v34, $0x0;
	_ =	sdelay $0x1  }
0xcf: {  	v34 =	vadd.s32 v13, v34;
	_ =	sdelay $0x2  }
0xd0: {  	s28 =	sadd.s32 $0xFFFFFFA0, s23;
	v33 =	vadd.s32 v12, v33  }
0xd1: {  	[tilespmem:s22+$0xFFFFFFE0] =	vst v33;
	v33 =	vadd.s32 s28, v15  }
0xd2: {  	v34 =	vld.idx.msk [tilespmem:v34+s2+$0x0], $0xffff;
	v33 =	vshrl.u32 v33, $0x1  }
0xd3: {  	v33 =	vmul.u32 $0xC4EC4EC5, v33;
	_ =	sdelay $0x1  }
0xd4: {  	s28 =	sadd.s32 $0xFFFFFFB0, s23;
	v33 =	vadd.s32 v16, v33  }
0xd5: {  	v35 =	vmov s28  }
0xd6: {  	v35 =	vadd.s32 $0xFFFFFFF8, v35  }
0xd7: {  	v35 =	vshrl.u32 v35, $0x1;
	v34 =	vadd.s32 v14, v34  }
0xd8: {  	[tilespmem:s22+$0xFFFFFFF0] =	vst v34;
	v34 =	vmul.u32 $0xC4EC4EC5, v35  }
0xd9: {  	v33 =	vld.idx.msk [tilespmem:v33+s2+$0x0], $0xffff  }
0xda: {  	v34 =	vbroadcast v34, $0x0;
	_ =	sdelay $0x1  }
0xdb: {  	v34 =	vadd.s32 v18, v34;
	_ =	sdelay $0x2  }
0xdc: {  	s28 =	sadd.s32 $0xFFFFFFC0, s23;
	v33 =	vadd.s32 v17, v33  }
0xdd: {  	[tilespmem:s22+$0x0] =	vst v33;
	v33 =	vadd.s32 s28, v20  }
0xde: {  	v34 =	vld.idx.msk [tilespmem:v34+s2+$0x0], $0xffff;
	v33 =	vshrl.u32 v33, $0x1  }
0xdf: {  	v33 =	vmul.u32 $0xC4EC4EC5, v33;
	_ =	sdelay $0x1  }
0xe0: {  	v33 =	vadd.s32 v21, v33;
	_ =	sdelay $0x2  }
0xe1: {  	s29 =	sadd.s32 $0xFFFFFFD0, s23;
	v34 =	vadd.s32 v19, v34  }
0xe2: {  	[tilespmem:s22+$0x10] =	vst v34;
	v34 =	vadd.s32 s29, v23  }
0xe3: {  	v33 =	vld.idx.msk [tilespmem:v33+s2+$0x0], $0xffff;
	v34 =	vshrl.u32 v34, $0x1  }
0xe4: {  	v34 =	vmul.u32 $0xC4EC4EC5, v34;
	_ =	sdelay $0x1  }
0xe5: {  	s29 =	sadd.s32 $0xFFFFFFE0, s23;
	v34 =	vadd.s32 v24, v34  }
0xe6: {  	v35 =	vmov s29  }
0xe7: {  	s24 =	sand.u32 $0x70, s24;
	s28 =	sand.u32 $0x1F80, s28;
	v35 =	vadd.s32 $0xFFFFFFFC, v35  }
0xe8: {  	s24 =	sor.u32 s24, s28;
	v35 =	vshrl.u32 v35, $0x1;
	v33 =	vadd.s32 v22, v33  }
0xe9: {  	[tilespmem:s24+$0x1000] =	vst v33;
	v33 =	vmul.u32 $0xC4EC4EC5, v35  }
0xea: {  	v34 =	vld.idx.msk [tilespmem:v34+s2+$0x0], $0xffff  }
0xeb: {  	v33 =	vbroadcast v33, $0x0;
	_ =	sdelay $0x1  }
0xec: {  	v33 =	vadd.s32 v26, v33;
	_ =	sdelay $0x2  }
0xed: {  	s24 =	sadd.s32 $0xFFFFFFF0, s23;
	v34 =	vadd.s32 v25, v34  }
0xee: {  	[tilespmem:s22+$0x30] =	vst v34;
	v34 =	vadd.s32 s24, v28  }
0xef: {  	v33 =	vld.idx.msk [tilespmem:v33+s2+$0x0], $0xffff;
	v34 =	vshrl.u32 v34, $0x1  }
0xf0: {  	v34 =	vmul.u32 $0xC4EC4EC5, v34;
	_ =	sdelay $0x1  }
0xf1: {  	v34 =	vadd.s32 v29, v34  }
0xf2: {  	v35 =	vmov s23;
	s23 =	smov.u32 s26  }
0xf3: {  	v35 =	vadd.s32 $0xFFFFFFF6, v35  }
0xf4: {  	v35 =	vshrl.u32 v35, $0x1;
	v33 =	vadd.s32 v27, v33  }
0xf5: {  	[tilespmem:s22+$0x40] =	vst v33;
	v33 =	vmul.u32 $0xC4EC4EC5, v35  }
0xf6: {  	v34 =	vld.idx.msk [tilespmem:v34+s2+$0x0], $0xffff  }
0xf7: {  	v33 =	vbroadcast v33, $0x0;
	_ =	sdelay $0x1  }
0xf8: {  	s24 =	sadd.s32 $0xFFFFFF40, s23;
	v33 =	vadd.s32 v31, v33  }
0xf9: {  	v35 =	vmov s24  }
0xfa: {  	v35 =	vshrl.u32 v35, $0x1  }
0xfb: {  	v35 =	vmul.u32 $0xC4EC4EC5, v35;
	v34 =	vadd.s32 v30, v34  }
0xfc: {  	[tilespmem:s22+$0x50] =	vst v34  }
0xfd: {  	v34 =	vand.u32 $0xFFFFFFF8, v35;
	v35 =	vld.idx.msk [tilespmem:v33+s2+$0x0], $0xffff  }
0xfe: {  	v33 =	vbroadcast v34, $0x0  }
.Ltmp0:
0xff: {  	(pc) =	sbr.rel @p0 .LBB2_2-.Ltmp0, $2  }
0x100: {  	v33 =	vadd.s32 v0, v33;
	_ =	sdelay $0x2  }
0x101: {  	s26 =	sadd.s32 $0xFFFFFF50, s23;
	v34 =	vadd.s32 v32, v35  }
0x102: {  	_ =	sdelay $0x1  }
0x103: {  	v35 =	vadd.s32 s26, v2  }
0x104: {  	[tilespmem:s22+$0x60] =	vst v34;
	v43 =	vshrl.u32 v35, $0x1  }
0x105: {  	v33 =	vld.idx.msk [tilespmem:v33+s2+$0x0], $0xffff;
	v34 =	vmul.u32 $0xC4EC4EC5, v43  }
0x106: {  	s25 =	sadd.s32 $0xFFFFFF60, s23  }
0x107: {  	v44 =	vmov s25;
	v34 =	vadd.s32 v3, v34  }
0x108: {  	v35 =	vadd.s32 $0xFFFFFFFA, v44  }
0x109: {  	v35 =	vshrl.u32 v35, $0x1  }
0x10a: {  	s22 =	sadd.s32 $0xD0, s22;
	v35 =	vmul.u32 $0xC4EC4EC5, v35;
	v33 =	vadd.s32 v1, v33  }
0x10b: {  	[tilespmem:s22+$0xFFFFFFA0] =	vst v33  }
0x10c: {  	v45 =	vbroadcast v35, $0x0;
	v33 =	vld.idx.msk [tilespmem:v34+s2+$0x0], $0xffff;
	_ =	sdelay $0x1  }
0x10d: {  	v34 =	vadd.s32 v5, v45;
	_ =	sdelay $0x1  }
0x10e: {  	s28 =	sadd.s32 $0xFFFFFF70, s23  }
0x10f: {  	v46 =	vadd.s32 s28, v7;
	v33 =	vadd.s32 v4, v33  }
0x110: {  	v47 =	vshrl.u32 v46, $0x1;
	[tilespmem:s22+$0xFFFFFFB0] =	vst v33  }
0x111: {  	v33 =	vmul.u32 $0xC4EC4EC5, v47;
	v34 =	vld.idx.msk [tilespmem:v34+s2+$0x0], $0xffff;
	_ =	sdelay $0x1  }
0x112: {  	v33 =	vadd.s32 v8, v33;
	_ =	sdelay $0x1  }
0x113: {  	s29 =	sadd.s32 $0xFFFFFF80, s23  }
0x114: {  	v48 =	vadd.s32 s29, v10;
	v34 =	vadd.s32 v6, v34  }
0x115: {  	v49 =	vshrl.u32 v48, $0x1;
	[tilespmem:s22+$0xFFFFFFC0] =	vst v34  }
0x116: {  	v34 =	vmul.u32 $0xC4EC4EC5, v49;
	v33 =	vld.idx.msk [tilespmem:v33+s2+$0x0], $0xffff  }
0x117: {  	s30 =	sadd.s32 $0xFFFFFF90, s23  }
0x118: {  	v50 =	vmov s30;
	v34 =	vadd.s32 v11, v34  }
0x119: {  	v35 =	vadd.s32 $0xFFFFFFFE, v50  }
0x11a: {  	v35 =	vshrl.u32 v35, $0x1  }
0x11b: {  	v35 =	vmul.u32 $0xC4EC4EC5, v35;
	v33 =	vadd.s32 v9, v33  }
0x11c: {  	[tilespmem:s22+$0xFFFFFFD0] =	vst v33  }
0x11d: {  	v51 =	vbroadcast v35, $0x0;
	v33 =	vld.idx.msk [tilespmem:v34+s2+$0x0], $0xffff;
	_ =	sdelay $0x1  }
0x11e: {  	v34 =	vadd.s32 v13, v51;
	_ =	sdelay $0x1  }
0x11f: {  	s31 =	sadd.s32 $0xFFFFFFA0, s23  }
0x120: {  	v52 =	vadd.s32 s31, v15;
	v33 =	vadd.s32 v12, v33  }
0x121: {  	v53 =	vshrl.u32 v52, $0x1;
	[tilespmem:s22+$0xFFFFFFE0] =	vst v33  }
0x122: {  	v33 =	vmul.u32 $0xC4EC4EC5, v53;
	v34 =	vld.idx.msk [tilespmem:v34+s2+$0x0], $0xffff  }
0x123: {  	s26 =	sadd.s32 $0xFFFFFFB0, s23  }
0x124: {  	v54 =	vmov s26;
	v33 =	vadd.s32 v16, v33  }
0x125: {  	v35 =	vadd.s32 $0xFFFFFFF8, v54  }
0x126: {  	v35 =	vshrl.u32 v35, $0x1  }
0x127: {  	v35 =	vmul.u32 $0xC4EC4EC5, v35;
	v34 =	vadd.s32 v14, v34  }
0x128: {  	[tilespmem:s22+$0xFFFFFFF0] =	vst v34  }
0x129: {  	v55 =	vbroadcast v35, $0x0;
	v33 =	vld.idx.msk [tilespmem:v33+s2+$0x0], $0xffff;
	_ =	sdelay $0x1  }
0x12a: {  	v34 =	vadd.s32 v18, v55;
	_ =	sdelay $0x1  }
0x12b: {  	s28 =	sadd.s32 $0xFFFFFFC0, s23  }
0x12c: {  	v56 =	vadd.s32 s28, v20;
	v33 =	vadd.s32 v17, v33  }
0x12d: {  	v57 =	vshrl.u32 v56, $0x1;
	[tilespmem:s22+$0x0] =	vst v33  }
0x12e: {  	v33 =	vmul.u32 $0xC4EC4EC5, v57;
	v34 =	vld.idx.msk [tilespmem:v34+s2+$0x0], $0xffff;
	_ =	sdelay $0x1  }
0x12f: {  	v33 =	vadd.s32 v21, v33;
	_ =	sdelay $0x1  }
0x130: {  	s29 =	sadd.s32 $0xFFFFFFD0, s23  }
0x131: {  	v58 =	vadd.s32 s29, v23;
	v34 =	vadd.s32 v19, v34  }
0x132: {  	v59 =	vshrl.u32 v58, $0x1;
	[tilespmem:s22+$0x10] =	vst v34  }
0x133: {  	v34 =	vmul.u32 $0xC4EC4EC5, v59;
	v33 =	vld.idx.msk [tilespmem:v33+s2+$0x0], $0xffff  }
0x134: {  	s30 =	sadd.s32 $0xFFFFFFE0, s23  }
0x135: {  	v60 =	vmov s30;
	v34 =	vadd.s32 v24, v34  }
0x136: {  	v35 =	vadd.s32 $0xFFFFFFFC, v60  }
0x137: {  	s24 =	sand.u32 $0x70, s24;
	s25 =	sand.u32 $0x1F80, s28;
	v35 =	vshrl.u32 v35, $0x1  }
0x138: {  	s24 =	sor.u32 s24, s25;
	v35 =	vmul.u32 $0xC4EC4EC5, v35;
	v33 =	vadd.s32 v22, v33  }
0x139: {  	[tilespmem:s24+$0x1000] =	vst v33  }
0x13a: {  	v61 =	vbroadcast v35, $0x0;
	v33 =	vld.idx.msk [tilespmem:v34+s2+$0x0], $0xffff;
	_ =	sdelay $0x1  }
0x13b: {  	v34 =	vadd.s32 v26, v61;
	_ =	sdelay $0x1  }
0x13c: {  	s31 =	sadd.s32 $0xFFFFFFF0, s23  }
0x13d: {  	v62 =	vadd.s32 s31, v28;
	v33 =	vadd.s32 v25, v33  }
0x13e: {  	v63 =	vshrl.u32 v62, $0x1;
	[tilespmem:s22+$0x30] =	vst v33  }
0x13f: {  	v33 =	vmul.u32 $0xC4EC4EC5, v63;
	v34 =	vld.idx.msk [tilespmem:v34+s2+$0x0], $0xffff;
	_ =	sdelay $0x1  }
0x140: {  	v36 =	vmov s23;
	v33 =	vadd.s32 v29, v33  }
0x141: {  	v35 =	vadd.s32 $0xFFFFFFF6, v36  }
0x142: {  	v35 =	vshrl.u32 v35, $0x1  }
0x143: {  	v35 =	vmul.u32 $0xC4EC4EC5, v35;
	v34 =	vadd.s32 v27, v34  }
0x144: {  	[tilespmem:s22+$0x40] =	vst v34  }
0x145: {  	v37 =	vbroadcast v35, $0x0;
	v33 =	vld.idx.msk [tilespmem:v33+s2+$0x0], $0xffff;
	_ =	sdelay $0x1  }
0x146: {  	v34 =	vadd.s32 v31, v37;
	_ =	sdelay $0x2  }
0x147: {  	v33 =	vadd.s32 v30, v33  }
0x148: {  	[tilespmem:s22+$0x50] =	vst v33  }
0x149: {  	v33 =	vld.idx.msk [tilespmem:v34+s2+$0x0], $0xffff;
	_ =	sdelay $0x4  }
0x14a: {  	v33 =	vadd.s32 v32, v33  }
0x14b: {  	s23 =	simm.s32 $0x0;
	[tilespmem:s22+$0x60] =	vst v33  }
0x14c: {  	v38 =	vmov s23;
	[hbm4b:s5+s2] =	stream.linear.scatter [tilespmem:s20], [sflag:$0x1], $0xD00, $0x38;
	[tilespmem:$0x1D00] =	vst v63  }
0x14d: {  	v33 =	vshrl.u32 v38, $0x1;
	_ =	swait.ge [sflag:s18], $0xD00  }
0x14e: {  	v33 =	vmul.u32 $0xC4EC4EC5, v33;
	[sflag:s18] =	ssyncset.done $0x0  }
0x14f: {  	[sflag:s18] =	ssyncadd.s32 $0xFFFFF300  }
0x150: {  	v33 =	vand.u32 $0xFFFFFFF8, v33;
	[tilespmem:s2], [sflag:$0x1] =	stream.strided.gather [hbm4b:s6+s16], $0xC00, s17, s16, $0x38;
	[tilespmem:$0x1D00] =	vst v63  }
0x151: {  	v33 =	vbroadcast v33, $0x0;
	_ =	swait.ge [sflag:s18], $0xC00  }
0x152: {  	[sflag:s18] =	ssyncset.done $0x0  }
0x153: {  	v33 =	vadd.s32 v0, v33;
	[sflag:s18] =	ssyncadd.s32 $0xFFFFF400  }
0x154: {  	[tilespmem:s19], [sflag:$0x1] =	stream.linear.gather [hbm4b:s7+s2], $0x400, $0x38;
	[tilespmem:$0x1D00] =	vst v63  }
0x155: {  	s25 =	simm.s32 $0x10;
	_ =	swait.ge [sflag:s18], $0x400  }
0x156: {  	v39 =	vadd.s32 s25, v2;
	[sflag:s18] =	ssyncset.done $0x0  }
0x157: {  	v34 =	vshrl.u32 v39, $0x1;
	[sflag:s18] =	ssyncadd.s32 $0xFFFFFC00  }
0x158: {  	v34 =	vmul.u32 $0xC4EC4EC5, v34;
	v33 =	vld.idx.msk [tilespmem:v33+s2+$0x0], $0xffff  }
0x159: {  	s26 =	simm.s32 $0x20  }
0x15a: {  	v40 =	vmov s26;
	v34 =	vadd.s32 v3, v34  }
0x15b: {  	v35 =	vadd.s32 $0xFFFFFFFA, v40  }
0x15c: {  	v35 =	vshrl.u32 v35, $0x1  }
0x15d: {  	v35 =	vmul.u32 $0xC4EC4EC5, v35;
	s22 =	simm.s32 $0x1060;
	v33 =	vadd.s32 v1, v33  }
0x15e: {  	[tilespmem:s22+$0xFFFFFFA0] =	vst v33  }
0x15f: {  	v41 =	vbroadcast v35, $0x0;
	v33 =	vld.idx.msk [tilespmem:v34+s2+$0x0], $0xffff;
	_ =	sdelay $0x1  }
0x160: {  	v34 =	vadd.s32 v5, v41;
	_ =	sdelay $0x1  }
0x161: {  	s28 =	simm.s32 $0x30  }
0x162: {  	v42 =	vadd.s32 s28, v7;
	v33 =	vadd.s32 v4, v33  }
0x163: {  	v43 =	vshrl.u32 v42, $0x1;
	[tilespmem:s22+$0xFFFFFFB0] =	vst v33  }
0x164: {  	v33 =	vmul.u32 $0xC4EC4EC5, v43;
	v34 =	vld.idx.msk [tilespmem:v34+s2+$0x0], $0xffff;
	_ =	sdelay $0x1  }
0x165: {  	v33 =	vadd.s32 v8, v33;
	_ =	sdelay $0x1  }
0x166: {  	s29 =	simm.s32 $0x40  }
0x167: {  	v44 =	vadd.s32 s29, v10;
	v34 =	vadd.s32 v6, v34  }
0x168: {  	v45 =	vshrl.u32 v44, $0x1;
	[tilespmem:s22+$0xFFFFFFC0] =	vst v34  }
0x169: {  	v34 =	vmul.u32 $0xC4EC4EC5, v45;
	v33 =	vld.idx.msk [tilespmem:v33+s2+$0x0], $0xffff  }
0x16a: {  	s30 =	simm.s32 $0x50  }
0x16b: {  	v46 =	vmov s30;
	v34 =	vadd.s32 v11, v34  }
0x16c: {  	v35 =	vadd.s32 $0xFFFFFFFE, v46  }
0x16d: {  	v35 =	vshrl.u32 v35, $0x1  }
0x16e: {  	v35 =	vmul.u32 $0xC4EC4EC5, v35;
	v33 =	vadd.s32 v9, v33  }
0x16f: {  	[tilespmem:s22+$0xFFFFFFD0] =	vst v33  }
0x170: {  	v47 =	vbroadcast v35, $0x0;
	v33 =	vld.idx.msk [tilespmem:v34+s2+$0x0], $0xffff;
	_ =	sdelay $0x1  }
0x171: {  	v34 =	vadd.s32 v13, v47;
	_ =	sdelay $0x1  }
0x172: {  	s31 =	simm.s32 $0x60  }
0x173: {  	v48 =	vadd.s32 s31, v15;
	v33 =	vadd.s32 v12, v33  }
0x174: {  	v49 =	vshrl.u32 v48, $0x1;
	[tilespmem:s22+$0xFFFFFFE0] =	vst v33  }
0x175: {  	v33 =	vmul.u32 $0xC4EC4EC5, v49;
	v34 =	vld.idx.msk [tilespmem:v34+s2+$0x0], $0xffff  }
0x176: {  	s25 =	simm.s32 $0x70  }
0x177: {  	v50 =	vmov s25;
	v33 =	vadd.s32 v16, v33  }
0x178: {  	v35 =	vadd.s32 $0xFFFFFFF8, v50  }
0x179: {  	v35 =	vshrl.u32 v35, $0x1  }
0x17a: {  	v35 =	vmul.u32 $0xC4EC4EC5, v35;
	v34 =	vadd.s32 v14, v34  }
0x17b: {  	[tilespmem:s22+$0xFFFFFFF0] =	vst v34  }
0x17c: {  	v51 =	vbroadcast v35, $0x0;
	v33 =	vld.idx.msk [tilespmem:v33+s2+$0x0], $0xffff;
	_ =	sdelay $0x1  }
0x17d: {  	v34 =	vadd.s32 v18, v51;
	_ =	sdelay $0x1  }
0x17e: {  	s26 =	simm.s32 $0x80  }
0x17f: {  	v52 =	vadd.s32 s26, v20;
	v33 =	vadd.s32 v17, v33  }
0x180: {  	v53 =	vshrl.u32 v52, $0x1;
	[tilespmem:s22+$0x0] =	vst v33  }
0x181: {  	v33 =	vmul.u32 $0xC4EC4EC5, v53;
	v34 =	vld.idx.msk [tilespmem:v34+s2+$0x0], $0xffff;
	_ =	sdelay $0x1  }
0x182: {  	v33 =	vadd.s32 v21, v33;
	_ =	sdelay $0x1  }
0x183: {  	s28 =	simm.s32 $0x90  }
0x184: {  	v54 =	vadd.s32 s28, v23;
	v34 =	vadd.s32 v19, v34  }
0x185: {  	v55 =	vshrl.u32 v54, $0x1;
	[tilespmem:s22+$0x10] =	vst v34  }
0x186: {  	v34 =	vmul.u32 $0xC4EC4EC5, v55;
	v33 =	vld.idx.msk [tilespmem:v33+s2+$0x0], $0xffff  }
0x187: {  	s29 =	simm.s32 $0xA0  }
0x188: {  	v56 =	vmov s29;
	v34 =	vadd.s32 v24, v34  }
0x189: {  	v35 =	vadd.s32 $0xFFFFFFFC, v56  }
0x18a: {  	s23 =	sand.u32 $0x70, s23;
	v35 =	vshrl.u32 v35, $0x1;
	s24 =	sand.u32 $0x1F80, s26  }
0x18b: {  	v35 =	vmul.u32 $0xC4EC4EC5, v35;
	s23 =	sor.u32 s23, s24;
	v33 =	vadd.s32 v22, v33  }
0x18c: {  	[tilespmem:s23+$0x1000] =	vst v33  }
0x18d: {  	v57 =	vbroadcast v35, $0x0;
	v33 =	vld.idx.msk [tilespmem:v34+s2+$0x0], $0xffff;
	_ =	sdelay $0x1  }
0x18e: {  	v34 =	vadd.s32 v26, v57;
	_ =	sdelay $0x1  }
0x18f: {  	s30 =	simm.s32 $0xB0  }
0x190: {  	v58 =	vadd.s32 s30, v28;
	v33 =	vadd.s32 v25, v33  }
0x191: {  	v59 =	vshrl.u32 v58, $0x1;
	[tilespmem:s22+$0x30] =	vst v33  }
0x192: {  	v33 =	vmul.u32 $0xC4EC4EC5, v59;
	v34 =	vld.idx.msk [tilespmem:v34+s2+$0x0], $0xffff  }
0x193: {  	s31 =	simm.s32 $0xC0  }
0x194: {  	v60 =	vmov s31;
	v33 =	vadd.s32 v29, v33  }
0x195: {  	v35 =	vadd.s32 $0xFFFFFFF6, v60  }
0x196: {  	v35 =	vshrl.u32 v35, $0x1  }
0x197: {  	v35 =	vmul.u32 $0xC4EC4EC5, v35;
	v34 =	vadd.s32 v27, v34  }
0x198: {  	[tilespmem:s22+$0x40] =	vst v34  }
0x199: {  	v61 =	vbroadcast v35, $0x0;
	v33 =	vld.idx.msk [tilespmem:v33+s2+$0x0], $0xffff;
	_ =	sdelay $0x1  }
0x19a: {  	s24 =	simm.s32 $0xD0;
	v34 =	vadd.s32 v31, v61  }
0x19b: {  	v62 =	vmov s24  }
0x19c: {  	v35 =	vshrl.u32 v62, $0x1  }
0x19d: {  	v63 =	vmul.u32 $0xC4EC4EC5, v35;
	v33 =	vadd.s32 v30, v33  }
0x19e: {  	[tilespmem:s22+$0x50] =	vst v33  }
0x19f: {  	v33 =	vand.u32 $0xFFFFFFF8, v63;
	v34 =	vld.idx.msk [tilespmem:v34+s2+$0x0], $0xffff  }
0x1a0: {  	v33 =	vbroadcast v33, $0x0;
	_ =	sdelay $0x1  }
0x1a1: {  	v33 =	vadd.s32 v0, v33;
	_ =	sdelay $0x1  }
0x1a2: {  	s25 =	simm.s32 $0x260;
	s26 =	simm.s32 $0xE0;
	s23 =	simm.s32 $0x190;
	v34 =	vadd.s32 v32, v34  }
.LBB2_4:
0x1a3: {  	p0 =	sne.s32 s25, $0xCF0  }
0x1a4: {  	v35 =	vadd.s32 s26, v2;
	[tilespmem:s22+$0x60] =	vst v34;
	s22 =	sadd.s32 $0xD0, s22;
	s26 =	smov.u32 s25;
	s25 =	sadd.s32 $0xD0, s25  }
0x1a5: {  	v33 =	vld.idx.msk [tilespmem:v33+s2+$0x0], $0xffff;
	v34 =	vshrl.u32 v35, $0x1  }
0x1a6: {  	v34 =	vmul.u32 $0xC4EC4EC5, v34;
	_ =	sdelay $0x1  }
0x1a7: {  	s28 =	sadd.s32 $0xFFFFFF60, s23;
	v34 =	vadd.s32 v3, v34  }
0x1a8: {  	v35 =	vmov s28  }
0x1a9: {  	v35 =	vadd.s32 $0xFFFFFFFA, v35  }
0x1aa: {  	v35 =	vshrl.u32 v35, $0x1;
	v33 =	vadd.s32 v1, v33  }
0x1ab: {  	[tilespmem:s22+$0xFFFFFFA0] =	vst v33;
	v33 =	vmul.u32 $0xC4EC4EC5, v35  }
0x1ac: {  	v34 =	vld.idx.msk [tilespmem:v34+s2+$0x0], $0xffff  }
0x1ad: {  	v33 =	vbroadcast v33, $0x0;
	_ =	sdelay $0x1  }
0x1ae: {  	v33 =	vadd.s32 v5, v33;
	_ =	sdelay $0x2  }
0x1af: {  	s28 =	sadd.s32 $0xFFFFFF70, s23;
	v34 =	vadd.s32 v4, v34  }
0x1b0: {  	[tilespmem:s22+$0xFFFFFFB0] =	vst v34;
	v34 =	vadd.s32 s28, v7  }
0x1b1: {  	v33 =	vld.idx.msk [tilespmem:v33+s2+$0x0], $0xffff;
	v34 =	vshrl.u32 v34, $0x1  }
0x1b2: {  	v34 =	vmul.u32 $0xC4EC4EC5, v34;
	_ =	sdelay $0x1  }
0x1b3: {  	v34 =	vadd.s32 v8, v34;
	_ =	sdelay $0x2  }
0x1b4: {  	s28 =	sadd.s32 $0xFFFFFF80, s23;
	v33 =	vadd.s32 v6, v33  }
0x1b5: {  	[tilespmem:s22+$0xFFFFFFC0] =	vst v33;
	v33 =	vadd.s32 s28, v10  }
0x1b6: {  	v34 =	vld.idx.msk [tilespmem:v34+s2+$0x0], $0xffff;
	v33 =	vshrl.u32 v33, $0x1  }
0x1b7: {  	v33 =	vmul.u32 $0xC4EC4EC5, v33;
	_ =	sdelay $0x1  }
0x1b8: {  	s28 =	sadd.s32 $0xFFFFFF90, s23;
	v33 =	vadd.s32 v11, v33  }
0x1b9: {  	v35 =	vmov s28  }
0x1ba: {  	v35 =	vadd.s32 $0xFFFFFFFE, v35  }
0x1bb: {  	v35 =	vshrl.u32 v35, $0x1;
	v34 =	vadd.s32 v9, v34  }
0x1bc: {  	[tilespmem:s22+$0xFFFFFFD0] =	vst v34;
	v34 =	vmul.u32 $0xC4EC4EC5, v35  }
0x1bd: {  	v33 =	vld.idx.msk [tilespmem:v33+s2+$0x0], $0xffff  }
0x1be: {  	v34 =	vbroadcast v34, $0x0;
	_ =	sdelay $0x1  }
0x1bf: {  	v34 =	vadd.s32 v13, v34;
	_ =	sdelay $0x2  }
0x1c0: {  	s28 =	sadd.s32 $0xFFFFFFA0, s23;
	v33 =	vadd.s32 v12, v33  }
0x1c1: {  	[tilespmem:s22+$0xFFFFFFE0] =	vst v33;
	v33 =	vadd.s32 s28, v15  }
0x1c2: {  	v34 =	vld.idx.msk [tilespmem:v34+s2+$0x0], $0xffff;
	v33 =	vshrl.u32 v33, $0x1  }
0x1c3: {  	v33 =	vmul.u32 $0xC4EC4EC5, v33;
	_ =	sdelay $0x1  }
0x1c4: {  	s28 =	sadd.s32 $0xFFFFFFB0, s23;
	v33 =	vadd.s32 v16, v33  }
0x1c5: {  	v35 =	vmov s28  }
0x1c6: {  	v35 =	vadd.s32 $0xFFFFFFF8, v35  }
0x1c7: {  	v35 =	vshrl.u32 v35, $0x1;
	v34 =	vadd.s32 v14, v34  }
0x1c8: {  	[tilespmem:s22+$0xFFFFFFF0] =	vst v34;
	v34 =	vmul.u32 $0xC4EC4EC5, v35  }
0x1c9: {  	v33 =	vld.idx.msk [tilespmem:v33+s2+$0x0], $0xffff  }
0x1ca: {  	v34 =	vbroadcast v34, $0x0;
	_ =	sdelay $0x1  }
0x1cb: {  	v34 =	vadd.s32 v18, v34;
	_ =	sdelay $0x2  }
0x1cc: {  	s28 =	sadd.s32 $0xFFFFFFC0, s23;
	v33 =	vadd.s32 v17, v33  }
0x1cd: {  	[tilespmem:s22+$0x0] =	vst v33;
	v33 =	vadd.s32 s28, v20  }
0x1ce: {  	v34 =	vld.idx.msk [tilespmem:v34+s2+$0x0], $0xffff;
	v33 =	vshrl.u32 v33, $0x1  }
0x1cf: {  	v33 =	vmul.u32 $0xC4EC4EC5, v33;
	_ =	sdelay $0x1  }
0x1d0: {  	v33 =	vadd.s32 v21, v33;
	_ =	sdelay $0x2  }
0x1d1: {  	s29 =	sadd.s32 $0xFFFFFFD0, s23;
	v34 =	vadd.s32 v19, v34  }
0x1d2: {  	[tilespmem:s22+$0x10] =	vst v34;
	v34 =	vadd.s32 s29, v23  }
0x1d3: {  	v33 =	vld.idx.msk [tilespmem:v33+s2+$0x0], $0xffff;
	v34 =	vshrl.u32 v34, $0x1  }
0x1d4: {  	v34 =	vmul.u32 $0xC4EC4EC5, v34;
	_ =	sdelay $0x1  }
0x1d5: {  	s29 =	sadd.s32 $0xFFFFFFE0, s23;
	v34 =	vadd.s32 v24, v34  }
0x1d6: {  	v35 =	vmov s29  }
0x1d7: {  	s24 =	sand.u32 $0x70, s24;
	s28 =	sand.u32 $0x1F80, s28;
	v35 =	vadd.s32 $0xFFFFFFFC, v35  }
0x1d8: {  	s24 =	sor.u32 s24, s28;
	v35 =	vshrl.u32 v35, $0x1;
	v33 =	vadd.s32 v22, v33  }
0x1d9: {  	[tilespmem:s24+$0x1000] =	vst v33;
	v33 =	vmul.u32 $0xC4EC4EC5, v35  }
0x1da: {  	v34 =	vld.idx.msk [tilespmem:v34+s2+$0x0], $0xffff  }
0x1db: {  	v33 =	vbroadcast v33, $0x0;
	_ =	sdelay $0x1  }
0x1dc: {  	v33 =	vadd.s32 v26, v33;
	_ =	sdelay $0x2  }
0x1dd: {  	s24 =	sadd.s32 $0xFFFFFFF0, s23;
	v34 =	vadd.s32 v25, v34  }
0x1de: {  	[tilespmem:s22+$0x30] =	vst v34;
	v34 =	vadd.s32 s24, v28  }
0x1df: {  	v33 =	vld.idx.msk [tilespmem:v33+s2+$0x0], $0xffff;
	v34 =	vshrl.u32 v34, $0x1  }
0x1e0: {  	v34 =	vmul.u32 $0xC4EC4EC5, v34;
	_ =	sdelay $0x1  }
0x1e1: {  	v34 =	vadd.s32 v29, v34  }
0x1e2: {  	v35 =	vmov s23;
	s23 =	smov.u32 s26  }
0x1e3: {  	v35 =	vadd.s32 $0xFFFFFFF6, v35  }
0x1e4: {  	v35 =	vshrl.u32 v35, $0x1;
	v33 =	vadd.s32 v27, v33  }
0x1e5: {  	[tilespmem:s22+$0x40] =	vst v33;
	v33 =	vmul.u32 $0xC4EC4EC5, v35  }
0x1e6: {  	v34 =	vld.idx.msk [tilespmem:v34+s2+$0x0], $0xffff  }
0x1e7: {  	v33 =	vbroadcast v33, $0x0;
	_ =	sdelay $0x1  }
0x1e8: {  	s24 =	sadd.s32 $0xFFFFFF40, s23;
	v33 =	vadd.s32 v31, v33  }
0x1e9: {  	v35 =	vmov s24  }
0x1ea: {  	v35 =	vshrl.u32 v35, $0x1  }
0x1eb: {  	v35 =	vmul.u32 $0xC4EC4EC5, v35;
	v34 =	vadd.s32 v30, v34  }
0x1ec: {  	[tilespmem:s22+$0x50] =	vst v34  }
0x1ed: {  	v34 =	vand.u32 $0xFFFFFFF8, v35;
	v35 =	vld.idx.msk [tilespmem:v33+s2+$0x0], $0xffff  }
0x1ee: {  	v33 =	vbroadcast v34, $0x0  }
.Ltmp1:
0x1ef: {  	(pc) =	sbr.rel @p0 .LBB2_4-.Ltmp1, $2  }
0x1f0: {  	v33 =	vadd.s32 v0, v33;
	_ =	sdelay $0x2  }
0x1f1: {  	s26 =	sadd.s32 $0xFFFFFF50, s23;
	v34 =	vadd.s32 v32, v35  }
0x1f2: {  	_ =	sdelay $0x1  }
0x1f3: {  	v35 =	vadd.s32 s26, v2  }
0x1f4: {  	[tilespmem:s22+$0x60] =	vst v34;
	v43 =	vshrl.u32 v35, $0x1  }
0x1f5: {  	v33 =	vld.idx.msk [tilespmem:v33+s2+$0x0], $0xffff;
	v34 =	vmul.u32 $0xC4EC4EC5, v43  }
0x1f6: {  	s25 =	sadd.s32 $0xFFFFFF60, s23  }
0x1f7: {  	v44 =	vmov s25;
	v34 =	vadd.s32 v3, v34  }
0x1f8: {  	v35 =	vadd.s32 $0xFFFFFFFA, v44  }
0x1f9: {  	v35 =	vshrl.u32 v35, $0x1  }
0x1fa: {  	s22 =	sadd.s32 $0xD0, s22;
	v35 =	vmul.u32 $0xC4EC4EC5, v35;
	v33 =	vadd.s32 v1, v33  }
0x1fb: {  	[tilespmem:s22+$0xFFFFFFA0] =	vst v33  }
0x1fc: {  	v45 =	vbroadcast v35, $0x0;
	v33 =	vld.idx.msk [tilespmem:v34+s2+$0x0], $0xffff;
	_ =	sdelay $0x1  }
0x1fd: {  	v34 =	vadd.s32 v5, v45;
	_ =	sdelay $0x1  }
0x1fe: {  	s28 =	sadd.s32 $0xFFFFFF70, s23  }
0x1ff: {  	v46 =	vadd.s32 s28, v7;
	v33 =	vadd.s32 v4, v33  }
0x200: {  	v47 =	vshrl.u32 v46, $0x1;
	[tilespmem:s22+$0xFFFFFFB0] =	vst v33  }
0x201: {  	v33 =	vmul.u32 $0xC4EC4EC5, v47;
	v34 =	vld.idx.msk [tilespmem:v34+s2+$0x0], $0xffff;
	_ =	sdelay $0x1  }
0x202: {  	v33 =	vadd.s32 v8, v33;
	_ =	sdelay $0x1  }
0x203: {  	s29 =	sadd.s32 $0xFFFFFF80, s23  }
0x204: {  	v48 =	vadd.s32 s29, v10;
	v34 =	vadd.s32 v6, v34  }
0x205: {  	v49 =	vshrl.u32 v48, $0x1;
	[tilespmem:s22+$0xFFFFFFC0] =	vst v34  }
0x206: {  	v34 =	vmul.u32 $0xC4EC4EC5, v49;
	v33 =	vld.idx.msk [tilespmem:v33+s2+$0x0], $0xffff  }
0x207: {  	s30 =	sadd.s32 $0xFFFFFF90, s23  }
0x208: {  	v50 =	vmov s30;
	v34 =	vadd.s32 v11, v34  }
0x209: {  	v35 =	vadd.s32 $0xFFFFFFFE, v50  }
0x20a: {  	v35 =	vshrl.u32 v35, $0x1  }
0x20b: {  	v35 =	vmul.u32 $0xC4EC4EC5, v35;
	v33 =	vadd.s32 v9, v33  }
0x20c: {  	[tilespmem:s22+$0xFFFFFFD0] =	vst v33  }
0x20d: {  	v51 =	vbroadcast v35, $0x0;
	v33 =	vld.idx.msk [tilespmem:v34+s2+$0x0], $0xffff;
	_ =	sdelay $0x1  }
0x20e: {  	v34 =	vadd.s32 v13, v51;
	_ =	sdelay $0x1  }
0x20f: {  	s31 =	sadd.s32 $0xFFFFFFA0, s23  }
0x210: {  	v52 =	vadd.s32 s31, v15;
	v33 =	vadd.s32 v12, v33  }
0x211: {  	v53 =	vshrl.u32 v52, $0x1;
	[tilespmem:s22+$0xFFFFFFE0] =	vst v33  }
0x212: {  	v33 =	vmul.u32 $0xC4EC4EC5, v53;
	v34 =	vld.idx.msk [tilespmem:v34+s2+$0x0], $0xffff  }
0x213: {  	s26 =	sadd.s32 $0xFFFFFFB0, s23  }
0x214: {  	v54 =	vmov s26;
	v33 =	vadd.s32 v16, v33  }
0x215: {  	v35 =	vadd.s32 $0xFFFFFFF8, v54  }
0x216: {  	v35 =	vshrl.u32 v35, $0x1  }
0x217: {  	v35 =	vmul.u32 $0xC4EC4EC5, v35;
	v34 =	vadd.s32 v14, v34  }
0x218: {  	[tilespmem:s22+$0xFFFFFFF0] =	vst v34  }
0x219: {  	v55 =	vbroadcast v35, $0x0;
	v33 =	vld.idx.msk [tilespmem:v33+s2+$0x0], $0xffff;
	_ =	sdelay $0x1  }
0x21a: {  	v34 =	vadd.s32 v18, v55;
	_ =	sdelay $0x1  }
0x21b: {  	s28 =	sadd.s32 $0xFFFFFFC0, s23  }
0x21c: {  	v56 =	vadd.s32 s28, v20;
	v33 =	vadd.s32 v17, v33  }
0x21d: {  	v57 =	vshrl.u32 v56, $0x1;
	[tilespmem:s22+$0x0] =	vst v33  }
0x21e: {  	v33 =	vmul.u32 $0xC4EC4EC5, v57;
	v34 =	vld.idx.msk [tilespmem:v34+s2+$0x0], $0xffff;
	_ =	sdelay $0x1  }
0x21f: {  	v33 =	vadd.s32 v21, v33;
	_ =	sdelay $0x1  }
0x220: {  	s29 =	sadd.s32 $0xFFFFFFD0, s23  }
0x221: {  	v58 =	vadd.s32 s29, v23;
	v34 =	vadd.s32 v19, v34  }
0x222: {  	v59 =	vshrl.u32 v58, $0x1;
	[tilespmem:s22+$0x10] =	vst v34  }
0x223: {  	v34 =	vmul.u32 $0xC4EC4EC5, v59;
	v33 =	vld.idx.msk [tilespmem:v33+s2+$0x0], $0xffff  }
0x224: {  	s30 =	sadd.s32 $0xFFFFFFE0, s23  }
0x225: {  	v60 =	vmov s30;
	v34 =	vadd.s32 v24, v34  }
0x226: {  	v35 =	vadd.s32 $0xFFFFFFFC, v60  }
0x227: {  	s24 =	sand.u32 $0x70, s24;
	s25 =	sand.u32 $0x1F80, s28;
	v35 =	vshrl.u32 v35, $0x1  }
0x228: {  	s24 =	sor.u32 s24, s25;
	v35 =	vmul.u32 $0xC4EC4EC5, v35;
	v33 =	vadd.s32 v22, v33  }
0x229: {  	[tilespmem:s24+$0x1000] =	vst v33  }
0x22a: {  	v61 =	vbroadcast v35, $0x0;
	v33 =	vld.idx.msk [tilespmem:v34+s2+$0x0], $0xffff;
	_ =	sdelay $0x1  }
0x22b: {  	v34 =	vadd.s32 v26, v61;
	_ =	sdelay $0x1  }
0x22c: {  	s31 =	sadd.s32 $0xFFFFFFF0, s23  }
0x22d: {  	v62 =	vadd.s32 s31, v28;
	v33 =	vadd.s32 v25, v33  }
0x22e: {  	v63 =	vshrl.u32 v62, $0x1;
	[tilespmem:s22+$0x30] =	vst v33  }
0x22f: {  	v33 =	vmul.u32 $0xC4EC4EC5, v63;
	v34 =	vld.idx.msk [tilespmem:v34+s2+$0x0], $0xffff;
	_ =	sdelay $0x1  }
0x230: {  	v36 =	vmov s23;
	v33 =	vadd.s32 v29, v33  }
0x231: {  	v35 =	vadd.s32 $0xFFFFFFF6, v36  }
0x232: {  	v35 =	vshrl.u32 v35, $0x1  }
0x233: {  	v35 =	vmul.u32 $0xC4EC4EC5, v35;
	v34 =	vadd.s32 v27, v34  }
0x234: {  	[tilespmem:s22+$0x40] =	vst v34  }
0x235: {  	v37 =	vbroadcast v35, $0x0;
	v33 =	vld.idx.msk [tilespmem:v33+s2+$0x0], $0xffff;
	_ =	sdelay $0x1  }
0x236: {  	v34 =	vadd.s32 v31, v37;
	_ =	sdelay $0x2  }
0x237: {  	v33 =	vadd.s32 v30, v33  }
0x238: {  	[tilespmem:s22+$0x50] =	vst v33  }
0x239: {  	v33 =	vld.idx.msk [tilespmem:v34+s2+$0x0], $0xffff;
	_ =	sdelay $0x4  }
0x23a: {  	v33 =	vadd.s32 v32, v33  }
0x23b: {  	s23 =	simm.s32 $0x0;
	[tilespmem:s22+$0x60] =	vst v33  }
0x23c: {  	v38 =	vmov s23;
	[hbm4b:s8+s2] =	stream.linear.scatter [tilespmem:s20], [sflag:$0x1], $0xD00, $0x38;
	[tilespmem:$0x1D00] =	vst v63  }
0x23d: {  	v33 =	vshrl.u32 v38, $0x1;
	_ =	swait.ge [sflag:s18], $0xD00  }
0x23e: {  	v33 =	vmul.u32 $0xC4EC4EC5, v33;
	[sflag:s18] =	ssyncset.done $0x0  }
0x23f: {  	[sflag:s18] =	ssyncadd.s32 $0xFFFFF300  }
0x240: {  	v33 =	vand.u32 $0xFFFFFFF8, v33;
	[tilespmem:s2], [sflag:$0x1] =	stream.strided.gather [hbm4b:s9+s16], $0xC00, s17, s16, $0x38;
	[tilespmem:$0x1D00] =	vst v63  }
0x241: {  	v33 =	vbroadcast v33, $0x0;
	_ =	swait.ge [sflag:s18], $0xC00  }
0x242: {  	[sflag:s18] =	ssyncset.done $0x0  }
0x243: {  	v33 =	vadd.s32 v0, v33;
	[sflag:s18] =	ssyncadd.s32 $0xFFFFF400  }
0x244: {  	[tilespmem:s19], [sflag:$0x1] =	stream.linear.gather [hbm4b:s10+s2], $0x400, $0x38;
	[tilespmem:$0x1D00] =	vst v63  }
0x245: {  	s25 =	simm.s32 $0x10;
	_ =	swait.ge [sflag:s18], $0x400  }
0x246: {  	v39 =	vadd.s32 s25, v2;
	[sflag:s18] =	ssyncset.done $0x0  }
0x247: {  	v34 =	vshrl.u32 v39, $0x1;
	[sflag:s18] =	ssyncadd.s32 $0xFFFFFC00  }
0x248: {  	v34 =	vmul.u32 $0xC4EC4EC5, v34;
	v33 =	vld.idx.msk [tilespmem:v33+s2+$0x0], $0xffff  }
0x249: {  	s26 =	simm.s32 $0x20  }
0x24a: {  	v40 =	vmov s26;
	v34 =	vadd.s32 v3, v34  }
0x24b: {  	v35 =	vadd.s32 $0xFFFFFFFA, v40  }
0x24c: {  	v35 =	vshrl.u32 v35, $0x1  }
0x24d: {  	v35 =	vmul.u32 $0xC4EC4EC5, v35;
	s22 =	simm.s32 $0x1060;
	v33 =	vadd.s32 v1, v33  }
0x24e: {  	[tilespmem:s22+$0xFFFFFFA0] =	vst v33  }
0x24f: {  	v41 =	vbroadcast v35, $0x0;
	v33 =	vld.idx.msk [tilespmem:v34+s2+$0x0], $0xffff;
	_ =	sdelay $0x1  }
0x250: {  	v34 =	vadd.s32 v5, v41;
	_ =	sdelay $0x1  }
0x251: {  	s28 =	simm.s32 $0x30  }
0x252: {  	v42 =	vadd.s32 s28, v7;
	v33 =	vadd.s32 v4, v33  }
0x253: {  	v43 =	vshrl.u32 v42, $0x1;
	[tilespmem:s22+$0xFFFFFFB0] =	vst v33  }
0x254: {  	v33 =	vmul.u32 $0xC4EC4EC5, v43;
	v34 =	vld.idx.msk [tilespmem:v34+s2+$0x0], $0xffff;
	_ =	sdelay $0x1  }
0x255: {  	v33 =	vadd.s32 v8, v33;
	_ =	sdelay $0x1  }
0x256: {  	s29 =	simm.s32 $0x40  }
0x257: {  	v44 =	vadd.s32 s29, v10;
	v34 =	vadd.s32 v6, v34  }
0x258: {  	v45 =	vshrl.u32 v44, $0x1;
	[tilespmem:s22+$0xFFFFFFC0] =	vst v34  }
0x259: {  	v34 =	vmul.u32 $0xC4EC4EC5, v45;
	v33 =	vld.idx.msk [tilespmem:v33+s2+$0x0], $0xffff  }
0x25a: {  	s30 =	simm.s32 $0x50  }
0x25b: {  	v46 =	vmov s30;
	v34 =	vadd.s32 v11, v34  }
0x25c: {  	v35 =	vadd.s32 $0xFFFFFFFE, v46  }
0x25d: {  	v35 =	vshrl.u32 v35, $0x1  }
0x25e: {  	v35 =	vmul.u32 $0xC4EC4EC5, v35;
	v33 =	vadd.s32 v9, v33  }
0x25f: {  	[tilespmem:s22+$0xFFFFFFD0] =	vst v33  }
0x260: {  	v47 =	vbroadcast v35, $0x0;
	v33 =	vld.idx.msk [tilespmem:v34+s2+$0x0], $0xffff;
	_ =	sdelay $0x1  }
0x261: {  	v34 =	vadd.s32 v13, v47;
	_ =	sdelay $0x1  }
0x262: {  	s31 =	simm.s32 $0x60  }
0x263: {  	v48 =	vadd.s32 s31, v15;
	v33 =	vadd.s32 v12, v33  }
0x264: {  	v49 =	vshrl.u32 v48, $0x1;
	[tilespmem:s22+$0xFFFFFFE0] =	vst v33  }
0x265: {  	v33 =	vmul.u32 $0xC4EC4EC5, v49;
	v34 =	vld.idx.msk [tilespmem:v34+s2+$0x0], $0xffff  }
0x266: {  	s25 =	simm.s32 $0x70  }
0x267: {  	v50 =	vmov s25;
	v33 =	vadd.s32 v16, v33  }
0x268: {  	v35 =	vadd.s32 $0xFFFFFFF8, v50  }
0x269: {  	v35 =	vshrl.u32 v35, $0x1  }
0x26a: {  	v35 =	vmul.u32 $0xC4EC4EC5, v35;
	v34 =	vadd.s32 v14, v34  }
0x26b: {  	[tilespmem:s22+$0xFFFFFFF0] =	vst v34  }
0x26c: {  	v51 =	vbroadcast v35, $0x0;
	v33 =	vld.idx.msk [tilespmem:v33+s2+$0x0], $0xffff;
	_ =	sdelay $0x1  }
0x26d: {  	v34 =	vadd.s32 v18, v51;
	_ =	sdelay $0x1  }
0x26e: {  	s26 =	simm.s32 $0x80  }
0x26f: {  	v52 =	vadd.s32 s26, v20;
	v33 =	vadd.s32 v17, v33  }
0x270: {  	v53 =	vshrl.u32 v52, $0x1;
	[tilespmem:s22+$0x0] =	vst v33  }
0x271: {  	v33 =	vmul.u32 $0xC4EC4EC5, v53;
	v34 =	vld.idx.msk [tilespmem:v34+s2+$0x0], $0xffff;
	_ =	sdelay $0x1  }
0x272: {  	v33 =	vadd.s32 v21, v33;
	_ =	sdelay $0x1  }
0x273: {  	s28 =	simm.s32 $0x90  }
0x274: {  	v54 =	vadd.s32 s28, v23;
	v34 =	vadd.s32 v19, v34  }
0x275: {  	v55 =	vshrl.u32 v54, $0x1;
	[tilespmem:s22+$0x10] =	vst v34  }
0x276: {  	v34 =	vmul.u32 $0xC4EC4EC5, v55;
	v33 =	vld.idx.msk [tilespmem:v33+s2+$0x0], $0xffff  }
0x277: {  	s29 =	simm.s32 $0xA0  }
0x278: {  	v56 =	vmov s29;
	v34 =	vadd.s32 v24, v34  }
0x279: {  	v35 =	vadd.s32 $0xFFFFFFFC, v56  }
0x27a: {  	s23 =	sand.u32 $0x70, s23;
	v35 =	vshrl.u32 v35, $0x1;
	s24 =	sand.u32 $0x1F80, s26  }
0x27b: {  	v35 =	vmul.u32 $0xC4EC4EC5, v35;
	s23 =	sor.u32 s23, s24;
	v33 =	vadd.s32 v22, v33  }
0x27c: {  	[tilespmem:s23+$0x1000] =	vst v33  }
0x27d: {  	v57 =	vbroadcast v35, $0x0;
	v33 =	vld.idx.msk [tilespmem:v34+s2+$0x0], $0xffff;
	_ =	sdelay $0x1  }
0x27e: {  	v34 =	vadd.s32 v26, v57;
	_ =	sdelay $0x1  }
0x27f: {  	s30 =	simm.s32 $0xB0  }
0x280: {  	v58 =	vadd.s32 s30, v28;
	v33 =	vadd.s32 v25, v33  }
0x281: {  	v59 =	vshrl.u32 v58, $0x1;
	[tilespmem:s22+$0x30] =	vst v33  }
0x282: {  	v33 =	vmul.u32 $0xC4EC4EC5, v59;
	v34 =	vld.idx.msk [tilespmem:v34+s2+$0x0], $0xffff  }
0x283: {  	s31 =	simm.s32 $0xC0  }
0x284: {  	v60 =	vmov s31;
	v33 =	vadd.s32 v29, v33  }
0x285: {  	v35 =	vadd.s32 $0xFFFFFFF6, v60  }
0x286: {  	v35 =	vshrl.u32 v35, $0x1  }
0x287: {  	v35 =	vmul.u32 $0xC4EC4EC5, v35;
	v34 =	vadd.s32 v27, v34  }
0x288: {  	[tilespmem:s22+$0x40] =	vst v34  }
0x289: {  	v61 =	vbroadcast v35, $0x0;
	v33 =	vld.idx.msk [tilespmem:v33+s2+$0x0], $0xffff;
	_ =	sdelay $0x1  }
0x28a: {  	s24 =	simm.s32 $0xD0;
	v34 =	vadd.s32 v31, v61  }
0x28b: {  	v62 =	vmov s24  }
0x28c: {  	v35 =	vshrl.u32 v62, $0x1  }
0x28d: {  	v63 =	vmul.u32 $0xC4EC4EC5, v35;
	v33 =	vadd.s32 v30, v33  }
0x28e: {  	[tilespmem:s22+$0x50] =	vst v33  }
0x28f: {  	v33 =	vand.u32 $0xFFFFFFF8, v63;
	v34 =	vld.idx.msk [tilespmem:v34+s2+$0x0], $0xffff  }
0x290: {  	v33 =	vbroadcast v33, $0x0;
	_ =	sdelay $0x1  }
0x291: {  	v33 =	vadd.s32 v0, v33;
	_ =	sdelay $0x1  }
0x292: {  	s25 =	simm.s32 $0x260;
	s26 =	simm.s32 $0xE0;
	s23 =	simm.s32 $0x190;
	v34 =	vadd.s32 v32, v34  }
.LBB2_6:
0x293: {  	p0 =	sne.s32 s25, $0xCF0  }
0x294: {  	v35 =	vadd.s32 s26, v2;
	[tilespmem:s22+$0x60] =	vst v34;
	s22 =	sadd.s32 $0xD0, s22;
	s26 =	smov.u32 s25;
	s25 =	sadd.s32 $0xD0, s25  }
0x295: {  	v33 =	vld.idx.msk [tilespmem:v33+s2+$0x0], $0xffff;
	v34 =	vshrl.u32 v35, $0x1  }
0x296: {  	v34 =	vmul.u32 $0xC4EC4EC5, v34;
	_ =	sdelay $0x1  }
0x297: {  	s28 =	sadd.s32 $0xFFFFFF60, s23;
	v34 =	vadd.s32 v3, v34  }
0x298: {  	v35 =	vmov s28  }
0x299: {  	v35 =	vadd.s32 $0xFFFFFFFA, v35  }
0x29a: {  	v35 =	vshrl.u32 v35, $0x1;
	v33 =	vadd.s32 v1, v33  }
0x29b: {  	[tilespmem:s22+$0xFFFFFFA0] =	vst v33;
	v33 =	vmul.u32 $0xC4EC4EC5, v35  }
0x29c: {  	v34 =	vld.idx.msk [tilespmem:v34+s2+$0x0], $0xffff  }
0x29d: {  	v33 =	vbroadcast v33, $0x0;
	_ =	sdelay $0x1  }
0x29e: {  	v33 =	vadd.s32 v5, v33;
	_ =	sdelay $0x2  }
0x29f: {  	s28 =	sadd.s32 $0xFFFFFF70, s23;
	v34 =	vadd.s32 v4, v34  }
0x2a0: {  	[tilespmem:s22+$0xFFFFFFB0] =	vst v34;
	v34 =	vadd.s32 s28, v7  }
0x2a1: {  	v33 =	vld.idx.msk [tilespmem:v33+s2+$0x0], $0xffff;
	v34 =	vshrl.u32 v34, $0x1  }
0x2a2: {  	v34 =	vmul.u32 $0xC4EC4EC5, v34;
	_ =	sdelay $0x1  }
0x2a3: {  	v34 =	vadd.s32 v8, v34;
	_ =	sdelay $0x2  }
0x2a4: {  	s28 =	sadd.s32 $0xFFFFFF80, s23;
	v33 =	vadd.s32 v6, v33  }
0x2a5: {  	[tilespmem:s22+$0xFFFFFFC0] =	vst v33;
	v33 =	vadd.s32 s28, v10  }
0x2a6: {  	v34 =	vld.idx.msk [tilespmem:v34+s2+$0x0], $0xffff;
	v33 =	vshrl.u32 v33, $0x1  }
0x2a7: {  	v33 =	vmul.u32 $0xC4EC4EC5, v33;
	_ =	sdelay $0x1  }
0x2a8: {  	s28 =	sadd.s32 $0xFFFFFF90, s23;
	v33 =	vadd.s32 v11, v33  }
0x2a9: {  	v35 =	vmov s28  }
0x2aa: {  	v35 =	vadd.s32 $0xFFFFFFFE, v35  }
0x2ab: {  	v35 =	vshrl.u32 v35, $0x1;
	v34 =	vadd.s32 v9, v34  }
0x2ac: {  	[tilespmem:s22+$0xFFFFFFD0] =	vst v34;
	v34 =	vmul.u32 $0xC4EC4EC5, v35  }
0x2ad: {  	v33 =	vld.idx.msk [tilespmem:v33+s2+$0x0], $0xffff  }
0x2ae: {  	v34 =	vbroadcast v34, $0x0;
	_ =	sdelay $0x1  }
0x2af: {  	v34 =	vadd.s32 v13, v34;
	_ =	sdelay $0x2  }
0x2b0: {  	s28 =	sadd.s32 $0xFFFFFFA0, s23;
	v33 =	vadd.s32 v12, v33  }
0x2b1: {  	[tilespmem:s22+$0xFFFFFFE0] =	vst v33;
	v33 =	vadd.s32 s28, v15  }
0x2b2: {  	v34 =	vld.idx.msk [tilespmem:v34+s2+$0x0], $0xffff;
	v33 =	vshrl.u32 v33, $0x1  }
0x2b3: {  	v33 =	vmul.u32 $0xC4EC4EC5, v33;
	_ =	sdelay $0x1  }
0x2b4: {  	s28 =	sadd.s32 $0xFFFFFFB0, s23;
	v33 =	vadd.s32 v16, v33  }
0x2b5: {  	v35 =	vmov s28  }
0x2b6: {  	v35 =	vadd.s32 $0xFFFFFFF8, v35  }
0x2b7: {  	v35 =	vshrl.u32 v35, $0x1;
	v34 =	vadd.s32 v14, v34  }
0x2b8: {  	[tilespmem:s22+$0xFFFFFFF0] =	vst v34;
	v34 =	vmul.u32 $0xC4EC4EC5, v35  }
0x2b9: {  	v33 =	vld.idx.msk [tilespmem:v33+s2+$0x0], $0xffff  }
0x2ba: {  	v34 =	vbroadcast v34, $0x0;
	_ =	sdelay $0x1  }
0x2bb: {  	v34 =	vadd.s32 v18, v34;
	_ =	sdelay $0x2  }
0x2bc: {  	s28 =	sadd.s32 $0xFFFFFFC0, s23;
	v33 =	vadd.s32 v17, v33  }
0x2bd: {  	[tilespmem:s22+$0x0] =	vst v33;
	v33 =	vadd.s32 s28, v20  }
0x2be: {  	v34 =	vld.idx.msk [tilespmem:v34+s2+$0x0], $0xffff;
	v33 =	vshrl.u32 v33, $0x1  }
0x2bf: {  	v33 =	vmul.u32 $0xC4EC4EC5, v33;
	_ =	sdelay $0x1  }
0x2c0: {  	v33 =	vadd.s32 v21, v33;
	_ =	sdelay $0x2  }
0x2c1: {  	s29 =	sadd.s32 $0xFFFFFFD0, s23;
	v34 =	vadd.s32 v19, v34  }
0x2c2: {  	[tilespmem:s22+$0x10] =	vst v34;
	v34 =	vadd.s32 s29, v23  }
0x2c3: {  	v33 =	vld.idx.msk [tilespmem:v33+s2+$0x0], $0xffff;
	v34 =	vshrl.u32 v34, $0x1  }
0x2c4: {  	v34 =	vmul.u32 $0xC4EC4EC5, v34;
	_ =	sdelay $0x1  }
0x2c5: {  	s29 =	sadd.s32 $0xFFFFFFE0, s23;
	v34 =	vadd.s32 v24, v34  }
0x2c6: {  	v35 =	vmov s29  }
0x2c7: {  	s24 =	sand.u32 $0x70, s24;
	s28 =	sand.u32 $0x1F80, s28;
	v35 =	vadd.s32 $0xFFFFFFFC, v35  }
0x2c8: {  	s24 =	sor.u32 s24, s28;
	v35 =	vshrl.u32 v35, $0x1;
	v33 =	vadd.s32 v22, v33  }
0x2c9: {  	[tilespmem:s24+$0x1000] =	vst v33;
	v33 =	vmul.u32 $0xC4EC4EC5, v35  }
0x2ca: {  	v34 =	vld.idx.msk [tilespmem:v34+s2+$0x0], $0xffff  }
0x2cb: {  	v33 =	vbroadcast v33, $0x0;
	_ =	sdelay $0x1  }
0x2cc: {  	v33 =	vadd.s32 v26, v33;
	_ =	sdelay $0x2  }
0x2cd: {  	s24 =	sadd.s32 $0xFFFFFFF0, s23;
	v34 =	vadd.s32 v25, v34  }
0x2ce: {  	[tilespmem:s22+$0x30] =	vst v34;
	v34 =	vadd.s32 s24, v28  }
0x2cf: {  	v33 =	vld.idx.msk [tilespmem:v33+s2+$0x0], $0xffff;
	v34 =	vshrl.u32 v34, $0x1  }
0x2d0: {  	v34 =	vmul.u32 $0xC4EC4EC5, v34;
	_ =	sdelay $0x1  }
0x2d1: {  	v34 =	vadd.s32 v29, v34  }
0x2d2: {  	v35 =	vmov s23;
	s23 =	smov.u32 s26  }
0x2d3: {  	v35 =	vadd.s32 $0xFFFFFFF6, v35  }
0x2d4: {  	v35 =	vshrl.u32 v35, $0x1;
	v33 =	vadd.s32 v27, v33  }
0x2d5: {  	[tilespmem:s22+$0x40] =	vst v33;
	v33 =	vmul.u32 $0xC4EC4EC5, v35  }
0x2d6: {  	v34 =	vld.idx.msk [tilespmem:v34+s2+$0x0], $0xffff  }
0x2d7: {  	v33 =	vbroadcast v33, $0x0;
	_ =	sdelay $0x1  }
0x2d8: {  	s24 =	sadd.s32 $0xFFFFFF40, s23;
	v33 =	vadd.s32 v31, v33  }
0x2d9: {  	v35 =	vmov s24  }
0x2da: {  	v35 =	vshrl.u32 v35, $0x1  }
0x2db: {  	v35 =	vmul.u32 $0xC4EC4EC5, v35;
	v34 =	vadd.s32 v30, v34  }
0x2dc: {  	[tilespmem:s22+$0x50] =	vst v34  }
0x2dd: {  	v34 =	vand.u32 $0xFFFFFFF8, v35;
	v35 =	vld.idx.msk [tilespmem:v33+s2+$0x0], $0xffff  }
0x2de: {  	v33 =	vbroadcast v34, $0x0  }
.Ltmp2:
0x2df: {  	(pc) =	sbr.rel @p0 .LBB2_6-.Ltmp2, $2  }
0x2e0: {  	v33 =	vadd.s32 v0, v33;
	_ =	sdelay $0x2  }
0x2e1: {  	s26 =	sadd.s32 $0xFFFFFF50, s23;
	v34 =	vadd.s32 v32, v35  }
0x2e2: {  	_ =	sdelay $0x1  }
0x2e3: {  	v35 =	vadd.s32 s26, v2  }
0x2e4: {  	[tilespmem:s22+$0x60] =	vst v34;
	v43 =	vshrl.u32 v35, $0x1  }
0x2e5: {  	v33 =	vld.idx.msk [tilespmem:v33+s2+$0x0], $0xffff;
	v34 =	vmul.u32 $0xC4EC4EC5, v43  }
0x2e6: {  	s25 =	sadd.s32 $0xFFFFFF60, s23  }
0x2e7: {  	v44 =	vmov s25;
	v34 =	vadd.s32 v3, v34  }
0x2e8: {  	v35 =	vadd.s32 $0xFFFFFFFA, v44  }
0x2e9: {  	v35 =	vshrl.u32 v35, $0x1  }
0x2ea: {  	s22 =	sadd.s32 $0xD0, s22;
	v35 =	vmul.u32 $0xC4EC4EC5, v35;
	v33 =	vadd.s32 v1, v33  }
0x2eb: {  	[tilespmem:s22+$0xFFFFFFA0] =	vst v33  }
0x2ec: {  	v45 =	vbroadcast v35, $0x0;
	v33 =	vld.idx.msk [tilespmem:v34+s2+$0x0], $0xffff;
	_ =	sdelay $0x1  }
0x2ed: {  	v34 =	vadd.s32 v5, v45;
	_ =	sdelay $0x1  }
0x2ee: {  	s28 =	sadd.s32 $0xFFFFFF70, s23  }
0x2ef: {  	v46 =	vadd.s32 s28, v7;
	v33 =	vadd.s32 v4, v33  }
0x2f0: {  	v47 =	vshrl.u32 v46, $0x1;
	[tilespmem:s22+$0xFFFFFFB0] =	vst v33  }
0x2f1: {  	v33 =	vmul.u32 $0xC4EC4EC5, v47;
	v34 =	vld.idx.msk [tilespmem:v34+s2+$0x0], $0xffff;
	_ =	sdelay $0x1  }
0x2f2: {  	v33 =	vadd.s32 v8, v33;
	_ =	sdelay $0x1  }
0x2f3: {  	s29 =	sadd.s32 $0xFFFFFF80, s23  }
0x2f4: {  	v48 =	vadd.s32 s29, v10;
	v34 =	vadd.s32 v6, v34  }
0x2f5: {  	v49 =	vshrl.u32 v48, $0x1;
	[tilespmem:s22+$0xFFFFFFC0] =	vst v34  }
0x2f6: {  	v34 =	vmul.u32 $0xC4EC4EC5, v49;
	v33 =	vld.idx.msk [tilespmem:v33+s2+$0x0], $0xffff  }
0x2f7: {  	s30 =	sadd.s32 $0xFFFFFF90, s23  }
0x2f8: {  	v50 =	vmov s30;
	v34 =	vadd.s32 v11, v34  }
0x2f9: {  	v35 =	vadd.s32 $0xFFFFFFFE, v50  }
0x2fa: {  	v35 =	vshrl.u32 v35, $0x1  }
0x2fb: {  	v35 =	vmul.u32 $0xC4EC4EC5, v35;
	v33 =	vadd.s32 v9, v33  }
0x2fc: {  	[tilespmem:s22+$0xFFFFFFD0] =	vst v33  }
0x2fd: {  	v51 =	vbroadcast v35, $0x0;
	v33 =	vld.idx.msk [tilespmem:v34+s2+$0x0], $0xffff;
	_ =	sdelay $0x1  }
0x2fe: {  	v34 =	vadd.s32 v13, v51;
	_ =	sdelay $0x1  }
0x2ff: {  	s31 =	sadd.s32 $0xFFFFFFA0, s23  }
0x300: {  	v52 =	vadd.s32 s31, v15;
	v33 =	vadd.s32 v12, v33  }
0x301: {  	v53 =	vshrl.u32 v52, $0x1;
	[tilespmem:s22+$0xFFFFFFE0] =	vst v33  }
0x302: {  	v33 =	vmul.u32 $0xC4EC4EC5, v53;
	v34 =	vld.idx.msk [tilespmem:v34+s2+$0x0], $0xffff  }
0x303: {  	s26 =	sadd.s32 $0xFFFFFFB0, s23  }
0x304: {  	v54 =	vmov s26;
	v33 =	vadd.s32 v16, v33  }
0x305: {  	v35 =	vadd.s32 $0xFFFFFFF8, v54  }
0x306: {  	v35 =	vshrl.u32 v35, $0x1  }
0x307: {  	v35 =	vmul.u32 $0xC4EC4EC5, v35;
	v34 =	vadd.s32 v14, v34  }
0x308: {  	[tilespmem:s22+$0xFFFFFFF0] =	vst v34  }
0x309: {  	v55 =	vbroadcast v35, $0x0;
	v33 =	vld.idx.msk [tilespmem:v33+s2+$0x0], $0xffff;
	_ =	sdelay $0x1  }
0x30a: {  	v34 =	vadd.s32 v18, v55;
	_ =	sdelay $0x1  }
0x30b: {  	s28 =	sadd.s32 $0xFFFFFFC0, s23  }
0x30c: {  	v56 =	vadd.s32 s28, v20;
	v33 =	vadd.s32 v17, v33  }
0x30d: {  	v57 =	vshrl.u32 v56, $0x1;
	[tilespmem:s22+$0x0] =	vst v33  }
0x30e: {  	v33 =	vmul.u32 $0xC4EC4EC5, v57;
	v34 =	vld.idx.msk [tilespmem:v34+s2+$0x0], $0xffff;
	_ =	sdelay $0x1  }
0x30f: {  	v33 =	vadd.s32 v21, v33;
	_ =	sdelay $0x1  }
0x310: {  	s29 =	sadd.s32 $0xFFFFFFD0, s23  }
0x311: {  	v58 =	vadd.s32 s29, v23;
	v34 =	vadd.s32 v19, v34  }
0x312: {  	v59 =	vshrl.u32 v58, $0x1;
	[tilespmem:s22+$0x10] =	vst v34  }
0x313: {  	v34 =	vmul.u32 $0xC4EC4EC5, v59;
	v33 =	vld.idx.msk [tilespmem:v33+s2+$0x0], $0xffff  }
0x314: {  	s30 =	sadd.s32 $0xFFFFFFE0, s23  }
0x315: {  	v60 =	vmov s30;
	v34 =	vadd.s32 v24, v34  }
0x316: {  	v35 =	vadd.s32 $0xFFFFFFFC, v60  }
0x317: {  	s24 =	sand.u32 $0x70, s24;
	s25 =	sand.u32 $0x1F80, s28;
	v35 =	vshrl.u32 v35, $0x1  }
0x318: {  	s24 =	sor.u32 s24, s25;
	v35 =	vmul.u32 $0xC4EC4EC5, v35;
	v33 =	vadd.s32 v22, v33  }
0x319: {  	[tilespmem:s24+$0x1000] =	vst v33  }
0x31a: {  	v61 =	vbroadcast v35, $0x0;
	v33 =	vld.idx.msk [tilespmem:v34+s2+$0x0], $0xffff;
	_ =	sdelay $0x1  }
0x31b: {  	v34 =	vadd.s32 v26, v61;
	_ =	sdelay $0x1  }
0x31c: {  	s31 =	sadd.s32 $0xFFFFFFF0, s23  }
0x31d: {  	v62 =	vadd.s32 s31, v28;
	v33 =	vadd.s32 v25, v33  }
0x31e: {  	v63 =	vshrl.u32 v62, $0x1;
	[tilespmem:s22+$0x30] =	vst v33  }
0x31f: {  	v33 =	vmul.u32 $0xC4EC4EC5, v63;
	v34 =	vld.idx.msk [tilespmem:v34+s2+$0x0], $0xffff;
	_ =	sdelay $0x1  }
0x320: {  	v36 =	vmov s23;
	v33 =	vadd.s32 v29, v33  }
0x321: {  	v35 =	vadd.s32 $0xFFFFFFF6, v36  }
0x322: {  	v35 =	vshrl.u32 v35, $0x1  }
0x323: {  	v35 =	vmul.u32 $0xC4EC4EC5, v35;
	v34 =	vadd.s32 v27, v34  }
0x324: {  	[tilespmem:s22+$0x40] =	vst v34  }
0x325: {  	v37 =	vbroadcast v35, $0x0;
	v33 =	vld.idx.msk [tilespmem:v33+s2+$0x0], $0xffff;
	_ =	sdelay $0x1  }
0x326: {  	v34 =	vadd.s32 v31, v37;
	_ =	sdelay $0x2  }
0x327: {  	v33 =	vadd.s32 v30, v33  }
0x328: {  	[tilespmem:s22+$0x50] =	vst v33  }
0x329: {  	v33 =	vld.idx.msk [tilespmem:v34+s2+$0x0], $0xffff;
	_ =	sdelay $0x4  }
0x32a: {  	v33 =	vadd.s32 v32, v33  }
0x32b: {  	s23 =	simm.s32 $0x0;
	[tilespmem:s22+$0x60] =	vst v33  }
0x32c: {  	v38 =	vmov s23;
	[hbm4b:s11+s2] =	stream.linear.scatter [tilespmem:s20], [sflag:$0x1], $0xD00, $0x38;
	[tilespmem:$0x1D00] =	vst v63  }
0x32d: {  	v33 =	vshrl.u32 v38, $0x1;
	_ =	swait.ge [sflag:s18], $0xD00  }
0x32e: {  	v33 =	vmul.u32 $0xC4EC4EC5, v33;
	[sflag:s18] =	ssyncset.done $0x0  }
0x32f: {  	[sflag:s18] =	ssyncadd.s32 $0xFFFFF300  }
0x330: {  	v33 =	vand.u32 $0xFFFFFFF8, v33;
	[tilespmem:s2], [sflag:$0x1] =	stream.strided.gather [hbm4b:s12+s16], $0xC00, s17, s16, $0x38;
	[tilespmem:$0x1D00] =	vst v63  }
0x331: {  	v33 =	vbroadcast v33, $0x0;
	_ =	swait.ge [sflag:s18], $0xC00  }
0x332: {  	[sflag:s18] =	ssyncset.done $0x0  }
0x333: {  	v33 =	vadd.s32 v0, v33;
	[sflag:s18] =	ssyncadd.s32 $0xFFFFF400  }
0x334: {  	[tilespmem:s19], [sflag:$0x1] =	stream.linear.gather [hbm4b:s13+s2], $0x400, $0x38;
	[tilespmem:$0x1D00] =	vst v63  }
0x335: {  	s25 =	simm.s32 $0x10;
	_ =	swait.ge [sflag:s18], $0x400  }
0x336: {  	v39 =	vadd.s32 s25, v2;
	[sflag:s18] =	ssyncset.done $0x0  }
0x337: {  	v34 =	vshrl.u32 v39, $0x1;
	[sflag:s18] =	ssyncadd.s32 $0xFFFFFC00  }
0x338: {  	v34 =	vmul.u32 $0xC4EC4EC5, v34;
	v33 =	vld.idx.msk [tilespmem:v33+s2+$0x0], $0xffff  }
0x339: {  	s26 =	simm.s32 $0x20  }
0x33a: {  	v40 =	vmov s26;
	v34 =	vadd.s32 v3, v34  }
0x33b: {  	v35 =	vadd.s32 $0xFFFFFFFA, v40  }
0x33c: {  	v35 =	vshrl.u32 v35, $0x1  }
0x33d: {  	v35 =	vmul.u32 $0xC4EC4EC5, v35;
	s22 =	simm.s32 $0x1060;
	v33 =	vadd.s32 v1, v33  }
0x33e: {  	[tilespmem:s22+$0xFFFFFFA0] =	vst v33  }
0x33f: {  	v41 =	vbroadcast v35, $0x0;
	v33 =	vld.idx.msk [tilespmem:v34+s2+$0x0], $0xffff;
	_ =	sdelay $0x1  }
0x340: {  	v34 =	vadd.s32 v5, v41;
	_ =	sdelay $0x1  }
0x341: {  	s28 =	simm.s32 $0x30  }
0x342: {  	v42 =	vadd.s32 s28, v7;
	v33 =	vadd.s32 v4, v33  }
0x343: {  	v43 =	vshrl.u32 v42, $0x1;
	[tilespmem:s22+$0xFFFFFFB0] =	vst v33  }
0x344: {  	v33 =	vmul.u32 $0xC4EC4EC5, v43;
	v34 =	vld.idx.msk [tilespmem:v34+s2+$0x0], $0xffff;
	_ =	sdelay $0x1  }
0x345: {  	v33 =	vadd.s32 v8, v33;
	_ =	sdelay $0x1  }
0x346: {  	s29 =	simm.s32 $0x40  }
0x347: {  	v44 =	vadd.s32 s29, v10;
	v34 =	vadd.s32 v6, v34  }
0x348: {  	v45 =	vshrl.u32 v44, $0x1;
	[tilespmem:s22+$0xFFFFFFC0] =	vst v34  }
0x349: {  	v34 =	vmul.u32 $0xC4EC4EC5, v45;
	v33 =	vld.idx.msk [tilespmem:v33+s2+$0x0], $0xffff  }
0x34a: {  	s30 =	simm.s32 $0x50  }
0x34b: {  	v46 =	vmov s30;
	v34 =	vadd.s32 v11, v34  }
0x34c: {  	v35 =	vadd.s32 $0xFFFFFFFE, v46  }
0x34d: {  	v35 =	vshrl.u32 v35, $0x1  }
0x34e: {  	v35 =	vmul.u32 $0xC4EC4EC5, v35;
	v33 =	vadd.s32 v9, v33  }
0x34f: {  	[tilespmem:s22+$0xFFFFFFD0] =	vst v33  }
0x350: {  	v47 =	vbroadcast v35, $0x0;
	v33 =	vld.idx.msk [tilespmem:v34+s2+$0x0], $0xffff;
	_ =	sdelay $0x1  }
0x351: {  	v34 =	vadd.s32 v13, v47;
	_ =	sdelay $0x1  }
0x352: {  	s31 =	simm.s32 $0x60  }
0x353: {  	v48 =	vadd.s32 s31, v15;
	v33 =	vadd.s32 v12, v33  }
0x354: {  	v49 =	vshrl.u32 v48, $0x1;
	[tilespmem:s22+$0xFFFFFFE0] =	vst v33  }
0x355: {  	v33 =	vmul.u32 $0xC4EC4EC5, v49;
	v34 =	vld.idx.msk [tilespmem:v34+s2+$0x0], $0xffff  }
0x356: {  	s25 =	simm.s32 $0x70  }
0x357: {  	v50 =	vmov s25;
	v33 =	vadd.s32 v16, v33  }
0x358: {  	v35 =	vadd.s32 $0xFFFFFFF8, v50  }
0x359: {  	v35 =	vshrl.u32 v35, $0x1  }
0x35a: {  	v35 =	vmul.u32 $0xC4EC4EC5, v35;
	v34 =	vadd.s32 v14, v34  }
0x35b: {  	[tilespmem:s22+$0xFFFFFFF0] =	vst v34  }
0x35c: {  	v51 =	vbroadcast v35, $0x0;
	v33 =	vld.idx.msk [tilespmem:v33+s2+$0x0], $0xffff;
	_ =	sdelay $0x1  }
0x35d: {  	v34 =	vadd.s32 v18, v51;
	_ =	sdelay $0x1  }
0x35e: {  	s26 =	simm.s32 $0x80  }
0x35f: {  	v52 =	vadd.s32 s26, v20;
	v33 =	vadd.s32 v17, v33  }
0x360: {  	v53 =	vshrl.u32 v52, $0x1;
	[tilespmem:s22+$0x0] =	vst v33  }
0x361: {  	v33 =	vmul.u32 $0xC4EC4EC5, v53;
	v34 =	vld.idx.msk [tilespmem:v34+s2+$0x0], $0xffff;
	_ =	sdelay $0x1  }
0x362: {  	v33 =	vadd.s32 v21, v33;
	_ =	sdelay $0x1  }
0x363: {  	s28 =	simm.s32 $0x90  }
0x364: {  	v54 =	vadd.s32 s28, v23;
	v34 =	vadd.s32 v19, v34  }
0x365: {  	v55 =	vshrl.u32 v54, $0x1;
	[tilespmem:s22+$0x10] =	vst v34  }
0x366: {  	v34 =	vmul.u32 $0xC4EC4EC5, v55;
	v33 =	vld.idx.msk [tilespmem:v33+s2+$0x0], $0xffff  }
0x367: {  	s29 =	simm.s32 $0xA0  }
0x368: {  	v56 =	vmov s29;
	v34 =	vadd.s32 v24, v34  }
0x369: {  	v35 =	vadd.s32 $0xFFFFFFFC, v56  }
0x36a: {  	s23 =	sand.u32 $0x70, s23;
	v35 =	vshrl.u32 v35, $0x1;
	s24 =	sand.u32 $0x1F80, s26  }
0x36b: {  	v35 =	vmul.u32 $0xC4EC4EC5, v35;
	s23 =	sor.u32 s23, s24;
	v33 =	vadd.s32 v22, v33  }
0x36c: {  	[tilespmem:s23+$0x1000] =	vst v33  }
0x36d: {  	v57 =	vbroadcast v35, $0x0;
	v33 =	vld.idx.msk [tilespmem:v34+s2+$0x0], $0xffff;
	_ =	sdelay $0x1  }
0x36e: {  	v34 =	vadd.s32 v26, v57;
	_ =	sdelay $0x1  }
0x36f: {  	s30 =	simm.s32 $0xB0  }
0x370: {  	v58 =	vadd.s32 s30, v28;
	v33 =	vadd.s32 v25, v33  }
0x371: {  	v59 =	vshrl.u32 v58, $0x1;
	[tilespmem:s22+$0x30] =	vst v33  }
0x372: {  	v33 =	vmul.u32 $0xC4EC4EC5, v59;
	v34 =	vld.idx.msk [tilespmem:v34+s2+$0x0], $0xffff  }
0x373: {  	s31 =	simm.s32 $0xC0  }
0x374: {  	v60 =	vmov s31;
	v33 =	vadd.s32 v29, v33  }
0x375: {  	v35 =	vadd.s32 $0xFFFFFFF6, v60  }
0x376: {  	v35 =	vshrl.u32 v35, $0x1  }
0x377: {  	v35 =	vmul.u32 $0xC4EC4EC5, v35;
	v34 =	vadd.s32 v27, v34  }
0x378: {  	[tilespmem:s22+$0x40] =	vst v34  }
0x379: {  	v61 =	vbroadcast v35, $0x0;
	v33 =	vld.idx.msk [tilespmem:v33+s2+$0x0], $0xffff;
	_ =	sdelay $0x1  }
0x37a: {  	s24 =	simm.s32 $0xD0;
	v34 =	vadd.s32 v31, v61  }
0x37b: {  	v62 =	vmov s24  }
0x37c: {  	v35 =	vshrl.u32 v62, $0x1  }
0x37d: {  	v63 =	vmul.u32 $0xC4EC4EC5, v35;
	v33 =	vadd.s32 v30, v33  }
0x37e: {  	[tilespmem:s22+$0x50] =	vst v33  }
0x37f: {  	v33 =	vand.u32 $0xFFFFFFF8, v63;
	v34 =	vld.idx.msk [tilespmem:v34+s2+$0x0], $0xffff  }
0x380: {  	v33 =	vbroadcast v33, $0x0;
	_ =	sdelay $0x1  }
0x381: {  	v33 =	vadd.s32 v0, v33;
	_ =	sdelay $0x1  }
0x382: {  	s25 =	simm.s32 $0x260;
	s26 =	simm.s32 $0xE0;
	s23 =	simm.s32 $0x190;
	v34 =	vadd.s32 v32, v34  }
.LBB2_8:
0x383: {  	p0 =	sne.s32 s25, $0xCF0  }
0x384: {  	v35 =	vadd.s32 s26, v2;
	[tilespmem:s22+$0x60] =	vst v34;
	s22 =	sadd.s32 $0xD0, s22;
	s26 =	smov.u32 s25;
	s25 =	sadd.s32 $0xD0, s25  }
0x385: {  	v33 =	vld.idx.msk [tilespmem:v33+s2+$0x0], $0xffff;
	v34 =	vshrl.u32 v35, $0x1  }
0x386: {  	v34 =	vmul.u32 $0xC4EC4EC5, v34;
	_ =	sdelay $0x1  }
0x387: {  	s28 =	sadd.s32 $0xFFFFFF60, s23;
	v34 =	vadd.s32 v3, v34  }
0x388: {  	v35 =	vmov s28  }
0x389: {  	v35 =	vadd.s32 $0xFFFFFFFA, v35  }
0x38a: {  	v35 =	vshrl.u32 v35, $0x1;
	v33 =	vadd.s32 v1, v33  }
0x38b: {  	[tilespmem:s22+$0xFFFFFFA0] =	vst v33;
	v33 =	vmul.u32 $0xC4EC4EC5, v35  }
0x38c: {  	v34 =	vld.idx.msk [tilespmem:v34+s2+$0x0], $0xffff  }
0x38d: {  	v33 =	vbroadcast v33, $0x0;
	_ =	sdelay $0x1  }
0x38e: {  	v33 =	vadd.s32 v5, v33;
	_ =	sdelay $0x2  }
0x38f: {  	s28 =	sadd.s32 $0xFFFFFF70, s23;
	v34 =	vadd.s32 v4, v34  }
0x390: {  	[tilespmem:s22+$0xFFFFFFB0] =	vst v34;
	v34 =	vadd.s32 s28, v7  }
0x391: {  	v33 =	vld.idx.msk [tilespmem:v33+s2+$0x0], $0xffff;
	v34 =	vshrl.u32 v34, $0x1  }
0x392: {  	v34 =	vmul.u32 $0xC4EC4EC5, v34;
	_ =	sdelay $0x1  }
0x393: {  	v34 =	vadd.s32 v8, v34;
	_ =	sdelay $0x2  }
0x394: {  	s28 =	sadd.s32 $0xFFFFFF80, s23;
	v33 =	vadd.s32 v6, v33  }
0x395: {  	[tilespmem:s22+$0xFFFFFFC0] =	vst v33;
	v33 =	vadd.s32 s28, v10  }
0x396: {  	v34 =	vld.idx.msk [tilespmem:v34+s2+$0x0], $0xffff;
	v33 =	vshrl.u32 v33, $0x1  }
0x397: {  	v33 =	vmul.u32 $0xC4EC4EC5, v33;
	_ =	sdelay $0x1  }
0x398: {  	s28 =	sadd.s32 $0xFFFFFF90, s23;
	v33 =	vadd.s32 v11, v33  }
0x399: {  	v35 =	vmov s28  }
0x39a: {  	v35 =	vadd.s32 $0xFFFFFFFE, v35  }
0x39b: {  	v35 =	vshrl.u32 v35, $0x1;
	v34 =	vadd.s32 v9, v34  }
0x39c: {  	[tilespmem:s22+$0xFFFFFFD0] =	vst v34;
	v34 =	vmul.u32 $0xC4EC4EC5, v35  }
0x39d: {  	v33 =	vld.idx.msk [tilespmem:v33+s2+$0x0], $0xffff  }
0x39e: {  	v34 =	vbroadcast v34, $0x0;
	_ =	sdelay $0x1  }
0x39f: {  	v34 =	vadd.s32 v13, v34;
	_ =	sdelay $0x2  }
0x3a0: {  	s28 =	sadd.s32 $0xFFFFFFA0, s23;
	v33 =	vadd.s32 v12, v33  }
0x3a1: {  	[tilespmem:s22+$0xFFFFFFE0] =	vst v33;
	v33 =	vadd.s32 s28, v15  }
0x3a2: {  	v34 =	vld.idx.msk [tilespmem:v34+s2+$0x0], $0xffff;
	v33 =	vshrl.u32 v33, $0x1  }
0x3a3: {  	v33 =	vmul.u32 $0xC4EC4EC5, v33;
	_ =	sdelay $0x1  }
0x3a4: {  	s28 =	sadd.s32 $0xFFFFFFB0, s23;
	v33 =	vadd.s32 v16, v33  }
0x3a5: {  	v35 =	vmov s28  }
0x3a6: {  	v35 =	vadd.s32 $0xFFFFFFF8, v35  }
0x3a7: {  	v35 =	vshrl.u32 v35, $0x1;
	v34 =	vadd.s32 v14, v34  }
0x3a8: {  	[tilespmem:s22+$0xFFFFFFF0] =	vst v34;
	v34 =	vmul.u32 $0xC4EC4EC5, v35  }
0x3a9: {  	v33 =	vld.idx.msk [tilespmem:v33+s2+$0x0], $0xffff  }
0x3aa: {  	v34 =	vbroadcast v34, $0x0;
	_ =	sdelay $0x1  }
0x3ab: {  	v34 =	vadd.s32 v18, v34;
	_ =	sdelay $0x2  }
0x3ac: {  	s28 =	sadd.s32 $0xFFFFFFC0, s23;
	v33 =	vadd.s32 v17, v33  }
0x3ad: {  	[tilespmem:s22+$0x0] =	vst v33;
	v33 =	vadd.s32 s28, v20  }
0x3ae: {  	v34 =	vld.idx.msk [tilespmem:v34+s2+$0x0], $0xffff;
	v33 =	vshrl.u32 v33, $0x1  }
0x3af: {  	v33 =	vmul.u32 $0xC4EC4EC5, v33;
	_ =	sdelay $0x1  }
0x3b0: {  	v33 =	vadd.s32 v21, v33;
	_ =	sdelay $0x2  }
0x3b1: {  	s29 =	sadd.s32 $0xFFFFFFD0, s23;
	v34 =	vadd.s32 v19, v34  }
0x3b2: {  	[tilespmem:s22+$0x10] =	vst v34;
	v34 =	vadd.s32 s29, v23  }
0x3b3: {  	v33 =	vld.idx.msk [tilespmem:v33+s2+$0x0], $0xffff;
	v34 =	vshrl.u32 v34, $0x1  }
0x3b4: {  	v34 =	vmul.u32 $0xC4EC4EC5, v34;
	_ =	sdelay $0x1  }
0x3b5: {  	s29 =	sadd.s32 $0xFFFFFFE0, s23;
	v34 =	vadd.s32 v24, v34  }
0x3b6: {  	v35 =	vmov s29  }
0x3b7: {  	s24 =	sand.u32 $0x70, s24;
	s28 =	sand.u32 $0x1F80, s28;
	v35 =	vadd.s32 $0xFFFFFFFC, v35  }
0x3b8: {  	s24 =	sor.u32 s24, s28;
	v35 =	vshrl.u32 v35, $0x1;
	v33 =	vadd.s32 v22, v33  }
0x3b9: {  	[tilespmem:s24+$0x1000] =	vst v33;
	v33 =	vmul.u32 $0xC4EC4EC5, v35  }
0x3ba: {  	v34 =	vld.idx.msk [tilespmem:v34+s2+$0x0], $0xffff  }
0x3bb: {  	v33 =	vbroadcast v33, $0x0;
	_ =	sdelay $0x1  }
0x3bc: {  	v33 =	vadd.s32 v26, v33;
	_ =	sdelay $0x2  }
0x3bd: {  	s24 =	sadd.s32 $0xFFFFFFF0, s23;
	v34 =	vadd.s32 v25, v34  }
0x3be: {  	[tilespmem:s22+$0x30] =	vst v34;
	v34 =	vadd.s32 s24, v28  }
0x3bf: {  	v33 =	vld.idx.msk [tilespmem:v33+s2+$0x0], $0xffff;
	v34 =	vshrl.u32 v34, $0x1  }
0x3c0: {  	v34 =	vmul.u32 $0xC4EC4EC5, v34;
	_ =	sdelay $0x1  }
0x3c1: {  	v34 =	vadd.s32 v29, v34  }
0x3c2: {  	v35 =	vmov s23;
	s23 =	smov.u32 s26  }
0x3c3: {  	v35 =	vadd.s32 $0xFFFFFFF6, v35  }
0x3c4: {  	v35 =	vshrl.u32 v35, $0x1;
	v33 =	vadd.s32 v27, v33  }
0x3c5: {  	[tilespmem:s22+$0x40] =	vst v33;
	v33 =	vmul.u32 $0xC4EC4EC5, v35  }
0x3c6: {  	v34 =	vld.idx.msk [tilespmem:v34+s2+$0x0], $0xffff  }
0x3c7: {  	v33 =	vbroadcast v33, $0x0;
	_ =	sdelay $0x1  }
0x3c8: {  	s24 =	sadd.s32 $0xFFFFFF40, s23;
	v33 =	vadd.s32 v31, v33  }
0x3c9: {  	v35 =	vmov s24  }
0x3ca: {  	v35 =	vshrl.u32 v35, $0x1  }
0x3cb: {  	v35 =	vmul.u32 $0xC4EC4EC5, v35;
	v34 =	vadd.s32 v30, v34  }
0x3cc: {  	[tilespmem:s22+$0x50] =	vst v34  }
0x3cd: {  	v34 =	vand.u32 $0xFFFFFFF8, v35;
	v35 =	vld.idx.msk [tilespmem:v33+s2+$0x0], $0xffff  }
0x3ce: {  	v33 =	vbroadcast v34, $0x0  }
.Ltmp3:
0x3cf: {  	(pc) =	sbr.rel @p0 .LBB2_8-.Ltmp3, $2  }
0x3d0: {  	v33 =	vadd.s32 v0, v33;
	_ =	sdelay $0x2  }
0x3d1: {  	s26 =	sadd.s32 $0xFFFFFF50, s23;
	v34 =	vadd.s32 v32, v35  }
0x3d2: {  	_ =	sdelay $0x1  }
0x3d3: {  	v35 =	vadd.s32 s26, v2  }
0x3d4: {  	[tilespmem:s22+$0x60] =	vst v34;
	v41 =	vshrl.u32 v35, $0x1  }
0x3d5: {  	v33 =	vld.idx.msk [tilespmem:v33+s2+$0x0], $0xffff;
	v34 =	vmul.u32 $0xC4EC4EC5, v41  }
0x3d6: {  	s25 =	sadd.s32 $0xFFFFFF60, s23  }
0x3d7: {  	v42 =	vmov s25;
	v34 =	vadd.s32 v3, v34  }
0x3d8: {  	v35 =	vadd.s32 $0xFFFFFFFA, v42  }
0x3d9: {  	v35 =	vshrl.u32 v35, $0x1  }
0x3da: {  	s22 =	sadd.s32 $0xD0, s22;
	v35 =	vmul.u32 $0xC4EC4EC5, v35;
	v33 =	vadd.s32 v1, v33  }
0x3db: {  	[tilespmem:s22+$0xFFFFFFA0] =	vst v33  }
0x3dc: {  	v43 =	vbroadcast v35, $0x0;
	v33 =	vld.idx.msk [tilespmem:v34+s2+$0x0], $0xffff;
	_ =	sdelay $0x1  }
0x3dd: {  	v34 =	vadd.s32 v5, v43;
	_ =	sdelay $0x1  }
0x3de: {  	s28 =	sadd.s32 $0xFFFFFF70, s23  }
0x3df: {  	v44 =	vadd.s32 s28, v7;
	v33 =	vadd.s32 v4, v33  }
0x3e0: {  	v45 =	vshrl.u32 v44, $0x1;
	[tilespmem:s22+$0xFFFFFFB0] =	vst v33  }
0x3e1: {  	v33 =	vmul.u32 $0xC4EC4EC5, v45;
	v34 =	vld.idx.msk [tilespmem:v34+s2+$0x0], $0xffff;
	_ =	sdelay $0x1  }
0x3e2: {  	v33 =	vadd.s32 v8, v33;
	_ =	sdelay $0x1  }
0x3e3: {  	s29 =	sadd.s32 $0xFFFFFF80, s23  }
0x3e4: {  	v46 =	vadd.s32 s29, v10;
	v34 =	vadd.s32 v6, v34  }
0x3e5: {  	v47 =	vshrl.u32 v46, $0x1;
	[tilespmem:s22+$0xFFFFFFC0] =	vst v34  }
0x3e6: {  	v34 =	vmul.u32 $0xC4EC4EC5, v47;
	v33 =	vld.idx.msk [tilespmem:v33+s2+$0x0], $0xffff  }
0x3e7: {  	s30 =	sadd.s32 $0xFFFFFF90, s23  }
0x3e8: {  	v48 =	vmov s30;
	v34 =	vadd.s32 v11, v34  }
0x3e9: {  	v35 =	vadd.s32 $0xFFFFFFFE, v48  }
0x3ea: {  	v35 =	vshrl.u32 v35, $0x1  }
0x3eb: {  	v35 =	vmul.u32 $0xC4EC4EC5, v35;
	v33 =	vadd.s32 v9, v33  }
0x3ec: {  	[tilespmem:s22+$0xFFFFFFD0] =	vst v33  }
0x3ed: {  	v49 =	vbroadcast v35, $0x0;
	v33 =	vld.idx.msk [tilespmem:v34+s2+$0x0], $0xffff;
	_ =	sdelay $0x1  }
0x3ee: {  	v34 =	vadd.s32 v13, v49;
	_ =	sdelay $0x1  }
0x3ef: {  	s31 =	sadd.s32 $0xFFFFFFA0, s23  }
0x3f0: {  	v50 =	vadd.s32 s31, v15;
	v33 =	vadd.s32 v12, v33  }
0x3f1: {  	v51 =	vshrl.u32 v50, $0x1;
	[tilespmem:s22+$0xFFFFFFE0] =	vst v33  }
0x3f2: {  	v33 =	vmul.u32 $0xC4EC4EC5, v51;
	v34 =	vld.idx.msk [tilespmem:v34+s2+$0x0], $0xffff  }
0x3f3: {  	s26 =	sadd.s32 $0xFFFFFFB0, s23  }
0x3f4: {  	v52 =	vmov s26;
	v33 =	vadd.s32 v16, v33  }
0x3f5: {  	v35 =	vadd.s32 $0xFFFFFFF8, v52  }
0x3f6: {  	v35 =	vshrl.u32 v35, $0x1  }
0x3f7: {  	v35 =	vmul.u32 $0xC4EC4EC5, v35;
	v34 =	vadd.s32 v14, v34  }
0x3f8: {  	[tilespmem:s22+$0xFFFFFFF0] =	vst v34  }
0x3f9: {  	v53 =	vbroadcast v35, $0x0;
	v33 =	vld.idx.msk [tilespmem:v33+s2+$0x0], $0xffff;
	_ =	sdelay $0x1  }
0x3fa: {  	v34 =	vadd.s32 v18, v53;
	_ =	sdelay $0x1  }
0x3fb: {  	s28 =	sadd.s32 $0xFFFFFFC0, s23  }
0x3fc: {  	v54 =	vadd.s32 s28, v20;
	v33 =	vadd.s32 v17, v33  }
0x3fd: {  	v55 =	vshrl.u32 v54, $0x1;
	[tilespmem:s22+$0x0] =	vst v33  }
0x3fe: {  	v33 =	vmul.u32 $0xC4EC4EC5, v55;
	v34 =	vld.idx.msk [tilespmem:v34+s2+$0x0], $0xffff;
	_ =	sdelay $0x1  }
0x3ff: {  	v33 =	vadd.s32 v21, v33;
	_ =	sdelay $0x1  }
0x400: {  	s29 =	sadd.s32 $0xFFFFFFD0, s23  }
0x401: {  	v56 =	vadd.s32 s29, v23;
	v34 =	vadd.s32 v19, v34  }
0x402: {  	v57 =	vshrl.u32 v56, $0x1;
	[tilespmem:s22+$0x10] =	vst v34  }
0x403: {  	v34 =	vmul.u32 $0xC4EC4EC5, v57;
	v33 =	vld.idx.msk [tilespmem:v33+s2+$0x0], $0xffff  }
0x404: {  	s30 =	sadd.s32 $0xFFFFFFE0, s23  }
0x405: {  	v58 =	vmov s30;
	v34 =	vadd.s32 v24, v34  }
0x406: {  	v35 =	vadd.s32 $0xFFFFFFFC, v58  }
0x407: {  	s24 =	sand.u32 $0x70, s24;
	s25 =	sand.u32 $0x1F80, s28;
	v35 =	vshrl.u32 v35, $0x1  }
0x408: {  	s24 =	sor.u32 s24, s25;
	v35 =	vmul.u32 $0xC4EC4EC5, v35;
	v33 =	vadd.s32 v22, v33  }
0x409: {  	[tilespmem:s24+$0x1000] =	vst v33  }
0x40a: {  	v59 =	vbroadcast v35, $0x0;
	v33 =	vld.idx.msk [tilespmem:v34+s2+$0x0], $0xffff;
	_ =	sdelay $0x1  }
0x40b: {  	v34 =	vadd.s32 v26, v59;
	_ =	sdelay $0x1  }
0x40c: {  	s31 =	sadd.s32 $0xFFFFFFF0, s23  }
0x40d: {  	v60 =	vadd.s32 s31, v28;
	v33 =	vadd.s32 v25, v33  }
0x40e: {  	v61 =	vshrl.u32 v60, $0x1;
	[tilespmem:s22+$0x30] =	vst v33  }
0x40f: {  	v33 =	vmul.u32 $0xC4EC4EC5, v61;
	v34 =	vld.idx.msk [tilespmem:v34+s2+$0x0], $0xffff;
	_ =	sdelay $0x1  }
0x410: {  	v62 =	vmov s23;
	v33 =	vadd.s32 v29, v33  }
0x411: {  	v35 =	vadd.s32 $0xFFFFFFF6, v62  }
0x412: {  	v35 =	vshrl.u32 v35, $0x1  }
0x413: {  	v35 =	vmul.u32 $0xC4EC4EC5, v35;
	v34 =	vadd.s32 v27, v34  }
0x414: {  	[tilespmem:s22+$0x40] =	vst v34  }
0x415: {  	v63 =	vbroadcast v35, $0x0;
	v33 =	vld.idx.msk [tilespmem:v33+s2+$0x0], $0xffff;
	_ =	sdelay $0x1  }
0x416: {  	v34 =	vadd.s32 v31, v63;
	_ =	sdelay $0x2  }
0x417: {  	v33 =	vadd.s32 v30, v33  }
0x418: {  	[tilespmem:s22+$0x50] =	vst v33  }
0x419: {  	v33 =	vld.idx.msk [tilespmem:v34+s2+$0x0], $0xffff;
	_ =	sdelay $0x3  }
0x41a: {  	s21 =	sadd.s32 $0x1, s21  }
0x41b: {  	p0 =	sne.s32 s21, s15;
	v33 =	vadd.s32 v32, v33  }
.Ltmp4:
0x41c: {  	[tilespmem:s22+$0x60] =	vst v33;
	(pc) =	sbr.rel @p0 .LBB2_1-.Ltmp4, $4  }
0x41d: {  	[hbm4b:s14+s2] =	stream.linear.scatter [tilespmem:s20], [sflag:$0x1], $0xD00, $0x38;
	[tilespmem:$0x1D00] =	vst v63  }
0x41e: {  	_ =	swait.ge [sflag:s18], $0xD00  }
0x41f: {  	[sflag:s18] =	ssyncset.done $0x0  }
0x420: {  	[sflag:s18] =	ssyncadd.s32 $0xFFFFF300  }
0x421: {  	_ =	sfence.sel $0x180000  }
0x422: {  	[bflag:$0x0] =	sbarrier.arrive $0xFFFF  }
0x423: {  	p0 =	sne.s32 s1, $0x0;
	_ =	strace $0x90000047  }
0x424: {  	s0 =	sadd.s32 @!p0 $0x100000, s0;
	[bflag:$0x2] =	sbarrier.arrive $0xFFFF  }
0x425: {  	[sflag:s0] =	ssyncadd.tile.s32 @!p0 $0x1;
	_ =	shalt  }
.Lfunc_end2:
_tile_overlayer_lowered:
.L_overlay_start_2:
0x426: {  	(tag) =	ssettag $0x2  }
0x427: {  	s0 =	rddreg [dreg:$0x0];
	s2 =	stileid.u32  }
0x428: {  	s1 =	rddreg [dreg:$0x1];
	p0 =	sne.s32 s2, $0x0  }
0x429: {  	s3 =	rddreg [dreg:$0x2];
	[bflag:$0x3] =	sbarrier.arrive $0xFFFF;
	s2 =	simm.s32 @!p0 $0x1C01  }
0x42a: {  	[timem:s3], [sflag:s2] =	dma.local @!p0 [hbm:s0], s1  }
0x42b: {  	s0 =	simm.s32 @!p0 $0x1  }
0x42c: {  	_ =	swait.ge @!p0 [sflag:s0], s1  }
0x42d: {  	s1 =	ssub.s32 @!p0 $0x0, s1;
	[sflag:s0] =	ssyncset.done @!p0 $0x0  }
0x42e: {  	[sflag:s0] =	ssyncadd.s32 @!p0 s1  }
0x42f: {  	[bflag:$0x3] =	sbarrier.arrive $0xFFFF  }
0x430: {  	_ =	shalt  }

// kernel: kernel.8.cloned.1.call-start
scs
__scs_entry_jumppad:
0x0: {  	(pc) =	sbr.rel $0x88, $3  }
0x1: {  	(tag) =	ssettag $0x0;
	lr =	simm.s32 $0x1  }
0x2: {  	[smem:$0x3F9F] =	sst lr;
	_ =	strace $0xD0000000  }
0x3: {  	_ = 	snop  }
0x4: {  	_ = 	snop  }
0x5: {  	_ = 	snop  }
0x6: {  	_ = 	snop  }
0x7: {  	_ = 	snop  }
__scs_overlays_trampoline_lowered:
0x8: {  	[smem:$0x3FAE] =	sst s0  }
0x9: {  	[smem:$0x3FAF] =	sst s1  }
0xa: {  	[smem:$0x3FB0] =	sst s2  }
0xb: {  	[smem:$0x3FB1] =	sst s3  }
0xc: {  	[smem:$0x3FB2] =	sst s4  }
0xd: {  	[smem:$0x3FB3] =	sst s5  }
0xe: {  	[smem:$0x3FB4] =	sst s6  }
0xf: {  	[smem:$0x3FB5] =	sst s7  }
0x10: {  	[smem:$0x3FB6] =	sst s8  }
0x11: {  	[smem:$0x3FB7] =	sst s9;
	s0 =	simm.s32 @!p0 $0x0  }
0x12: {  	s1 =	sld [smem:$0x3F9D];
	s0 =	simm.s32 @p0 $0x1  }
0x13: {  	[smem:$0x3FB8] =	sst s0;
	s0 =	simm.s32 @!p1 $0x0  }
0x14: {  	s2 =	sld [smem:$0x3F9C];
	s0 =	simm.s32 @p1 $0x1  }
0x15: {  	[smem:$0x3FB9] =	sst s0;
	s0 =	simm.s32 @!p2 $0x0  }
0x16: {  	s3 =	sld [smem:$0x3FDB];
	s0 =	simm.s32 @p2 $0x1  }
0x17: {  	s4 =	simm.s32 $0x1BF5;
	[smem:$0x3FBB] =	sst s0  }
0x18: {  	s0 =	sld [smem:$0x3F9E];
	_ =	swait.ge [sflag:s4], $0x0  }
0x19: {  	s7 =	sld [smem:$0x3F9F]  }
0x1a: {  	s8 =	sadd.s32 $0xFFFFE003, lr  }
0x1b: {  	s9 =	sadd.s32 $0xFFFFFEF7, lr;
	s5 =	simm.s32 $0xFFFFFFFF;
	p2 =	slt.u32 s8, $0xFFFFF086  }
0x1c: {  	p1 =	slt.u32 s9, $0xF7A;
	s5 =	simm.s32 @!p2 $0x0  }
0x1d: {  	s5 =	simm.s32 @p1 $0x1;
	p0 =	seq.s32 s7, s2  }
0x1e: {  	s7 =	smul.u32 @!p0 $0xF7A, s2;
	p2 =	seq.s32 @!p0 s5, $0x0  }
0x1f: {  	s9 =	smul.u32 $0xF7A, s1;
	s8 =	simm.s32 @!p0 $0x1BF5;
	p2 =	por !p2, p0  }
0x20: {  	[sflag:s8] =	ssyncset.s32 @!p0 $0xFFFFF086;
	s6 =	sadd.s32 @!p0 s3, s7;
	s7 =	simm.s32 @!p0 $0x108  }
0x21: {  	s3 =	sadd.s32 s3, s9;
	s6 =	sadd.s32 @!p0 $0x88, s6;
	s7 =	simm.s32 @p2 $0x1082  }
0x22: {  	[simem:s7], [sflag:s8] =	dma.local @!p0 [hbm:s6], $0xF7A  }
0x23: {  	s9 =	sor.u32 $0xD0000000, s2;
	s6 =	simm.s32 $0x108;
	_ =	swait.ge @!p0 [sflag:s8], $0x0  }
0x24: {  	s3 =	sadd.s32 $0x88, s3;
	s6 =	simm.s32 @!p1 $0x1082;
	[sflag:s4] =	ssyncset.s32 $0xFFFFF086  }
0x25: {  	[simem:s6], [sflag:s4] =	dma.local [hbm:s3], $0xF7A  }
0x26: {  	[smem:$0x3F9F] =	sst s1;
	(tag) =	ssettag s2;
	_ =	strace s9  }
0x27: {  	s1 =	sld [smem:$0x3FAF]  }
0x28: {  	s2 =	sld [smem:$0x3FB0]  }
0x29: {  	s4 =	sld [smem:$0x3FB2]  }
0x2a: {  	p0 =	seq.s32 s5, $0x0;
	s5 =	sld [smem:$0x3FB3]  }
0x2b: {  	s6 =	sld [smem:$0x3FB4]  }
0x2c: {  	s7 =	sld [smem:$0x3FB5]  }
0x2d: {  	s3 =	simm.s32 $0x108;
	s8 =	sld [smem:$0x3FB6]  }
0x2e: {  	s3 =	simm.s32 @!p0 $0x1082;
	s9 =	sld [smem:$0x3FB7]  }
0x2f: {  	lr =	sadd.s32 s0, s3;
	s0 =	sld [smem:$0x3FAE]  }
0x30: {  	s3 =	sld [smem:$0x3FB1]  }
0x31: {  	[smem:$0x3FBA] =	sst s10  }
0x32: {  	s10 =	sld [smem:$0x3FB8];
	_ =	sdelay $0x3  }
0x33: {  	p0 =	seq.s32 s10, $0x1;
	s10 =	sld [smem:$0x3FBA];
	_ =	sdelay $0x3  }
0x34: {  	[smem:$0x3FBA] =	sst s10  }
0x35: {  	s10 =	sld [smem:$0x3FB9];
	_ =	sdelay $0x3  }
0x36: {  	p1 =	seq.s32 s10, $0x1;
	s10 =	sld [smem:$0x3FBA];
	_ =	sdelay $0x3  }
0x37: {  	[smem:$0x3FBA] =	sst s10  }
0x38: {  	s10 =	sld [smem:$0x3FBB]  }
0x39: {  	_ = 	snop;
	(pc) =	sbr.ind lr, $3  }
0x3a: {  	_ = 	snop  }
0x3b: {  	_ = 	snop  }
0x3c: {  	p2 =	seq.s32 s10, $0x1;
	s10 =	sld [smem:$0x3FBA]  }
0x3d: {  	_ =	shalt  }
0x3e: {  	_ =	shalt  }
0x3f: {  	_ =	shalt  }
0x40: {  	_ =	shalt  }
0x41: {  	_ =	shalt  }
0x42: {  	_ =	shalt  }
0x43: {  	_ =	shalt  }
0x44: {  	_ =	shalt  }
0x45: {  	_ =	shalt  }
0x46: {  	_ =	shalt  }
0x47: {  	_ =	shalt  }
0x48: {  	_ =	shalt  }
0x49: {  	_ =	shalt  }
0x4a: {  	_ =	shalt  }
0x4b: {  	_ =	shalt  }
0x4c: {  	_ =	shalt  }
0x4d: {  	_ =	shalt  }
0x4e: {  	_ =	shalt  }
0x4f: {  	_ =	shalt  }
0x50: {  	_ =	shalt  }
0x51: {  	_ =	shalt  }
0x52: {  	_ =	shalt  }
0x53: {  	_ =	shalt  }
0x54: {  	_ =	shalt  }
0x55: {  	_ =	shalt  }
0x56: {  	_ =	shalt  }
0x57: {  	_ =	shalt  }
0x58: {  	_ =	shalt  }
0x59: {  	_ =	shalt  }
0x5a: {  	_ =	shalt  }
0x5b: {  	_ =	shalt  }
0x5c: {  	_ =	shalt  }
0x5d: {  	_ =	shalt  }
0x5e: {  	_ =	shalt  }
0x5f: {  	_ =	shalt  }
0x60: {  	_ =	shalt  }
0x61: {  	_ =	shalt  }
0x62: {  	_ =	shalt  }
0x63: {  	_ =	shalt  }
0x64: {  	_ =	shalt  }
0x65: {  	_ =	shalt  }
0x66: {  	_ =	shalt  }
0x67: {  	_ =	shalt  }
0x68: {  	_ =	shalt  }
0x69: {  	_ =	shalt  }
0x6a: {  	_ =	shalt  }
0x6b: {  	_ =	shalt  }
0x6c: {  	_ =	shalt  }
0x6d: {  	_ =	shalt  }
0x6e: {  	_ =	shalt  }
0x6f: {  	_ =	shalt  }
0x70: {  	_ =	shalt  }
0x71: {  	_ =	shalt  }
0x72: {  	_ =	shalt  }
0x73: {  	_ =	shalt  }
0x74: {  	_ =	shalt  }
0x75: {  	_ =	shalt  }
0x76: {  	_ =	shalt  }
0x77: {  	_ =	shalt  }
0x78: {  	_ =	shalt  }
0x79: {  	_ =	shalt  }
0x7a: {  	_ =	shalt  }
0x7b: {  	_ =	shalt  }
0x7c: {  	_ =	shalt  }
0x7d: {  	_ =	shalt  }
0x7e: {  	_ =	shalt  }
0x7f: {  	_ =	shalt  }
0x80: {  	_ =	shalt  }
0x81: {  	_ =	shalt  }
0x82: {  	_ =	shalt  }
0x83: {  	_ =	shalt  }
0x84: {  	_ =	shalt  }
0x85: {  	_ =	shalt  }
0x86: {  	_ =	shalt  }
0x87: {  	_ =	shalt  }
.Lfunc_end0:
.L_simem_size_0:
called_computation.2_lowered:
.L_overlay_start_0:
0x88: {  	s2 =	sld [smem:$0x3FD9]  }
0x89: {  	s3 =	sld [smem:$0x3FFE];
	_ =	sdelay $0x1  }
0x8a: {  	s1 =	srdreg.scid  }
0x8b: {  	s0 =	sand.u32 $0x1, s1  }
0x8c: {  	s17 =	sshll.u32 s0, $0xA;
	s2 =	sadd.s32 s3, s2  }
0x8d: {  	s2 =	sadd.s32 s2, s17  }
0x8e: {  	[smem:$0x3FC6] =	sst s2  }
0x8f: {  	_ = 	snop  }
0x90: {  	s18 =	sld [smem:$0x3FC8];
	(tm) =	ssettm $0x1  }
0x91: {  	s19 =	sld [smem:$0x3FFB];
	_ =	sdelay $0x3  }
0x92: {  	_ =	strace s19  }
0x93: {  	s2 =	sld [smem:$0x3FFC];
	_ =	sdelay $0x3  }
0x94: {  	_ =	strace s2  }
0x95: {  	s2 =	sld [smem:$0x3FFD];
	_ =	sdelay $0x3  }
0x96: {  	_ =	strace s2  }
0x97: {  	_ =	strace $0x8FFFFFFF  }
0x98: {  	s20 =	sld [smem:$0x3FDB];
	_ =	sdelay $0x1  }
0x99: {  	s4 =	simm.s32 $_scs_section_size  }
0x9a: {  	s5 =	simm.s32 $_size__tile_overlayer_lowered;
	s6 =	simm.s32 $_tile_overlayer_lowered  }
0x9b: {  	s7 =	simm.s32 $0x1BFF;
	s21 =	sshll.u32 s6, $0x1;
	s4 =	sadd.s32 s4, s20  }
0x9c: {  	s22 =	simm.s32 $0x0;
	s5 =	sshll.u32 s5, $0x1;
	s6 =	sadd.s32 s21, s4  }
0x9d: {  	[timem:s22], [sflag:s7] =	dma.local [hbm:s6], s5  }
0x9e: {  	_ =	swait.ge [sflag:s7], s5  }
0x9f: {  	s5 =	ssub.s32 $0x0, s5;
	[sflag:s7] =	ssyncset.done $0x0  }
0xa0: {  	[sflag:s7] =	ssyncadd.s32 s5;
	_ =	sdelay $0x1  }
0xa1: {  	s23 =	simm.s32 $0x1B8B  }
0xa2: {  	_ =	swait.ge [sflag:s23], $0x1  }
0xa3: {  	[sflag:s23] =	ssyncset.done $0x0  }
0xa4: {  	[sflag:s23] =	ssyncadd.s32 $0xFFFFFFFF  }
0xa5: {  	s5 =	sld [smem:$0x0]  }
0xa6: {  	s6 =	sand.u32 $0xFFFFFFFE, s1  }
0xa7: {  	p0 =	sne.s32 s1, s6  }
0xa8: {  	s6 =	sshll.u32 @p0 s6, $0xE  }
0xa9: {  	s6 =	sadd.s32 @p0 $0x11B8D, s6;
	s7 =	sshll.u32 @p0 s5, $0x11  }
0xaa: {  	s6 =	sor.u32 @p0 s7, s6  }
0xab: {  	[sflag:s6] =	ssyncadd.remote.s32 @p0 $0x1;
	_ =	sdelay $0x1  }
0xac: {  	s6 =	simm.s32 @p0 $0x1B8D  }
0xad: {  	_ =	swait.eq @p0 [sflag:s6], $0x1  }
0xae: {  	[sflag:s6] =	ssyncadd.s32 @p0 $0xFFFFFFFF  }
0xaf: {  	s7 =	sshll.u32 @!p0 s1, $0xE  }
0xb0: {  	s7 =	sor.u32 @!p0 $0x4000, s7;
	s6 =	simm.s32 @!p0 $0x1B8D  }
0xb1: {  	s5 =	sshll.u32 @!p0 s5, $0x11;
	s7 =	sadd.s32 @!p0 $0x11B8D, s7;
	_ =	swait.eq @!p0 [sflag:s6], $0x1  }
0xb2: {  	s5 =	sor.u32 @!p0 s5, s7;
	[sflag:s6] =	ssyncadd.s32 @!p0 $0xFFFFFFFF  }
0xb3: {  	s25 =	simm.s32 $0x1B8E;
	s24 =	sld [smem:$0x3FFE];
	[sflag:s5] =	ssyncadd.remote.s32 @!p0 $0x1  }
0xb4: {  	s26 =	simm.s32 $execute0_lowered;
	[smem:$0x3FD2] =	sst s25  }
0xb5: {  	s6 =	sshll.u32 s26, $0x1;
	_ =	strace $0x80000049;
	[dreg:$0x1] =	wrdreg $0xFFFFFFFF  }
0xb6: {  	s28 =	simm.s32 $_size_execute0_lowered;
	s4 =	sadd.s32 s4, s6;
	[dreg:$0x0] =	wrdreg $0x0  }
0xb7: {  	s6 =	sshll.u32 s28, $0x1;
	[dreg:$0x2] =	wrdreg s4  }
0xb8: {  	[dreg:$0x3] =	wrdreg s6  }
0xb9: {  	[dreg:$0x4] =	wrdreg $0xC0  }
0xba: {  	_ =	task [dreg:s22], $0x5FFFF  }
0xbb: {  	[dreg:$0x1] =	wrdreg $0xFFFFFFFF  }
0xbc: {  	[dreg:$0x0] =	wrdreg $0x60  }
0xbd: {  	[dreg:$0x2] =	wrdreg s18  }
0xbe: {  	[dreg:$0x3] =	wrdreg s24  }
0xbf: {  	[dreg:$0x4] =	wrdreg $0xA  }
0xc0: {  	_ =	task.clear_ibuf [dreg:s22], $0x5FFFF;
	_ =	strace $0x90000049  }
0xc1: {  	s29 =	simm.s32 $0xA;
	_ =	strace $0x8000004B  }
0xc2: {  	_ =	swait.ge [sflag:s29], $0x1  }
0xc3: {  	[sflag:s29] =	ssyncadd.s32 $0xFFFFFFFF  }
0xc4: {  	_ =	strace $0x9000004B  }
0xc5: {  	_ =	sfence  }
0xc6: {  	s30 =	sld [smem:$0x0];
	_ =	sdelay $0x2  }
0xc7: {  	s31 =	sshll.u32 s1, $0xD;
	s1 =	sshrl.u32 s1, $0x2  }
0xc8: {  	s4 =	sand.u32 $0x4000, s31;
	s1 =	sadd.s32 s1, s30  }
0xc9: {  	s0 =	sor.u32 s4, s0;
	s1 =	sshll.u32 s1, $0x11  }
0xca: {  	s0 =	sor.u32 s1, s0  }
0xcb: {  	s0 =	sadd.s32 $0x8F2B, s0  }
0xcc: {  	[sflag:s0] =	ssyncadd.remote.s32 $0x1  }
0xcd: {  	_ =	sfence.sel $0xFFFF  }
0xce: {  	[dreg:$0x0] =	wrdreg $0xFFFFFFFF;
	(pc) =	sbr.abs _section_cstart, $3  }
0xcf: {  	[dreg:$0x1] =	wrdreg $0xFFFFFFFF  }
0xd0: {  	_ =	task.clear_ibuf [dreg:s22], $0x2FFFF;
	_ =	strace $0x9FFFFFFF  }
0xd1: {  	(tm) =	ssettm $0x7FFFFFFF  }
tec
execute0_lowered:
.L_overlay_start_1:
0x0: {  	(tag) =	ssettag $0x1  }
0x1: {  	v0 =	vimm.s32 $0x2380;
	vm0 =	vcmask $0x300;
	v1 =	vimm.s32 $0x6380  }
0x2: {  	vm1 =	vcmask $0x704;
	v0 =	vsel vm0, $0x0, v0;
	v1 =	vsel vm0, $0x4000, v1  }
0x3: {  	s0 =	rddreg [dreg:$0x0];
	vm15 =	vcmask $0xB08;
	v0 =	vsel vm1, $0x80, v0;
	v1 =	vsel vm1, $0x4080, v1  }
0x4: {  	s6 =	rddreg [dreg:$0x1];
	vm4 =	vcmask $0xF0C;
	v0 =	vsel vm15, $0x100, v0;
	v1 =	vsel vm15, $0x4100, v1  }
0x5: {  	s1 =	rddreg [dreg:$0x2];
	vm5 =	vcmask $0x1310;
	s3 =	simm.s32 $0x0;
	v0 =	vsel vm4, $0x180, v0;
	v1 =	vsel vm4, $0x4180, v1  }
0x6: {  	s4 =	srdreg.scid;
	s2 =	stileid.u32;
	vm6 =	vcmask $0x1714;
	s10 =	simm.s32 $0x50;
	v0 =	vsel vm5, $0x200, v0;
	v1 =	vsel vm5, $0x4200, v1  }
0x7: {  	vm7 =	vcmask $0x1B18;
	s11 =	simm.s32 $0x6000;
	s12 =	simm.s32 $0x2;
	s13 =	simm.s32 $0x1400;
	v0 =	vsel vm6, $0x280, v0;
	v1 =	vsel vm6, $0x4280, v1  }
0x8: {  	vm8 =	vcmask $0x1F1C;
	s14 =	simm.s32 $0x3400;
	s15 =	simm.s32 $0x5400;
	s16 =	simm.s32 $0x7400;
	v0 =	vsel vm7, $0x300, v0;
	v1 =	vsel vm7, $0x4300, v1  }
0x9: {  	vm9 =	vcmask $0x2320;
	s17 =	simm.s32 $0x8000;
	s18 =	simm.s32 $0x1;
	s19 =	simm.s32 $0xC3800;
	v0 =	vsel vm8, $0x380, v0;
	v1 =	vsel vm8, $0x4380, v1  }
0xa: {  	vm10 =	vcmask $0x2724;
	s20 =	simm.s32 $0x0;
	[smem:$0x7FF] =	sst s3;
	s4 =	sand.u32 $0x1, s4;
	v0 =	vsel vm9, $0x2000, v0;
	v1 =	vsel vm9, $0x6000, v1  }
0xb: {  	vm11 =	vcmask $0x2B28;
	s5 =	sshll.u32 s2, $0x1;
	p0 =	slt.u32 s2, $0xA;
	_ =	strace $0x8000004A;
	v0 =	vsel vm10, $0x2080, v0;
	v1 =	vsel vm10, $0x6080, v1  }
.Ltmp0:
0xc: {  	vm12 =	vcmask $0x2F2C;
	s7 =	ssub.s32 $0x2, s4;
	s5 =	sor.u32 s4, s5;
	v0 =	vsel vm11, $0x2100, v0;
	v1 =	vsel vm11, $0x6100, v1;
	(pc) =	sbr.rel .LBB2_1-.Ltmp0, $4  }
0xd: {  	vm13 =	vcmask $0x3330;
	s4 =	sadd.s32 $0xE000, s6;
	s8 =	sshrl.u32 s7, $0x1;
	s9 =	smul.u32 $0x4F, s5;
	v0 =	vsel vm12, $0x2180, v0;
	v1 =	vsel vm12, $0x6180, v1  }
0xe: {  	vm14 =	vcmask $0x3734;
	s10 =	simm.s32 @!p0 $0x4F;
	s5 =	smin.u32 s5, $0x14;
	s8 =	ssub.s32 s7, s8;
	v0 =	vsel vm13, $0x2200, v0;
	v1 =	vsel vm13, $0x6200, v1  }
0xf: {  	s6 =	sadd.s32 $0x11400, s6;
	vm15 =	vcmask $0x3B38;
	s5 =	sadd.s32 s5, s9;
	s8 =	smax.u32 s8, $0x1;
	v0 =	vsel vm14, $0x2280, v0;
	v1 =	vsel vm14, $0x6280, v1  }
0x10: {  	s9 =	simm.s32 $0x2000;
	s7 =	sadd.s32 s5, s10;
	s10 =	simm.s32 $0x4000;
	v0 =	vsel vm15, $0x2300, v0;
	v1 =	vsel vm15, $0x6300, v1  }
.LBB2_10:
0x11: {  	s20 =	sadd.s32 $0x1, s20  }
0x12: {  	p0 =	sne.s32 s20, s8  }
.Ltmp1:
0x13: {  	_ = 	snop;
	(pc) =	sbr.rel @!p0 .LBB2_11-.Ltmp1, $1  }
0x14: {  	_ =	sdelay $0x3  }
.LBB2_1:
.Ltmp2:
0x15: {  	(pc) =	sbr.rel .LBB2_2-.Ltmp2, $2  }
0x16: {  	_ =	sdelay $0x2  }
0x17: {  	s21 =	smov.u32 s5  }
.LBB2_8:
0x18: {  	_ =	sdelay $0x2  }
0x19: {  	[tilespmem:s29+$0x8000] =	vst v4  }
0x1a: {  	v3 =	vld.idx.msk [tilespmem:v3+s3+$0x0], $0xffff  }
0x1b: {  	v2 =	vor.u32 v1, v2  }
0x1c: {  	s28 =	sadd.s32 $0xFFFFFFFA, s25  }
0x1d: {  	v44 =	vmov s28  }
0x1e: {  	s24 =	sadd.s32 $0x100, s24;
	v5 =	vshll.u32 v44, $0x3  }
0x1f: {  	v45 =	vand.u32 $0x1C00, v5;
	[tilespmem:s24+$0xFFFFFF80] =	vst v3;
	v3 =	vand.u32 $0x79, v44  }
0x20: {  	v2 =	vld.idx.msk [tilespmem:v2+s3+$0x0], $0xffff;
	v3 =	vor.u32 v3, v45  }
0x21: {  	v4 =	vor.u32 v0, v3;
	_ =	sdelay $0x3  }
0x22: {  	[tilespmem:s24+$0xFFFFFF90] =	vst v2  }
0x23: {  	v2 =	vld.idx.msk [tilespmem:v4+s3+$0x0], $0xffff  }
0x24: {  	v3 =	vor.u32 v1, v3  }
0x25: {  	s30 =	sadd.s32 $0xFFFFFFFB, s25  }
0x26: {  	v46 =	vmov s30  }
0x27: {  	v47 =	vshll.u32 v46, $0x3  }
0x28: {  	v48 =	vand.u32 $0x1C00, v47;
	[tilespmem:s24+$0xFFFFFFA0] =	vst v2;
	v2 =	vand.u32 $0x7A, v46  }
0x29: {  	v3 =	vld.idx.msk [tilespmem:v3+s3+$0x0], $0xffff;
	v2 =	vor.u32 v2, v48  }
0x2a: {  	v4 =	vor.u32 v0, v2  }
0x2b: {  	s26 =	sadd.s32 $0x100, s26  }
0x2c: {  	s31 =	sadd.s32 $0xFFFFFF40, s26  }
0x2d: {  	s28 =	sor.u32 $0x30, s31  }
0x2e: {  	[tilespmem:s28+$0x8000] =	vst v3  }
0x2f: {  	v3 =	vld.idx.msk [tilespmem:v4+s3+$0x0], $0xffff  }
0x30: {  	v2 =	vor.u32 v1, v2  }
0x31: {  	s29 =	sadd.s32 $0xFFFFFFFC, s25  }
0x32: {  	v49 =	vmov s29  }
0x33: {  	v50 =	vshll.u32 v49, $0x3  }
0x34: {  	v51 =	vand.u32 $0x1C00, v50;
	[tilespmem:s24+$0xFFFFFFC0] =	vst v3;
	v3 =	vand.u32 $0x7B, v49  }
0x35: {  	v2 =	vld.idx.msk [tilespmem:v2+s3+$0x0], $0xffff;
	v3 =	vor.u32 v3, v51  }
0x36: {  	v4 =	vor.u32 v0, v3;
	_ =	sdelay $0x1  }
0x37: {  	s30 =	sadd.s32 $0xFFFFFF60, s26  }
0x38: {  	s28 =	sor.u32 $0x50, s30  }
0x39: {  	[tilespmem:s28+$0x8000] =	vst v2  }
0x3a: {  	v2 =	vld.idx.msk [tilespmem:v4+s3+$0x0], $0xffff  }
0x3b: {  	v3 =	vor.u32 v1, v3  }
0x3c: {  	s31 =	sadd.s32 $0xFFFFFFFD, s25  }
0x3d: {  	v52 =	vmov s31  }
0x3e: {  	v53 =	vshll.u32 v52, $0x3  }
0x3f: {  	v54 =	vand.u32 $0x1C00, v53;
	[tilespmem:s24+$0xFFFFFFE0] =	vst v2;
	v2 =	vand.u32 $0x7C, v52  }
0x40: {  	v3 =	vld.idx.msk [tilespmem:v3+s3+$0x0], $0xffff;
	v2 =	vor.u32 v2, v54  }
0x41: {  	v4 =	vor.u32 v0, v2;
	_ =	sdelay $0x1  }
0x42: {  	s29 =	sadd.s32 $0xFFFFFF80, s26  }
0x43: {  	s28 =	sor.u32 $0x70, s29  }
0x44: {  	[tilespmem:s28+$0x8000] =	vst v3  }
0x45: {  	v3 =	vld.idx.msk [tilespmem:v4+s3+$0x0], $0xffff  }
0x46: {  	v2 =	vor.u32 v1, v2  }
0x47: {  	s30 =	sadd.s32 $0xFFFFFFFE, s25  }
0x48: {  	v55 =	vmov s30  }
0x49: {  	v56 =	vshll.u32 v55, $0x3  }
0x4a: {  	v57 =	vand.u32 $0x1C00, v56;
	[tilespmem:s24+$0x0] =	vst v3;
	v3 =	vand.u32 $0x7D, v55  }
0x4b: {  	v2 =	vld.idx.msk [tilespmem:v2+s3+$0x0], $0xffff;
	v3 =	vor.u32 v3, v57  }
0x4c: {  	v4 =	vor.u32 v0, v3;
	_ =	sdelay $0x3  }
0x4d: {  	[tilespmem:s24+$0x10] =	vst v2  }
0x4e: {  	v2 =	vld.idx.msk [tilespmem:v4+s3+$0x0], $0xffff  }
0x4f: {  	v3 =	vor.u32 v1, v3  }
0x50: {  	s31 =	sadd.s32 $0xFFFFFFFF, s25  }
0x51: {  	v58 =	vmov s31  }
0x52: {  	v59 =	vshll.u32 v58, $0x3  }
0x53: {  	v60 =	vand.u32 $0x1C00, v59;
	[tilespmem:s24+$0x20] =	vst v2;
	v2 =	vand.u32 $0x7E, v58  }
0x54: {  	v3 =	vld.idx.msk [tilespmem:v3+s3+$0x0], $0xffff;
	v2 =	vor.u32 v2, v60  }
0x55: {  	v4 =	vor.u32 v0, v2;
	_ =	sdelay $0x1  }
0x56: {  	s29 =	sadd.s32 $0xFFFFFFC0, s26  }
0x57: {  	s28 =	sor.u32 $0x30, s29  }
0x58: {  	[tilespmem:s28+$0x8000] =	vst v3  }
0x59: {  	v3 =	vld.idx.msk [tilespmem:v4+s3+$0x0], $0xffff  }
0x5a: {  	v2 =	vor.u32 v1, v2;
	_ =	sdelay $0x1  }
0x5b: {  	v61 =	vmov s25  }
0x5c: {  	v62 =	vshll.u32 v61, $0x3  }
0x5d: {  	v63 =	vand.u32 $0x1C00, v62;
	[tilespmem:s24+$0x40] =	vst v3;
	v3 =	vand.u32 $0x7F, v61  }
0x5e: {  	v2 =	vld.idx.msk [tilespmem:v2+s3+$0x0], $0xffff;
	v3 =	vor.u32 v3, v63  }
0x5f: {  	v4 =	vor.u32 v0, v3;
	_ =	sdelay $0x1  }
0x60: {  	s30 =	sadd.s32 $0xFFFFFFE0, s26  }
0x61: {  	s25 =	sor.u32 $0x50, s30  }
0x62: {  	[tilespmem:s25+$0x8000] =	vst v2  }
0x63: {  	v2 =	vld.idx.msk [tilespmem:v4+s3+$0x0], $0xffff  }
0x64: {  	v3 =	vor.u32 v1, v3;
	_ =	sdelay $0x3  }
0x65: {  	[tilespmem:s24+$0x60] =	vst v2  }
0x66: {  	v2 =	vld.idx.msk [tilespmem:v3+s3+$0x0], $0xffff  }
0x67: {  	s22 =	smul.u32 $0x30D400, s22  }
0x68: {  	s23 =	sshll.u32 s23, $0xF  }
0x69: {  	s22 =	sadd.s32 s22, s23  }
0x6a: {  	s22 =	sshrl.u32 s22, $0x3;
	s31 =	sor.u32 $0x70, s26  }
0x6b: {  	s22 =	sadd.s32 s6, s22;
	[tilespmem:s31+$0x8000] =	vst v2  }
0x6c: {  	[hbm4b:s22+s3] =	stream.linear.scatter [tilespmem:s17], [sflag:$0x2], $0x8000, $0x38;
	[tilespmem:$0x10000] =	vst v63  }
0x6d: {  	_ =	swait.ge [sflag:s12], $0x8000  }
0x6e: {  	[sflag:s12] =	ssyncset.done $0x0  }
0x6f: {  	[sflag:s12] =	ssyncadd.s32 $0xFFFF8000  }
.LBB2_9:
0x70: {  	s21 =	sadd.s32 $0x1, s21  }
0x71: {  	p0 =	slt.u32 s21, s7  }
.Ltmp3:
0x72: {  	_ = 	snop;
	(pc) =	sbr.rel @!p0 .LBB2_10-.Ltmp3, $1  }
0x73: {  	_ =	sdelay $0x3  }
.LBB2_2:
0x74: {  	s22 =	smulhi.u32 $0x5397829D, s21;
	_ =	sdelay $0x1  }
0x75: {  	s22 =	sshrl.u32 s22, $0x5  }
0x76: {  	s23 =	smul.u32 $0x62, s22;
	_ =	sdelay $0x1  }
0x77: {  	s23 =	ssub.s32 s21, s23  }
0x78: {  	p0 =	sne.s32 s23, $0x61  }
.Ltmp4:
0x79: {  	_ = 	snop;
	(pc) =	sbr.rel @p0 .LBB2_6-.Ltmp4, $2  }
0x7a: {  	_ =	sdelay $0x2  }
0x7b: {  	s24 =	smul.u32 $0x30E000, s22  }
0x7c: {  	_ = 	snop  }
0x7d: {  	s23 =	sshrl.u32 s24, $0x3  }
0x7e: {  	s23 =	sadd.s32 s0, s23  }
0x7f: {  	s26 =	sadd.s32 $0x18400, s23  }
0x80: {  	[tilespmem:s3], [sflag:$0x2] =	stream.linear.gather [hbm4b:s26+s3], $0x1400, $0x38;
	[tilespmem:$0x10000] =	vst v63  }
0x81: {  	s30 =	sadd.s32 $0x30B00, s23  }
0x82: {  	[tilespmem:s9], [sflag:$0x2] =	stream.linear.gather [hbm4b:s30+s3], $0x1400, $0x38;
	[tilespmem:$0x10000] =	vst v63  }
0x83: {  	s31 =	sadd.s32 $0x49200, s23  }
0x84: {  	[tilespmem:s10], [sflag:$0x2] =	stream.linear.gather [hbm4b:s31+s3], $0x1400, $0x38;
	[tilespmem:$0x10000] =	vst v63  }
0x85: {  	s23 =	sadd.s32 $0x61900, s23  }
0x86: {  	[tilespmem:s11], [sflag:$0x2] =	stream.linear.gather [hbm4b:s23+s3], $0x1400, $0x38;
	[tilespmem:$0x10000] =	vst v63  }
0x87: {  	s24 =	sshll.u32 s22, $0x9;
	_ =	swait.ge [sflag:s12], $0x5000  }
0x88: {  	s23 =	sand.u32 $0x1FFFFE00, s24;
	[sflag:s12] =	ssyncset.done $0x0  }
0x89: {  	s23 =	sadd.s32 s4, s23;
	[sflag:s12] =	ssyncadd.s32 $0xFFFFB000  }
0x8a: {  	[tilespmem:s13], [sflag:$0x2] =	stream.linear.gather [hbm4b:s23+s3], $0x400, $0x38;
	[tilespmem:$0x10000] =	vst v63  }
0x8b: {  	s25 =	sadd.s32 $0x80, s23  }
0x8c: {  	[tilespmem:s14], [sflag:$0x2] =	stream.linear.gather [hbm4b:s25+s3], $0x400, $0x38;
	[tilespmem:$0x10000] =	vst v63  }
0x8d: {  	s26 =	sadd.s32 $0x100, s23  }
0x8e: {  	[tilespmem:s15], [sflag:$0x2] =	stream.linear.gather [hbm4b:s26+s3], $0x400, $0x38;
	[tilespmem:$0x10000] =	vst v63  }
0x8f: {  	s26 =	simm.s32 $0x0  }
0x90: {  	v2 =	vmov s26  }
0x91: {  	v3 =	vshll.u32 v2, $0x3  }
0x92: {  	v2 =	vand.u32 $0x78, v2;
	v3 =	vand.u32 $0x1C00, v3  }
0x93: {  	v2 =	vor.u32 v2, v3  }
0x94: {  	s23 =	sadd.s32 $0x180, s23;
	v3 =	vor.u32 v0, v2  }
0x95: {  	[tilespmem:s16], [sflag:$0x2] =	stream.linear.gather [hbm4b:s23+s3], $0x400, $0x38;
	[tilespmem:$0x10000] =	vst v63  }
0x96: {  	_ =	swait.ge [sflag:s12], $0x1000  }
0x97: {  	[sflag:s12] =	ssyncset.done $0x0  }
0x98: {  	[sflag:s12] =	ssyncadd.s32 $0xFFFFF000  }
0x99: {  	v3 =	vld.idx.msk [tilespmem:v3+s3+$0x0], $0xffff  }
0x9a: {  	v2 =	vor.u32 v1, v2  }
0x9b: {  	s30 =	simm.s32 $0x1  }
0x9c: {  	v4 =	vmov s30  }
0x9d: {  	v5 =	vshll.u32 v4, $0x3;
	s24 =	simm.s32 $0x8080  }
0x9e: {  	[tilespmem:s24+$0xFFFFFF80] =	vst v3;
	v3 =	vand.u32 $0x79, v4;
	v4 =	vand.u32 $0x1C00, v5  }
0x9f: {  	v2 =	vld.idx.msk [tilespmem:v2+s3+$0x0], $0xffff;
	v3 =	vor.u32 v3, v4  }
0xa0: {  	v4 =	vor.u32 v0, v3;
	_ =	sdelay $0x3  }
0xa1: {  	[tilespmem:s24+$0xFFFFFF90] =	vst v2  }
0xa2: {  	v2 =	vld.idx.msk [tilespmem:v4+s3+$0x0], $0xffff  }
0xa3: {  	v3 =	vor.u32 v1, v3  }
0xa4: {  	s31 =	simm.s32 $0x2  }
0xa5: {  	v4 =	vmov s31  }
0xa6: {  	v5 =	vshll.u32 v4, $0x3  }
0xa7: {  	[tilespmem:s24+$0xFFFFFFA0] =	vst v2;
	v2 =	vand.u32 $0x7A, v4;
	v4 =	vand.u32 $0x1C00, v5  }
0xa8: {  	v3 =	vld.idx.msk [tilespmem:v3+s3+$0x0], $0xffff;
	v2 =	vor.u32 v2, v4  }
0xa9: {  	v4 =	vor.u32 v0, v2;
	_ =	sdelay $0x1  }
0xaa: {  	s30 =	simm.s32 $0x20  }
0xab: {  	s26 =	sor.u32 $0x30, s30  }
0xac: {  	[tilespmem:s26+$0x8000] =	vst v3  }
0xad: {  	v3 =	vld.idx.msk [tilespmem:v4+s3+$0x0], $0xffff  }
0xae: {  	v2 =	vor.u32 v1, v2  }
0xaf: {  	s31 =	simm.s32 $0x3  }
0xb0: {  	v4 =	vmov s31  }
0xb1: {  	v5 =	vshll.u32 v4, $0x3  }
0xb2: {  	[tilespmem:s24+$0xFFFFFFC0] =	vst v3;
	v3 =	vand.u32 $0x7B, v4;
	v4 =	vand.u32 $0x1C00, v5  }
0xb3: {  	v2 =	vld.idx.msk [tilespmem:v2+s3+$0x0], $0xffff;
	v3 =	vor.u32 v3, v4  }
0xb4: {  	v4 =	vor.u32 v0, v3;
	_ =	sdelay $0x1  }
0xb5: {  	s30 =	simm.s32 $0x40  }
0xb6: {  	s26 =	sor.u32 $0x50, s30  }
0xb7: {  	[tilespmem:s26+$0x8000] =	vst v2  }
0xb8: {  	v2 =	vld.idx.msk [tilespmem:v4+s3+$0x0], $0xffff  }
0xb9: {  	v3 =	vor.u32 v1, v3  }
0xba: {  	s31 =	simm.s32 $0x4  }
0xbb: {  	v4 =	vmov s31  }
0xbc: {  	v5 =	vshll.u32 v4, $0x3  }
0xbd: {  	[tilespmem:s24+$0xFFFFFFE0] =	vst v2;
	v2 =	vand.u32 $0x7C, v4;
	v4 =	vand.u32 $0x1C00, v5  }
0xbe: {  	v3 =	vld.idx.msk [tilespmem:v3+s3+$0x0], $0xffff;
	v2 =	vor.u32 v2, v4  }
0xbf: {  	v4 =	vor.u32 v0, v2;
	_ =	sdelay $0x1  }
0xc0: {  	s30 =	simm.s32 $0x60  }
0xc1: {  	s26 =	sor.u32 $0x70, s30  }
0xc2: {  	[tilespmem:s26+$0x8000] =	vst v3  }
0xc3: {  	v3 =	vld.idx.msk [tilespmem:v4+s3+$0x0], $0xffff  }
0xc4: {  	v2 =	vor.u32 v1, v2  }
0xc5: {  	s31 =	simm.s32 $0x5  }
0xc6: {  	v4 =	vmov s31  }
0xc7: {  	v5 =	vshll.u32 v4, $0x3  }
0xc8: {  	[tilespmem:s24+$0x0] =	vst v3;
	v3 =	vand.u32 $0x7D, v4;
	v4 =	vand.u32 $0x1C00, v5  }
0xc9: {  	v2 =	vld.idx.msk [tilespmem:v2+s3+$0x0], $0xffff;
	v3 =	vor.u32 v3, v4  }
0xca: {  	v4 =	vor.u32 v0, v3;
	_ =	sdelay $0x3  }
0xcb: {  	[tilespmem:s24+$0x10] =	vst v2  }
0xcc: {  	v2 =	vld.idx.msk [tilespmem:v4+s3+$0x0], $0xffff  }
0xcd: {  	v3 =	vor.u32 v1, v3  }
0xce: {  	s30 =	simm.s32 $0x6  }
0xcf: {  	v4 =	vmov s30  }
0xd0: {  	v5 =	vshll.u32 v4, $0x3  }
0xd1: {  	[tilespmem:s24+$0x20] =	vst v2;
	v2 =	vand.u32 $0x7E, v4;
	v4 =	vand.u32 $0x1C00, v5  }
0xd2: {  	v3 =	vld.idx.msk [tilespmem:v3+s3+$0x0], $0xffff;
	v2 =	vor.u32 v2, v4  }
0xd3: {  	v4 =	vor.u32 v0, v2;
	_ =	sdelay $0x1  }
0xd4: {  	s31 =	simm.s32 $0xA0  }
0xd5: {  	s26 =	sor.u32 $0x30, s31  }
0xd6: {  	[tilespmem:s26+$0x8000] =	vst v3  }
0xd7: {  	v3 =	vld.idx.msk [tilespmem:v4+s3+$0x0], $0xffff  }
0xd8: {  	v2 =	vor.u32 v1, v2  }
0xd9: {  	s25 =	simm.s32 $0x7  }
0xda: {  	v4 =	vmov s25  }
0xdb: {  	v5 =	vshll.u32 v4, $0x3  }
0xdc: {  	[tilespmem:s24+$0x40] =	vst v3;
	v3 =	vand.u32 $0x7F, v4;
	v4 =	vand.u32 $0x1C00, v5  }
0xdd: {  	v2 =	vld.idx.msk [tilespmem:v2+s3+$0x0], $0xffff;
	v3 =	vor.u32 v3, v4  }
0xde: {  	v4 =	vor.u32 v0, v3;
	_ =	sdelay $0x1  }
0xdf: {  	s30 =	simm.s32 $0xC0  }
0xe0: {  	s25 =	sor.u32 $0x50, s30  }
0xe1: {  	[tilespmem:s25+$0x8000] =	vst v2  }
0xe2: {  	v2 =	vld.idx.msk [tilespmem:v4+s3+$0x0], $0xffff  }
0xe3: {  	v3 =	vor.u32 v1, v3  }
0xe4: {  	s31 =	simm.s32 $0x8  }
0xe5: {  	v4 =	vmov s31  }
0xe6: {  	v5 =	vshll.u32 v4, $0x3  }
0xe7: {  	v4 =	vand.u32 $0x78, v4;
	v5 =	vand.u32 $0x1C00, v5;
	[tilespmem:s24+$0x60] =	vst v2  }
0xe8: {  	v2 =	vor.u32 v4, v5;
	v4 =	vld.idx.msk [tilespmem:v3+s3+$0x0], $0xffff  }
0xe9: {  	v3 =	vor.u32 v0, v2  }
0xea: {  	s23 =	simm.s32 $0xE0  }
0xeb: {  	s29 =	simm.s32 $0x17;
	s28 =	sor.u32 $0x70, s23;
	s25 =	simm.s32 $0xF  }
.LBB2_4:
0xec: {  	s23 =	sadd.s32 $0x100, s23  }
0xed: {  	[tilespmem:s28+$0x8000] =	vst v4;
	s24 =	sadd.s32 $0x100, s24;
	s28 =	smov.u32 s29;
	s26 =	sadd.s32 $0x8, s29  }
0xee: {  	p0 =	sne.s32 s29, $0x29F;
	v3 =	vld.idx.msk [tilespmem:v3+s3+$0x0], $0xffff;
	_ =	sdelay $0x1  }
0xef: {  	v2 =	vor.u32 v1, v2;
	_ =	sdelay $0x1  }
0xf0: {  	s29 =	sadd.s32 $0xFFFFFFFA, s25  }
0xf1: {  	v4 =	vmov s29  }
0xf2: {  	[tilespmem:s24+$0xFFFFFF80] =	vst v3;
	v3 =	vshll.u32 v4, $0x3  }
0xf3: {  	v4 =	vand.u32 $0x79, v4;
	v2 =	vld.idx.msk [tilespmem:v2+s3+$0x0], $0xffff;
	v3 =	vand.u32 $0x1C00, v3  }
0xf4: {  	v3 =	vor.u32 v4, v3  }
0xf5: {  	v4 =	vor.u32 v0, v3;
	_ =	sdelay $0x3  }
0xf6: {  	[tilespmem:s24+$0xFFFFFF90] =	vst v2  }
0xf7: {  	v2 =	vld.idx.msk [tilespmem:v4+s3+$0x0], $0xffff;
	_ =	sdelay $0x1  }
0xf8: {  	v3 =	vor.u32 v1, v3;
	_ =	sdelay $0x1  }
0xf9: {  	s29 =	sadd.s32 $0xFFFFFFFB, s25  }
0xfa: {  	v4 =	vmov s29  }
0xfb: {  	[tilespmem:s24+$0xFFFFFFA0] =	vst v2;
	v2 =	vshll.u32 v4, $0x3  }
0xfc: {  	v4 =	vand.u32 $0x7A, v4;
	v3 =	vld.idx.msk [tilespmem:v3+s3+$0x0], $0xffff;
	v2 =	vand.u32 $0x1C00, v2  }
0xfd: {  	v2 =	vor.u32 v4, v2  }
0xfe: {  	v4 =	vor.u32 v0, v2;
	_ =	sdelay $0x1  }
0xff: {  	s29 =	sadd.s32 $0xFFFFFF40, s23  }
0x100: {  	s29 =	sor.u32 $0x30, s29  }
0x101: {  	[tilespmem:s29+$0x8000] =	vst v3  }
0x102: {  	v3 =	vld.idx.msk [tilespmem:v4+s3+$0x0], $0xffff;
	_ =	sdelay $0x1  }
0x103: {  	v2 =	vor.u32 v1, v2;
	_ =	sdelay $0x1  }
0x104: {  	s29 =	sadd.s32 $0xFFFFFFFC, s25  }
0x105: {  	v4 =	vmov s29  }
0x106: {  	[tilespmem:s24+$0xFFFFFFC0] =	vst v3;
	v3 =	vshll.u32 v4, $0x3  }
0x107: {  	v4 =	vand.u32 $0x7B, v4;
	v2 =	vld.idx.msk [tilespmem:v2+s3+$0x0], $0xffff;
	v3 =	vand.u32 $0x1C00, v3  }
0x108: {  	v3 =	vor.u32 v4, v3  }
0x109: {  	v4 =	vor.u32 v0, v3;
	_ =	sdelay $0x1  }
0x10a: {  	s29 =	sadd.s32 $0xFFFFFF60, s23  }
0x10b: {  	s29 =	sor.u32 $0x50, s29  }
0x10c: {  	[tilespmem:s29+$0x8000] =	vst v2  }
0x10d: {  	v2 =	vld.idx.msk [tilespmem:v4+s3+$0x0], $0xffff;
	_ =	sdelay $0x1  }
0x10e: {  	v3 =	vor.u32 v1, v3;
	_ =	sdelay $0x1  }
0x10f: {  	s29 =	sadd.s32 $0xFFFFFFFD, s25  }
0x110: {  	v4 =	vmov s29  }
0x111: {  	[tilespmem:s24+$0xFFFFFFE0] =	vst v2;
	v2 =	vshll.u32 v4, $0x3  }
0x112: {  	v4 =	vand.u32 $0x7C, v4;
	v3 =	vld.idx.msk [tilespmem:v3+s3+$0x0], $0xffff;
	v2 =	vand.u32 $0x1C00, v2  }
0x113: {  	v2 =	vor.u32 v4, v2  }
0x114: {  	v4 =	vor.u32 v0, v2;
	_ =	sdelay $0x1  }
0x115: {  	s29 =	sadd.s32 $0xFFFFFF80, s23  }
0x116: {  	s29 =	sor.u32 $0x70, s29  }
0x117: {  	[tilespmem:s29+$0x8000] =	vst v3  }
0x118: {  	v3 =	vld.idx.msk [tilespmem:v4+s3+$0x0], $0xffff;
	_ =	sdelay $0x1  }
0x119: {  	v2 =	vor.u32 v1, v2;
	_ =	sdelay $0x1  }
0x11a: {  	s29 =	sadd.s32 $0xFFFFFFFE, s25  }
0x11b: {  	v4 =	vmov s29  }
0x11c: {  	[tilespmem:s24+$0x0] =	vst v3;
	v3 =	vshll.u32 v4, $0x3  }
0x11d: {  	v4 =	vand.u32 $0x7D, v4;
	v2 =	vld.idx.msk [tilespmem:v2+s3+$0x0], $0xffff;
	v3 =	vand.u32 $0x1C00, v3  }
0x11e: {  	v3 =	vor.u32 v4, v3  }
0x11f: {  	v4 =	vor.u32 v0, v3;
	_ =	sdelay $0x3  }
0x120: {  	[tilespmem:s24+$0x10] =	vst v2  }
0x121: {  	v2 =	vld.idx.msk [tilespmem:v4+s3+$0x0], $0xffff;
	_ =	sdelay $0x1  }
0x122: {  	v3 =	vor.u32 v1, v3;
	_ =	sdelay $0x1  }
0x123: {  	s29 =	sadd.s32 $0xFFFFFFFF, s25  }
0x124: {  	v4 =	vmov s29  }
0x125: {  	[tilespmem:s24+$0x20] =	vst v2;
	v2 =	vshll.u32 v4, $0x3  }
0x126: {  	v4 =	vand.u32 $0x7E, v4;
	v3 =	vld.idx.msk [tilespmem:v3+s3+$0x0], $0xffff;
	v2 =	vand.u32 $0x1C00, v2  }
0x127: {  	v2 =	vor.u32 v4, v2  }
0x128: {  	v4 =	vor.u32 v0, v2;
	_ =	sdelay $0x1  }
0x129: {  	s29 =	sadd.s32 $0xFFFFFFC0, s23  }
0x12a: {  	s29 =	sor.u32 $0x30, s29  }
0x12b: {  	[tilespmem:s29+$0x8000] =	vst v3  }
0x12c: {  	v3 =	vld.idx.msk [tilespmem:v4+s3+$0x0], $0xffff;
	_ =	sdelay $0x1  }
0x12d: {  	v2 =	vor.u32 v1, v2;
	_ =	sdelay $0x2  }
0x12e: {  	v4 =	vmov s25;
	s25 =	smov.u32 s28  }
0x12f: {  	[tilespmem:s24+$0x40] =	vst v3;
	v3 =	vshll.u32 v4, $0x3  }
0x130: {  	v4 =	vand.u32 $0x7F, v4;
	v2 =	vld.idx.msk [tilespmem:v2+s3+$0x0], $0xffff;
	v3 =	vand.u32 $0x1C00, v3  }
0x131: {  	v3 =	vor.u32 v4, v3  }
0x132: {  	v4 =	vor.u32 v0, v3;
	_ =	sdelay $0x1  }
0x133: {  	s28 =	sadd.s32 $0xFFFFFFE0, s23  }
0x134: {  	s28 =	sor.u32 $0x50, s28  }
0x135: {  	[tilespmem:s28+$0x8000] =	vst v2  }
0x136: {  	v2 =	vld.idx.msk [tilespmem:v4+s3+$0x0], $0xffff;
	_ =	sdelay $0x1  }
0x137: {  	v3 =	vor.u32 v1, v3;
	_ =	sdelay $0x1  }
0x138: {  	s28 =	sadd.s32 $0xFFFFFFF9, s25  }
0x139: {  	v4 =	vmov s28  }
0x13a: {  	v5 =	vshll.u32 v4, $0x3;
	[tilespmem:s24+$0x60] =	vst v2  }
0x13b: {  	v5 =	vand.u32 $0x1C00, v5;
	v2 =	vand.u32 $0x78, v4;
	v4 =	vld.idx.msk [tilespmem:v3+s3+$0x0], $0xffff  }
.Ltmp5:
0x13c: {  	v2 =	vor.u32 v2, v5;
	(pc) =	sbr.rel @p0 .LBB2_4-.Ltmp5, $2  }
0x13d: {  	v3 =	vor.u32 v0, v2;
	_ =	sdelay $0x2  }
0x13e: {  	s29 =	smov.u32 s26;
	s28 =	sor.u32 $0x70, s23  }
0x13f: {  	_ =	sdelay $0x2  }
0x140: {  	[tilespmem:s28+$0x8000] =	vst v4  }
0x141: {  	v3 =	vld.idx.msk [tilespmem:v3+s3+$0x0], $0xffff  }
0x142: {  	v2 =	vor.u32 v1, v2  }
0x143: {  	s26 =	sadd.s32 $0xFFFFFFFA, s25  }
0x144: {  	v44 =	vmov s26  }
0x145: {  	s24 =	sadd.s32 $0x100, s24;
	v5 =	vshll.u32 v44, $0x3  }
0x146: {  	v45 =	vand.u32 $0x1C00, v5;
	[tilespmem:s24+$0xFFFFFF80] =	vst v3;
	v3 =	vand.u32 $0x79, v44  }
0x147: {  	v2 =	vld.idx.msk [tilespmem:v2+s3+$0x0], $0xffff;
	v3 =	vor.u32 v3, v45  }
0x148: {  	v4 =	vor.u32 v0, v3;
	_ =	sdelay $0x3  }
0x149: {  	[tilespmem:s24+$0xFFFFFF90] =	vst v2  }
0x14a: {  	v2 =	vld.idx.msk [tilespmem:v4+s3+$0x0], $0xffff  }
0x14b: {  	v3 =	vor.u32 v1, v3  }
0x14c: {  	s30 =	sadd.s32 $0xFFFFFFFB, s25  }
0x14d: {  	v46 =	vmov s30  }
0x14e: {  	v47 =	vshll.u32 v46, $0x3  }
0x14f: {  	v48 =	vand.u32 $0x1C00, v47;
	[tilespmem:s24+$0xFFFFFFA0] =	vst v2;
	v2 =	vand.u32 $0x7A, v46  }
0x150: {  	v3 =	vld.idx.msk [tilespmem:v3+s3+$0x0], $0xffff;
	v2 =	vor.u32 v2, v48  }
0x151: {  	v4 =	vor.u32 v0, v2  }
0x152: {  	s23 =	sadd.s32 $0x100, s23  }
0x153: {  	s31 =	sadd.s32 $0xFFFFFF40, s23  }
0x154: {  	s26 =	sor.u32 $0x30, s31  }
0x155: {  	[tilespmem:s26+$0x8000] =	vst v3  }
0x156: {  	v3 =	vld.idx.msk [tilespmem:v4+s3+$0x0], $0xffff  }
0x157: {  	v2 =	vor.u32 v1, v2  }
0x158: {  	s28 =	sadd.s32 $0xFFFFFFFC, s25  }
0x159: {  	v49 =	vmov s28  }
0x15a: {  	v50 =	vshll.u32 v49, $0x3  }
0x15b: {  	v51 =	vand.u32 $0x1C00, v50;
	[tilespmem:s24+$0xFFFFFFC0] =	vst v3;
	v3 =	vand.u32 $0x7B, v49  }
0x15c: {  	v2 =	vld.idx.msk [tilespmem:v2+s3+$0x0], $0xffff;
	v3 =	vor.u32 v3, v51  }
0x15d: {  	v4 =	vor.u32 v0, v3;
	_ =	sdelay $0x1  }
0x15e: {  	s29 =	sadd.s32 $0xFFFFFF60, s23  }
0x15f: {  	s26 =	sor.u32 $0x50, s29  }
0x160: {  	[tilespmem:s26+$0x8000] =	vst v2  }
0x161: {  	v2 =	vld.idx.msk [tilespmem:v4+s3+$0x0], $0xffff  }
0x162: {  	v3 =	vor.u32 v1, v3  }
0x163: {  	s30 =	sadd.s32 $0xFFFFFFFD, s25  }
0x164: {  	v52 =	vmov s30  }
0x165: {  	v53 =	vshll.u32 v52, $0x3  }
0x166: {  	v54 =	vand.u32 $0x1C00, v53;
	[tilespmem:s24+$0xFFFFFFE0] =	vst v2;
	v2 =	vand.u32 $0x7C, v52  }
0x167: {  	v3 =	vld.idx.msk [tilespmem:v3+s3+$0x0], $0xffff;
	v2 =	vor.u32 v2, v54  }
0x168: {  	v4 =	vor.u32 v0, v2;
	_ =	sdelay $0x1  }
0x169: {  	s31 =	sadd.s32 $0xFFFFFF80, s23  }
0x16a: {  	s26 =	sor.u32 $0x70, s31  }
0x16b: {  	[tilespmem:s26+$0x8000] =	vst v3  }
0x16c: {  	v3 =	vld.idx.msk [tilespmem:v4+s3+$0x0], $0xffff  }
0x16d: {  	v2 =	vor.u32 v1, v2  }
0x16e: {  	s28 =	sadd.s32 $0xFFFFFFFE, s25  }
0x16f: {  	v55 =	vmov s28  }
0x170: {  	v56 =	vshll.u32 v55, $0x3  }
0x171: {  	v57 =	vand.u32 $0x1C00, v56;
	[tilespmem:s24+$0x0] =	vst v3;
	v3 =	vand.u32 $0x7D, v55  }
0x172: {  	v2 =	vld.idx.msk [tilespmem:v2+s3+$0x0], $0xffff;
	v3 =	vor.u32 v3, v57  }
0x173: {  	v4 =	vor.u32 v0, v3;
	_ =	sdelay $0x3  }
0x174: {  	[tilespmem:s24+$0x10] =	vst v2  }
0x175: {  	v2 =	vld.idx.msk [tilespmem:v4+s3+$0x0], $0xffff  }
0x176: {  	v3 =	vor.u32 v1, v3  }
0x177: {  	s29 =	sadd.s32 $0xFFFFFFFF, s25  }
0x178: {  	v58 =	vmov s29  }
0x179: {  	v59 =	vshll.u32 v58, $0x3  }
0x17a: {  	v60 =	vand.u32 $0x1C00, v59;
	[tilespmem:s24+$0x20] =	vst v2;
	v2 =	vand.u32 $0x7E, v58  }
0x17b: {  	v3 =	vld.idx.msk [tilespmem:v3+s3+$0x0], $0xffff;
	v2 =	vor.u32 v2, v60  }
0x17c: {  	v4 =	vor.u32 v0, v2;
	_ =	sdelay $0x1  }
0x17d: {  	s30 =	sadd.s32 $0xFFFFFFC0, s23  }
0x17e: {  	s26 =	sor.u32 $0x30, s30  }
0x17f: {  	[tilespmem:s26+$0x8000] =	vst v3  }
0x180: {  	v3 =	vld.idx.msk [tilespmem:v4+s3+$0x0], $0xffff  }
0x181: {  	v2 =	vor.u32 v1, v2;
	_ =	sdelay $0x1  }
0x182: {  	v61 =	vmov s25  }
0x183: {  	v62 =	vshll.u32 v61, $0x3  }
0x184: {  	v63 =	vand.u32 $0x1C00, v62;
	[tilespmem:s24+$0x40] =	vst v3;
	v3 =	vand.u32 $0x7F, v61  }
0x185: {  	v2 =	vld.idx.msk [tilespmem:v2+s3+$0x0], $0xffff;
	v3 =	vor.u32 v3, v63  }
0x186: {  	v4 =	vor.u32 v0, v3;
	_ =	sdelay $0x1  }
0x187: {  	s31 =	sadd.s32 $0xFFFFFFE0, s23  }
0x188: {  	s25 =	sor.u32 $0x50, s31  }
0x189: {  	[tilespmem:s25+$0x8000] =	vst v2  }
0x18a: {  	v2 =	vld.idx.msk [tilespmem:v4+s3+$0x0], $0xffff  }
0x18b: {  	v3 =	vor.u32 v1, v3;
	_ =	sdelay $0x3  }
0x18c: {  	[tilespmem:s24+$0x60] =	vst v2  }
0x18d: {  	v2 =	vld.idx.msk [tilespmem:v3+s3+$0x0], $0xffff  }
0x18e: {  	s22 =	smul.u32 $0x30D400, s22;
	_ =	sdelay $0x1  }
0x18f: {  	s22 =	sadd.s32 $0x308000, s22  }
0x190: {  	s22 =	sshrl.u32 s22, $0x3;
	s23 =	sor.u32 $0x70, s23  }
.Ltmp6:
0x191: {  	s22 =	sadd.s32 s6, s22;
	[tilespmem:s23+$0x8000] =	vst v2;
	(pc) =	sbr.rel .LBB2_9-.Ltmp6, $4  }
0x192: {  	[hbm4b:s22+s3] =	stream.linear.scatter [tilespmem:s17], [sflag:$0x1], $0x5400, $0x38;
	[tilespmem:$0x10000] =	vst v63  }
0x193: {  	_ =	swait.ge [sflag:s18], $0x5400  }
0x194: {  	[sflag:s18] =	ssyncset.done $0x0  }
0x195: {  	[sflag:s18] =	ssyncadd.s32 $0xFFFFAC00  }
.LBB2_6:
0x196: {  	s25 =	simm.s32 $0x0  }
0x197: {  	v2 =	vmov s25  }
0x198: {  	s31 =	sshll.u32 s23, $0xD;
	v3 =	vshll.u32 v2, $0x3  }
0x199: {  	s24 =	sadd.s32 s31, s24;
	v2 =	vand.u32 $0x78, v2;
	v3 =	vand.u32 $0x1C00, v3  }
0x19a: {  	s24 =	sshrl.u32 s24, $0x3;
	v2 =	vor.u32 v2, v3  }
0x19b: {  	s24 =	sadd.s32 s0, s24;
	v3 =	vor.u32 v0, v2  }
0x19c: {  	[tilespmem:s3], [sflag:$0x2] =	stream.strided.gather [hbm4b:s24+s9], $0x8000, s19, s9, $0x38;
	[tilespmem:$0x10000] =	vst v63  }
0x19d: {  	_ =	swait.ge [sflag:s12], $0x8000  }
0x19e: {  	[sflag:s12] =	ssyncset.done $0x0  }
0x19f: {  	[sflag:s12] =	ssyncadd.s32 $0xFFFF8000  }
0x1a0: {  	v3 =	vld.idx.msk [tilespmem:v3+s3+$0x0], $0xffff  }
0x1a1: {  	v2 =	vor.u32 v1, v2  }
0x1a2: {  	s25 =	simm.s32 $0x1  }
0x1a3: {  	v4 =	vmov s25  }
0x1a4: {  	v5 =	vshll.u32 v4, $0x3;
	s24 =	simm.s32 $0x8080  }
0x1a5: {  	[tilespmem:s24+$0xFFFFFF80] =	vst v3;
	v3 =	vand.u32 $0x79, v4;
	v4 =	vand.u32 $0x1C00, v5  }
0x1a6: {  	v2 =	vld.idx.msk [tilespmem:v2+s3+$0x0], $0xffff;
	v3 =	vor.u32 v3, v4  }
0x1a7: {  	v4 =	vor.u32 v0, v3;
	_ =	sdelay $0x3  }
0x1a8: {  	[tilespmem:s24+$0xFFFFFF90] =	vst v2  }
0x1a9: {  	v2 =	vld.idx.msk [tilespmem:v4+s3+$0x0], $0xffff  }
0x1aa: {  	v3 =	vor.u32 v1, v3  }
0x1ab: {  	s26 =	simm.s32 $0x2  }
0x1ac: {  	v4 =	vmov s26  }
0x1ad: {  	v5 =	vshll.u32 v4, $0x3  }
0x1ae: {  	[tilespmem:s24+$0xFFFFFFA0] =	vst v2;
	v2 =	vand.u32 $0x7A, v4;
	v4 =	vand.u32 $0x1C00, v5  }
0x1af: {  	v3 =	vld.idx.msk [tilespmem:v3+s3+$0x0], $0xffff;
	v2 =	vor.u32 v2, v4  }
0x1b0: {  	v4 =	vor.u32 v0, v2;
	_ =	sdelay $0x1  }
0x1b1: {  	s28 =	simm.s32 $0x20  }
0x1b2: {  	s25 =	sor.u32 $0x30, s28  }
0x1b3: {  	[tilespmem:s25+$0x8000] =	vst v3  }
0x1b4: {  	v3 =	vld.idx.msk [tilespmem:v4+s3+$0x0], $0xffff  }
0x1b5: {  	v2 =	vor.u32 v1, v2  }
0x1b6: {  	s31 =	simm.s32 $0x3  }
0x1b7: {  	v4 =	vmov s31  }
0x1b8: {  	v5 =	vshll.u32 v4, $0x3  }
0x1b9: {  	[tilespmem:s24+$0xFFFFFFC0] =	vst v3;
	v3 =	vand.u32 $0x7B, v4;
	v4 =	vand.u32 $0x1C00, v5  }
0x1ba: {  	v2 =	vld.idx.msk [tilespmem:v2+s3+$0x0], $0xffff;
	v3 =	vor.u32 v3, v4  }
0x1bb: {  	v4 =	vor.u32 v0, v3;
	_ =	sdelay $0x1  }
0x1bc: {  	s26 =	simm.s32 $0x40  }
0x1bd: {  	s25 =	sor.u32 $0x50, s26  }
0x1be: {  	[tilespmem:s25+$0x8000] =	vst v2  }
0x1bf: {  	v2 =	vld.idx.msk [tilespmem:v4+s3+$0x0], $0xffff  }
0x1c0: {  	v3 =	vor.u32 v1, v3  }
0x1c1: {  	s28 =	simm.s32 $0x4  }
0x1c2: {  	v4 =	vmov s28  }
0x1c3: {  	v5 =	vshll.u32 v4, $0x3  }
0x1c4: {  	[tilespmem:s24+$0xFFFFFFE0] =	vst v2;
	v2 =	vand.u32 $0x7C, v4;
	v4 =	vand.u32 $0x1C00, v5  }
0x1c5: {  	v3 =	vld.idx.msk [tilespmem:v3+s3+$0x0], $0xffff;
	v2 =	vor.u32 v2, v4  }
0x1c6: {  	v4 =	vor.u32 v0, v2;
	_ =	sdelay $0x1  }
0x1c7: {  	s31 =	simm.s32 $0x60  }
0x1c8: {  	s25 =	sor.u32 $0x70, s31  }
0x1c9: {  	[tilespmem:s25+$0x8000] =	vst v3  }
0x1ca: {  	v3 =	vld.idx.msk [tilespmem:v4+s3+$0x0], $0xffff  }
0x1cb: {  	v2 =	vor.u32 v1, v2  }
0x1cc: {  	s26 =	simm.s32 $0x5  }
0x1cd: {  	v4 =	vmov s26  }
0x1ce: {  	v5 =	vshll.u32 v4, $0x3  }
0x1cf: {  	[tilespmem:s24+$0x0] =	vst v3;
	v3 =	vand.u32 $0x7D, v4;
	v4 =	vand.u32 $0x1C00, v5  }
0x1d0: {  	v2 =	vld.idx.msk [tilespmem:v2+s3+$0x0], $0xffff;
	v3 =	vor.u32 v3, v4  }
0x1d1: {  	v4 =	vor.u32 v0, v3;
	_ =	sdelay $0x3  }
0x1d2: {  	[tilespmem:s24+$0x10] =	vst v2  }
0x1d3: {  	v2 =	vld.idx.msk [tilespmem:v4+s3+$0x0], $0xffff  }
0x1d4: {  	v3 =	vor.u32 v1, v3  }
0x1d5: {  	s28 =	simm.s32 $0x6  }
0x1d6: {  	v4 =	vmov s28  }
0x1d7: {  	v5 =	vshll.u32 v4, $0x3  }
0x1d8: {  	[tilespmem:s24+$0x20] =	vst v2;
	v2 =	vand.u32 $0x7E, v4;
	v4 =	vand.u32 $0x1C00, v5  }
0x1d9: {  	v3 =	vld.idx.msk [tilespmem:v3+s3+$0x0], $0xffff;
	v2 =	vor.u32 v2, v4  }
0x1da: {  	v4 =	vor.u32 v0, v2;
	_ =	sdelay $0x1  }
0x1db: {  	s31 =	simm.s32 $0xA0  }
0x1dc: {  	s25 =	sor.u32 $0x30, s31  }
0x1dd: {  	[tilespmem:s25+$0x8000] =	vst v3  }
0x1de: {  	v3 =	vld.idx.msk [tilespmem:v4+s3+$0x0], $0xffff  }
0x1df: {  	v2 =	vor.u32 v1, v2  }
0x1e0: {  	s26 =	simm.s32 $0x7  }
0x1e1: {  	v4 =	vmov s26  }
0x1e2: {  	v5 =	vshll.u32 v4, $0x3  }
0x1e3: {  	[tilespmem:s24+$0x40] =	vst v3;
	v3 =	vand.u32 $0x7F, v4;
	v4 =	vand.u32 $0x1C00, v5  }
0x1e4: {  	v2 =	vld.idx.msk [tilespmem:v2+s3+$0x0], $0xffff;
	v3 =	vor.u32 v3, v4  }
0x1e5: {  	v4 =	vor.u32 v0, v3;
	_ =	sdelay $0x1  }
0x1e6: {  	s28 =	simm.s32 $0xC0  }
0x1e7: {  	s25 =	sor.u32 $0x50, s28  }
0x1e8: {  	[tilespmem:s25+$0x8000] =	vst v2  }
0x1e9: {  	v2 =	vld.idx.msk [tilespmem:v4+s3+$0x0], $0xffff  }
0x1ea: {  	v3 =	vor.u32 v1, v3  }
0x1eb: {  	s31 =	simm.s32 $0x8  }
0x1ec: {  	v4 =	vmov s31  }
0x1ed: {  	v5 =	vshll.u32 v4, $0x3  }
0x1ee: {  	v4 =	vand.u32 $0x78, v4;
	v5 =	vand.u32 $0x1C00, v5;
	[tilespmem:s24+$0x60] =	vst v2  }
0x1ef: {  	v2 =	vor.u32 v4, v5;
	v4 =	vld.idx.msk [tilespmem:v3+s3+$0x0], $0xffff  }
0x1f0: {  	v3 =	vor.u32 v0, v2  }
0x1f1: {  	s26 =	simm.s32 $0xE0  }
0x1f2: {  	s30 =	simm.s32 $0x17;
	s29 =	sor.u32 $0x70, s26;
	s25 =	simm.s32 $0xF  }
.LBB2_7:
0x1f3: {  	s26 =	sadd.s32 $0x100, s26  }
0x1f4: {  	[tilespmem:s29+$0x8000] =	vst v4;
	s24 =	sadd.s32 $0x100, s24;
	s29 =	smov.u32 s30;
	s28 =	sadd.s32 $0x8, s30  }
0x1f5: {  	p0 =	sne.s32 s30, $0x3FF;
	v3 =	vld.idx.msk [tilespmem:v3+s3+$0x0], $0xffff;
	_ =	sdelay $0x1  }
0x1f6: {  	v2 =	vor.u32 v1, v2;
	_ =	sdelay $0x1  }
0x1f7: {  	s30 =	sadd.s32 $0xFFFFFFFA, s25  }
0x1f8: {  	v4 =	vmov s30  }
0x1f9: {  	[tilespmem:s24+$0xFFFFFF80] =	vst v3;
	v3 =	vshll.u32 v4, $0x3  }
0x1fa: {  	v4 =	vand.u32 $0x79, v4;
	v2 =	vld.idx.msk [tilespmem:v2+s3+$0x0], $0xffff;
	v3 =	vand.u32 $0x1C00, v3  }
0x1fb: {  	v3 =	vor.u32 v4, v3  }
0x1fc: {  	v4 =	vor.u32 v0, v3;
	_ =	sdelay $0x3  }
0x1fd: {  	[tilespmem:s24+$0xFFFFFF90] =	vst v2  }
0x1fe: {  	v2 =	vld.idx.msk [tilespmem:v4+s3+$0x0], $0xffff;
	_ =	sdelay $0x1  }
0x1ff: {  	v3 =	vor.u32 v1, v3;
	_ =	sdelay $0x1  }
0x200: {  	s30 =	sadd.s32 $0xFFFFFFFB, s25  }
0x201: {  	v4 =	vmov s30  }
0x202: {  	[tilespmem:s24+$0xFFFFFFA0] =	vst v2;
	v2 =	vshll.u32 v4, $0x3  }
0x203: {  	v4 =	vand.u32 $0x7A, v4;
	v3 =	vld.idx.msk [tilespmem:v3+s3+$0x0], $0xffff;
	v2 =	vand.u32 $0x1C00, v2  }
0x204: {  	v2 =	vor.u32 v4, v2  }
0x205: {  	v4 =	vor.u32 v0, v2;
	_ =	sdelay $0x1  }
0x206: {  	s30 =	sadd.s32 $0xFFFFFF40, s26  }
0x207: {  	s30 =	sor.u32 $0x30, s30  }
0x208: {  	[tilespmem:s30+$0x8000] =	vst v3  }
0x209: {  	v3 =	vld.idx.msk [tilespmem:v4+s3+$0x0], $0xffff;
	_ =	sdelay $0x1  }
0x20a: {  	v2 =	vor.u32 v1, v2;
	_ =	sdelay $0x1  }
0x20b: {  	s30 =	sadd.s32 $0xFFFFFFFC, s25  }
0x20c: {  	v4 =	vmov s30  }
0x20d: {  	[tilespmem:s24+$0xFFFFFFC0] =	vst v3;
	v3 =	vshll.u32 v4, $0x3  }
0x20e: {  	v4 =	vand.u32 $0x7B, v4;
	v2 =	vld.idx.msk [tilespmem:v2+s3+$0x0], $0xffff;
	v3 =	vand.u32 $0x1C00, v3  }
0x20f: {  	v3 =	vor.u32 v4, v3  }
0x210: {  	v4 =	vor.u32 v0, v3;
	_ =	sdelay $0x1  }
0x211: {  	s30 =	sadd.s32 $0xFFFFFF60, s26  }
0x212: {  	s30 =	sor.u32 $0x50, s30  }
0x213: {  	[tilespmem:s30+$0x8000] =	vst v2  }
0x214: {  	v2 =	vld.idx.msk [tilespmem:v4+s3+$0x0], $0xffff;
	_ =	sdelay $0x1  }
0x215: {  	v3 =	vor.u32 v1, v3;
	_ =	sdelay $0x1  }
0x216: {  	s30 =	sadd.s32 $0xFFFFFFFD, s25  }
0x217: {  	v4 =	vmov s30  }
0x218: {  	[tilespmem:s24+$0xFFFFFFE0] =	vst v2;
	v2 =	vshll.u32 v4, $0x3  }
0x219: {  	v4 =	vand.u32 $0x7C, v4;
	v3 =	vld.idx.msk [tilespmem:v3+s3+$0x0], $0xffff;
	v2 =	vand.u32 $0x1C00, v2  }
0x21a: {  	v2 =	vor.u32 v4, v2  }
0x21b: {  	v4 =	vor.u32 v0, v2;
	_ =	sdelay $0x1  }
0x21c: {  	s30 =	sadd.s32 $0xFFFFFF80, s26  }
0x21d: {  	s30 =	sor.u32 $0x70, s30  }
0x21e: {  	[tilespmem:s30+$0x8000] =	vst v3  }
0x21f: {  	v3 =	vld.idx.msk [tilespmem:v4+s3+$0x0], $0xffff;
	_ =	sdelay $0x1  }
0x220: {  	v2 =	vor.u32 v1, v2;
	_ =	sdelay $0x1  }
0x221: {  	s30 =	sadd.s32 $0xFFFFFFFE, s25  }
0x222: {  	v4 =	vmov s30  }
0x223: {  	[tilespmem:s24+$0x0] =	vst v3;
	v3 =	vshll.u32 v4, $0x3  }
0x224: {  	v4 =	vand.u32 $0x7D, v4;
	v2 =	vld.idx.msk [tilespmem:v2+s3+$0x0], $0xffff;
	v3 =	vand.u32 $0x1C00, v3  }
0x225: {  	v3 =	vor.u32 v4, v3  }
0x226: {  	v4 =	vor.u32 v0, v3;
	_ =	sdelay $0x3  }
0x227: {  	[tilespmem:s24+$0x10] =	vst v2  }
0x228: {  	v2 =	vld.idx.msk [tilespmem:v4+s3+$0x0], $0xffff;
	_ =	sdelay $0x1  }
0x229: {  	v3 =	vor.u32 v1, v3;
	_ =	sdelay $0x1  }
0x22a: {  	s30 =	sadd.s32 $0xFFFFFFFF, s25  }
0x22b: {  	v4 =	vmov s30  }
0x22c: {  	[tilespmem:s24+$0x20] =	vst v2;
	v2 =	vshll.u32 v4, $0x3  }
0x22d: {  	v4 =	vand.u32 $0x7E, v4;
	v3 =	vld.idx.msk [tilespmem:v3+s3+$0x0], $0xffff;
	v2 =	vand.u32 $0x1C00, v2  }
0x22e: {  	v2 =	vor.u32 v4, v2  }
0x22f: {  	v4 =	vor.u32 v0, v2;
	_ =	sdelay $0x1  }
0x230: {  	s30 =	sadd.s32 $0xFFFFFFC0, s26  }
0x231: {  	s30 =	sor.u32 $0x30, s30  }
0x232: {  	[tilespmem:s30+$0x8000] =	vst v3  }
0x233: {  	v3 =	vld.idx.msk [tilespmem:v4+s3+$0x0], $0xffff;
	_ =	sdelay $0x1  }
0x234: {  	v2 =	vor.u32 v1, v2;
	_ =	sdelay $0x2  }
0x235: {  	v4 =	vmov s25;
	s25 =	smov.u32 s29  }
0x236: {  	[tilespmem:s24+$0x40] =	vst v3;
	v3 =	vshll.u32 v4, $0x3  }
0x237: {  	v4 =	vand.u32 $0x7F, v4;
	v2 =	vld.idx.msk [tilespmem:v2+s3+$0x0], $0xffff;
	v3 =	vand.u32 $0x1C00, v3  }
0x238: {  	v3 =	vor.u32 v4, v3  }
0x239: {  	v4 =	vor.u32 v0, v3;
	_ =	sdelay $0x1  }
0x23a: {  	s29 =	sadd.s32 $0xFFFFFFE0, s26  }
0x23b: {  	s29 =	sor.u32 $0x50, s29  }
0x23c: {  	[tilespmem:s29+$0x8000] =	vst v2  }
0x23d: {  	v2 =	vld.idx.msk [tilespmem:v4+s3+$0x0], $0xffff;
	_ =	sdelay $0x1  }
0x23e: {  	v3 =	vor.u32 v1, v3;
	_ =	sdelay $0x1  }
0x23f: {  	s29 =	sadd.s32 $0xFFFFFFF9, s25  }
0x240: {  	v4 =	vmov s29  }
0x241: {  	v5 =	vshll.u32 v4, $0x3;
	[tilespmem:s24+$0x60] =	vst v2  }
0x242: {  	v5 =	vand.u32 $0x1C00, v5;
	v2 =	vand.u32 $0x78, v4;
	v4 =	vld.idx.msk [tilespmem:v3+s3+$0x0], $0xffff  }
.Ltmp7:
0x243: {  	v2 =	vor.u32 v2, v5;
	(pc) =	sbr.rel @p0 .LBB2_7-.Ltmp7, $2  }
0x244: {  	v3 =	vor.u32 v0, v2;
	_ =	sdelay $0x2  }
0x245: {  	s30 =	smov.u32 s28;
	s29 =	sor.u32 $0x70, s26  }
.Ltmp8:
0x246: {  	_ = 	snop;
	(pc) =	sbr.rel .LBB2_8-.Ltmp8, $1  }
0x247: {  	_ =	sdelay $0x3  }
.LBB2_11:
0x248: {  	_ =	sfence.sel $0x180000  }
0x249: {  	[bflag:$0x0] =	sbarrier.arrive $0xFFFF  }
0x24a: {  	p0 =	sne.s32 s2, $0x0;
	_ =	strace $0x9000004A  }
0x24b: {  	s0 =	sadd.s32 @!p0 $0x100000, s1;
	[bflag:$0x2] =	sbarrier.arrive $0xFFFF  }
0x24c: {  	[sflag:s0] =	ssyncadd.tile.s32 @!p0 $0x1;
	_ =	shalt  }
.Lfunc_end2:
_tile_overlayer_lowered:
.L_overlay_start_2:
0x24d: {  	(tag) =	ssettag $0x2  }
0x24e: {  	s0 =	rddreg [dreg:$0x0];
	s2 =	stileid.u32  }
0x24f: {  	s1 =	rddreg [dreg:$0x1];
	p0 =	sne.s32 s2, $0x0  }
0x250: {  	s3 =	rddreg [dreg:$0x2];
	[bflag:$0x3] =	sbarrier.arrive $0xFFFF;
	s2 =	simm.s32 @!p0 $0x1C01  }
0x251: {  	[timem:s3], [sflag:s2] =	dma.local @!p0 [hbm:s0], s1  }
0x252: {  	s0 =	simm.s32 @!p0 $0x1  }
0x253: {  	_ =	swait.ge @!p0 [sflag:s0], s1  }
0x254: {  	s1 =	ssub.s32 @!p0 $0x0, s1;
	[sflag:s0] =	ssyncset.done @!p0 $0x0  }
0x255: {  	[sflag:s0] =	ssyncadd.s32 @!p0 s1  }
0x256: {  	[bflag:$0x3] =	sbarrier.arrive $0xFFFF  }
0x257: {  	_ =	shalt  }

// kernel: sparse-core-data-format-call.cloned.1.call-start
scs
called_computation_lowered:
.L_overlay_start_0:
0x0: {  	s2 =	sld [smem:$0x3FD9]  }
0x1: {  	s3 =	sld [smem:$0x3FFE];
	_ =	sdelay $0x1  }
0x2: {  	s1 =	srdreg.scid  }
0x3: {  	s0 =	sand.u32 $0x1, s1  }
0x4: {  	s18 =	sshll.u32 s0, $0xA;
	s2 =	sadd.s32 s3, s2  }
0x5: {  	s2 =	sadd.s32 s2, s18  }
0x6: {  	[smem:$0x3FC6] =	sst s2  }
0x7: {  	_ = 	snop  }
0x8: {  	s2 =	sld [smem:$0x3FD0];
	(tm) =	ssettm $0x1  }
0x9: {  	s19 =	sld [smem:$0x3FFB];
	_ =	sdelay $0x3  }
0xa: {  	_ =	strace s19  }
0xb: {  	s3 =	sld [smem:$0x3FFC];
	_ =	sdelay $0x3  }
0xc: {  	_ =	strace s3  }
0xd: {  	s3 =	sld [smem:$0x3FFD];
	_ =	sdelay $0x3  }
0xe: {  	_ =	strace s3  }
0xf: {  	_ =	strace $0x8FFFFFFF  }
0x10: {  	s20 =	sld [smem:$0x3FDB];
	_ =	sdelay $0x1  }
0x11: {  	s4 =	simm.s32 $_scs_section_size  }
0x12: {  	s5 =	simm.s32 $_size__tile_overlayer_lowered;
	s6 =	simm.s32 $_tile_overlayer_lowered  }
0x13: {  	s23 =	simm.s32 $0x1BFF;
	s22 =	sshll.u32 s6, $0x1;
	s3 =	sadd.s32 s4, s20  }
0x14: {  	s7 =	simm.s32 $0x0;
	s21 =	sshll.u32 s5, $0x1;
	s5 =	sadd.s32 s22, s3  }
0x15: {  	[timem:s7], [sflag:s23] =	dma.local [hbm:s5], s21  }
0x16: {  	_ =	swait.ge [sflag:s23], s21  }
0x17: {  	s4 =	ssub.s32 $0x0, s21;
	[sflag:s23] =	ssyncset.done $0x0  }
0x18: {  	[sflag:s23] =	ssyncadd.s32 s4;
	_ =	sdelay $0x1  }
0x19: {  	s24 =	simm.s32 $0x1B8B  }
0x1a: {  	_ =	swait.ge [sflag:s24], $0x1  }
0x1b: {  	[sflag:s24] =	ssyncset.done $0x0  }
0x1c: {  	s26 =	simm.s32 $0x1B8E;
	s25 =	sld [smem:$0x3FFE];
	[sflag:s24] =	ssyncadd.s32 $0xFFFFFFFF  }
0x1d: {  	s27 =	simm.s32 $execute0_lowered;
	[smem:$0x3FD2] =	sst s26  }
0x1e: {  	s5 =	sshll.u32 s27, $0x1;
	_ =	strace $0x8000004F;
	[dreg:$0x1] =	wrdreg $0xFFFFFFFF  }
0x1f: {  	s28 =	simm.s32 $_size_execute0_lowered;
	s3 =	sadd.s32 s3, s5;
	[dreg:$0x0] =	wrdreg $0x0  }
0x20: {  	s5 =	sshll.u32 s28, $0x1;
	[dreg:$0x2] =	wrdreg s3  }
0x21: {  	[dreg:$0x3] =	wrdreg s5  }
0x22: {  	[dreg:$0x4] =	wrdreg $0xC0  }
0x23: {  	_ =	task [dreg:s7], $0x5FFFF  }
0x24: {  	[dreg:$0x1] =	wrdreg $0xFFFFFFFF  }
0x25: {  	[dreg:$0x0] =	wrdreg $0x60  }
0x26: {  	[dreg:$0x2] =	wrdreg s25  }
0x27: {  	[dreg:$0x3] =	wrdreg s2  }
0x28: {  	[dreg:$0x4] =	wrdreg $0x9  }
0x29: {  	_ =	task.clear_ibuf [dreg:s7], $0x5FFFF;
	_ =	strace $0x9000004F  }
0x2a: {  	s29 =	simm.s32 $0x9;
	_ =	strace $0x80000051  }
0x2b: {  	_ =	swait.ge [sflag:s29], $0x1  }
0x2c: {  	[sflag:s29] =	ssyncadd.s32 $0xFFFFFFFF  }
0x2d: {  	_ =	strace $0x90000051  }
0x2e: {  	_ =	sfence  }
0x2f: {  	s30 =	sld [smem:$0x0];
	_ =	sdelay $0x2  }
0x30: {  	s31 =	sshll.u32 s1, $0xD;
	s1 =	sshrl.u32 s1, $0x2  }
0x31: {  	s3 =	sand.u32 $0x4000, s31;
	s1 =	sadd.s32 s1, s30  }
0x32: {  	s0 =	sor.u32 s3, s0;
	s1 =	sshll.u32 s1, $0x11  }
0x33: {  	s0 =	sor.u32 s1, s0  }
0x34: {  	s0 =	sadd.s32 $0x8F2B, s0  }
0x35: {  	[sflag:s0] =	ssyncadd.remote.s32 $0x1  }
0x36: {  	_ =	sfence.sel $0xFFFF  }
0x37: {  	[dreg:$0x0] =	wrdreg $0xFFFFFFFF;
	(pc) =	sbr.abs _section_cstart, $3  }
0x38: {  	[dreg:$0x1] =	wrdreg $0xFFFFFFFF  }
0x39: {  	_ =	task.clear_ibuf [dreg:s7], $0x2FFFF;
	_ =	strace $0x9FFFFFFF  }
0x3a: {  	(tm) =	ssettm $0x7FFFFFFF  }
0x3b: {  	_ =	shalt  }
tec
execute0_lowered:
.L_overlay_start_1:
0x0: {  	(tag) =	ssettag $0x1  }
0x1: {  	s0 =	srdreg.scid  }
0x2: {  	s1 =	sshll.u32 s0, $0x4  }
0x3: {  	s6 =	rddreg [dreg:$0x0];
	s0 =	stileid.u32;
	s1 =	sand.u32 $0x10, s1  }
0x4: {  	s3 =	rddreg [dreg:$0x1];
	s1 =	sor.u32 s0, s1  }
0x5: {  	s5 =	simm.s32 $0x1;
	s31 =	simm.s32 $0x2;
	s2 =	sshll.u32 s1, $0x7  }
0x6: {  	s15 =	simm.s32 $0x0;
	s8 =	simm.s32 $0x20000;
	s4 =	ssub.s32 $0x4000, s2  }
0x7: {  	s14 =	simm.s32 $0x0;
	s9 =	simm.s32 $0x0;
	s30 =	sand.u32 $0xF80, s4  }
0x8: {  	s10 =	simm.s32 $0x0;
	s11 =	simm.s32 $0x0;
	p0 =	sne.s32 s30, $0x0  }
.Ltmp0:
0x9: {  	s7 =	sshrl.u32 s4, $0xC;
	s5 =	simm.s32 @!p0 $0x0;
	(pc) =	sbr.rel .LBB1_1-.Ltmp0, $4  }
0xa: {  	s13 =	simm.s32 $0x0;
	s1 =	rddreg [dreg:$0x2];
	s5 =	sadd.s32 s5, s7  }
0xb: {  	_ =	strace $0x80000050;
	s4 =	simm.s32 $0x1;
	s5 =	smul.u32 $0x7, s5  }
0xc: {  	s6 =	sadd.s32 $0x1000, s6;
	s12 =	smov.u32 s2;
	[sflag:s4] =	ssyncpa.u1 $0x0  }
0xd: {  	[sflag:s31] =	ssyncpa.u1 $0x0;
	p0 =	por $0x0, $0x0;
	s7 =	sadd.s32 $0x1, s5  }
.LBB1_4:
0xe: {  	s20 =	sshra.s32 s20, $0x2  }
0xf: {  	s28 =	sand.u32 $0x78, s10;
	s21 =	sshll.u32 s9, $0xE;
	s22 =	sshll.u32 s10, $0x3  }
0x10: {  	s24 =	sshll.u32 s9, $0x7;
	p1 =	sgt.s32 s9, $0x2C0;
	s30 =	sshra.s32 s9, $0x1F  }
0x11: {  	s26 =	sshra.s32 s10, $0x1F;
	s19 =	sadd.s32 s20, s19;
	s21 =	sand.u32 $0xFFFE0000, s21  }
0x12: {  	v5 =	vld [tilespmem:s17+$0xFFFFFFD0];
	[tilespmem:s18+$0x2040 ss:$0x81] =	vst.msk $0xffff, v4;
	s23 =	sand.u32 $0xFFFFFC00, s22;
	s29 =	sand.u32 $0x380, s24;
	s22 =	sand.u32 $0x3C00, s22  }
0x13: {  	v58 =	vld [tilespmem:s17+$0xFFFFFFE0];
	[tilespmem:s18+$0x2850 ss:$0x81] =	vst.msk $0xffff, v3;
	s21 =	sadd.s32 s23, s21;
	s20 =	sor.u32 s28, s22;
	s22 =	smov.u32 s9  }
0x14: {  	v59 =	vld [tilespmem:s17+$0xFFFFFFF0];
	[tilespmem:s18+$0x3060 ss:$0x81] =	vst.msk $0xffff, v2;
	s24 =	sand.u32 s30, s9;
	s21 =	sshrl.u32 s21, $0xE;
	s22 =	simm.s32 @!p1 $0x2C0  }
0x15: {  	v60 =	vld [tilespmem:s17+$0x0];
	[tilespmem:s18+$0x0 ss:$0x81] =	vst.msk $0xffff, v1;
	p1 =	sgt.s32 s10, $0x3F80;
	s31 =	ssub.s32 s22, s24;
	s22 =	smov.u32 s10  }
0x16: {  	v61 =	vld [tilespmem:s17+$0x10];
	[tilespmem:s19+$0x3870 ss:$0x81] =	vst.msk $0xffff, v0;
	s25 =	smulhi.u32 $0x4EC4ED, s21;
	s24 =	sand.u32 s26, s10;
	s22 =	simm.s32 @!p1 $0x3F80  }
0x17: {  	v62 =	vld [tilespmem:s17+$0x20];
	s20 =	sor.u32 s29, s20;
	[tilespmem:s19+$0x810 ss:$0x81] =	vst.msk $0xffff, v5;
	s27 =	sadd.s32 $0xFFFFFD40, s31;
	s22 =	ssub.s32 s22, s24  }
0x18: {  	v63 =	vld [tilespmem:s17+$0xFFFFFFC0];
	[tilespmem:s19+$0x1020 ss:$0x81] =	vst.msk $0xffff, v58;
	s18 =	ssub.s32 $0x340, s31;
	s28 =	smul.u32 $0x340, s25;
	s29 =	sadd.s32 $0xFFFFC080, s22  }
0x19: {  	[tilespmem:s19+$0x1830 ss:$0x81] =	vst.msk $0xffff, v59;
	p1 =	sgt.s32 s27, $0x7F;
	s22 =	ssub.s32 $0x4000, s22;
	p2 =	sgt.s32 s29, $0x7F  }
0x1a: {  	s30 =	sand.u32 $0x7, s10;
	[tilespmem:s19+$0x2040 ss:$0x81] =	vst.msk $0xffff, v60;
	s18 =	simm.s32 @p1 $0x0;
	s22 =	simm.s32 @p2 $0x0  }
0x1b: {  	s20 =	sshrl.u32 s20, $0x3;
	[tilespmem:s19+$0x2850 ss:$0x81] =	vst.msk $0xffff, v61;
	s17 =	ssub.s32 s21, s28;
	s18 =	smul.u32 s22, s18  }
0x1c: {  	[tilespmem:s19+$0x3060 ss:$0x81] =	vst.msk $0xffff, v62;
	s20 =	sadd.s32 s3, s20;
	s21 =	sshll.u32 s30, $0x12;
	s17 =	sshll.u32 s17, $0xB  }
0x1d: {  	[tilespmem:s19+$0x0 ss:$0x81] =	vst.msk $0xffff, v63;
	s31 =	sor.u32 $0x400, s21;
	s17 =	sadd.s32 s17, s20;
	s18 =	sand.u32 $0x3FFFFFFF, s18  }
0x1e: {  	[hbm4b:s17+s31] =	stream.strided.scatter [tilespmem:s16], [sflag:$0x2], s18, s8, s31, $0x20;
	[tilespmem:$0x10100] =	vst v63  }
.LBB1_5:
0x1f: {  	p1 =	slt.u32 s13, $0x2  }
0x20: {  	s17 =	smov.u32 s15;
	p2 =	sgt.s32 @!p1 s15, $0x2C0;
	s16 =	sshra.s32 @!p1 s15, $0x1F  }
0x21: {  	p3 =	sgt.s32 @!p1 s14, $0x3F80;
	s18 =	sshra.s32 @!p1 s14, $0x1F;
	p2 =	por !p2, p1  }
0x22: {  	s15 =	sand.u32 @!p1 s16, s15;
	p3 =	por !p3, p1;
	s16 =	smov.u32 s14  }
0x23: {  	s14 =	sand.u32 @!p1 s18, s14;
	s17 =	simm.s32 @p2 $0x2C0;
	s16 =	simm.s32 @p3 $0x3F80  }
0x24: {  	s15 =	ssub.s32 @!p1 s17, s15;
	s14 =	ssub.s32 @!p1 s16, s14  }
0x25: {  	s18 =	smov.u32 s12;
	s16 =	sadd.s32 @!p1 $0xFFFFFD40, s15;
	s17 =	sadd.s32 @!p1 $0xFFFFC080, s14  }
0x26: {  	s15 =	ssub.s32 @!p1 $0x340, s15;
	p2 =	sgt.s32 @!p1 s16, $0x7F;
	p3 =	sgt.s32 @!p1 s17, $0x7F  }
0x27: {  	s14 =	ssub.s32 @!p1 $0x4000, s14;
	p2 =	por !p2, p1;
	p3 =	por !p3, p1  }
0x28: {  	s16 =	sadd.s32 $0x80, s11;
	s15 =	simm.s32 @!p2 $0x0;
	s14 =	simm.s32 @!p3 $0x0  }
0x29: {  	p2 =	sgt.s32 s16, $0x33F;
	s14 =	smul.u32 @!p1 s14, s15;
	s15 =	sadd.s32 $0x1000, s12  }
0x2a: {  	s18 =	smov.u32 @p2 s15  }
0x2b: {  	s16 =	simm.s32 @p2 $0x0;
	p2 =	sgt.s32 s18, $0x3FFF  }
0x2c: {  	s18 =	smov.u32 @p2 s2;
	p2 =	sne.s32 s13, s7  }
.Ltmp1:
0x2d: {  	p0 =	por !p0, !p0;
	s17 =	simm.s32 @!p1 $0x2;
	(pc) =	sbr.rel @!p2 .LBB1_6-.Ltmp1, $4  }
0x2e: {  	s15 =	smov.u32 s9;
	s9 =	smov.u32 s11;
	s14 =	sand.u32 @!p1 $0x3FFFFFFF, s14  }
0x2f: {  	s11 =	smov.u32 s16;
	_ =	swait.ge @!p1 [sflag:s17], s14;
	s19 =	ssub.s32 @!p1 $0x0, s14  }
0x30: {  	s14 =	smov.u32 s10;
	s13 =	sadd.s32 $0x1, s13;
	[sflag:s17] =	ssyncset.done @!p1 $0x0  }
0x31: {  	s10 =	smov.u32 s12;
	s12 =	smov.u32 s18;
	[sflag:s17] =	ssyncadd.s32 @!p1 s19  }
.LBB1_1:
0x32: {  	p1 =	sge.u32 s13, s5  }
0x33: {  	s16 =	sshrl.u32 @!p1 s12, $0x3  }
0x34: {  	s17 =	sshll.u32 @!p1 s11, $0x3;
	s16 =	smul.u32 @!p1 $0x1C00, s16  }
0x35: {  	s18 =	sshll.u32 @!p1 s12, $0x7;
	s17 =	sand.u32 @!p1 $0xFFFFFC00, s17  }
0x36: {  	s16 =	sadd.s32 @!p1 s16, s17;
	s17 =	sand.u32 @!p1 $0x380, s18  }
0x37: {  	s16 =	sor.u32 @!p1 s17, s16  }
0x38: {  	s17 =	sshrl.u32 @!p1 s16, $0x7  }
0x39: {  	s17 =	smulhi.u32 @!p1 $0x24924925, s17;
	_ =	sdelay $0x1  }
0x3a: {  	s18 =	sand.u32 @!p1 $0x7F, s11;
	s19 =	smul.u32 @!p1 $0x380, s17  }
0x3b: {  	s31 =	sadd.s32 $0xFFFFFFFF, s13;
	s16 =	sor.u32 @!p1 s18, s16;
	s18 =	sxor.u32 @!p1 $0xFFFFFFFF, s13  }
0x3c: {  	s18 =	sshll.u32 @!p1 s18, $0xE;
	s17 =	sand.u32 @!p1 $0x3FFF, s17;
	s16 =	ssub.s32 @!p1 s16, s19  }
0x3d: {  	s17 =	smul.u32 @!p1 $0x70, s17;
	s19 =	sshrl.u32 @!p1 s16, $0x3;
	s16 =	sand.u32 @!p1 $0x7, s16  }
0x3e: {  	s18 =	sand.u32 @!p1 $0x4000, s18;
	s19 =	sadd.s32 @!p1 s6, s19;
	s16 =	sshll.u32 @!p1 s16, $0x12  }
0x3f: {  	s17 =	sadd.s32 @!p1 s17, s19;
	s16 =	sor.u32 @!p1 $0x400, s16;
	s19 =	simm.s32 @!p1 $0x1C00  }
0x40: {  	[tilespmem:s18], [sflag:$0x1] =	stream.strided.gather @!p1 [hbm4b:s17+s16], $0x4000, s19, s16, $0x38;
	[tilespmem:$0x10100] =	vst v63  }
0x41: {  	p1 =	sge.u32 s31, s5  }
.Ltmp2:
0x42: {  	_ = 	snop;
	(pc) =	sbr.rel @p1 .LBB1_5-.Ltmp2, $1  }
0x43: {  	_ =	sdelay $0x3  }
0x44: {  	s16 =	simm.s32 $0x1  }
0x45: {  	_ =	swait.ge [sflag:s4], $0x4000;
	s16 =	simm.s32 @!p0 $0x0  }
0x46: {  	[sflag:s4] =	ssyncset.done $0x0;
	s17 =	sshll.u32 s16, $0xE  }
0x47: {  	[sflag:s4] =	ssyncadd.s32 $0xFFFFC000;
	s17 =	sor.u32 $0x40, s17  }
0x48: {  	s16 =	smul.u32 $0x10200, s16;
	v0 =	vld [tilespmem:s17+$0x30]  }
0x49: {  	v1 =	vld [tilespmem:s17+$0xFFFFFFD0]  }
0x4a: {  	s16 =	sshrl.u32 s16, $0x2;
	v5 =	vld [tilespmem:s17+$0xFFFFFFE0]  }
0x4b: {  	v6 =	vld [tilespmem:s17+$0xFFFFFFF0];
	s19 =	sor.u32 $0x8000, s16  }
0x4c: {  	s31 =	sand.u32 $0x1, s13;
	v4 =	vld [tilespmem:s17+$0x0];
	s18 =	sadd.s32 $0x0, s19  }
0x4d: {  	v3 =	vld [tilespmem:s17+$0x10];
	s16 =	smul.u32 $0x10200, s31;
	[tilespmem:s18+$0x3870 ss:$0x81] =	vst.msk $0xffff, v0  }
0x4e: {  	v2 =	vld [tilespmem:s17+$0x20];
	[tilespmem:s18+$0x810 ss:$0x81] =	vst.msk $0xffff, v1  }
0x4f: {  	s16 =	sshrl.u32 s16, $0x2;
	v1 =	vld [tilespmem:s17+$0xFFFFFFC0];
	[tilespmem:s18+$0x1020 ss:$0x81] =	vst.msk $0xffff, v5;
	s17 =	sadd.s32 $0x80, s17  }
0x50: {  	s20 =	simm.s32 $0x4;
	s21 =	simm.s32 $0x8;
	s16 =	sor.u32 $0x8000, s16;
	[tilespmem:s18+$0x1830 ss:$0x81] =	vst.msk $0xffff, v6;
	v0 =	vld [tilespmem:s17+$0x30]  }
.LBB1_3:
0x51: {  	p1 =	sne.s32 s21, $0x1FC;
	v5 =	vld [tilespmem:s17+$0xFFFFFFD0];
	[tilespmem:s18+$0x2040 ss:$0x81] =	vst.msk $0xffff, v4  }
0x52: {  	v6 =	vld [tilespmem:s17+$0xFFFFFFE0];
	[tilespmem:s18+$0x2850 ss:$0x81] =	vst.msk $0xffff, v3  }
0x53: {  	s22 =	sshra.s32 s20, $0x2;
	s20 =	smov.u32 s21;
	v7 =	vld [tilespmem:s17+$0xFFFFFFF0];
	[tilespmem:s18+$0x3060 ss:$0x81] =	vst.msk $0xffff, v2  }
.Ltmp3:
0x54: {  	v4 =	vld [tilespmem:s17+$0x0];
	[tilespmem:s18+$0x0 ss:$0x81] =	vst.msk $0xffff, v1;
	s18 =	sadd.s32 s22, s19;
	(pc) =	sbr.rel @p1 .LBB1_3-.Ltmp3, $4  }
0x55: {  	v3 =	vld [tilespmem:s17+$0x10];
	[tilespmem:s18+$0x3870 ss:$0x81] =	vst.msk $0xffff, v0  }
0x56: {  	[tilespmem:s18+$0x810 ss:$0x81] =	vst.msk $0xffff, v5;
	v2 =	vld [tilespmem:s17+$0x20]  }
0x57: {  	v1 =	vld [tilespmem:s17+$0xFFFFFFC0];
	[tilespmem:s18+$0x1020 ss:$0x81] =	vst.msk $0xffff, v6;
	s17 =	sadd.s32 $0x80, s17  }
0x58: {  	s21 =	sadd.s32 $0x4, s21;
	v0 =	vld [tilespmem:s17+$0x30];
	[tilespmem:s18+$0x1830 ss:$0x81] =	vst.msk $0xffff, v7  }
.Ltmp4:
0x59: {  	_ = 	snop;
	(pc) =	sbr.rel .LBB1_4-.Ltmp4, $1  }
0x5a: {  	_ =	sdelay $0x3  }
.LBB1_6:
0x5b: {  	_ =	sfence.sel $0x180000  }
0x5c: {  	s2 =	simm.s32 $0x1;
	[bflag:$0x0] =	sbarrier.arrive $0xFFFF  }
0x5d: {  	s31 =	simm.s32 $0x2;
	[sflag:s2] =	ssyncpa.u1 $0x1  }
0x5e: {  	[sflag:s31] =	ssyncpa.u1 $0x1  }
0x5f: {  	p0 =	sne.s32 s0, $0x0;
	_ =	strace $0x90000050  }
0x60: {  	s0 =	sadd.s32 @!p0 $0x100000, s1;
	[bflag:$0x2] =	sbarrier.arrive $0xFFFF  }
0x61: {  	[sflag:s0] =	ssyncadd.tile.s32 @!p0 $0x1;
	_ =	shalt  }
.Lfunc_end1:
_tile_overlayer_lowered:
.L_overlay_start_2:
0x62: {  	(tag) =	ssettag $0x2  }
0x63: {  	s0 =	rddreg [dreg:$0x0];
	s2 =	stileid.u32  }
0x64: {  	s1 =	rddreg [dreg:$0x1];
	p0 =	sne.s32 s2, $0x0  }
0x65: {  	s3 =	rddreg [dreg:$0x2];
	[bflag:$0x3] =	sbarrier.arrive $0xFFFF;
	s2 =	simm.s32 @!p0 $0x1C01  }
0x66: {  	[timem:s3], [sflag:s2] =	dma.local @!p0 [hbm:s0], s1  }
0x67: {  	s0 =	simm.s32 @!p0 $0x1  }
0x68: {  	_ =	swait.ge @!p0 [sflag:s0], s1  }
0x69: {  	s1 =	ssub.s32 @!p0 $0x0, s1;
	[sflag:s0] =	ssyncset.done @!p0 $0x0  }
0x6a: {  	[sflag:s0] =	ssyncadd.s32 @!p0 s1  }
0x6b: {  	[bflag:$0x3] =	sbarrier.arrive $0xFFFF  }
0x6c: {  	_ =	shalt  }

</sc_bundles>
